<compile_context>
chip_gen: v7x
topology: tpu7x:2x2x1
jax: 0.10.2.dev20260603
libtpu: 0.0.44.dev20260713+nightly
codegen_flags: <defaults>
</compile_context>

<pallas_src>
import functools

import jax
import jax.numpy as jnp
from jax import lax
from jax.experimental import pallas as pl
from jax.experimental.pallas import tpu as pltpu
from jax.experimental.pallas import tpu_sc as plsc

N = 10000
E = 320000
D = 128
OUT = 64

NC = 2
NS = 16
NW = NC * NS
EDGES_PER_W = E // NW
CHUNK = 80
NCHUNK = EDGES_PER_W // CHUNK
RING = 3
ZROWS = 8
ROWS_PER_S = 624


ISLOTS = 6


def _seg_sum_body(x_hbm, src_hbm, dst_hbm, out_hbm,
                  sbufs, dbufs, rows, zbuf, acc, gsems, ssems, isems, dsems):
    cid = lax.axis_index("c")
    sid = lax.axis_index("s")
    wid = cid * NS + sid
    ebase = wid * EDGES_PER_W

    row0 = sid * ROWS_PER_S
    nrows = jnp.where(sid == NS - 1, N - (NS - 1) * ROWS_PER_S, ROWS_PER_S)

    def fetch_idx(c, u):
        pltpu.async_copy(src_hbm.at[pl.ds(ebase + c * CHUNK, CHUNK)],
                         sbufs[u], isems[u])
        pltpu.async_copy(dst_hbm.at[pl.ds(ebase + c * CHUNK, CHUNK)],
                         dbufs[u], dsems[u])

    def wait_sidx(u):
        pltpu.make_async_copy(src_hbm.at[pl.ds(0, CHUNK)], sbufs[u],
                              isems[u]).wait()

    def wait_didx(u):
        pltpu.make_async_copy(dst_hbm.at[pl.ds(0, CHUNK)], dbufs[u],
                              dsems[u]).wait()

    def wait_gather(b):
        pltpu.make_async_copy(x_hbm.at[sbufs[0]], rows.at[b],
                              gsems[b]).wait()

    for u in range(ISLOTS):
        fetch_idx(u, u)
    for b in range(RING):
        wait_sidx(b)
        pltpu.async_copy(x_hbm.at[sbufs[b]], rows.at[b], gsems[b])

    z16 = jnp.zeros((16,), jnp.float32)
    for r in range(ZROWS):
        for j in range(D // 16):
            zbuf[r, pl.ds(j * 16, 16)] = z16

    def zero_step(k, _):
        pltpu.sync_copy(zbuf, acc.at[pl.ds(row0 + k * ZROWS, ZROWS)])
        return 0

    lax.fori_loop(0, nrows // ZROWS, zero_step, 0)
    plsc.subcore_barrier()

    def visit(c, b, u, u3, tail=False):
        wait_gather(b)
        wait_didx(u)
        pltpu.async_copy(rows.at[b], acc.at[dbufs[u]], ssems[b],
                         add=True).wait()
        if not tail:
            wait_sidx(u3)
            pltpu.async_copy(x_hbm.at[sbufs[u3]], rows.at[b], gsems[b])

    def edge_step(k, _):
        c0 = k * ISLOTS
        for u in range(ISLOTS):
            c = c0 + u
            visit(c, u % RING, u, (u + 3) % ISLOTS)
            nxt = c + ISLOTS

            @pl.when(nxt < NCHUNK)
            def _():
                fetch_idx(nxt, u)
        return 0

    lax.fori_loop(0, NCHUNK // ISLOTS, edge_step, 0)

    t = (NCHUNK // ISLOTS) * ISLOTS
    for c in range(t, NCHUNK):
        u = c % ISLOTS
        b = c % RING
        if c + RING < NCHUNK:
            visit(c, b, u, (c + RING) % ISLOTS)
        else:
            visit(c, b, u, 0, tail=True)
    plsc.subcore_barrier()

    pltpu.sync_copy(acc.at[pl.ds(row0, nrows)],
                    out_hbm.at[cid, pl.ds(row0, nrows)])


@functools.cache
def _build_seg_sum():
    return pl.kernel(
        _seg_sum_body,
        mesh=plsc.VectorSubcoreMesh(core_axis_name="c", subcore_axis_name="s"),
        out_type=jax.ShapeDtypeStruct((NC, N, D), jnp.float32),
        scratch_types=[
            [pltpu.VMEM((CHUNK,), jnp.int32)] * ISLOTS,
            [pltpu.VMEM((CHUNK,), jnp.int32)] * ISLOTS,
            pltpu.VMEM((RING, CHUNK, D), jnp.float32),
            pltpu.VMEM((ZROWS, D), jnp.float32),
            pltpu.VMEM_SHARED((N, D), jnp.float32),
            [pltpu.SemaphoreType.DMA] * RING,
            [pltpu.SemaphoreType.DMA] * RING,
            [pltpu.SemaphoreType.DMA] * ISLOTS,
            [pltpu.SemaphoreType.DMA] * ISLOTS,
        ],
    )


def _seg_sum(x, src, dst):
    return _build_seg_sum()(x, src, dst)


def _layer_body(z0_ref, z1_ref, x_ref, wr_ref, br_ref, g_ref, b_ref,
                wl_ref, bl_ref, o_ref):
    z = z0_ref[...] + z1_ref[...]
    h = lax.dot_general(z, wr_ref[...], (((1,), (1,)), ((), ())),
                        preferred_element_type=jnp.float32) + br_ref[...]
    h = jnp.maximum(h, 0.0)
    mu = jnp.mean(h, axis=0, keepdims=True)
    var = jnp.mean((h - mu) ** 2, axis=0, keepdims=True)
    h = g_ref[...] * (h - mu) / jnp.sqrt(var + 1e-5) + b_ref[...]
    out = lax.dot_general(x_ref[...], wl_ref[...], (((1,), (1,)), ((), ())),
                          preferred_element_type=jnp.float32) + bl_ref[...]
    out = out + h + z
    nrm = jnp.sqrt(jnp.sum(out * out, axis=1, keepdims=True))
    out = out / jnp.maximum(nrm, 1e-12)
    o_ref[...] = jnp.maximum(out, 0.0)


def _final_body(z0_ref, z1_ref, x_ref, wr_ref, br_ref, g_ref, b_ref,
                wl_ref, bl_ref, wp1_ref, bp1_ref, wp2_ref, bp2_ref, o_ref):
    z = z0_ref[...] + z1_ref[...]
    h = lax.dot_general(z, wr_ref[...], (((1,), (1,)), ((), ())),
                        preferred_element_type=jnp.float32) + br_ref[...]
    h = jnp.maximum(h, 0.0)
    mu = jnp.mean(h, axis=0, keepdims=True)
    var = jnp.mean((h - mu) ** 2, axis=0, keepdims=True)
    h = g_ref[...] * (h - mu) / jnp.sqrt(var + 1e-5) + b_ref[...]
    out = lax.dot_general(x_ref[...], wl_ref[...], (((1,), (1,)), ((), ())),
                          preferred_element_type=jnp.float32) + bl_ref[...]
    out = out + h + z
    nrm = jnp.sqrt(jnp.sum(out * out, axis=1, keepdims=True))
    out = out / jnp.maximum(nrm, 1e-12)
    xo = jnp.maximum(out, 0.0)
    p = lax.dot_general(xo, wp1_ref[...], (((1,), (1,)), ((), ())),
                        preferred_element_type=jnp.float32) + bp1_ref[...]
    q = lax.dot_general(p, wp2_ref[...], (((1,), (1,)), ((), ())),
                        preferred_element_type=jnp.float32) + bp2_ref[...]
    m = jnp.max(q, axis=1, keepdims=True)
    s = q - m
    lse = jnp.log(jnp.sum(jnp.exp(s), axis=1, keepdims=True))
    o_ref[...] = s - lse


def _tc_layer(z01, x, wr, br, g, b, wl, bl):
    return pl.pallas_call(
        _layer_body,
        out_shape=jax.ShapeDtypeStruct((N, D), jnp.float32),
    )(z01[0], z01[1], x, wr, br, g, b, wl, bl)


def _tc_final(z01, x, wr, br, g, b, wl, bl, wp1, bp1, wp2, bp2):
    return pl.pallas_call(
        _final_body,
        out_shape=jax.ShapeDtypeStruct((N, OUT), jnp.float32),
    )(z01[0], z01[1], x, wr, br, g, b, wl, bl, wp1, bp1, wp2, bp2)


def kernel(x, edge_index, Wl, bl, Wr, br, gamma, beta, Wp1, bp1, Wp2, bp2):
    src = edge_index[0]
    dst = edge_index[1]
    for i in range(2):
        z01 = _seg_sum(x, src, dst)
        x = _tc_layer(z01, x, Wr[i], br[i], gamma[i], beta[i], Wl[i], bl[i])
    z01 = _seg_sum(x, src, dst)
    return _tc_final(z01, x, Wr[2], br[2], gamma[2], beta[2], Wl[2], bl[2],
                     Wp1, bp1, Wp2, bp2)

# --- scband reference (transcript-rebuilt; emitter-appended) ---
"""Pipeline reference for scband-residual-mp-72610717106485 (READ-ONLY COPY).

The authoritative reference and input builder live on the scoring server;
editing this copy changes nothing except your own understanding.
"""

import jax, jax.numpy as jnp
import numpy as np

N = 10000
E = 320000
D = 128
H = 128
OUT = 64
L = 3


def setup_inputs(seed: int = 0) -> dict:
    key = jax.random.key(seed)
    ks = jax.random.split(key, 16)
    inp = {}
    inp['x'] = jax.random.normal(ks[0], (N, D), dtype=jnp.float32)
    inp['edge_index'] = jax.random.randint(ks[1], (2, E), 0, N, dtype=jnp.int32)
    s = 0.05
    inp['Wl'] = jax.random.normal(ks[2], (L, H, H), dtype=jnp.float32) * s
    inp['bl'] = jnp.zeros((L, H), dtype=jnp.float32)
    inp['Wr'] = jax.random.normal(ks[3], (L, H, H), dtype=jnp.float32) * s
    inp['br'] = jnp.zeros((L, H), dtype=jnp.float32)
    inp['gamma'] = jnp.ones((L, H), dtype=jnp.float32)
    inp['beta'] = jnp.zeros((L, H), dtype=jnp.float32)
    inp['Wp1'] = jax.random.normal(ks[4], (H, H), dtype=jnp.float32) * s
    inp['bp1'] = jnp.zeros((H,), dtype=jnp.float32)
    inp['Wp2'] = jax.random.normal(ks[5], (OUT, H), dtype=jnp.float32) * s
    inp['bp2'] = jnp.zeros((OUT,), dtype=jnp.float32)
    return inp


def _batchnorm(h, g, b):
    mu = jnp.mean(h, axis=0)
    var = jnp.var(h, axis=0)
    return g * (h - mu) / jnp.sqrt(var + 1e-5) + b


def reference(x, edge_index, Wl, bl, Wr, br, gamma, beta, Wp1, bp1, Wp2, bp2):
    src = edge_index[0]
    dst = edge_index[1]
    for i in range(L):
        # DeeperGraphSage: propagate = scatter-add of x_j at dst nodes
        z = jax.ops.segment_sum(x[src], dst, num_segments=N)
        # lin_r = ResNetBlock(Linear -> ReLU -> BatchNorm1d): module(z) + z
        h = jax.nn.relu(z @ Wr[i].T + br[i])
        h = _batchnorm(h, gamma[i], beta[i])
        lin_r = h + z
        out = (x @ Wl[i].T + bl[i]) + lin_r
        # F.normalize (L2, dim=1)
        out = out / jnp.maximum(jnp.linalg.norm(out, axis=1, keepdims=True), 1e-12)
        x = jax.nn.relu(out)
        # dropout treated as identity for the deterministic reference
    x = x @ Wp1.T + bp1
    x = x @ Wp2.T + bp2
    return jax.nn.log_softmax(x, axis=1)

if __name__ == "__main__":
    import jax
    _d = setup_inputs()
    print(jax.jit(kernel)(*tuple(_d.values())))

</pallas_src>

<mosaic_0001>
#map = affine_map<(d0, d1) -> (0, 0)>
#map1 = affine_map<(d0, d1) -> (0)>
#map2 = affine_map<(d0, d1) -> (0, 0, 0)>
module attributes {stable_mosaic.version = 14 : i64} {
  func.func @_seg_sum_body(%arg0: i32, %arg1: i32, %arg2: memref<10000x128xf32, #tpu.memory_space<hbm>>, %arg3: memref<320000xi32, #tpu.memory_space<hbm>>, %arg4: memref<320000xi32, #tpu.memory_space<hbm>>, %arg5: memref<2x10000x128xf32, #tpu.memory_space<hbm>>, %arg6: memref<80xi32, #tpu.memory_space<vmem>>, %arg7: memref<80xi32, #tpu.memory_space<vmem>>, %arg8: memref<80xi32, #tpu.memory_space<vmem>>, %arg9: memref<80xi32, #tpu.memory_space<vmem>>, %arg10: memref<80xi32, #tpu.memory_space<vmem>>, %arg11: memref<80xi32, #tpu.memory_space<vmem>>, %arg12: memref<80xi32, #tpu.memory_space<vmem>>, %arg13: memref<80xi32, #tpu.memory_space<vmem>>, %arg14: memref<80xi32, #tpu.memory_space<vmem>>, %arg15: memref<80xi32, #tpu.memory_space<vmem>>, %arg16: memref<80xi32, #tpu.memory_space<vmem>>, %arg17: memref<80xi32, #tpu.memory_space<vmem>>, %arg18: memref<3x80x128xf32, #tpu.memory_space<vmem>>, %arg19: memref<8x128xf32, #tpu.memory_space<vmem>>, %arg20: memref<10000x128xf32, #tpu.memory_space<vmem_shared>>, %arg21: memref<!tpu.dma_semaphore, #tpu.memory_space<semaphore_mem>>, %arg22: memref<!tpu.dma_semaphore, #tpu.memory_space<semaphore_mem>>, %arg23: memref<!tpu.dma_semaphore, #tpu.memory_space<semaphore_mem>>, %arg24: memref<!tpu.dma_semaphore, #tpu.memory_space<semaphore_mem>>, %arg25: memref<!tpu.dma_semaphore, #tpu.memory_space<semaphore_mem>>, %arg26: memref<!tpu.dma_semaphore, #tpu.memory_space<semaphore_mem>>, %arg27: memref<!tpu.dma_semaphore, #tpu.memory_space<semaphore_mem>>, %arg28: memref<!tpu.dma_semaphore, #tpu.memory_space<semaphore_mem>>, %arg29: memref<!tpu.dma_semaphore, #tpu.memory_space<semaphore_mem>>, %arg30: memref<!tpu.dma_semaphore, #tpu.memory_space<semaphore_mem>>, %arg31: memref<!tpu.dma_semaphore, #tpu.memory_space<semaphore_mem>>, %arg32: memref<!tpu.dma_semaphore, #tpu.memory_space<semaphore_mem>>, %arg33: memref<!tpu.dma_semaphore, #tpu.memory_space<semaphore_mem>>, %arg34: memref<!tpu.dma_semaphore, #tpu.memory_space<semaphore_mem>>, %arg35: memref<!tpu.dma_semaphore, #tpu.memory_space<semaphore_mem>>, %arg36: memref<!tpu.dma_semaphore, #tpu.memory_space<semaphore_mem>>, %arg37: memref<!tpu.dma_semaphore, #tpu.memory_space<semaphore_mem>>, %arg38: memref<!tpu.dma_semaphore, #tpu.memory_space<semaphore_mem>>) attributes {dimension_semantics = [#tpu.dimension_semantics<core_parallel>, #tpu.dimension_semantics<subcore_parallel>], iteration_bounds = array<i64: 2, 16>, scalar_prefetch = 0 : i64, scratch_operands = 33 : i64, tpu.core_type = #tpu.core_type<sc_vector_subcore>, window_params = [{transform_indices = #map}, {transform_indices = #map1}, {transform_indices = #map1}, {transform_indices = #map2}]} {
    %mul3A = arith.constant 16 : i32
    %mul3A_0 = arith.muli %arg0, %mul3A : i32
    %add3A = arith.addi %mul3A_0, %arg1 : i32
    %mul3A_1 = arith.constant 10000 : i32
    %mul3A_2 = arith.muli %add3A, %mul3A_1 : i32
    %mul3A_3 = arith.constant 624 : i32
    %mul3A_4 = arith.muli %arg1, %mul3A_3 : i32
    %eq3A = arith.constant 15 : i32
    %eq3A_5 = arith.cmpi eq, %arg1, %eq3A : i32
    %jit3A = arith.constant 640 : i32
    %jit3A_6 = arith.constant 624 : i32
    %select_n3A = arith.select %eq3A_5, %jit3A, %jit3A_6 : i32
    %add3A_7 = arith.constant 0 : i32
    %add3A_8 = arith.addi %mul3A_2, %add3A_7 : i32
    %dma_start3A = tpu.memref_slice %arg3[%add3A_8] : memref<320000xi32, #tpu.memory_space<hbm>> -> memref<80xi32, #tpu.memory_space<hbm>>
    %dma_start3A_9 = tpu.memref_slice %arg3[%add3A_8] : memref<320000xi32, #tpu.memory_space<hbm>> -> memref<80xi32, #tpu.memory_space<hbm>>
    tpu.enqueue_dma source(%dma_start3A_9 : memref<80xi32, #tpu.memory_space<hbm>>) target(%arg6 : memref<80xi32, #tpu.memory_space<vmem>>) target_semaphore(%arg27 : memref<!tpu.dma_semaphore, #tpu.memory_space<semaphore_mem>>)
    %add3A_10 = arith.constant 0 : i32
    %add3A_11 = arith.addi %mul3A_2, %add3A_10 : i32
    %dma_start3A_12 = tpu.memref_slice %arg4[%add3A_11] : memref<320000xi32, #tpu.memory_space<hbm>> -> memref<80xi32, #tpu.memory_space<hbm>>
    %dma_start3A_13 = tpu.memref_slice %arg4[%add3A_11] : memref<320000xi32, #tpu.memory_space<hbm>> -> memref<80xi32, #tpu.memory_space<hbm>>
    tpu.enqueue_dma source(%dma_start3A_13 : memref<80xi32, #tpu.memory_space<hbm>>) target(%arg12 : memref<80xi32, #tpu.memory_space<vmem>>) target_semaphore(%arg33 : memref<!tpu.dma_semaphore, #tpu.memory_space<semaphore_mem>>)
    %add3A_14 = arith.constant 80 : i32
    %add3A_15 = arith.addi %mul3A_2, %add3A_14 : i32
    %dma_start3A_16 = tpu.memref_slice %arg3[%add3A_15] : memref<320000xi32, #tpu.memory_space<hbm>> -> memref<80xi32, #tpu.memory_space<hbm>>
    %dma_start3A_17 = tpu.memref_slice %arg3[%add3A_15] : memref<320000xi32, #tpu.memory_space<hbm>> -> memref<80xi32, #tpu.memory_space<hbm>>
    tpu.enqueue_dma source(%dma_start3A_17 : memref<80xi32, #tpu.memory_space<hbm>>) target(%arg7 : memref<80xi32, #tpu.memory_space<vmem>>) target_semaphore(%arg28 : memref<!tpu.dma_semaphore, #tpu.memory_space<semaphore_mem>>)
    %add3A_18 = arith.constant 80 : i32
    %add3A_19 = arith.addi %mul3A_2, %add3A_18 : i32
    %dma_start3A_20 = tpu.memref_slice %arg4[%add3A_19] : memref<320000xi32, #tpu.memory_space<hbm>> -> memref<80xi32, #tpu.memory_space<hbm>>
    %dma_start3A_21 = tpu.memref_slice %arg4[%add3A_19] : memref<320000xi32, #tpu.memory_space<hbm>> -> memref<80xi32, #tpu.memory_space<hbm>>
    tpu.enqueue_dma source(%dma_start3A_21 : memref<80xi32, #tpu.memory_space<hbm>>) target(%arg13 : memref<80xi32, #tpu.memory_space<vmem>>) target_semaphore(%arg34 : memref<!tpu.dma_semaphore, #tpu.memory_space<semaphore_mem>>)
    %add3A_22 = arith.constant 160 : i32
    %add3A_23 = arith.addi %mul3A_2, %add3A_22 : i32
    %dma_start3A_24 = tpu.memref_slice %arg3[%add3A_23] : memref<320000xi32, #tpu.memory_space<hbm>> -> memref<80xi32, #tpu.memory_space<hbm>>
    %dma_start3A_25 = tpu.memref_slice %arg3[%add3A_23] : memref<320000xi32, #tpu.memory_space<hbm>> -> memref<80xi32, #tpu.memory_space<hbm>>
    tpu.enqueue_dma source(%dma_start3A_25 : memref<80xi32, #tpu.memory_space<hbm>>) target(%arg8 : memref<80xi32, #tpu.memory_space<vmem>>) target_semaphore(%arg29 : memref<!tpu.dma_semaphore, #tpu.memory_space<semaphore_mem>>)
    %add3A_26 = arith.constant 160 : i32
    %add3A_27 = arith.addi %mul3A_2, %add3A_26 : i32
    %dma_start3A_28 = tpu.memref_slice %arg4[%add3A_27] : memref<320000xi32, #tpu.memory_space<hbm>> -> memref<80xi32, #tpu.memory_space<hbm>>
    %dma_start3A_29 = tpu.memref_slice %arg4[%add3A_27] : memref<320000xi32, #tpu.memory_space<hbm>> -> memref<80xi32, #tpu.memory_space<hbm>>
    tpu.enqueue_dma source(%dma_start3A_29 : memref<80xi32, #tpu.memory_space<hbm>>) target(%arg14 : memref<80xi32, #tpu.memory_space<vmem>>) target_semaphore(%arg35 : memref<!tpu.dma_semaphore, #tpu.memory_space<semaphore_mem>>)
    %add3A_30 = arith.constant 240 : i32
    %add3A_31 = arith.addi %mul3A_2, %add3A_30 : i32
    %dma_start3A_32 = tpu.memref_slice %arg3[%add3A_31] : memref<320000xi32, #tpu.memory_space<hbm>> -> memref<80xi32, #tpu.memory_space<hbm>>
    %dma_start3A_33 = tpu.memref_slice %arg3[%add3A_31] : memref<320000xi32, #tpu.memory_space<hbm>> -> memref<80xi32, #tpu.memory_space<hbm>>
    tpu.enqueue_dma source(%dma_start3A_33 : memref<80xi32, #tpu.memory_space<hbm>>) target(%arg9 : memref<80xi32, #tpu.memory_space<vmem>>) target_semaphore(%arg30 : memref<!tpu.dma_semaphore, #tpu.memory_space<semaphore_mem>>)
    %add3A_34 = arith.constant 240 : i32
    %add3A_35 = arith.addi %mul3A_2, %add3A_34 : i32
    %dma_start3A_36 = tpu.memref_slice %arg4[%add3A_35] : memref<320000xi32, #tpu.memory_space<hbm>> -> memref<80xi32, #tpu.memory_space<hbm>>
    %dma_start3A_37 = tpu.memref_slice %arg4[%add3A_35] : memref<320000xi32, #tpu.memory_space<hbm>> -> memref<80xi32, #tpu.memory_space<hbm>>
    tpu.enqueue_dma source(%dma_start3A_37 : memref<80xi32, #tpu.memory_space<hbm>>) target(%arg15 : memref<80xi32, #tpu.memory_space<vmem>>) target_semaphore(%arg36 : memref<!tpu.dma_semaphore, #tpu.memory_space<semaphore_mem>>)
    %add3A_38 = arith.constant 320 : i32
    %add3A_39 = arith.addi %mul3A_2, %add3A_38 : i32
    %dma_start3A_40 = tpu.memref_slice %arg3[%add3A_39] : memref<320000xi32, #tpu.memory_space<hbm>> -> memref<80xi32, #tpu.memory_space<hbm>>
    %dma_start3A_41 = tpu.memref_slice %arg3[%add3A_39] : memref<320000xi32, #tpu.memory_space<hbm>> -> memref<80xi32, #tpu.memory_space<hbm>>
    tpu.enqueue_dma source(%dma_start3A_41 : memref<80xi32, #tpu.memory_space<hbm>>) target(%arg10 : memref<80xi32, #tpu.memory_space<vmem>>) target_semaphore(%arg31 : memref<!tpu.dma_semaphore, #tpu.memory_space<semaphore_mem>>)
    %add3A_42 = arith.constant 320 : i32
    %add3A_43 = arith.addi %mul3A_2, %add3A_42 : i32
    %dma_start3A_44 = tpu.memref_slice %arg4[%add3A_43] : memref<320000xi32, #tpu.memory_space<hbm>> -> memref<80xi32, #tpu.memory_space<hbm>>
    %dma_start3A_45 = tpu.memref_slice %arg4[%add3A_43] : memref<320000xi32, #tpu.memory_space<hbm>> -> memref<80xi32, #tpu.memory_space<hbm>>
    tpu.enqueue_dma source(%dma_start3A_45 : memref<80xi32, #tpu.memory_space<hbm>>) target(%arg16 : memref<80xi32, #tpu.memory_space<vmem>>) target_semaphore(%arg37 : memref<!tpu.dma_semaphore, #tpu.memory_space<semaphore_mem>>)
    %add3A_46 = arith.constant 400 : i32
    %add3A_47 = arith.addi %mul3A_2, %add3A_46 : i32
    %dma_start3A_48 = tpu.memref_slice %arg3[%add3A_47] : memref<320000xi32, #tpu.memory_space<hbm>> -> memref<80xi32, #tpu.memory_space<hbm>>
    %dma_start3A_49 = tpu.memref_slice %arg3[%add3A_47] : memref<320000xi32, #tpu.memory_space<hbm>> -> memref<80xi32, #tpu.memory_space<hbm>>
    tpu.enqueue_dma source(%dma_start3A_49 : memref<80xi32, #tpu.memory_space<hbm>>) target(%arg11 : memref<80xi32, #tpu.memory_space<vmem>>) target_semaphore(%arg32 : memref<!tpu.dma_semaphore, #tpu.memory_space<semaphore_mem>>)
    %add3A_50 = arith.constant 400 : i32
    %add3A_51 = arith.addi %mul3A_2, %add3A_50 : i32
    %dma_start3A_52 = tpu.memref_slice %arg4[%add3A_51] : memref<320000xi32, #tpu.memory_space<hbm>> -> memref<80xi32, #tpu.memory_space<hbm>>
    %dma_start3A_53 = tpu.memref_slice %arg4[%add3A_51] : memref<320000xi32, #tpu.memory_space<hbm>> -> memref<80xi32, #tpu.memory_space<hbm>>
    tpu.enqueue_dma source(%dma_start3A_53 : memref<80xi32, #tpu.memory_space<hbm>>) target(%arg17 : memref<80xi32, #tpu.memory_space<vmem>>) target_semaphore(%arg38 : memref<!tpu.dma_semaphore, #tpu.memory_space<semaphore_mem>>)
    %dma_wait3A = arith.constant 0 : i32
    %dma_wait3A_54 = tpu.memref_slice %arg3[%dma_wait3A] : memref<320000xi32, #tpu.memory_space<hbm>> -> memref<80xi32, #tpu.memory_space<hbm>>
    %dma_wait3A_55 = arith.constant 0 : i32
    %dma_wait3A_56 = tpu.memref_slice %arg3[%dma_wait3A_55] : memref<320000xi32, #tpu.memory_space<hbm>> -> memref<80xi32, #tpu.memory_space<hbm>>
    tpu.wait_dma2 semaphore(%arg27 : memref<!tpu.dma_semaphore, #tpu.memory_space<semaphore_mem>>) src(%dma_wait3A_56 : memref<80xi32, #tpu.memory_space<hbm>>) dst(%arg6 : memref<80xi32, #tpu.memory_space<vmem>>)
    %dma_start3A_57 = arith.constant 0 : i32
    %dma_start3A_58 = arith.constant 0 : i32
    %dma_start3A_59 = arith.constant 0 : i32
    %dma_start3A_60 = tpu.memref_slice %arg18[%dma_start3A_57, %dma_start3A_58, %dma_start3A_59] : memref<3x80x128xf32, #tpu.memory_space<vmem>> -> memref<1x80x128xf32, #tpu.memory_space<vmem>>
    %dma_start3A_61 = tpu.memref_squeeze %dma_start3A_60 : memref<1x80x128xf32, #tpu.memory_space<vmem>> -> memref<80x128xf32, #tpu.memory_space<vmem>>
    %dma_start3A_62 = arith.constant 0 : i32
    %dma_start3A_63 = arith.constant 0 : i32
    %dma_start3A_64 = tpu.memref_slice %arg2[%dma_start3A_62, %dma_start3A_63] : memref<10000x128xf32, #tpu.memory_space<hbm>> -> memref<10000x128xf32, #tpu.memory_space<hbm>>
    tpu.enqueue_indirect_dma source(%dma_start3A_64 : memref<10000x128xf32, #tpu.memory_space<hbm>>) target(%dma_start3A_61 : memref<80x128xf32, #tpu.memory_space<vmem>>) offsets(%arg6 : memref<80xi32, #tpu.memory_space<vmem>>) semaphore(%arg21 : memref<!tpu.dma_semaphore, #tpu.memory_space<semaphore_mem>>)
    %dma_wait3A_65 = arith.constant 0 : i32
    %dma_wait3A_66 = tpu.memref_slice %arg3[%dma_wait3A_65] : memref<320000xi32, #tpu.memory_space<hbm>> -> memref<80xi32, #tpu.memory_space<hbm>>
    %dma_wait3A_67 = arith.constant 0 : i32
    %dma_wait3A_68 = tpu.memref_slice %arg3[%dma_wait3A_67] : memref<320000xi32, #tpu.memory_space<hbm>> -> memref<80xi32, #tpu.memory_space<hbm>>
    tpu.wait_dma2 semaphore(%arg28 : memref<!tpu.dma_semaphore, #tpu.memory_space<semaphore_mem>>) src(%dma_wait3A_68 : memref<80xi32, #tpu.memory_space<hbm>>) dst(%arg7 : memref<80xi32, #tpu.memory_space<vmem>>)
    %dma_start3A_69 = arith.constant 1 : i32
    %dma_start3A_70 = arith.constant 0 : i32
    %dma_start3A_71 = arith.constant 0 : i32
    %dma_start3A_72 = tpu.memref_slice %arg18[%dma_start3A_69, %dma_start3A_70, %dma_start3A_71] : memref<3x80x128xf32, #tpu.memory_space<vmem>> -> memref<1x80x128xf32, #tpu.memory_space<vmem>>
    %dma_start3A_73 = tpu.memref_squeeze %dma_start3A_72 : memref<1x80x128xf32, #tpu.memory_space<vmem>> -> memref<80x128xf32, #tpu.memory_space<vmem>>
    %dma_start3A_74 = arith.constant 0 : i32
    %dma_start3A_75 = arith.constant 0 : i32
    %dma_start3A_76 = tpu.memref_slice %arg2[%dma_start3A_74, %dma_start3A_75] : memref<10000x128xf32, #tpu.memory_space<hbm>> -> memref<10000x128xf32, #tpu.memory_space<hbm>>
    tpu.enqueue_indirect_dma source(%dma_start3A_76 : memref<10000x128xf32, #tpu.memory_space<hbm>>) target(%dma_start3A_73 : memref<80x128xf32, #tpu.memory_space<vmem>>) offsets(%arg7 : memref<80xi32, #tpu.memory_space<vmem>>) semaphore(%arg22 : memref<!tpu.dma_semaphore, #tpu.memory_space<semaphore_mem>>)
    %dma_wait3A_77 = arith.constant 0 : i32
    %dma_wait3A_78 = tpu.memref_slice %arg3[%dma_wait3A_77] : memref<320000xi32, #tpu.memory_space<hbm>> -> memref<80xi32, #tpu.memory_space<hbm>>
    %dma_wait3A_79 = arith.constant 0 : i32
    %dma_wait3A_80 = tpu.memref_slice %arg3[%dma_wait3A_79] : memref<320000xi32, #tpu.memory_space<hbm>> -> memref<80xi32, #tpu.memory_space<hbm>>
    tpu.wait_dma2 semaphore(%arg29 : memref<!tpu.dma_semaphore, #tpu.memory_space<semaphore_mem>>) src(%dma_wait3A_80 : memref<80xi32, #tpu.memory_space<hbm>>) dst(%arg8 : memref<80xi32, #tpu.memory_space<vmem>>)
    %dma_start3A_81 = arith.constant 2 : i32
    %dma_start3A_82 = arith.constant 0 : i32
    %dma_start3A_83 = arith.constant 0 : i32
    %dma_start3A_84 = tpu.memref_slice %arg18[%dma_start3A_81, %dma_start3A_82, %dma_start3A_83] : memref<3x80x128xf32, #tpu.memory_space<vmem>> -> memref<1x80x128xf32, #tpu.memory_space<vmem>>
    %dma_start3A_85 = tpu.memref_squeeze %dma_start3A_84 : memref<1x80x128xf32, #tpu.memory_space<vmem>> -> memref<80x128xf32, #tpu.memory_space<vmem>>
    %dma_start3A_86 = arith.constant 0 : i32
    %dma_start3A_87 = arith.constant 0 : i32
    %dma_start3A_88 = tpu.memref_slice %arg2[%dma_start3A_86, %dma_start3A_87] : memref<10000x128xf32, #tpu.memory_space<hbm>> -> memref<10000x128xf32, #tpu.memory_space<hbm>>
    tpu.enqueue_indirect_dma source(%dma_start3A_88 : memref<10000x128xf32, #tpu.memory_space<hbm>>) target(%dma_start3A_85 : memref<80x128xf32, #tpu.memory_space<vmem>>) offsets(%arg8 : memref<80xi32, #tpu.memory_space<vmem>>) semaphore(%arg23 : memref<!tpu.dma_semaphore, #tpu.memory_space<semaphore_mem>>)
    %broadcast_in_dim3A = arith.constant 0.000000e+00 : f32
    %broadcast_in_dim3A_89 = vector.broadcast %broadcast_in_dim3A : f32 to vector<16xf32>
    %swap3A = arith.constant 0 : i32
    %swap3A_90 = arith.index_cast %swap3A : i32 to index
    %swap3A_91 = arith.constant 0 : index
    %swap3A_92 = tpu.vector_load %arg19[%swap3A_90, %swap3A_91] {strides = array<i32>} : memref<8x128xf32, #tpu.memory_space<vmem>>, vector<1x16xf32>,
    %swap3A_93 = vector.shape_cast %swap3A_92 : vector<1x16xf32> to vector<16xf32>
    %swap3A_94 = vector.shape_cast %broadcast_in_dim3A_89 : vector<16xf32> to vector<1x16xf32>
    tpu.vector_store %arg19[%swap3A_90, %swap3A_91], %swap3A_94 {strides = array<i32>} : memref<8x128xf32, #tpu.memory_space<vmem>>, vector<1x16xf32>,
    %swap3A_95 = arith.constant 0 : i32
    %swap3A_96 = arith.index_cast %swap3A_95 : i32 to index
    %swap3A_97 = arith.constant 16 : index
    %swap3A_98 = tpu.vector_load %arg19[%swap3A_96, %swap3A_97] {strides = array<i32>} : memref<8x128xf32, #tpu.memory_space<vmem>>, vector<1x16xf32>,
    %swap3A_99 = vector.shape_cast %swap3A_98 : vector<1x16xf32> to vector<16xf32>
    %swap3A_100 = vector.shape_cast %broadcast_in_dim3A_89 : vector<16xf32> to vector<1x16xf32>
    tpu.vector_store %arg19[%swap3A_96, %swap3A_97], %swap3A_100 {strides = array<i32>} : memref<8x128xf32, #tpu.memory_space<vmem>>, vector<1x16xf32>,
    %swap3A_101 = arith.constant 0 : i32
    %swap3A_102 = arith.index_cast %swap3A_101 : i32 to index
    %swap3A_103 = arith.constant 32 : index
    %swap3A_104 = tpu.vector_load %arg19[%swap3A_102, %swap3A_103] {strides = array<i32>} : memref<8x128xf32, #tpu.memory_space<vmem>>, vector<1x16xf32>,
    %swap3A_105 = vector.shape_cast %swap3A_104 : vector<1x16xf32> to vector<16xf32>
    %swap3A_106 = vector.shape_cast %broadcast_in_dim3A_89 : vector<16xf32> to vector<1x16xf32>
    tpu.vector_store %arg19[%swap3A_102, %swap3A_103], %swap3A_106 {strides = array<i32>} : memref<8x128xf32, #tpu.memory_space<vmem>>, vector<1x16xf32>,
    %swap3A_107 = arith.constant 0 : i32
    %swap3A_108 = arith.index_cast %swap3A_107 : i32 to index
    %swap3A_109 = arith.constant 48 : index
    %swap3A_110 = tpu.vector_load %arg19[%swap3A_108, %swap3A_109] {strides = array<i32>} : memref<8x128xf32, #tpu.memory_space<vmem>>, vector<1x16xf32>,
    %swap3A_111 = vector.shape_cast %swap3A_110 : vector<1x16xf32> to vector<16xf32>
    %swap3A_112 = vector.shape_cast %broadcast_in_dim3A_89 : vector<16xf32> to vector<1x16xf32>
    tpu.vector_store %arg19[%swap3A_108, %swap3A_109], %swap3A_112 {strides = array<i32>} : memref<8x128xf32, #tpu.memory_space<vmem>>, vector<1x16xf32>,
    %swap3A_113 = arith.constant 0 : i32
    %swap3A_114 = arith.index_cast %swap3A_113 : i32 to index
    %swap3A_115 = arith.constant 64 : index
    %swap3A_116 = tpu.vector_load %arg19[%swap3A_114, %swap3A_115] {strides = array<i32>} : memref<8x128xf32, #tpu.memory_space<vmem>>, vector<1x16xf32>,
    %swap3A_117 = vector.shape_cast %swap3A_116 : vector<1x16xf32> to vector<16xf32>
    %swap3A_118 = vector.shape_cast %broadcast_in_dim3A_89 : vector<16xf32> to vector<1x16xf32>
    tpu.vector_store %arg19[%swap3A_114, %swap3A_115], %swap3A_118 {strides = array<i32>} : memref<8x128xf32, #tpu.memory_space<vmem>>, vector<1x16xf32>,
    %swap3A_119 = arith.constant 0 : i32
    %swap3A_120 = arith.index_cast %swap3A_119 : i32 to index
    %swap3A_121 = arith.constant 80 : index
    %swap3A_122 = tpu.vector_load %arg19[%swap3A_120, %swap3A_121] {strides = array<i32>} : memref<8x128xf32, #tpu.memory_space<vmem>>, vector<1x16xf32>,
    %swap3A_123 = vector.shape_cast %swap3A_122 : vector<1x16xf32> to vector<16xf32>
    %swap3A_124 = vector.shape_cast %broadcast_in_dim3A_89 : vector<16xf32> to vector<1x16xf32>
    tpu.vector_store %arg19[%swap3A_120, %swap3A_121], %swap3A_124 {strides = array<i32>} : memref<8x128xf32, #tpu.memory_space<vmem>>, vector<1x16xf32>,
    %swap3A_125 = arith.constant 0 : i32
    %swap3A_126 = arith.index_cast %swap3A_125 : i32 to index
    %swap3A_127 = arith.constant 96 : index
    %swap3A_128 = tpu.vector_load %arg19[%swap3A_126, %swap3A_127] {strides = array<i32>} : memref<8x128xf32, #tpu.memory_space<vmem>>, vector<1x16xf32>,
    %swap3A_129 = vector.shape_cast %swap3A_128 : vector<1x16xf32> to vector<16xf32>
    %swap3A_130 = vector.shape_cast %broadcast_in_dim3A_89 : vector<16xf32> to vector<1x16xf32>
    tpu.vector_store %arg19[%swap3A_126, %swap3A_127], %swap3A_130 {strides = array<i32>} : memref<8x128xf32, #tpu.memory_space<vmem>>, vector<1x16xf32>,
    %swap3A_131 = arith.constant 0 : i32
    %swap3A_132 = arith.index_cast %swap3A_131 : i32 to index
    %swap3A_133 = arith.constant 112 : index
    %swap3A_134 = tpu.vector_load %arg19[%swap3A_132, %swap3A_133] {strides = array<i32>} : memref<8x128xf32, #tpu.memory_space<vmem>>, vector<1x16xf32>,
    %swap3A_135 = vector.shape_cast %swap3A_134 : vector<1x16xf32> to vector<16xf32>
    %swap3A_136 = vector.shape_cast %broadcast_in_dim3A_89 : vector<16xf32> to vector<1x16xf32>
    tpu.vector_store %arg19[%swap3A_132, %swap3A_133], %swap3A_136 {strides = array<i32>} : memref<8x128xf32, #tpu.memory_space<vmem>>, vector<1x16xf32>,
    %swap3A_137 = arith.constant 1 : i32
    %swap3A_138 = arith.index_cast %swap3A_137 : i32 to index
    %swap3A_139 = arith.constant 0 : index
    %swap3A_140 = tpu.vector_load %arg19[%swap3A_138, %swap3A_139] {strides = array<i32>} : memref<8x128xf32, #tpu.memory_space<vmem>>, vector<1x16xf32>,
    %swap3A_141 = vector.shape_cast %swap3A_140 : vector<1x16xf32> to vector<16xf32>
    %swap3A_142 = vector.shape_cast %broadcast_in_dim3A_89 : vector<16xf32> to vector<1x16xf32>
    tpu.vector_store %arg19[%swap3A_138, %swap3A_139], %swap3A_142 {strides = array<i32>} : memref<8x128xf32, #tpu.memory_space<vmem>>, vector<1x16xf32>,
    %swap3A_143 = arith.constant 1 : i32
    %swap3A_144 = arith.index_cast %swap3A_143 : i32 to index
    %swap3A_145 = arith.constant 16 : index
    %swap3A_146 = tpu.vector_load %arg19[%swap3A_144, %swap3A_145] {strides = array<i32>} : memref<8x128xf32, #tpu.memory_space<vmem>>, vector<1x16xf32>,
    %swap3A_147 = vector.shape_cast %swap3A_146 : vector<1x16xf32> to vector<16xf32>
    %swap3A_148 = vector.shape_cast %broadcast_in_dim3A_89 : vector<16xf32> to vector<1x16xf32>
    tpu.vector_store %arg19[%swap3A_144, %swap3A_145], %swap3A_148 {strides = array<i32>} : memref<8x128xf32, #tpu.memory_space<vmem>>, vector<1x16xf32>,
    %swap3A_149 = arith.constant 1 : i32
    %swap3A_150 = arith.index_cast %swap3A_149 : i32 to index
    %swap3A_151 = arith.constant 32 : index
    %swap3A_152 = tpu.vector_load %arg19[%swap3A_150, %swap3A_151] {strides = array<i32>} : memref<8x128xf32, #tpu.memory_space<vmem>>, vector<1x16xf32>,
    %swap3A_153 = vector.shape_cast %swap3A_152 : vector<1x16xf32> to vector<16xf32>
    %swap3A_154 = vector.shape_cast %broadcast_in_dim3A_89 : vector<16xf32> to vector<1x16xf32>
    tpu.vector_store %arg19[%swap3A_150, %swap3A_151], %swap3A_154 {strides = array<i32>} : memref<8x128xf32, #tpu.memory_space<vmem>>, vector<1x16xf32>,
    %swap3A_155 = arith.constant 1 : i32
    %swap3A_156 = arith.index_cast %swap3A_155 : i32 to index
    %swap3A_157 = arith.constant 48 : index
    %swap3A_158 = tpu.vector_load %arg19[%swap3A_156, %swap3A_157] {strides = array<i32>} : memref<8x128xf32, #tpu.memory_space<vmem>>, vector<1x16xf32>,
    %swap3A_159 = vector.shape_cast %swap3A_158 : vector<1x16xf32> to vector<16xf32>
    %swap3A_160 = vector.shape_cast %broadcast_in_dim3A_89 : vector<16xf32> to vector<1x16xf32>
    tpu.vector_store %arg19[%swap3A_156, %swap3A_157], %swap3A_160 {strides = array<i32>} : memref<8x128xf32, #tpu.memory_space<vmem>>, vector<1x16xf32>,
    %swap3A_161 = arith.constant 1 : i32
    %swap3A_162 = arith.index_cast %swap3A_161 : i32 to index
    %swap3A_163 = arith.constant 64 : index
    %swap3A_164 = tpu.vector_load %arg19[%swap3A_162, %swap3A_163] {strides = array<i32>} : memref<8x128xf32, #tpu.memory_space<vmem>>, vector<1x16xf32>,
    %swap3A_165 = vector.shape_cast %swap3A_164 : vector<1x16xf32> to vector<16xf32>
    %swap3A_166 = vector.shape_cast %broadcast_in_dim3A_89 : vector<16xf32> to vector<1x16xf32>
    tpu.vector_store %arg19[%swap3A_162, %swap3A_163], %swap3A_166 {strides = array<i32>} : memref<8x128xf32, #tpu.memory_space<vmem>>, vector<1x16xf32>,
    %swap3A_167 = arith.constant 1 : i32
    %swap3A_168 = arith.index_cast %swap3A_167 : i32 to index
    %swap3A_169 = arith.constant 80 : index
    %swap3A_170 = tpu.vector_load %arg19[%swap3A_168, %swap3A_169] {strides = array<i32>} : memref<8x128xf32, #tpu.memory_space<vmem>>, vector<1x16xf32>,
    %swap3A_171 = vector.shape_cast %swap3A_170 : vector<1x16xf32> to vector<16xf32>
    %swap3A_172 = vector.shape_cast %broadcast_in_dim3A_89 : vector<16xf32> to vector<1x16xf32>
    tpu.vector_store %arg19[%swap3A_168, %swap3A_169], %swap3A_172 {strides = array<i32>} : memref<8x128xf32, #tpu.memory_space<vmem>>, vector<1x16xf32>,
    %swap3A_173 = arith.constant 1 : i32
    %swap3A_174 = arith.index_cast %swap3A_173 : i32 to index
    %swap3A_175 = arith.constant 96 : index
    %swap3A_176 = tpu.vector_load %arg19[%swap3A_174, %swap3A_175] {strides = array<i32>} : memref<8x128xf32, #tpu.memory_space<vmem>>, vector<1x16xf32>,
    %swap3A_177 = vector.shape_cast %swap3A_176 : vector<1x16xf32> to vector<16xf32>
    %swap3A_178 = vector.shape_cast %broadcast_in_dim3A_89 : vector<16xf32> to vector<1x16xf32>
    tpu.vector_store %arg19[%swap3A_174, %swap3A_175], %swap3A_178 {strides = array<i32>} : memref<8x128xf32, #tpu.memory_space<vmem>>, vector<1x16xf32>,
    %swap3A_179 = arith.constant 1 : i32
    %swap3A_180 = arith.index_cast %swap3A_179 : i32 to index
    %swap3A_181 = arith.constant 112 : index
    %swap3A_182 = tpu.vector_load %arg19[%swap3A_180, %swap3A_181] {strides = array<i32>} : memref<8x128xf32, #tpu.memory_space<vmem>>, vector<1x16xf32>,
    %swap3A_183 = vector.shape_cast %swap3A_182 : vector<1x16xf32> to vector<16xf32>
    %swap3A_184 = vector.shape_cast %broadcast_in_dim3A_89 : vector<16xf32> to vector<1x16xf32>
    tpu.vector_store %arg19[%swap3A_180, %swap3A_181], %swap3A_184 {strides = array<i32>} : memref<8x128xf32, #tpu.memory_space<vmem>>, vector<1x16xf32>,
    %swap3A_185 = arith.constant 2 : i32
    %swap3A_186 = arith.index_cast %swap3A_185 : i32 to index
    %swap3A_187 = arith.constant 0 : index
    %swap3A_188 = tpu.vector_load %arg19[%swap3A_186, %swap3A_187] {strides = array<i32>} : memref<8x128xf32, #tpu.memory_space<vmem>>, vector<1x16xf32>,
    %swap3A_189 = vector.shape_cast %swap3A_188 : vector<1x16xf32> to vector<16xf32>
    %swap3A_190 = vector.shape_cast %broadcast_in_dim3A_89 : vector<16xf32> to vector<1x16xf32>
    tpu.vector_store %arg19[%swap3A_186, %swap3A_187], %swap3A_190 {strides = array<i32>} : memref<8x128xf32, #tpu.memory_space<vmem>>, vector<1x16xf32>,
    %swap3A_191 = arith.constant 2 : i32
    %swap3A_192 = arith.index_cast %swap3A_191 : i32 to index
    %swap3A_193 = arith.constant 16 : index
    %swap3A_194 = tpu.vector_load %arg19[%swap3A_192, %swap3A_193] {strides = array<i32>} : memref<8x128xf32, #tpu.memory_space<vmem>>, vector<1x16xf32>,
    %swap3A_195 = vector.shape_cast %swap3A_194 : vector<1x16xf32> to vector<16xf32>
    %swap3A_196 = vector.shape_cast %broadcast_in_dim3A_89 : vector<16xf32> to vector<1x16xf32>
    tpu.vector_store %arg19[%swap3A_192, %swap3A_193], %swap3A_196 {strides = array<i32>} : memref<8x128xf32, #tpu.memory_space<vmem>>, vector<1x16xf32>,
    %swap3A_197 = arith.constant 2 : i32
    %swap3A_198 = arith.index_cast %swap3A_197 : i32 to index
    %swap3A_199 = arith.constant 32 : index
    %swap3A_200 = tpu.vector_load %arg19[%swap3A_198, %swap3A_199] {strides = array<i32>} : memref<8x128xf32, #tpu.memory_space<vmem>>, vector<1x16xf32>,
    %swap3A_201 = vector.shape_cast %swap3A_200 : vector<1x16xf32> to vector<16xf32>
    %swap3A_202 = vector.shape_cast %broadcast_in_dim3A_89 : vector<16xf32> to vector<1x16xf32>
    tpu.vector_store %arg19[%swap3A_198, %swap3A_199], %swap3A_202 {strides = array<i32>} : memref<8x128xf32, #tpu.memory_space<vmem>>, vector<1x16xf32>,
    %swap3A_203 = arith.constant 2 : i32
    %swap3A_204 = arith.index_cast %swap3A_203 : i32 to index
    %swap3A_205 = arith.constant 48 : index
    %swap3A_206 = tpu.vector_load %arg19[%swap3A_204, %swap3A_205] {strides = array<i32>} : memref<8x128xf32, #tpu.memory_space<vmem>>, vector<1x16xf32>,
    %swap3A_207 = vector.shape_cast %swap3A_206 : vector<1x16xf32> to vector<16xf32>
    %swap3A_208 = vector.shape_cast %broadcast_in_dim3A_89 : vector<16xf32> to vector<1x16xf32>
    tpu.vector_store %arg19[%swap3A_204, %swap3A_205], %swap3A_208 {strides = array<i32>} : memref<8x128xf32, #tpu.memory_space<vmem>>, vector<1x16xf32>,
    %swap3A_209 = arith.constant 2 : i32
    %swap3A_210 = arith.index_cast %swap3A_209 : i32 to index
    %swap3A_211 = arith.constant 64 : index
    %swap3A_212 = tpu.vector_load %arg19[%swap3A_210, %swap3A_211] {strides = array<i32>} : memref<8x128xf32, #tpu.memory_space<vmem>>, vector<1x16xf32>,
    %swap3A_213 = vector.shape_cast %swap3A_212 : vector<1x16xf32> to vector<16xf32>
    %swap3A_214 = vector.shape_cast %broadcast_in_dim3A_89 : vector<16xf32> to vector<1x16xf32>
    tpu.vector_store %arg19[%swap3A_210, %swap3A_211], %swap3A_214 {strides = array<i32>} : memref<8x128xf32, #tpu.memory_space<vmem>>, vector<1x16xf32>,
    %swap3A_215 = arith.constant 2 : i32
    %swap3A_216 = arith.index_cast %swap3A_215 : i32 to index
    %swap3A_217 = arith.constant 80 : index
    %swap3A_218 = tpu.vector_load %arg19[%swap3A_216, %swap3A_217] {strides = array<i32>} : memref<8x128xf32, #tpu.memory_space<vmem>>, vector<1x16xf32>,
    %swap3A_219 = vector.shape_cast %swap3A_218 : vector<1x16xf32> to vector<16xf32>
    %swap3A_220 = vector.shape_cast %broadcast_in_dim3A_89 : vector<16xf32> to vector<1x16xf32>
    tpu.vector_store %arg19[%swap3A_216, %swap3A_217], %swap3A_220 {strides = array<i32>} : memref<8x128xf32, #tpu.memory_space<vmem>>, vector<1x16xf32>,
    %swap3A_221 = arith.constant 2 : i32
    %swap3A_222 = arith.index_cast %swap3A_221 : i32 to index
    %swap3A_223 = arith.constant 96 : index
    %swap3A_224 = tpu.vector_load %arg19[%swap3A_222, %swap3A_223] {strides = array<i32>} : memref<8x128xf32, #tpu.memory_space<vmem>>, vector<1x16xf32>,
    %swap3A_225 = vector.shape_cast %swap3A_224 : vector<1x16xf32> to vector<16xf32>
    %swap3A_226 = vector.shape_cast %broadcast_in_dim3A_89 : vector<16xf32> to vector<1x16xf32>
    tpu.vector_store %arg19[%swap3A_222, %swap3A_223], %swap3A_226 {strides = array<i32>} : memref<8x128xf32, #tpu.memory_space<vmem>>, vector<1x16xf32>,
    %swap3A_227 = arith.constant 2 : i32
    %swap3A_228 = arith.index_cast %swap3A_227 : i32 to index
    %swap3A_229 = arith.constant 112 : index
    %swap3A_230 = tpu.vector_load %arg19[%swap3A_228, %swap3A_229] {strides = array<i32>} : memref<8x128xf32, #tpu.memory_space<vmem>>, vector<1x16xf32>,
    %swap3A_231 = vector.shape_cast %swap3A_230 : vector<1x16xf32> to vector<16xf32>
    %swap3A_232 = vector.shape_cast %broadcast_in_dim3A_89 : vector<16xf32> to vector<1x16xf32>
    tpu.vector_store %arg19[%swap3A_228, %swap3A_229], %swap3A_232 {strides = array<i32>} : memref<8x128xf32, #tpu.memory_space<vmem>>, vector<1x16xf32>,
    %swap3A_233 = arith.constant 3 : i32
    %swap3A_234 = arith.index_cast %swap3A_233 : i32 to index
    %swap3A_235 = arith.constant 0 : index
    %swap3A_236 = tpu.vector_load %arg19[%swap3A_234, %swap3A_235] {strides = array<i32>} : memref<8x128xf32, #tpu.memory_space<vmem>>, vector<1x16xf32>,
    %swap3A_237 = vector.shape_cast %swap3A_236 : vector<1x16xf32> to vector<16xf32>
    %swap3A_238 = vector.shape_cast %broadcast_in_dim3A_89 : vector<16xf32> to vector<1x16xf32>
    tpu.vector_store %arg19[%swap3A_234, %swap3A_235], %swap3A_238 {strides = array<i32>} : memref<8x128xf32, #tpu.memory_space<vmem>>, vector<1x16xf32>,
    %swap3A_239 = arith.constant 3 : i32
    %swap3A_240 = arith.index_cast %swap3A_239 : i32 to index
    %swap3A_241 = arith.constant 16 : index
    %swap3A_242 = tpu.vector_load %arg19[%swap3A_240, %swap3A_241] {strides = array<i32>} : memref<8x128xf32, #tpu.memory_space<vmem>>, vector<1x16xf32>,
    %swap3A_243 = vector.shape_cast %swap3A_242 : vector<1x16xf32> to vector<16xf32>
    %swap3A_244 = vector.shape_cast %broadcast_in_dim3A_89 : vector<16xf32> to vector<1x16xf32>
    tpu.vector_store %arg19[%swap3A_240, %swap3A_241], %swap3A_244 {strides = array<i32>} : memref<8x128xf32, #tpu.memory_space<vmem>>, vector<1x16xf32>,
    %swap3A_245 = arith.constant 3 : i32
    %swap3A_246 = arith.index_cast %swap3A_245 : i32 to index
    %swap3A_247 = arith.constant 32 : index
    %swap3A_248 = tpu.vector_load %arg19[%swap3A_246, %swap3A_247] {strides = array<i32>} : memref<8x128xf32, #tpu.memory_space<vmem>>, vector<1x16xf32>,
    %swap3A_249 = vector.shape_cast %swap3A_248 : vector<1x16xf32> to vector<16xf32>
    %swap3A_250 = vector.shape_cast %broadcast_in_dim3A_89 : vector<16xf32> to vector<1x16xf32>
    tpu.vector_store %arg19[%swap3A_246, %swap3A_247], %swap3A_250 {strides = array<i32>} : memref<8x128xf32, #tpu.memory_space<vmem>>, vector<1x16xf32>,
    %swap3A_251 = arith.constant 3 : i32
    %swap3A_252 = arith.index_cast %swap3A_251 : i32 to index
    %swap3A_253 = arith.constant 48 : index
    %swap3A_254 = tpu.vector_load %arg19[%swap3A_252, %swap3A_253] {strides = array<i32>} : memref<8x128xf32, #tpu.memory_space<vmem>>, vector<1x16xf32>,
    %swap3A_255 = vector.shape_cast %swap3A_254 : vector<1x16xf32> to vector<16xf32>
    %swap3A_256 = vector.shape_cast %broadcast_in_dim3A_89 : vector<16xf32> to vector<1x16xf32>
    tpu.vector_store %arg19[%swap3A_252, %swap3A_253], %swap3A_256 {strides = array<i32>} : memref<8x128xf32, #tpu.memory_space<vmem>>, vector<1x16xf32>,
    %swap3A_257 = arith.constant 3 : i32
    %swap3A_258 = arith.index_cast %swap3A_257 : i32 to index
    %swap3A_259 = arith.constant 64 : index
    %swap3A_260 = tpu.vector_load %arg19[%swap3A_258, %swap3A_259] {strides = array<i32>} : memref<8x128xf32, #tpu.memory_space<vmem>>, vector<1x16xf32>,
    %swap3A_261 = vector.shape_cast %swap3A_260 : vector<1x16xf32> to vector<16xf32>
    %swap3A_262 = vector.shape_cast %broadcast_in_dim3A_89 : vector<16xf32> to vector<1x16xf32>
    tpu.vector_store %arg19[%swap3A_258, %swap3A_259], %swap3A_262 {strides = array<i32>} : memref<8x128xf32, #tpu.memory_space<vmem>>, vector<1x16xf32>,
    %swap3A_263 = arith.constant 3 : i32
    %swap3A_264 = arith.index_cast %swap3A_263 : i32 to index
    %swap3A_265 = arith.constant 80 : index
    %swap3A_266 = tpu.vector_load %arg19[%swap3A_264, %swap3A_265] {strides = array<i32>} : memref<8x128xf32, #tpu.memory_space<vmem>>, vector<1x16xf32>,
    %swap3A_267 = vector.shape_cast %swap3A_266 : vector<1x16xf32> to vector<16xf32>
    %swap3A_268 = vector.shape_cast %broadcast_in_dim3A_89 : vector<16xf32> to vector<1x16xf32>
    tpu.vector_store %arg19[%swap3A_264, %swap3A_265], %swap3A_268 {strides = array<i32>} : memref<8x128xf32, #tpu.memory_space<vmem>>, vector<1x16xf32>,
    %swap3A_269 = arith.constant 3 : i32
    %swap3A_270 = arith.index_cast %swap3A_269 : i32 to index
    %swap3A_271 = arith.constant 96 : index
    %swap3A_272 = tpu.vector_load %arg19[%swap3A_270, %swap3A_271] {strides = array<i32>} : memref<8x128xf32, #tpu.memory_space<vmem>>, vector<1x16xf32>,
    %swap3A_273 = vector.shape_cast %swap3A_272 : vector<1x16xf32> to vector<16xf32>
    %swap3A_274 = vector.shape_cast %broadcast_in_dim3A_89 : vector<16xf32> to vector<1x16xf32>
    tpu.vector_store %arg19[%swap3A_270, %swap3A_271], %swap3A_274 {strides = array<i32>} : memref<8x128xf32, #tpu.memory_space<vmem>>, vector<1x16xf32>,
    %swap3A_275 = arith.constant 3 : i32
    %swap3A_276 = arith.index_cast %swap3A_275 : i32 to index
    %swap3A_277 = arith.constant 112 : index
    %swap3A_278 = tpu.vector_load %arg19[%swap3A_276, %swap3A_277] {strides = array<i32>} : memref<8x128xf32, #tpu.memory_space<vmem>>, vector<1x16xf32>,
    %swap3A_279 = vector.shape_cast %swap3A_278 : vector<1x16xf32> to vector<16xf32>
    %swap3A_280 = vector.shape_cast %broadcast_in_dim3A_89 : vector<16xf32> to vector<1x16xf32>
    tpu.vector_store %arg19[%swap3A_276, %swap3A_277], %swap3A_280 {strides = array<i32>} : memref<8x128xf32, #tpu.memory_space<vmem>>, vector<1x16xf32>,
    %swap3A_281 = arith.constant 4 : i32
    %swap3A_282 = arith.index_cast %swap3A_281 : i32 to index
    %swap3A_283 = arith.constant 0 : index
    %swap3A_284 = tpu.vector_load %arg19[%swap3A_282, %swap3A_283] {strides = array<i32>} : memref<8x128xf32, #tpu.memory_space<vmem>>, vector<1x16xf32>,
    %swap3A_285 = vector.shape_cast %swap3A_284 : vector<1x16xf32> to vector<16xf32>
    %swap3A_286 = vector.shape_cast %broadcast_in_dim3A_89 : vector<16xf32> to vector<1x16xf32>
    tpu.vector_store %arg19[%swap3A_282, %swap3A_283], %swap3A_286 {strides = array<i32>} : memref<8x128xf32, #tpu.memory_space<vmem>>, vector<1x16xf32>,
    %swap3A_287 = arith.constant 4 : i32
    %swap3A_288 = arith.index_cast %swap3A_287 : i32 to index
    %swap3A_289 = arith.constant 16 : index
    %swap3A_290 = tpu.vector_load %arg19[%swap3A_288, %swap3A_289] {strides = array<i32>} : memref<8x128xf32, #tpu.memory_space<vmem>>, vector<1x16xf32>,
    %swap3A_291 = vector.shape_cast %swap3A_290 : vector<1x16xf32> to vector<16xf32>
    %swap3A_292 = vector.shape_cast %broadcast_in_dim3A_89 : vector<16xf32> to vector<1x16xf32>
    tpu.vector_store %arg19[%swap3A_288, %swap3A_289], %swap3A_292 {strides = array<i32>} : memref<8x128xf32, #tpu.memory_space<vmem>>, vector<1x16xf32>,
    %swap3A_293 = arith.constant 4 : i32
    %swap3A_294 = arith.index_cast %swap3A_293 : i32 to index
    %swap3A_295 = arith.constant 32 : index
    %swap3A_296 = tpu.vector_load %arg19[%swap3A_294, %swap3A_295] {strides = array<i32>} : memref<8x128xf32, #tpu.memory_space<vmem>>, vector<1x16xf32>,
    %swap3A_297 = vector.shape_cast %swap3A_296 : vector<1x16xf32> to vector<16xf32>
    %swap3A_298 = vector.shape_cast %broadcast_in_dim3A_89 : vector<16xf32> to vector<1x16xf32>
    tpu.vector_store %arg19[%swap3A_294, %swap3A_295], %swap3A_298 {strides = array<i32>} : memref<8x128xf32, #tpu.memory_space<vmem>>, vector<1x16xf32>,
    %swap3A_299 = arith.constant 4 : i32
    %swap3A_300 = arith.index_cast %swap3A_299 : i32 to index
    %swap3A_301 = arith.constant 48 : index
    %swap3A_302 = tpu.vector_load %arg19[%swap3A_300, %swap3A_301] {strides = array<i32>} : memref<8x128xf32, #tpu.memory_space<vmem>>, vector<1x16xf32>,
    %swap3A_303 = vector.shape_cast %swap3A_302 : vector<1x16xf32> to vector<16xf32>
    %swap3A_304 = vector.shape_cast %broadcast_in_dim3A_89 : vector<16xf32> to vector<1x16xf32>
    tpu.vector_store %arg19[%swap3A_300, %swap3A_301], %swap3A_304 {strides = array<i32>} : memref<8x128xf32, #tpu.memory_space<vmem>>, vector<1x16xf32>,
    %swap3A_305 = arith.constant 4 : i32
    %swap3A_306 = arith.index_cast %swap3A_305 : i32 to index
    %swap3A_307 = arith.constant 64 : index
    %swap3A_308 = tpu.vector_load %arg19[%swap3A_306, %swap3A_307] {strides = array<i32>} : memref<8x128xf32, #tpu.memory_space<vmem>>, vector<1x16xf32>,
    %swap3A_309 = vector.shape_cast %swap3A_308 : vector<1x16xf32> to vector<16xf32>
    %swap3A_310 = vector.shape_cast %broadcast_in_dim3A_89 : vector<16xf32> to vector<1x16xf32>
    tpu.vector_store %arg19[%swap3A_306, %swap3A_307], %swap3A_310 {strides = array<i32>} : memref<8x128xf32, #tpu.memory_space<vmem>>, vector<1x16xf32>,
    %swap3A_311 = arith.constant 4 : i32
    %swap3A_312 = arith.index_cast %swap3A_311 : i32 to index
    %swap3A_313 = arith.constant 80 : index
    %swap3A_314 = tpu.vector_load %arg19[%swap3A_312, %swap3A_313] {strides = array<i32>} : memref<8x128xf32, #tpu.memory_space<vmem>>, vector<1x16xf32>,
    %swap3A_315 = vector.shape_cast %swap3A_314 : vector<1x16xf32> to vector<16xf32>
    %swap3A_316 = vector.shape_cast %broadcast_in_dim3A_89 : vector<16xf32> to vector<1x16xf32>
    tpu.vector_store %arg19[%swap3A_312, %swap3A_313], %swap3A_316 {strides = array<i32>} : memref<8x128xf32, #tpu.memory_space<vmem>>, vector<1x16xf32>,
    %swap3A_317 = arith.constant 4 : i32
    %swap3A_318 = arith.index_cast %swap3A_317 : i32 to index
    %swap3A_319 = arith.constant 96 : index
    %swap3A_320 = tpu.vector_load %arg19[%swap3A_318, %swap3A_319] {strides = array<i32>} : memref<8x128xf32, #tpu.memory_space<vmem>>, vector<1x16xf32>,
    %swap3A_321 = vector.shape_cast %swap3A_320 : vector<1x16xf32> to vector<16xf32>
    %swap3A_322 = vector.shape_cast %broadcast_in_dim3A_89 : vector<16xf32> to vector<1x16xf32>
    tpu.vector_store %arg19[%swap3A_318, %swap3A_319], %swap3A_322 {strides = array<i32>} : memref<8x128xf32, #tpu.memory_space<vmem>>, vector<1x16xf32>,
    %swap3A_323 = arith.constant 4 : i32
    %swap3A_324 = arith.index_cast %swap3A_323 : i32 to index
    %swap3A_325 = arith.constant 112 : index
    %swap3A_326 = tpu.vector_load %arg19[%swap3A_324, %swap3A_325] {strides = array<i32>} : memref<8x128xf32, #tpu.memory_space<vmem>>, vector<1x16xf32>,
    %swap3A_327 = vector.shape_cast %swap3A_326 : vector<1x16xf32> to vector<16xf32>
    %swap3A_328 = vector.shape_cast %broadcast_in_dim3A_89 : vector<16xf32> to vector<1x16xf32>
    tpu.vector_store %arg19[%swap3A_324, %swap3A_325], %swap3A_328 {strides = array<i32>} : memref<8x128xf32, #tpu.memory_space<vmem>>, vector<1x16xf32>,
    %swap3A_329 = arith.constant 5 : i32
    %swap3A_330 = arith.index_cast %swap3A_329 : i32 to index
    %swap3A_331 = arith.constant 0 : index
    %swap3A_332 = tpu.vector_load %arg19[%swap3A_330, %swap3A_331] {strides = array<i32>} : memref<8x128xf32, #tpu.memory_space<vmem>>, vector<1x16xf32>,
    %swap3A_333 = vector.shape_cast %swap3A_332 : vector<1x16xf32> to vector<16xf32>
    %swap3A_334 = vector.shape_cast %broadcast_in_dim3A_89 : vector<16xf32> to vector<1x16xf32>
    tpu.vector_store %arg19[%swap3A_330, %swap3A_331], %swap3A_334 {strides = array<i32>} : memref<8x128xf32, #tpu.memory_space<vmem>>, vector<1x16xf32>,
    %swap3A_335 = arith.constant 5 : i32
    %swap3A_336 = arith.index_cast %swap3A_335 : i32 to index
    %swap3A_337 = arith.constant 16 : index
    %swap3A_338 = tpu.vector_load %arg19[%swap3A_336, %swap3A_337] {strides = array<i32>} : memref<8x128xf32, #tpu.memory_space<vmem>>, vector<1x16xf32>,
    %swap3A_339 = vector.shape_cast %swap3A_338 : vector<1x16xf32> to vector<16xf32>
    %swap3A_340 = vector.shape_cast %broadcast_in_dim3A_89 : vector<16xf32> to vector<1x16xf32>
    tpu.vector_store %arg19[%swap3A_336, %swap3A_337], %swap3A_340 {strides = array<i32>} : memref<8x128xf32, #tpu.memory_space<vmem>>, vector<1x16xf32>,
    %swap3A_341 = arith.constant 5 : i32
    %swap3A_342 = arith.index_cast %swap3A_341 : i32 to index
    %swap3A_343 = arith.constant 32 : index
    %swap3A_344 = tpu.vector_load %arg19[%swap3A_342, %swap3A_343] {strides = array<i32>} : memref<8x128xf32, #tpu.memory_space<vmem>>, vector<1x16xf32>,
    %swap3A_345 = vector.shape_cast %swap3A_344 : vector<1x16xf32> to vector<16xf32>
    %swap3A_346 = vector.shape_cast %broadcast_in_dim3A_89 : vector<16xf32> to vector<1x16xf32>
    tpu.vector_store %arg19[%swap3A_342, %swap3A_343], %swap3A_346 {strides = array<i32>} : memref<8x128xf32, #tpu.memory_space<vmem>>, vector<1x16xf32>,
    %swap3A_347 = arith.constant 5 : i32
    %swap3A_348 = arith.index_cast %swap3A_347 : i32 to index
    %swap3A_349 = arith.constant 48 : index
    %swap3A_350 = tpu.vector_load %arg19[%swap3A_348, %swap3A_349] {strides = array<i32>} : memref<8x128xf32, #tpu.memory_space<vmem>>, vector<1x16xf32>,
    %swap3A_351 = vector.shape_cast %swap3A_350 : vector<1x16xf32> to vector<16xf32>
    %swap3A_352 = vector.shape_cast %broadcast_in_dim3A_89 : vector<16xf32> to vector<1x16xf32>
    tpu.vector_store %arg19[%swap3A_348, %swap3A_349], %swap3A_352 {strides = array<i32>} : memref<8x128xf32, #tpu.memory_space<vmem>>, vector<1x16xf32>,
    %swap3A_353 = arith.constant 5 : i32
    %swap3A_354 = arith.index_cast %swap3A_353 : i32 to index
    %swap3A_355 = arith.constant 64 : index
    %swap3A_356 = tpu.vector_load %arg19[%swap3A_354, %swap3A_355] {strides = array<i32>} : memref<8x128xf32, #tpu.memory_space<vmem>>, vector<1x16xf32>,
    %swap3A_357 = vector.shape_cast %swap3A_356 : vector<1x16xf32> to vector<16xf32>
    %swap3A_358 = vector.shape_cast %broadcast_in_dim3A_89 : vector<16xf32> to vector<1x16xf32>
    tpu.vector_store %arg19[%swap3A_354, %swap3A_355], %swap3A_358 {strides = array<i32>} : memref<8x128xf32, #tpu.memory_space<vmem>>, vector<1x16xf32>,
    %swap3A_359 = arith.constant 5 : i32
    %swap3A_360 = arith.index_cast %swap3A_359 : i32 to index
    %swap3A_361 = arith.constant 80 : index
    %swap3A_362 = tpu.vector_load %arg19[%swap3A_360, %swap3A_361] {strides = array<i32>} : memref<8x128xf32, #tpu.memory_space<vmem>>, vector<1x16xf32>,
    %swap3A_363 = vector.shape_cast %swap3A_362 : vector<1x16xf32> to vector<16xf32>
    %swap3A_364 = vector.shape_cast %broadcast_in_dim3A_89 : vector<16xf32> to vector<1x16xf32>
    tpu.vector_store %arg19[%swap3A_360, %swap3A_361], %swap3A_364 {strides = array<i32>} : memref<8x128xf32, #tpu.memory_space<vmem>>, vector<1x16xf32>,
    %swap3A_365 = arith.constant 5 : i32
    %swap3A_366 = arith.index_cast %swap3A_365 : i32 to index
    %swap3A_367 = arith.constant 96 : index
    %swap3A_368 = tpu.vector_load %arg19[%swap3A_366, %swap3A_367] {strides = array<i32>} : memref<8x128xf32, #tpu.memory_space<vmem>>, vector<1x16xf32>,
    %swap3A_369 = vector.shape_cast %swap3A_368 : vector<1x16xf32> to vector<16xf32>
    %swap3A_370 = vector.shape_cast %broadcast_in_dim3A_89 : vector<16xf32> to vector<1x16xf32>
    tpu.vector_store %arg19[%swap3A_366, %swap3A_367], %swap3A_370 {strides = array<i32>} : memref<8x128xf32, #tpu.memory_space<vmem>>, vector<1x16xf32>,
    %swap3A_371 = arith.constant 5 : i32
    %swap3A_372 = arith.index_cast %swap3A_371 : i32 to index
    %swap3A_373 = arith.constant 112 : index
    %swap3A_374 = tpu.vector_load %arg19[%swap3A_372, %swap3A_373] {strides = array<i32>} : memref<8x128xf32, #tpu.memory_space<vmem>>, vector<1x16xf32>,
    %swap3A_375 = vector.shape_cast %swap3A_374 : vector<1x16xf32> to vector<16xf32>
    %swap3A_376 = vector.shape_cast %broadcast_in_dim3A_89 : vector<16xf32> to vector<1x16xf32>
    tpu.vector_store %arg19[%swap3A_372, %swap3A_373], %swap3A_376 {strides = array<i32>} : memref<8x128xf32, #tpu.memory_space<vmem>>, vector<1x16xf32>,
    %swap3A_377 = arith.constant 6 : i32
    %swap3A_378 = arith.index_cast %swap3A_377 : i32 to index
    %swap3A_379 = arith.constant 0 : index
    %swap3A_380 = tpu.vector_load %arg19[%swap3A_378, %swap3A_379] {strides = array<i32>} : memref<8x128xf32, #tpu.memory_space<vmem>>, vector<1x16xf32>,
    %swap3A_381 = vector.shape_cast %swap3A_380 : vector<1x16xf32> to vector<16xf32>
    %swap3A_382 = vector.shape_cast %broadcast_in_dim3A_89 : vector<16xf32> to vector<1x16xf32>
    tpu.vector_store %arg19[%swap3A_378, %swap3A_379], %swap3A_382 {strides = array<i32>} : memref<8x128xf32, #tpu.memory_space<vmem>>, vector<1x16xf32>,
    %swap3A_383 = arith.constant 6 : i32
    %swap3A_384 = arith.index_cast %swap3A_383 : i32 to index
    %swap3A_385 = arith.constant 16 : index
    %swap3A_386 = tpu.vector_load %arg19[%swap3A_384, %swap3A_385] {strides = array<i32>} : memref<8x128xf32, #tpu.memory_space<vmem>>, vector<1x16xf32>,
    %swap3A_387 = vector.shape_cast %swap3A_386 : vector<1x16xf32> to vector<16xf32>
    %swap3A_388 = vector.shape_cast %broadcast_in_dim3A_89 : vector<16xf32> to vector<1x16xf32>
    tpu.vector_store %arg19[%swap3A_384, %swap3A_385], %swap3A_388 {strides = array<i32>} : memref<8x128xf32, #tpu.memory_space<vmem>>, vector<1x16xf32>,
    %swap3A_389 = arith.constant 6 : i32
    %swap3A_390 = arith.index_cast %swap3A_389 : i32 to index
    %swap3A_391 = arith.constant 32 : index
    %swap3A_392 = tpu.vector_load %arg19[%swap3A_390, %swap3A_391] {strides = array<i32>} : memref<8x128xf32, #tpu.memory_space<vmem>>, vector<1x16xf32>,
    %swap3A_393 = vector.shape_cast %swap3A_392 : vector<1x16xf32> to vector<16xf32>
    %swap3A_394 = vector.shape_cast %broadcast_in_dim3A_89 : vector<16xf32> to vector<1x16xf32>
    tpu.vector_store %arg19[%swap3A_390, %swap3A_391], %swap3A_394 {strides = array<i32>} : memref<8x128xf32, #tpu.memory_space<vmem>>, vector<1x16xf32>,
    %swap3A_395 = arith.constant 6 : i32
    %swap3A_396 = arith.index_cast %swap3A_395 : i32 to index
    %swap3A_397 = arith.constant 48 : index
    %swap3A_398 = tpu.vector_load %arg19[%swap3A_396, %swap3A_397] {strides = array<i32>} : memref<8x128xf32, #tpu.memory_space<vmem>>, vector<1x16xf32>,
    %swap3A_399 = vector.shape_cast %swap3A_398 : vector<1x16xf32> to vector<16xf32>
    %swap3A_400 = vector.shape_cast %broadcast_in_dim3A_89 : vector<16xf32> to vector<1x16xf32>
    tpu.vector_store %arg19[%swap3A_396, %swap3A_397], %swap3A_400 {strides = array<i32>} : memref<8x128xf32, #tpu.memory_space<vmem>>, vector<1x16xf32>,
    %swap3A_401 = arith.constant 6 : i32
    %swap3A_402 = arith.index_cast %swap3A_401 : i32 to index
    %swap3A_403 = arith.constant 64 : index
    %swap3A_404 = tpu.vector_load %arg19[%swap3A_402, %swap3A_403] {strides = array<i32>} : memref<8x128xf32, #tpu.memory_space<vmem>>, vector<1x16xf32>,
    %swap3A_405 = vector.shape_cast %swap3A_404 : vector<1x16xf32> to vector<16xf32>
    %swap3A_406 = vector.shape_cast %broadcast_in_dim3A_89 : vector<16xf32> to vector<1x16xf32>
    tpu.vector_store %arg19[%swap3A_402, %swap3A_403], %swap3A_406 {strides = array<i32>} : memref<8x128xf32, #tpu.memory_space<vmem>>, vector<1x16xf32>,
    %swap3A_407 = arith.constant 6 : i32
    %swap3A_408 = arith.index_cast %swap3A_407 : i32 to index
    %swap3A_409 = arith.constant 80 : index
    %swap3A_410 = tpu.vector_load %arg19[%swap3A_408, %swap3A_409] {strides = array<i32>} : memref<8x128xf32, #tpu.memory_space<vmem>>, vector<1x16xf32>,
    %swap3A_411 = vector.shape_cast %swap3A_410 : vector<1x16xf32> to vector<16xf32>
    %swap3A_412 = vector.shape_cast %broadcast_in_dim3A_89 : vector<16xf32> to vector<1x16xf32>
    tpu.vector_store %arg19[%swap3A_408, %swap3A_409], %swap3A_412 {strides = array<i32>} : memref<8x128xf32, #tpu.memory_space<vmem>>, vector<1x16xf32>,
    %swap3A_413 = arith.constant 6 : i32
    %swap3A_414 = arith.index_cast %swap3A_413 : i32 to index
    %swap3A_415 = arith.constant 96 : index
    %swap3A_416 = tpu.vector_load %arg19[%swap3A_414, %swap3A_415] {strides = array<i32>} : memref<8x128xf32, #tpu.memory_space<vmem>>, vector<1x16xf32>,
    %swap3A_417 = vector.shape_cast %swap3A_416 : vector<1x16xf32> to vector<16xf32>
    %swap3A_418 = vector.shape_cast %broadcast_in_dim3A_89 : vector<16xf32> to vector<1x16xf32>
    tpu.vector_store %arg19[%swap3A_414, %swap3A_415], %swap3A_418 {strides = array<i32>} : memref<8x128xf32, #tpu.memory_space<vmem>>, vector<1x16xf32>,
    %swap3A_419 = arith.constant 6 : i32
    %swap3A_420 = arith.index_cast %swap3A_419 : i32 to index
    %swap3A_421 = arith.constant 112 : index
    %swap3A_422 = tpu.vector_load %arg19[%swap3A_420, %swap3A_421] {strides = array<i32>} : memref<8x128xf32, #tpu.memory_space<vmem>>, vector<1x16xf32>,
    %swap3A_423 = vector.shape_cast %swap3A_422 : vector<1x16xf32> to vector<16xf32>
    %swap3A_424 = vector.shape_cast %broadcast_in_dim3A_89 : vector<16xf32> to vector<1x16xf32>
    tpu.vector_store %arg19[%swap3A_420, %swap3A_421], %swap3A_424 {strides = array<i32>} : memref<8x128xf32, #tpu.memory_space<vmem>>, vector<1x16xf32>,
    %swap3A_425 = arith.constant 7 : i32
    %swap3A_426 = arith.index_cast %swap3A_425 : i32 to index
    %swap3A_427 = arith.constant 0 : index
    %swap3A_428 = tpu.vector_load %arg19[%swap3A_426, %swap3A_427] {strides = array<i32>} : memref<8x128xf32, #tpu.memory_space<vmem>>, vector<1x16xf32>,
    %swap3A_429 = vector.shape_cast %swap3A_428 : vector<1x16xf32> to vector<16xf32>
    %swap3A_430 = vector.shape_cast %broadcast_in_dim3A_89 : vector<16xf32> to vector<1x16xf32>
    tpu.vector_store %arg19[%swap3A_426, %swap3A_427], %swap3A_430 {strides = array<i32>} : memref<8x128xf32, #tpu.memory_space<vmem>>, vector<1x16xf32>,
    %swap3A_431 = arith.constant 7 : i32
    %swap3A_432 = arith.index_cast %swap3A_431 : i32 to index
    %swap3A_433 = arith.constant 16 : index
    %swap3A_434 = tpu.vector_load %arg19[%swap3A_432, %swap3A_433] {strides = array<i32>} : memref<8x128xf32, #tpu.memory_space<vmem>>, vector<1x16xf32>,
    %swap3A_435 = vector.shape_cast %swap3A_434 : vector<1x16xf32> to vector<16xf32>
    %swap3A_436 = vector.shape_cast %broadcast_in_dim3A_89 : vector<16xf32> to vector<1x16xf32>
    tpu.vector_store %arg19[%swap3A_432, %swap3A_433], %swap3A_436 {strides = array<i32>} : memref<8x128xf32, #tpu.memory_space<vmem>>, vector<1x16xf32>,
    %swap3A_437 = arith.constant 7 : i32
    %swap3A_438 = arith.index_cast %swap3A_437 : i32 to index
    %swap3A_439 = arith.constant 32 : index
    %swap3A_440 = tpu.vector_load %arg19[%swap3A_438, %swap3A_439] {strides = array<i32>} : memref<8x128xf32, #tpu.memory_space<vmem>>, vector<1x16xf32>,
    %swap3A_441 = vector.shape_cast %swap3A_440 : vector<1x16xf32> to vector<16xf32>
    %swap3A_442 = vector.shape_cast %broadcast_in_dim3A_89 : vector<16xf32> to vector<1x16xf32>
    tpu.vector_store %arg19[%swap3A_438, %swap3A_439], %swap3A_442 {strides = array<i32>} : memref<8x128xf32, #tpu.memory_space<vmem>>, vector<1x16xf32>,
    %swap3A_443 = arith.constant 7 : i32
    %swap3A_444 = arith.index_cast %swap3A_443 : i32 to index
    %swap3A_445 = arith.constant 48 : index
    %swap3A_446 = tpu.vector_load %arg19[%swap3A_444, %swap3A_445] {strides = array<i32>} : memref<8x128xf32, #tpu.memory_space<vmem>>, vector<1x16xf32>,
    %swap3A_447 = vector.shape_cast %swap3A_446 : vector<1x16xf32> to vector<16xf32>
    %swap3A_448 = vector.shape_cast %broadcast_in_dim3A_89 : vector<16xf32> to vector<1x16xf32>
    tpu.vector_store %arg19[%swap3A_444, %swap3A_445], %swap3A_448 {strides = array<i32>} : memref<8x128xf32, #tpu.memory_space<vmem>>, vector<1x16xf32>,
    %swap3A_449 = arith.constant 7 : i32
    %swap3A_450 = arith.index_cast %swap3A_449 : i32 to index
    %swap3A_451 = arith.constant 64 : index
    %swap3A_452 = tpu.vector_load %arg19[%swap3A_450, %swap3A_451] {strides = array<i32>} : memref<8x128xf32, #tpu.memory_space<vmem>>, vector<1x16xf32>,
    %swap3A_453 = vector.shape_cast %swap3A_452 : vector<1x16xf32> to vector<16xf32>
    %swap3A_454 = vector.shape_cast %broadcast_in_dim3A_89 : vector<16xf32> to vector<1x16xf32>
    tpu.vector_store %arg19[%swap3A_450, %swap3A_451], %swap3A_454 {strides = array<i32>} : memref<8x128xf32, #tpu.memory_space<vmem>>, vector<1x16xf32>,
    %swap3A_455 = arith.constant 7 : i32
    %swap3A_456 = arith.index_cast %swap3A_455 : i32 to index
    %swap3A_457 = arith.constant 80 : index
    %swap3A_458 = tpu.vector_load %arg19[%swap3A_456, %swap3A_457] {strides = array<i32>} : memref<8x128xf32, #tpu.memory_space<vmem>>, vector<1x16xf32>,
    %swap3A_459 = vector.shape_cast %swap3A_458 : vector<1x16xf32> to vector<16xf32>
    %swap3A_460 = vector.shape_cast %broadcast_in_dim3A_89 : vector<16xf32> to vector<1x16xf32>
    tpu.vector_store %arg19[%swap3A_456, %swap3A_457], %swap3A_460 {strides = array<i32>} : memref<8x128xf32, #tpu.memory_space<vmem>>, vector<1x16xf32>,
    %swap3A_461 = arith.constant 7 : i32
    %swap3A_462 = arith.index_cast %swap3A_461 : i32 to index
    %swap3A_463 = arith.constant 96 : index
    %swap3A_464 = tpu.vector_load %arg19[%swap3A_462, %swap3A_463] {strides = array<i32>} : memref<8x128xf32, #tpu.memory_space<vmem>>, vector<1x16xf32>,
    %swap3A_465 = vector.shape_cast %swap3A_464 : vector<1x16xf32> to vector<16xf32>
    %swap3A_466 = vector.shape_cast %broadcast_in_dim3A_89 : vector<16xf32> to vector<1x16xf32>
    tpu.vector_store %arg19[%swap3A_462, %swap3A_463], %swap3A_466 {strides = array<i32>} : memref<8x128xf32, #tpu.memory_space<vmem>>, vector<1x16xf32>,
    %swap3A_467 = arith.constant 7 : i32
    %swap3A_468 = arith.index_cast %swap3A_467 : i32 to index
    %swap3A_469 = arith.constant 112 : index
    %swap3A_470 = tpu.vector_load %arg19[%swap3A_468, %swap3A_469] {strides = array<i32>} : memref<8x128xf32, #tpu.memory_space<vmem>>, vector<1x16xf32>,
    %swap3A_471 = vector.shape_cast %swap3A_470 : vector<1x16xf32> to vector<16xf32>
    %swap3A_472 = vector.shape_cast %broadcast_in_dim3A_89 : vector<16xf32> to vector<1x16xf32>
    tpu.vector_store %arg19[%swap3A_468, %swap3A_469], %swap3A_472 {strides = array<i32>} : memref<8x128xf32, #tpu.memory_space<vmem>>, vector<1x16xf32>,
    %jit3A_473 = arith.constant 8 : i32
    %div3A = arith.divsi %select_n3A, %jit3A_473 : i32
    %sign3A = arith.constant 0 : i32
    %sign3A_474 = arith.cmpi sgt, %select_n3A, %sign3A : i32
    %sign3A_475 = arith.extui %sign3A_474 : i1 to i32
    %sign3A_476 = arith.constant 0 : i32
    %sign3A_477 = arith.cmpi slt, %select_n3A, %sign3A_476 : i32
    %sign3A_478 = arith.extui %sign3A_477 : i1 to i32
    %sign3A_479 = arith.subi %sign3A_475, %sign3A_478 : i32
    %sign3A_480 = arith.constant 0 : i32
    %sign3A_481 = arith.cmpi sgt, %jit3A_473, %sign3A_480 : i32
    %sign3A_482 = arith.extui %sign3A_481 : i1 to i32
    %sign3A_483 = arith.constant 0 : i32
    %sign3A_484 = arith.cmpi slt, %jit3A_473, %sign3A_483 : i32
    %sign3A_485 = arith.extui %sign3A_484 : i1 to i32
    %sign3A_486 = arith.subi %sign3A_482, %sign3A_485 : i32
    %ne3A = arith.cmpi ne, %sign3A_479, %sign3A_486 : i32
    %rem3A = arith.remsi %select_n3A, %jit3A_473 : i32
    %ne3A_487 = arith.constant 0 : i32
    %ne3A_488 = arith.cmpi ne, %rem3A, %ne3A_487 : i32
    %and3A = arith.andi %ne3A, %ne3A_488 : i1
    %sub3A = arith.constant 1 : i32
    %sub3A_489 = arith.subi %div3A, %sub3A : i32
    %select_n3A_490 = arith.select %and3A, %sub3A_489, %div3A : i32
    %while3A = arith.constant 0 : i32
    %while3A_491 = arith.constant 0 : i32
    %while3A_492 = arith.subi %select_n3A_490, %while3A : i32
    %while3A_493 = arith.addi %while3A, %while3A_492 : i32
    %while3A_494 = arith.constant 1 : i32
    %while3A_495 = arith.divsi %while3A_492, %while3A_494 : i32
    %while3A_496 = arith.muli %while3A_495, %while3A_494 : i32
    %while3A_497 = arith.addi %while3A, %while3A_496 : i32
    %while3A_498 = arith.constant 1 : i32
    %while3A_499 = scf.for %while3A_673 = %while3A to %while3A_497 step %while3A_498 iter_args(%while3A_674 = %while3A_491) -> (i32)  : i32 {
      %mul3A_675 = arith.constant 8 : i32
      %mul3A_676 = arith.muli %while3A_673, %mul3A_675 : i32
      %add3A_677 = arith.addi %mul3A_4, %mul3A_676 : i32
      "tpu.region"() ({
        %run_scoped3A = tpu.sem_alloc : memref<!tpu.dma_semaphore, #tpu.memory_space<semaphore_mem>>
        %dma_start3A_679 = arith.constant 0 : i32
        %dma_start3A_680 = tpu.memref_slice %arg20[%add3A_677, %dma_start3A_679] : memref<10000x128xf32, #tpu.memory_space<vmem_shared>> -> memref<8x128xf32, #tpu.memory_space<vmem_shared>>
        %dma_start3A_681 = arith.constant 0 : i32
        %dma_start3A_682 = tpu.memref_slice %arg20[%add3A_677, %dma_start3A_681] : memref<10000x128xf32, #tpu.memory_space<vmem_shared>> -> memref<8x128xf32, #tpu.memory_space<vmem_shared>>
        tpu.enqueue_dma source(%arg19 : memref<8x128xf32, #tpu.memory_space<vmem>>) target(%dma_start3A_682 : memref<8x128xf32, #tpu.memory_space<vmem_shared>>) target_semaphore(%run_scoped3A : memref<!tpu.dma_semaphore, #tpu.memory_space<semaphore_mem>>)
        %dma_wait3A_683 = arith.constant 0 : i32
        %dma_wait3A_684 = tpu.memref_slice %arg20[%add3A_677, %dma_wait3A_683] : memref<10000x128xf32, #tpu.memory_space<vmem_shared>> -> memref<8x128xf32, #tpu.memory_space<vmem_shared>>
        %dma_wait3A_685 = arith.constant 0 : i32
        %dma_wait3A_686 = tpu.memref_slice %arg20[%add3A_677, %dma_wait3A_685] : memref<10000x128xf32, #tpu.memory_space<vmem_shared>> -> memref<8x128xf32, #tpu.memory_space<vmem_shared>>
        tpu.wait_dma2 semaphore(%run_scoped3A : memref<!tpu.dma_semaphore, #tpu.memory_space<semaphore_mem>>) src(%arg19 : memref<8x128xf32, #tpu.memory_space<vmem>>) dst(%dma_wait3A_686 : memref<8x128xf32, #tpu.memory_space<vmem_shared>>)
        tpu.yield
      }) : () -> ()
      %while3A_678 = arith.constant 0 : i32
      scf.yield %while3A_678 : i32
    }
    %while3A_500 = arith.constant 1 : i32
    %while3A_501 = scf.for %while3A_673 = %while3A_497 to %while3A_493 step %while3A_500 iter_args(%while3A_674 = %while3A_499) -> (i32)  : i32 {
      %mul3A_675 = arith.constant 8 : i32
      %mul3A_676 = arith.muli %while3A_673, %mul3A_675 : i32
      %add3A_677 = arith.addi %mul3A_4, %mul3A_676 : i32
      "tpu.region"() ({
        %run_scoped3A = tpu.sem_alloc : memref<!tpu.dma_semaphore, #tpu.memory_space<semaphore_mem>>
        %dma_start3A_679 = arith.constant 0 : i32
        %dma_start3A_680 = tpu.memref_slice %arg20[%add3A_677, %dma_start3A_679] : memref<10000x128xf32, #tpu.memory_space<vmem_shared>> -> memref<8x128xf32, #tpu.memory_space<vmem_shared>>
        %dma_start3A_681 = arith.constant 0 : i32
        %dma_start3A_682 = tpu.memref_slice %arg20[%add3A_677, %dma_start3A_681] : memref<10000x128xf32, #tpu.memory_space<vmem_shared>> -> memref<8x128xf32, #tpu.memory_space<vmem_shared>>
        tpu.enqueue_dma source(%arg19 : memref<8x128xf32, #tpu.memory_space<vmem>>) target(%dma_start3A_682 : memref<8x128xf32, #tpu.memory_space<vmem_shared>>) target_semaphore(%run_scoped3A : memref<!tpu.dma_semaphore, #tpu.memory_space<semaphore_mem>>)
        %dma_wait3A_683 = arith.constant 0 : i32
        %dma_wait3A_684 = tpu.memref_slice %arg20[%add3A_677, %dma_wait3A_683] : memref<10000x128xf32, #tpu.memory_space<vmem_shared>> -> memref<8x128xf32, #tpu.memory_space<vmem_shared>>
        %dma_wait3A_685 = arith.constant 0 : i32
        %dma_wait3A_686 = tpu.memref_slice %arg20[%add3A_677, %dma_wait3A_685] : memref<10000x128xf32, #tpu.memory_space<vmem_shared>> -> memref<8x128xf32, #tpu.memory_space<vmem_shared>>
        tpu.wait_dma2 semaphore(%run_scoped3A : memref<!tpu.dma_semaphore, #tpu.memory_space<semaphore_mem>>) src(%arg19 : memref<8x128xf32, #tpu.memory_space<vmem>>) dst(%dma_wait3A_686 : memref<8x128xf32, #tpu.memory_space<vmem_shared>>)
        tpu.yield
      }) : () -> ()
      %while3A_678 = arith.constant 0 : i32
      scf.yield %while3A_678 : i32
    }
    %barrier3A = arith.constant 0 : index
    tpu.barrier barrier_id(%barrier3A)
    %scan3A = arith.constant 0 : i32
    %scan3A_502 = arith.constant 0 : i32
    %scan3A_503 = arith.constant 20 : i32
    %scan3A_504 = arith.addi %scan3A_502, %scan3A_503 : i32
    %scan3A_505 = arith.constant 1 : i32
    %scan3A_506 = scf.for %scan3A_673 = %scan3A_502 to %scan3A_504 step %scan3A_505 iter_args(%scan3A_674 = %scan3A) -> (i32)  : i32 {
      %mul3A_675 = arith.constant 6 : i32
      %mul3A_676 = arith.muli %scan3A_673, %mul3A_675 : i32
      %add3A_677 = arith.constant 0 : i32
      %add3A_678 = arith.addi %mul3A_676, %add3A_677 : i32
      %dma_wait3A_679 = arith.constant 0 : i32
      %dma_wait3A_680 = arith.constant 0 : i32
      %dma_wait3A_681 = arith.constant 0 : i32
      %dma_wait3A_682 = tpu.memref_slice %arg18[%dma_wait3A_679, %dma_wait3A_680, %dma_wait3A_681] : memref<3x80x128xf32, #tpu.memory_space<vmem>> -> memref<1x80x128xf32, #tpu.memory_space<vmem>>
      %dma_wait3A_683 = tpu.memref_squeeze %dma_wait3A_682 : memref<1x80x128xf32, #tpu.memory_space<vmem>> -> memref<80x128xf32, #tpu.memory_space<vmem>>
      %dma_wait3A_684 = arith.constant 0 : i32
      %dma_wait3A_685 = arith.constant 0 : i32
      %dma_wait3A_686 = tpu.memref_slice %arg2[%dma_wait3A_684, %dma_wait3A_685] : memref<10000x128xf32, #tpu.memory_space<hbm>> -> memref<10000x128xf32, #tpu.memory_space<hbm>>
      tpu.wait_indirect_dma semaphore(%arg21 : memref<!tpu.dma_semaphore, #tpu.memory_space<semaphore_mem>>) src(%dma_wait3A_686 : memref<10000x128xf32, #tpu.memory_space<hbm>>) dst(%dma_wait3A_683 : memref<80x128xf32, #tpu.memory_space<vmem>>)
      %dma_wait3A_687 = arith.constant 0 : i32
      %dma_wait3A_688 = tpu.memref_slice %arg4[%dma_wait3A_687] : memref<320000xi32, #tpu.memory_space<hbm>> -> memref<80xi32, #tpu.memory_space<hbm>>
      %dma_wait3A_689 = arith.constant 0 : i32
      %dma_wait3A_690 = tpu.memref_slice %arg4[%dma_wait3A_689] : memref<320000xi32, #tpu.memory_space<hbm>> -> memref<80xi32, #tpu.memory_space<hbm>>
      tpu.wait_dma2 semaphore(%arg33 : memref<!tpu.dma_semaphore, #tpu.memory_space<semaphore_mem>>) src(%dma_wait3A_690 : memref<80xi32, #tpu.memory_space<hbm>>) dst(%arg12 : memref<80xi32, #tpu.memory_space<vmem>>)
      %dma_start3A_691 = arith.constant 0 : i32
      %dma_start3A_692 = arith.constant 0 : i32
      %dma_start3A_693 = arith.constant 0 : i32
      %dma_start3A_694 = tpu.memref_slice %arg18[%dma_start3A_691, %dma_start3A_692, %dma_start3A_693] : memref<3x80x128xf32, #tpu.memory_space<vmem>> -> memref<1x80x128xf32, #tpu.memory_space<vmem>>
      %dma_start3A_695 = tpu.memref_squeeze %dma_start3A_694 : memref<1x80x128xf32, #tpu.memory_space<vmem>> -> memref<80x128xf32, #tpu.memory_space<vmem>>
      %dma_start3A_696 = arith.constant 0 : i32
      %dma_start3A_697 = arith.constant 0 : i32
      %dma_start3A_698 = tpu.memref_slice %arg20[%dma_start3A_696, %dma_start3A_697] : memref<10000x128xf32, #tpu.memory_space<vmem_shared>> -> memref<10000x128xf32, #tpu.memory_space<vmem_shared>>
      tpu.enqueue_indirect_dma source(%dma_start3A_695 : memref<80x128xf32, #tpu.memory_space<vmem>>) target(%dma_start3A_698 : memref<10000x128xf32, #tpu.memory_space<vmem_shared>>) offsets(%arg12 : memref<80xi32, #tpu.memory_space<vmem>>) semaphore(%arg24 : memref<!tpu.dma_semaphore, #tpu.memory_space<semaphore_mem>>) {add = true}
      %dma_wait3A_699 = arith.constant 0 : i32
      %dma_wait3A_700 = arith.constant 0 : i32
      %dma_wait3A_701 = arith.constant 0 : i32
      %dma_wait3A_702 = tpu.memref_slice %arg18[%dma_wait3A_699, %dma_wait3A_700, %dma_wait3A_701] : memref<3x80x128xf32, #tpu.memory_space<vmem>> -> memref<1x80x128xf32, #tpu.memory_space<vmem>>
      %dma_wait3A_703 = tpu.memref_squeeze %dma_wait3A_702 : memref<1x80x128xf32, #tpu.memory_space<vmem>> -> memref<80x128xf32, #tpu.memory_space<vmem>>
      %dma_wait3A_704 = arith.constant 0 : i32
      %dma_wait3A_705 = arith.constant 0 : i32
      %dma_wait3A_706 = tpu.memref_slice %arg20[%dma_wait3A_704, %dma_wait3A_705] : memref<10000x128xf32, #tpu.memory_space<vmem_shared>> -> memref<10000x128xf32, #tpu.memory_space<vmem_shared>>
      tpu.wait_indirect_dma semaphore(%arg24 : memref<!tpu.dma_semaphore, #tpu.memory_space<semaphore_mem>>) src(%dma_wait3A_703 : memref<80x128xf32, #tpu.memory_space<vmem>>) dst(%dma_wait3A_706 : memref<10000x128xf32, #tpu.memory_space<vmem_shared>>)
      %dma_wait3A_707 = arith.constant 0 : i32
      %dma_wait3A_708 = tpu.memref_slice %arg3[%dma_wait3A_707] : memref<320000xi32, #tpu.memory_space<hbm>> -> memref<80xi32, #tpu.memory_space<hbm>>
      %dma_wait3A_709 = arith.constant 0 : i32
      %dma_wait3A_710 = tpu.memref_slice %arg3[%dma_wait3A_709] : memref<320000xi32, #tpu.memory_space<hbm>> -> memref<80xi32, #tpu.memory_space<hbm>>
      tpu.wait_dma2 semaphore(%arg30 : memref<!tpu.dma_semaphore, #tpu.memory_space<semaphore_mem>>) src(%dma_wait3A_710 : memref<80xi32, #tpu.memory_space<hbm>>) dst(%arg9 : memref<80xi32, #tpu.memory_space<vmem>>)
      %dma_start3A_711 = arith.constant 0 : i32
      %dma_start3A_712 = arith.constant 0 : i32
      %dma_start3A_713 = arith.constant 0 : i32
      %dma_start3A_714 = tpu.memref_slice %arg18[%dma_start3A_711, %dma_start3A_712, %dma_start3A_713] : memref<3x80x128xf32, #tpu.memory_space<vmem>> -> memref<1x80x128xf32, #tpu.memory_space<vmem>>
      %dma_start3A_715 = tpu.memref_squeeze %dma_start3A_714 : memref<1x80x128xf32, #tpu.memory_space<vmem>> -> memref<80x128xf32, #tpu.memory_space<vmem>>
      %dma_start3A_716 = arith.constant 0 : i32
      %dma_start3A_717 = arith.constant 0 : i32
      %dma_start3A_718 = tpu.memref_slice %arg2[%dma_start3A_716, %dma_start3A_717] : memref<10000x128xf32, #tpu.memory_space<hbm>> -> memref<10000x128xf32, #tpu.memory_space<hbm>>
      tpu.enqueue_indirect_dma source(%dma_start3A_718 : memref<10000x128xf32, #tpu.memory_space<hbm>>) target(%dma_start3A_715 : memref<80x128xf32, #tpu.memory_space<vmem>>) offsets(%arg9 : memref<80xi32, #tpu.memory_space<vmem>>) semaphore(%arg21 : memref<!tpu.dma_semaphore, #tpu.memory_space<semaphore_mem>>)
      %add3A_719 = arith.constant 6 : i32
      %add3A_720 = arith.addi %add3A_678, %add3A_719 : i32
      %lt3A = arith.constant 125 : i32
      %lt3A_721 = arith.cmpi slt, %add3A_720, %lt3A : i32
      %convert_element_type3A = arith.extui %lt3A_721 : i1 to i32
      %cond3A = arith.constant 0 : i32
      %cond3A_722 = arith.cmpi ne, %convert_element_type3A, %cond3A : i32
      scf.if %cond3A_722 {
        %mul3A_969 = arith.constant 80 : i32
        %mul3A_970 = arith.muli %add3A_720, %mul3A_969 : i32
        %add3A_971 = arith.addi %mul3A_2, %mul3A_970 : i32
        %dma_start3A_972 = tpu.memref_slice %arg3[%add3A_971] : memref<320000xi32, #tpu.memory_space<hbm>> -> memref<80xi32, #tpu.memory_space<hbm>>
        %dma_start3A_973 = tpu.memref_slice %arg3[%add3A_971] : memref<320000xi32, #tpu.memory_space<hbm>> -> memref<80xi32, #tpu.memory_space<hbm>>
        tpu.enqueue_dma source(%dma_start3A_973 : memref<80xi32, #tpu.memory_space<hbm>>) target(%arg6 : memref<80xi32, #tpu.memory_space<vmem>>) target_semaphore(%arg27 : memref<!tpu.dma_semaphore, #tpu.memory_space<semaphore_mem>>)
        %mul3A_974 = arith.constant 80 : i32
        %mul3A_975 = arith.muli %add3A_720, %mul3A_974 : i32
        %add3A_976 = arith.addi %mul3A_2, %mul3A_975 : i32
        %dma_start3A_977 = tpu.memref_slice %arg4[%add3A_976] : memref<320000xi32, #tpu.memory_space<hbm>> -> memref<80xi32, #tpu.memory_space<hbm>>
        %dma_start3A_978 = tpu.memref_slice %arg4[%add3A_976] : memref<320000xi32, #tpu.memory_space<hbm>> -> memref<80xi32, #tpu.memory_space<hbm>>
        tpu.enqueue_dma source(%dma_start3A_978 : memref<80xi32, #tpu.memory_space<hbm>>) target(%arg12 : memref<80xi32, #tpu.memory_space<vmem>>) target_semaphore(%arg33 : memref<!tpu.dma_semaphore, #tpu.memory_space<semaphore_mem>>)
      } else {
      }
      %add3A_723 = arith.constant 1 : i32
      %add3A_724 = arith.addi %mul3A_676, %add3A_723 : i32
      %dma_wait3A_725 = arith.constant 1 : i32
      %dma_wait3A_726 = arith.constant 0 : i32
      %dma_wait3A_727 = arith.constant 0 : i32
      %dma_wait3A_728 = tpu.memref_slice %arg18[%dma_wait3A_725, %dma_wait3A_726, %dma_wait3A_727] : memref<3x80x128xf32, #tpu.memory_space<vmem>> -> memref<1x80x128xf32, #tpu.memory_space<vmem>>
      %dma_wait3A_729 = tpu.memref_squeeze %dma_wait3A_728 : memref<1x80x128xf32, #tpu.memory_space<vmem>> -> memref<80x128xf32, #tpu.memory_space<vmem>>
      %dma_wait3A_730 = arith.constant 0 : i32
      %dma_wait3A_731 = arith.constant 0 : i32
      %dma_wait3A_732 = tpu.memref_slice %arg2[%dma_wait3A_730, %dma_wait3A_731] : memref<10000x128xf32, #tpu.memory_space<hbm>> -> memref<10000x128xf32, #tpu.memory_space<hbm>>
      tpu.wait_indirect_dma semaphore(%arg22 : memref<!tpu.dma_semaphore, #tpu.memory_space<semaphore_mem>>) src(%dma_wait3A_732 : memref<10000x128xf32, #tpu.memory_space<hbm>>) dst(%dma_wait3A_729 : memref<80x128xf32, #tpu.memory_space<vmem>>)
      %dma_wait3A_733 = arith.constant 0 : i32
      %dma_wait3A_734 = tpu.memref_slice %arg4[%dma_wait3A_733] : memref<320000xi32, #tpu.memory_space<hbm>> -> memref<80xi32, #tpu.memory_space<hbm>>
      %dma_wait3A_735 = arith.constant 0 : i32
      %dma_wait3A_736 = tpu.memref_slice %arg4[%dma_wait3A_735] : memref<320000xi32, #tpu.memory_space<hbm>> -> memref<80xi32, #tpu.memory_space<hbm>>
      tpu.wait_dma2 semaphore(%arg34 : memref<!tpu.dma_semaphore, #tpu.memory_space<semaphore_mem>>) src(%dma_wait3A_736 : memref<80xi32, #tpu.memory_space<hbm>>) dst(%arg13 : memref<80xi32, #tpu.memory_space<vmem>>)
      %dma_start3A_737 = arith.constant 1 : i32
      %dma_start3A_738 = arith.constant 0 : i32
      %dma_start3A_739 = arith.constant 0 : i32
      %dma_start3A_740 = tpu.memref_slice %arg18[%dma_start3A_737, %dma_start3A_738, %dma_start3A_739] : memref<3x80x128xf32, #tpu.memory_space<vmem>> -> memref<1x80x128xf32, #tpu.memory_space<vmem>>
      %dma_start3A_741 = tpu.memref_squeeze %dma_start3A_740 : memref<1x80x128xf32, #tpu.memory_space<vmem>> -> memref<80x128xf32, #tpu.memory_space<vmem>>
      %dma_start3A_742 = arith.constant 0 : i32
      %dma_start3A_743 = arith.constant 0 : i32
      %dma_start3A_744 = tpu.memref_slice %arg20[%dma_start3A_742, %dma_start3A_743] : memref<10000x128xf32, #tpu.memory_space<vmem_shared>> -> memref<10000x128xf32, #tpu.memory_space<vmem_shared>>
      tpu.enqueue_indirect_dma source(%dma_start3A_741 : memref<80x128xf32, #tpu.memory_space<vmem>>) target(%dma_start3A_744 : memref<10000x128xf32, #tpu.memory_space<vmem_shared>>) offsets(%arg13 : memref<80xi32, #tpu.memory_space<vmem>>) semaphore(%arg25 : memref<!tpu.dma_semaphore, #tpu.memory_space<semaphore_mem>>) {add = true}
      %dma_wait3A_745 = arith.constant 1 : i32
      %dma_wait3A_746 = arith.constant 0 : i32
      %dma_wait3A_747 = arith.constant 0 : i32
      %dma_wait3A_748 = tpu.memref_slice %arg18[%dma_wait3A_745, %dma_wait3A_746, %dma_wait3A_747] : memref<3x80x128xf32, #tpu.memory_space<vmem>> -> memref<1x80x128xf32, #tpu.memory_space<vmem>>
      %dma_wait3A_749 = tpu.memref_squeeze %dma_wait3A_748 : memref<1x80x128xf32, #tpu.memory_space<vmem>> -> memref<80x128xf32, #tpu.memory_space<vmem>>
      %dma_wait3A_750 = arith.constant 0 : i32
      %dma_wait3A_751 = arith.constant 0 : i32
      %dma_wait3A_752 = tpu.memref_slice %arg20[%dma_wait3A_750, %dma_wait3A_751] : memref<10000x128xf32, #tpu.memory_space<vmem_shared>> -> memref<10000x128xf32, #tpu.memory_space<vmem_shared>>
      tpu.wait_indirect_dma semaphore(%arg25 : memref<!tpu.dma_semaphore, #tpu.memory_space<semaphore_mem>>) src(%dma_wait3A_749 : memref<80x128xf32, #tpu.memory_space<vmem>>) dst(%dma_wait3A_752 : memref<10000x128xf32, #tpu.memory_space<vmem_shared>>)
      %dma_wait3A_753 = arith.constant 0 : i32
      %dma_wait3A_754 = tpu.memref_slice %arg3[%dma_wait3A_753] : memref<320000xi32, #tpu.memory_space<hbm>> -> memref<80xi32, #tpu.memory_space<hbm>>
      %dma_wait3A_755 = arith.constant 0 : i32
      %dma_wait3A_756 = tpu.memref_slice %arg3[%dma_wait3A_755] : memref<320000xi32, #tpu.memory_space<hbm>> -> memref<80xi32, #tpu.memory_space<hbm>>
      tpu.wait_dma2 semaphore(%arg31 : memref<!tpu.dma_semaphore, #tpu.memory_space<semaphore_mem>>) src(%dma_wait3A_756 : memref<80xi32, #tpu.memory_space<hbm>>) dst(%arg10 : memref<80xi32, #tpu.memory_space<vmem>>)
      %dma_start3A_757 = arith.constant 1 : i32
      %dma_start3A_758 = arith.constant 0 : i32
      %dma_start3A_759 = arith.constant 0 : i32
      %dma_start3A_760 = tpu.memref_slice %arg18[%dma_start3A_757, %dma_start3A_758, %dma_start3A_759] : memref<3x80x128xf32, #tpu.memory_space<vmem>> -> memref<1x80x128xf32, #tpu.memory_space<vmem>>
      %dma_start3A_761 = tpu.memref_squeeze %dma_start3A_760 : memref<1x80x128xf32, #tpu.memory_space<vmem>> -> memref<80x128xf32, #tpu.memory_space<vmem>>
      %dma_start3A_762 = arith.constant 0 : i32
      %dma_start3A_763 = arith.constant 0 : i32
      %dma_start3A_764 = tpu.memref_slice %arg2[%dma_start3A_762, %dma_start3A_763] : memref<10000x128xf32, #tpu.memory_space<hbm>> -> memref<10000x128xf32, #tpu.memory_space<hbm>>
      tpu.enqueue_indirect_dma source(%dma_start3A_764 : memref<10000x128xf32, #tpu.memory_space<hbm>>) target(%dma_start3A_761 : memref<80x128xf32, #tpu.memory_space<vmem>>) offsets(%arg10 : memref<80xi32, #tpu.memory_space<vmem>>) semaphore(%arg22 : memref<!tpu.dma_semaphore, #tpu.memory_space<semaphore_mem>>)
      %add3A_765 = arith.constant 6 : i32
      %add3A_766 = arith.addi %add3A_724, %add3A_765 : i32
      %lt3A_767 = arith.constant 125 : i32
      %lt3A_768 = arith.cmpi slt, %add3A_766, %lt3A_767 : i32
      %convert_element_type3A_769 = arith.extui %lt3A_768 : i1 to i32
      %cond3A_770 = arith.constant 0 : i32
      %cond3A_771 = arith.cmpi ne, %convert_element_type3A_769, %cond3A_770 : i32
      scf.if %cond3A_771 {
        %mul3A_969 = arith.constant 80 : i32
        %mul3A_970 = arith.muli %add3A_766, %mul3A_969 : i32
        %add3A_971 = arith.addi %mul3A_2, %mul3A_970 : i32
        %dma_start3A_972 = tpu.memref_slice %arg3[%add3A_971] : memref<320000xi32, #tpu.memory_space<hbm>> -> memref<80xi32, #tpu.memory_space<hbm>>
        %dma_start3A_973 = tpu.memref_slice %arg3[%add3A_971] : memref<320000xi32, #tpu.memory_space<hbm>> -> memref<80xi32, #tpu.memory_space<hbm>>
        tpu.enqueue_dma source(%dma_start3A_973 : memref<80xi32, #tpu.memory_space<hbm>>) target(%arg7 : memref<80xi32, #tpu.memory_space<vmem>>) target_semaphore(%arg28 : memref<!tpu.dma_semaphore, #tpu.memory_space<semaphore_mem>>)
        %mul3A_974 = arith.constant 80 : i32
        %mul3A_975 = arith.muli %add3A_766, %mul3A_974 : i32
        %add3A_976 = arith.addi %mul3A_2, %mul3A_975 : i32
        %dma_start3A_977 = tpu.memref_slice %arg4[%add3A_976] : memref<320000xi32, #tpu.memory_space<hbm>> -> memref<80xi32, #tpu.memory_space<hbm>>
        %dma_start3A_978 = tpu.memref_slice %arg4[%add3A_976] : memref<320000xi32, #tpu.memory_space<hbm>> -> memref<80xi32, #tpu.memory_space<hbm>>
        tpu.enqueue_dma source(%dma_start3A_978 : memref<80xi32, #tpu.memory_space<hbm>>) target(%arg13 : memref<80xi32, #tpu.memory_space<vmem>>) target_semaphore(%arg34 : memref<!tpu.dma_semaphore, #tpu.memory_space<semaphore_mem>>)
      } else {
      }
      %add3A_772 = arith.constant 2 : i32
      %add3A_773 = arith.addi %mul3A_676, %add3A_772 : i32
      %dma_wait3A_774 = arith.constant 2 : i32
      %dma_wait3A_775 = arith.constant 0 : i32
      %dma_wait3A_776 = arith.constant 0 : i32
      %dma_wait3A_777 = tpu.memref_slice %arg18[%dma_wait3A_774, %dma_wait3A_775, %dma_wait3A_776] : memref<3x80x128xf32, #tpu.memory_space<vmem>> -> memref<1x80x128xf32, #tpu.memory_space<vmem>>
      %dma_wait3A_778 = tpu.memref_squeeze %dma_wait3A_777 : memref<1x80x128xf32, #tpu.memory_space<vmem>> -> memref<80x128xf32, #tpu.memory_space<vmem>>
      %dma_wait3A_779 = arith.constant 0 : i32
      %dma_wait3A_780 = arith.constant 0 : i32
      %dma_wait3A_781 = tpu.memref_slice %arg2[%dma_wait3A_779, %dma_wait3A_780] : memref<10000x128xf32, #tpu.memory_space<hbm>> -> memref<10000x128xf32, #tpu.memory_space<hbm>>
      tpu.wait_indirect_dma semaphore(%arg23 : memref<!tpu.dma_semaphore, #tpu.memory_space<semaphore_mem>>) src(%dma_wait3A_781 : memref<10000x128xf32, #tpu.memory_space<hbm>>) dst(%dma_wait3A_778 : memref<80x128xf32, #tpu.memory_space<vmem>>)
      %dma_wait3A_782 = arith.constant 0 : i32
      %dma_wait3A_783 = tpu.memref_slice %arg4[%dma_wait3A_782] : memref<320000xi32, #tpu.memory_space<hbm>> -> memref<80xi32, #tpu.memory_space<hbm>>
      %dma_wait3A_784 = arith.constant 0 : i32
      %dma_wait3A_785 = tpu.memref_slice %arg4[%dma_wait3A_784] : memref<320000xi32, #tpu.memory_space<hbm>> -> memref<80xi32, #tpu.memory_space<hbm>>
      tpu.wait_dma2 semaphore(%arg35 : memref<!tpu.dma_semaphore, #tpu.memory_space<semaphore_mem>>) src(%dma_wait3A_785 : memref<80xi32, #tpu.memory_space<hbm>>) dst(%arg14 : memref<80xi32, #tpu.memory_space<vmem>>)
      %dma_start3A_786 = arith.constant 2 : i32
      %dma_start3A_787 = arith.constant 0 : i32
      %dma_start3A_788 = arith.constant 0 : i32
      %dma_start3A_789 = tpu.memref_slice %arg18[%dma_start3A_786, %dma_start3A_787, %dma_start3A_788] : memref<3x80x128xf32, #tpu.memory_space<vmem>> -> memref<1x80x128xf32, #tpu.memory_space<vmem>>
      %dma_start3A_790 = tpu.memref_squeeze %dma_start3A_789 : memref<1x80x128xf32, #tpu.memory_space<vmem>> -> memref<80x128xf32, #tpu.memory_space<vmem>>
      %dma_start3A_791 = arith.constant 0 : i32
      %dma_start3A_792 = arith.constant 0 : i32
      %dma_start3A_793 = tpu.memref_slice %arg20[%dma_start3A_791, %dma_start3A_792] : memref<10000x128xf32, #tpu.memory_space<vmem_shared>> -> memref<10000x128xf32, #tpu.memory_space<vmem_shared>>
      tpu.enqueue_indirect_dma source(%dma_start3A_790 : memref<80x128xf32, #tpu.memory_space<vmem>>) target(%dma_start3A_793 : memref<10000x128xf32, #tpu.memory_space<vmem_shared>>) offsets(%arg14 : memref<80xi32, #tpu.memory_space<vmem>>) semaphore(%arg26 : memref<!tpu.dma_semaphore, #tpu.memory_space<semaphore_mem>>) {add = true}
      %dma_wait3A_794 = arith.constant 2 : i32
      %dma_wait3A_795 = arith.constant 0 : i32
      %dma_wait3A_796 = arith.constant 0 : i32
      %dma_wait3A_797 = tpu.memref_slice %arg18[%dma_wait3A_794, %dma_wait3A_795, %dma_wait3A_796] : memref<3x80x128xf32, #tpu.memory_space<vmem>> -> memref<1x80x128xf32, #tpu.memory_space<vmem>>
      %dma_wait3A_798 = tpu.memref_squeeze %dma_wait3A_797 : memref<1x80x128xf32, #tpu.memory_space<vmem>> -> memref<80x128xf32, #tpu.memory_space<vmem>>
      %dma_wait3A_799 = arith.constant 0 : i32
      %dma_wait3A_800 = arith.constant 0 : i32
      %dma_wait3A_801 = tpu.memref_slice %arg20[%dma_wait3A_799, %dma_wait3A_800] : memref<10000x128xf32, #tpu.memory_space<vmem_shared>> -> memref<10000x128xf32, #tpu.memory_space<vmem_shared>>
      tpu.wait_indirect_dma semaphore(%arg26 : memref<!tpu.dma_semaphore, #tpu.memory_space<semaphore_mem>>) src(%dma_wait3A_798 : memref<80x128xf32, #tpu.memory_space<vmem>>) dst(%dma_wait3A_801 : memref<10000x128xf32, #tpu.memory_space<vmem_shared>>)
      %dma_wait3A_802 = arith.constant 0 : i32
      %dma_wait3A_803 = tpu.memref_slice %arg3[%dma_wait3A_802] : memref<320000xi32, #tpu.memory_space<hbm>> -> memref<80xi32, #tpu.memory_space<hbm>>
      %dma_wait3A_804 = arith.constant 0 : i32
      %dma_wait3A_805 = tpu.memref_slice %arg3[%dma_wait3A_804] : memref<320000xi32, #tpu.memory_space<hbm>> -> memref<80xi32, #tpu.memory_space<hbm>>
      tpu.wait_dma2 semaphore(%arg32 : memref<!tpu.dma_semaphore, #tpu.memory_space<semaphore_mem>>) src(%dma_wait3A_805 : memref<80xi32, #tpu.memory_space<hbm>>) dst(%arg11 : memref<80xi32, #tpu.memory_space<vmem>>)
      %dma_start3A_806 = arith.constant 2 : i32
      %dma_start3A_807 = arith.constant 0 : i32
      %dma_start3A_808 = arith.constant 0 : i32
      %dma_start3A_809 = tpu.memref_slice %arg18[%dma_start3A_806, %dma_start3A_807, %dma_start3A_808] : memref<3x80x128xf32, #tpu.memory_space<vmem>> -> memref<1x80x128xf32, #tpu.memory_space<vmem>>
      %dma_start3A_810 = tpu.memref_squeeze %dma_start3A_809 : memref<1x80x128xf32, #tpu.memory_space<vmem>> -> memref<80x128xf32, #tpu.memory_space<vmem>>
      %dma_start3A_811 = arith.constant 0 : i32
      %dma_start3A_812 = arith.constant 0 : i32
      %dma_start3A_813 = tpu.memref_slice %arg2[%dma_start3A_811, %dma_start3A_812] : memref<10000x128xf32, #tpu.memory_space<hbm>> -> memref<10000x128xf32, #tpu.memory_space<hbm>>
      tpu.enqueue_indirect_dma source(%dma_start3A_813 : memref<10000x128xf32, #tpu.memory_space<hbm>>) target(%dma_start3A_810 : memref<80x128xf32, #tpu.memory_space<vmem>>) offsets(%arg11 : memref<80xi32, #tpu.memory_space<vmem>>) semaphore(%arg23 : memref<!tpu.dma_semaphore, #tpu.memory_space<semaphore_mem>>)
      %add3A_814 = arith.constant 6 : i32
      %add3A_815 = arith.addi %add3A_773, %add3A_814 : i32
      %lt3A_816 = arith.constant 125 : i32
      %lt3A_817 = arith.cmpi slt, %add3A_815, %lt3A_816 : i32
      %convert_element_type3A_818 = arith.extui %lt3A_817 : i1 to i32
      %cond3A_819 = arith.constant 0 : i32
      %cond3A_820 = arith.cmpi ne, %convert_element_type3A_818, %cond3A_819 : i32
      scf.if %cond3A_820 {
        %mul3A_969 = arith.constant 80 : i32
        %mul3A_970 = arith.muli %add3A_815, %mul3A_969 : i32
        %add3A_971 = arith.addi %mul3A_2, %mul3A_970 : i32
        %dma_start3A_972 = tpu.memref_slice %arg3[%add3A_971] : memref<320000xi32, #tpu.memory_space<hbm>> -> memref<80xi32, #tpu.memory_space<hbm>>
        %dma_start3A_973 = tpu.memref_slice %arg3[%add3A_971] : memref<320000xi32, #tpu.memory_space<hbm>> -> memref<80xi32, #tpu.memory_space<hbm>>
        tpu.enqueue_dma source(%dma_start3A_973 : memref<80xi32, #tpu.memory_space<hbm>>) target(%arg8 : memref<80xi32, #tpu.memory_space<vmem>>) target_semaphore(%arg29 : memref<!tpu.dma_semaphore, #tpu.memory_space<semaphore_mem>>)
        %mul3A_974 = arith.constant 80 : i32
        %mul3A_975 = arith.muli %add3A_815, %mul3A_974 : i32
        %add3A_976 = arith.addi %mul3A_2, %mul3A_975 : i32
        %dma_start3A_977 = tpu.memref_slice %arg4[%add3A_976] : memref<320000xi32, #tpu.memory_space<hbm>> -> memref<80xi32, #tpu.memory_space<hbm>>
        %dma_start3A_978 = tpu.memref_slice %arg4[%add3A_976] : memref<320000xi32, #tpu.memory_space<hbm>> -> memref<80xi32, #tpu.memory_space<hbm>>
        tpu.enqueue_dma source(%dma_start3A_978 : memref<80xi32, #tpu.memory_space<hbm>>) target(%arg14 : memref<80xi32, #tpu.memory_space<vmem>>) target_semaphore(%arg35 : memref<!tpu.dma_semaphore, #tpu.memory_space<semaphore_mem>>)
      } else {
      }
      %add3A_821 = arith.constant 3 : i32
      %add3A_822 = arith.addi %mul3A_676, %add3A_821 : i32
      %dma_wait3A_823 = arith.constant 0 : i32
      %dma_wait3A_824 = arith.constant 0 : i32
      %dma_wait3A_825 = arith.constant 0 : i32
      %dma_wait3A_826 = tpu.memref_slice %arg18[%dma_wait3A_823, %dma_wait3A_824, %dma_wait3A_825] : memref<3x80x128xf32, #tpu.memory_space<vmem>> -> memref<1x80x128xf32, #tpu.memory_space<vmem>>
      %dma_wait3A_827 = tpu.memref_squeeze %dma_wait3A_826 : memref<1x80x128xf32, #tpu.memory_space<vmem>> -> memref<80x128xf32, #tpu.memory_space<vmem>>
      %dma_wait3A_828 = arith.constant 0 : i32
      %dma_wait3A_829 = arith.constant 0 : i32
      %dma_wait3A_830 = tpu.memref_slice %arg2[%dma_wait3A_828, %dma_wait3A_829] : memref<10000x128xf32, #tpu.memory_space<hbm>> -> memref<10000x128xf32, #tpu.memory_space<hbm>>
      tpu.wait_indirect_dma semaphore(%arg21 : memref<!tpu.dma_semaphore, #tpu.memory_space<semaphore_mem>>) src(%dma_wait3A_830 : memref<10000x128xf32, #tpu.memory_space<hbm>>) dst(%dma_wait3A_827 : memref<80x128xf32, #tpu.memory_space<vmem>>)
      %dma_wait3A_831 = arith.constant 0 : i32
      %dma_wait3A_832 = tpu.memref_slice %arg4[%dma_wait3A_831] : memref<320000xi32, #tpu.memory_space<hbm>> -> memref<80xi32, #tpu.memory_space<hbm>>
      %dma_wait3A_833 = arith.constant 0 : i32
      %dma_wait3A_834 = tpu.memref_slice %arg4[%dma_wait3A_833] : memref<320000xi32, #tpu.memory_space<hbm>> -> memref<80xi32, #tpu.memory_space<hbm>>
      tpu.wait_dma2 semaphore(%arg36 : memref<!tpu.dma_semaphore, #tpu.memory_space<semaphore_mem>>) src(%dma_wait3A_834 : memref<80xi32, #tpu.memory_space<hbm>>) dst(%arg15 : memref<80xi32, #tpu.memory_space<vmem>>)
      %dma_start3A_835 = arith.constant 0 : i32
      %dma_start3A_836 = arith.constant 0 : i32
      %dma_start3A_837 = arith.constant 0 : i32
      %dma_start3A_838 = tpu.memref_slice %arg18[%dma_start3A_835, %dma_start3A_836, %dma_start3A_837] : memref<3x80x128xf32, #tpu.memory_space<vmem>> -> memref<1x80x128xf32, #tpu.memory_space<vmem>>
      %dma_start3A_839 = tpu.memref_squeeze %dma_start3A_838 : memref<1x80x128xf32, #tpu.memory_space<vmem>> -> memref<80x128xf32, #tpu.memory_space<vmem>>
      %dma_start3A_840 = arith.constant 0 : i32
      %dma_start3A_841 = arith.constant 0 : i32
      %dma_start3A_842 = tpu.memref_slice %arg20[%dma_start3A_840, %dma_start3A_841] : memref<10000x128xf32, #tpu.memory_space<vmem_shared>> -> memref<10000x128xf32, #tpu.memory_space<vmem_shared>>
      tpu.enqueue_indirect_dma source(%dma_start3A_839 : memref<80x128xf32, #tpu.memory_space<vmem>>) target(%dma_start3A_842 : memref<10000x128xf32, #tpu.memory_space<vmem_shared>>) offsets(%arg15 : memref<80xi32, #tpu.memory_space<vmem>>) semaphore(%arg24 : memref<!tpu.dma_semaphore, #tpu.memory_space<semaphore_mem>>) {add = true}
      %dma_wait3A_843 = arith.constant 0 : i32
      %dma_wait3A_844 = arith.constant 0 : i32
      %dma_wait3A_845 = arith.constant 0 : i32
      %dma_wait3A_846 = tpu.memref_slice %arg18[%dma_wait3A_843, %dma_wait3A_844, %dma_wait3A_845] : memref<3x80x128xf32, #tpu.memory_space<vmem>> -> memref<1x80x128xf32, #tpu.memory_space<vmem>>
      %dma_wait3A_847 = tpu.memref_squeeze %dma_wait3A_846 : memref<1x80x128xf32, #tpu.memory_space<vmem>> -> memref<80x128xf32, #tpu.memory_space<vmem>>
      %dma_wait3A_848 = arith.constant 0 : i32
      %dma_wait3A_849 = arith.constant 0 : i32
      %dma_wait3A_850 = tpu.memref_slice %arg20[%dma_wait3A_848, %dma_wait3A_849] : memref<10000x128xf32, #tpu.memory_space<vmem_shared>> -> memref<10000x128xf32, #tpu.memory_space<vmem_shared>>
      tpu.wait_indirect_dma semaphore(%arg24 : memref<!tpu.dma_semaphore, #tpu.memory_space<semaphore_mem>>) src(%dma_wait3A_847 : memref<80x128xf32, #tpu.memory_space<vmem>>) dst(%dma_wait3A_850 : memref<10000x128xf32, #tpu.memory_space<vmem_shared>>)
      %dma_wait3A_851 = arith.constant 0 : i32
      %dma_wait3A_852 = tpu.memref_slice %arg3[%dma_wait3A_851] : memref<320000xi32, #tpu.memory_space<hbm>> -> memref<80xi32, #tpu.memory_space<hbm>>
      %dma_wait3A_853 = arith.constant 0 : i32
      %dma_wait3A_854 = tpu.memref_slice %arg3[%dma_wait3A_853] : memref<320000xi32, #tpu.memory_space<hbm>> -> memref<80xi32, #tpu.memory_space<hbm>>
      tpu.wait_dma2 semaphore(%arg27 : memref<!tpu.dma_semaphore, #tpu.memory_space<semaphore_mem>>) src(%dma_wait3A_854 : memref<80xi32, #tpu.memory_space<hbm>>) dst(%arg6 : memref<80xi32, #tpu.memory_space<vmem>>)
      %dma_start3A_855 = arith.constant 0 : i32
      %dma_start3A_856 = arith.constant 0 : i32
      %dma_start3A_857 = arith.constant 0 : i32
      %dma_start3A_858 = tpu.memref_slice %arg18[%dma_start3A_855, %dma_start3A_856, %dma_start3A_857] : memref<3x80x128xf32, #tpu.memory_space<vmem>> -> memref<1x80x128xf32, #tpu.memory_space<vmem>>
      %dma_start3A_859 = tpu.memref_squeeze %dma_start3A_858 : memref<1x80x128xf32, #tpu.memory_space<vmem>> -> memref<80x128xf32, #tpu.memory_space<vmem>>
      %dma_start3A_860 = arith.constant 0 : i32
      %dma_start3A_861 = arith.constant 0 : i32
      %dma_start3A_862 = tpu.memref_slice %arg2[%dma_start3A_860, %dma_start3A_861] : memref<10000x128xf32, #tpu.memory_space<hbm>> -> memref<10000x128xf32, #tpu.memory_space<hbm>>
      tpu.enqueue_indirect_dma source(%dma_start3A_862 : memref<10000x128xf32, #tpu.memory_space<hbm>>) target(%dma_start3A_859 : memref<80x128xf32, #tpu.memory_space<vmem>>) offsets(%arg6 : memref<80xi32, #tpu.memory_space<vmem>>) semaphore(%arg21 : memref<!tpu.dma_semaphore, #tpu.memory_space<semaphore_mem>>)
      %add3A_863 = arith.constant 6 : i32
      %add3A_864 = arith.addi %add3A_822, %add3A_863 : i32
      %lt3A_865 = arith.constant 125 : i32
      %lt3A_866 = arith.cmpi slt, %add3A_864, %lt3A_865 : i32
      %convert_element_type3A_867 = arith.extui %lt3A_866 : i1 to i32
      %cond3A_868 = arith.constant 0 : i32
      %cond3A_869 = arith.cmpi ne, %convert_element_type3A_867, %cond3A_868 : i32
      scf.if %cond3A_869 {
        %mul3A_969 = arith.constant 80 : i32
        %mul3A_970 = arith.muli %add3A_864, %mul3A_969 : i32
        %add3A_971 = arith.addi %mul3A_2, %mul3A_970 : i32
        %dma_start3A_972 = tpu.memref_slice %arg3[%add3A_971] : memref<320000xi32, #tpu.memory_space<hbm>> -> memref<80xi32, #tpu.memory_space<hbm>>
        %dma_start3A_973 = tpu.memref_slice %arg3[%add3A_971] : memref<320000xi32, #tpu.memory_space<hbm>> -> memref<80xi32, #tpu.memory_space<hbm>>
        tpu.enqueue_dma source(%dma_start3A_973 : memref<80xi32, #tpu.memory_space<hbm>>) target(%arg9 : memref<80xi32, #tpu.memory_space<vmem>>) target_semaphore(%arg30 : memref<!tpu.dma_semaphore, #tpu.memory_space<semaphore_mem>>)
        %mul3A_974 = arith.constant 80 : i32
        %mul3A_975 = arith.muli %add3A_864, %mul3A_974 : i32
        %add3A_976 = arith.addi %mul3A_2, %mul3A_975 : i32
        %dma_start3A_977 = tpu.memref_slice %arg4[%add3A_976] : memref<320000xi32, #tpu.memory_space<hbm>> -> memref<80xi32, #tpu.memory_space<hbm>>
        %dma_start3A_978 = tpu.memref_slice %arg4[%add3A_976] : memref<320000xi32, #tpu.memory_space<hbm>> -> memref<80xi32, #tpu.memory_space<hbm>>
        tpu.enqueue_dma source(%dma_start3A_978 : memref<80xi32, #tpu.memory_space<hbm>>) target(%arg15 : memref<80xi32, #tpu.memory_space<vmem>>) target_semaphore(%arg36 : memref<!tpu.dma_semaphore, #tpu.memory_space<semaphore_mem>>)
      } else {
      }
      %add3A_870 = arith.constant 4 : i32
      %add3A_871 = arith.addi %mul3A_676, %add3A_870 : i32
      %dma_wait3A_872 = arith.constant 1 : i32
      %dma_wait3A_873 = arith.constant 0 : i32
      %dma_wait3A_874 = arith.constant 0 : i32
      %dma_wait3A_875 = tpu.memref_slice %arg18[%dma_wait3A_872, %dma_wait3A_873, %dma_wait3A_874] : memref<3x80x128xf32, #tpu.memory_space<vmem>> -> memref<1x80x128xf32, #tpu.memory_space<vmem>>
      %dma_wait3A_876 = tpu.memref_squeeze %dma_wait3A_875 : memref<1x80x128xf32, #tpu.memory_space<vmem>> -> memref<80x128xf32, #tpu.memory_space<vmem>>
      %dma_wait3A_877 = arith.constant 0 : i32
      %dma_wait3A_878 = arith.constant 0 : i32
      %dma_wait3A_879 = tpu.memref_slice %arg2[%dma_wait3A_877, %dma_wait3A_878] : memref<10000x128xf32, #tpu.memory_space<hbm>> -> memref<10000x128xf32, #tpu.memory_space<hbm>>
      tpu.wait_indirect_dma semaphore(%arg22 : memref<!tpu.dma_semaphore, #tpu.memory_space<semaphore_mem>>) src(%dma_wait3A_879 : memref<10000x128xf32, #tpu.memory_space<hbm>>) dst(%dma_wait3A_876 : memref<80x128xf32, #tpu.memory_space<vmem>>)
      %dma_wait3A_880 = arith.constant 0 : i32
      %dma_wait3A_881 = tpu.memref_slice %arg4[%dma_wait3A_880] : memref<320000xi32, #tpu.memory_space<hbm>> -> memref<80xi32, #tpu.memory_space<hbm>>
      %dma_wait3A_882 = arith.constant 0 : i32
      %dma_wait3A_883 = tpu.memref_slice %arg4[%dma_wait3A_882] : memref<320000xi32, #tpu.memory_space<hbm>> -> memref<80xi32, #tpu.memory_space<hbm>>
      tpu.wait_dma2 semaphore(%arg37 : memref<!tpu.dma_semaphore, #tpu.memory_space<semaphore_mem>>) src(%dma_wait3A_883 : memref<80xi32, #tpu.memory_space<hbm>>) dst(%arg16 : memref<80xi32, #tpu.memory_space<vmem>>)
      %dma_start3A_884 = arith.constant 1 : i32
      %dma_start3A_885 = arith.constant 0 : i32
      %dma_start3A_886 = arith.constant 0 : i32
      %dma_start3A_887 = tpu.memref_slice %arg18[%dma_start3A_884, %dma_start3A_885, %dma_start3A_886] : memref<3x80x128xf32, #tpu.memory_space<vmem>> -> memref<1x80x128xf32, #tpu.memory_space<vmem>>
      %dma_start3A_888 = tpu.memref_squeeze %dma_start3A_887 : memref<1x80x128xf32, #tpu.memory_space<vmem>> -> memref<80x128xf32, #tpu.memory_space<vmem>>
      %dma_start3A_889 = arith.constant 0 : i32
      %dma_start3A_890 = arith.constant 0 : i32
      %dma_start3A_891 = tpu.memref_slice %arg20[%dma_start3A_889, %dma_start3A_890] : memref<10000x128xf32, #tpu.memory_space<vmem_shared>> -> memref<10000x128xf32, #tpu.memory_space<vmem_shared>>
      tpu.enqueue_indirect_dma source(%dma_start3A_888 : memref<80x128xf32, #tpu.memory_space<vmem>>) target(%dma_start3A_891 : memref<10000x128xf32, #tpu.memory_space<vmem_shared>>) offsets(%arg16 : memref<80xi32, #tpu.memory_space<vmem>>) semaphore(%arg25 : memref<!tpu.dma_semaphore, #tpu.memory_space<semaphore_mem>>) {add = true}
      %dma_wait3A_892 = arith.constant 1 : i32
      %dma_wait3A_893 = arith.constant 0 : i32
      %dma_wait3A_894 = arith.constant 0 : i32
      %dma_wait3A_895 = tpu.memref_slice %arg18[%dma_wait3A_892, %dma_wait3A_893, %dma_wait3A_894] : memref<3x80x128xf32, #tpu.memory_space<vmem>> -> memref<1x80x128xf32, #tpu.memory_space<vmem>>
      %dma_wait3A_896 = tpu.memref_squeeze %dma_wait3A_895 : memref<1x80x128xf32, #tpu.memory_space<vmem>> -> memref<80x128xf32, #tpu.memory_space<vmem>>
      %dma_wait3A_897 = arith.constant 0 : i32
      %dma_wait3A_898 = arith.constant 0 : i32
      %dma_wait3A_899 = tpu.memref_slice %arg20[%dma_wait3A_897, %dma_wait3A_898] : memref<10000x128xf32, #tpu.memory_space<vmem_shared>> -> memref<10000x128xf32, #tpu.memory_space<vmem_shared>>
      tpu.wait_indirect_dma semaphore(%arg25 : memref<!tpu.dma_semaphore, #tpu.memory_space<semaphore_mem>>) src(%dma_wait3A_896 : memref<80x128xf32, #tpu.memory_space<vmem>>) dst(%dma_wait3A_899 : memref<10000x128xf32, #tpu.memory_space<vmem_shared>>)
      %dma_wait3A_900 = arith.constant 0 : i32
      %dma_wait3A_901 = tpu.memref_slice %arg3[%dma_wait3A_900] : memref<320000xi32, #tpu.memory_space<hbm>> -> memref<80xi32, #tpu.memory_space<hbm>>
      %dma_wait3A_902 = arith.constant 0 : i32
      %dma_wait3A_903 = tpu.memref_slice %arg3[%dma_wait3A_902] : memref<320000xi32, #tpu.memory_space<hbm>> -> memref<80xi32, #tpu.memory_space<hbm>>
      tpu.wait_dma2 semaphore(%arg28 : memref<!tpu.dma_semaphore, #tpu.memory_space<semaphore_mem>>) src(%dma_wait3A_903 : memref<80xi32, #tpu.memory_space<hbm>>) dst(%arg7 : memref<80xi32, #tpu.memory_space<vmem>>)
      %dma_start3A_904 = arith.constant 1 : i32
      %dma_start3A_905 = arith.constant 0 : i32
      %dma_start3A_906 = arith.constant 0 : i32
      %dma_start3A_907 = tpu.memref_slice %arg18[%dma_start3A_904, %dma_start3A_905, %dma_start3A_906] : memref<3x80x128xf32, #tpu.memory_space<vmem>> -> memref<1x80x128xf32, #tpu.memory_space<vmem>>
      %dma_start3A_908 = tpu.memref_squeeze %dma_start3A_907 : memref<1x80x128xf32, #tpu.memory_space<vmem>> -> memref<80x128xf32, #tpu.memory_space<vmem>>
      %dma_start3A_909 = arith.constant 0 : i32
      %dma_start3A_910 = arith.constant 0 : i32
      %dma_start3A_911 = tpu.memref_slice %arg2[%dma_start3A_909, %dma_start3A_910] : memref<10000x128xf32, #tpu.memory_space<hbm>> -> memref<10000x128xf32, #tpu.memory_space<hbm>>
      tpu.enqueue_indirect_dma source(%dma_start3A_911 : memref<10000x128xf32, #tpu.memory_space<hbm>>) target(%dma_start3A_908 : memref<80x128xf32, #tpu.memory_space<vmem>>) offsets(%arg7 : memref<80xi32, #tpu.memory_space<vmem>>) semaphore(%arg22 : memref<!tpu.dma_semaphore, #tpu.memory_space<semaphore_mem>>)
      %add3A_912 = arith.constant 6 : i32
      %add3A_913 = arith.addi %add3A_871, %add3A_912 : i32
      %lt3A_914 = arith.constant 125 : i32
      %lt3A_915 = arith.cmpi slt, %add3A_913, %lt3A_914 : i32
      %convert_element_type3A_916 = arith.extui %lt3A_915 : i1 to i32
      %cond3A_917 = arith.constant 0 : i32
      %cond3A_918 = arith.cmpi ne, %convert_element_type3A_916, %cond3A_917 : i32
      scf.if %cond3A_918 {
        %mul3A_969 = arith.constant 80 : i32
        %mul3A_970 = arith.muli %add3A_913, %mul3A_969 : i32
        %add3A_971 = arith.addi %mul3A_2, %mul3A_970 : i32
        %dma_start3A_972 = tpu.memref_slice %arg3[%add3A_971] : memref<320000xi32, #tpu.memory_space<hbm>> -> memref<80xi32, #tpu.memory_space<hbm>>
        %dma_start3A_973 = tpu.memref_slice %arg3[%add3A_971] : memref<320000xi32, #tpu.memory_space<hbm>> -> memref<80xi32, #tpu.memory_space<hbm>>
        tpu.enqueue_dma source(%dma_start3A_973 : memref<80xi32, #tpu.memory_space<hbm>>) target(%arg10 : memref<80xi32, #tpu.memory_space<vmem>>) target_semaphore(%arg31 : memref<!tpu.dma_semaphore, #tpu.memory_space<semaphore_mem>>)
        %mul3A_974 = arith.constant 80 : i32
        %mul3A_975 = arith.muli %add3A_913, %mul3A_974 : i32
        %add3A_976 = arith.addi %mul3A_2, %mul3A_975 : i32
        %dma_start3A_977 = tpu.memref_slice %arg4[%add3A_976] : memref<320000xi32, #tpu.memory_space<hbm>> -> memref<80xi32, #tpu.memory_space<hbm>>
        %dma_start3A_978 = tpu.memref_slice %arg4[%add3A_976] : memref<320000xi32, #tpu.memory_space<hbm>> -> memref<80xi32, #tpu.memory_space<hbm>>
        tpu.enqueue_dma source(%dma_start3A_978 : memref<80xi32, #tpu.memory_space<hbm>>) target(%arg16 : memref<80xi32, #tpu.memory_space<vmem>>) target_semaphore(%arg37 : memref<!tpu.dma_semaphore, #tpu.memory_space<semaphore_mem>>)
      } else {
      }
      %add3A_919 = arith.constant 5 : i32
      %add3A_920 = arith.addi %mul3A_676, %add3A_919 : i32
      %dma_wait3A_921 = arith.constant 2 : i32
      %dma_wait3A_922 = arith.constant 0 : i32
      %dma_wait3A_923 = arith.constant 0 : i32
      %dma_wait3A_924 = tpu.memref_slice %arg18[%dma_wait3A_921, %dma_wait3A_922, %dma_wait3A_923] : memref<3x80x128xf32, #tpu.memory_space<vmem>> -> memref<1x80x128xf32, #tpu.memory_space<vmem>>
      %dma_wait3A_925 = tpu.memref_squeeze %dma_wait3A_924 : memref<1x80x128xf32, #tpu.memory_space<vmem>> -> memref<80x128xf32, #tpu.memory_space<vmem>>
      %dma_wait3A_926 = arith.constant 0 : i32
      %dma_wait3A_927 = arith.constant 0 : i32
      %dma_wait3A_928 = tpu.memref_slice %arg2[%dma_wait3A_926, %dma_wait3A_927] : memref<10000x128xf32, #tpu.memory_space<hbm>> -> memref<10000x128xf32, #tpu.memory_space<hbm>>
      tpu.wait_indirect_dma semaphore(%arg23 : memref<!tpu.dma_semaphore, #tpu.memory_space<semaphore_mem>>) src(%dma_wait3A_928 : memref<10000x128xf32, #tpu.memory_space<hbm>>) dst(%dma_wait3A_925 : memref<80x128xf32, #tpu.memory_space<vmem>>)
      %dma_wait3A_929 = arith.constant 0 : i32
      %dma_wait3A_930 = tpu.memref_slice %arg4[%dma_wait3A_929] : memref<320000xi32, #tpu.memory_space<hbm>> -> memref<80xi32, #tpu.memory_space<hbm>>
      %dma_wait3A_931 = arith.constant 0 : i32
      %dma_wait3A_932 = tpu.memref_slice %arg4[%dma_wait3A_931] : memref<320000xi32, #tpu.memory_space<hbm>> -> memref<80xi32, #tpu.memory_space<hbm>>
      tpu.wait_dma2 semaphore(%arg38 : memref<!tpu.dma_semaphore, #tpu.memory_space<semaphore_mem>>) src(%dma_wait3A_932 : memref<80xi32, #tpu.memory_space<hbm>>) dst(%arg17 : memref<80xi32, #tpu.memory_space<vmem>>)
      %dma_start3A_933 = arith.constant 2 : i32
      %dma_start3A_934 = arith.constant 0 : i32
      %dma_start3A_935 = arith.constant 0 : i32
      %dma_start3A_936 = tpu.memref_slice %arg18[%dma_start3A_933, %dma_start3A_934, %dma_start3A_935] : memref<3x80x128xf32, #tpu.memory_space<vmem>> -> memref<1x80x128xf32, #tpu.memory_space<vmem>>
      %dma_start3A_937 = tpu.memref_squeeze %dma_start3A_936 : memref<1x80x128xf32, #tpu.memory_space<vmem>> -> memref<80x128xf32, #tpu.memory_space<vmem>>
      %dma_start3A_938 = arith.constant 0 : i32
      %dma_start3A_939 = arith.constant 0 : i32
      %dma_start3A_940 = tpu.memref_slice %arg20[%dma_start3A_938, %dma_start3A_939] : memref<10000x128xf32, #tpu.memory_space<vmem_shared>> -> memref<10000x128xf32, #tpu.memory_space<vmem_shared>>
      tpu.enqueue_indirect_dma source(%dma_start3A_937 : memref<80x128xf32, #tpu.memory_space<vmem>>) target(%dma_start3A_940 : memref<10000x128xf32, #tpu.memory_space<vmem_shared>>) offsets(%arg17 : memref<80xi32, #tpu.memory_space<vmem>>) semaphore(%arg26 : memref<!tpu.dma_semaphore, #tpu.memory_space<semaphore_mem>>) {add = true}
      %dma_wait3A_941 = arith.constant 2 : i32
      %dma_wait3A_942 = arith.constant 0 : i32
      %dma_wait3A_943 = arith.constant 0 : i32
      %dma_wait3A_944 = tpu.memref_slice %arg18[%dma_wait3A_941, %dma_wait3A_942, %dma_wait3A_943] : memref<3x80x128xf32, #tpu.memory_space<vmem>> -> memref<1x80x128xf32, #tpu.memory_space<vmem>>
      %dma_wait3A_945 = tpu.memref_squeeze %dma_wait3A_944 : memref<1x80x128xf32, #tpu.memory_space<vmem>> -> memref<80x128xf32, #tpu.memory_space<vmem>>
      %dma_wait3A_946 = arith.constant 0 : i32
      %dma_wait3A_947 = arith.constant 0 : i32
      %dma_wait3A_948 = tpu.memref_slice %arg20[%dma_wait3A_946, %dma_wait3A_947] : memref<10000x128xf32, #tpu.memory_space<vmem_shared>> -> memref<10000x128xf32, #tpu.memory_space<vmem_shared>>
      tpu.wait_indirect_dma semaphore(%arg26 : memref<!tpu.dma_semaphore, #tpu.memory_space<semaphore_mem>>) src(%dma_wait3A_945 : memref<80x128xf32, #tpu.memory_space<vmem>>) dst(%dma_wait3A_948 : memref<10000x128xf32, #tpu.memory_space<vmem_shared>>)
      %dma_wait3A_949 = arith.constant 0 : i32
      %dma_wait3A_950 = tpu.memref_slice %arg3[%dma_wait3A_949] : memref<320000xi32, #tpu.memory_space<hbm>> -> memref<80xi32, #tpu.memory_space<hbm>>
      %dma_wait3A_951 = arith.constant 0 : i32
      %dma_wait3A_952 = tpu.memref_slice %arg3[%dma_wait3A_951] : memref<320000xi32, #tpu.memory_space<hbm>> -> memref<80xi32, #tpu.memory_space<hbm>>
      tpu.wait_dma2 semaphore(%arg29 : memref<!tpu.dma_semaphore, #tpu.memory_space<semaphore_mem>>) src(%dma_wait3A_952 : memref<80xi32, #tpu.memory_space<hbm>>) dst(%arg8 : memref<80xi32, #tpu.memory_space<vmem>>)
      %dma_start3A_953 = arith.constant 2 : i32
      %dma_start3A_954 = arith.constant 0 : i32
      %dma_start3A_955 = arith.constant 0 : i32
      %dma_start3A_956 = tpu.memref_slice %arg18[%dma_start3A_953, %dma_start3A_954, %dma_start3A_955] : memref<3x80x128xf32, #tpu.memory_space<vmem>> -> memref<1x80x128xf32, #tpu.memory_space<vmem>>
      %dma_start3A_957 = tpu.memref_squeeze %dma_start3A_956 : memref<1x80x128xf32, #tpu.memory_space<vmem>> -> memref<80x128xf32, #tpu.memory_space<vmem>>
      %dma_start3A_958 = arith.constant 0 : i32
      %dma_start3A_959 = arith.constant 0 : i32
      %dma_start3A_960 = tpu.memref_slice %arg2[%dma_start3A_958, %dma_start3A_959] : memref<10000x128xf32, #tpu.memory_space<hbm>> -> memref<10000x128xf32, #tpu.memory_space<hbm>>
      tpu.enqueue_indirect_dma source(%dma_start3A_960 : memref<10000x128xf32, #tpu.memory_space<hbm>>) target(%dma_start3A_957 : memref<80x128xf32, #tpu.memory_space<vmem>>) offsets(%arg8 : memref<80xi32, #tpu.memory_space<vmem>>) semaphore(%arg23 : memref<!tpu.dma_semaphore, #tpu.memory_space<semaphore_mem>>)
      %add3A_961 = arith.constant 6 : i32
      %add3A_962 = arith.addi %add3A_920, %add3A_961 : i32
      %lt3A_963 = arith.constant 125 : i32
      %lt3A_964 = arith.cmpi slt, %add3A_962, %lt3A_963 : i32
      %convert_element_type3A_965 = arith.extui %lt3A_964 : i1 to i32
      %cond3A_966 = arith.constant 0 : i32
      %cond3A_967 = arith.cmpi ne, %convert_element_type3A_965, %cond3A_966 : i32
      scf.if %cond3A_967 {
        %mul3A_969 = arith.constant 80 : i32
        %mul3A_970 = arith.muli %add3A_962, %mul3A_969 : i32
        %add3A_971 = arith.addi %mul3A_2, %mul3A_970 : i32
        %dma_start3A_972 = tpu.memref_slice %arg3[%add3A_971] : memref<320000xi32, #tpu.memory_space<hbm>> -> memref<80xi32, #tpu.memory_space<hbm>>
        %dma_start3A_973 = tpu.memref_slice %arg3[%add3A_971] : memref<320000xi32, #tpu.memory_space<hbm>> -> memref<80xi32, #tpu.memory_space<hbm>>
        tpu.enqueue_dma source(%dma_start3A_973 : memref<80xi32, #tpu.memory_space<hbm>>) target(%arg11 : memref<80xi32, #tpu.memory_space<vmem>>) target_semaphore(%arg32 : memref<!tpu.dma_semaphore, #tpu.memory_space<semaphore_mem>>)
        %mul3A_974 = arith.constant 80 : i32
        %mul3A_975 = arith.muli %add3A_962, %mul3A_974 : i32
        %add3A_976 = arith.addi %mul3A_2, %mul3A_975 : i32
        %dma_start3A_977 = tpu.memref_slice %arg4[%add3A_976] : memref<320000xi32, #tpu.memory_space<hbm>> -> memref<80xi32, #tpu.memory_space<hbm>>
        %dma_start3A_978 = tpu.memref_slice %arg4[%add3A_976] : memref<320000xi32, #tpu.memory_space<hbm>> -> memref<80xi32, #tpu.memory_space<hbm>>
        tpu.enqueue_dma source(%dma_start3A_978 : memref<80xi32, #tpu.memory_space<hbm>>) target(%arg17 : memref<80xi32, #tpu.memory_space<vmem>>) target_semaphore(%arg38 : memref<!tpu.dma_semaphore, #tpu.memory_space<semaphore_mem>>)
      } else {
      }
      %scan3A_968 = arith.constant 0 : i32
      scf.yield %scan3A_968 : i32
    }
    %scan3A_507 = arith.constant 20 : i32
    %dma_wait3A_508 = arith.constant 0 : i32
    %dma_wait3A_509 = arith.constant 0 : i32
    %dma_wait3A_510 = arith.constant 0 : i32
    %dma_wait3A_511 = tpu.memref_slice %arg18[%dma_wait3A_508, %dma_wait3A_509, %dma_wait3A_510] : memref<3x80x128xf32, #tpu.memory_space<vmem>> -> memref<1x80x128xf32, #tpu.memory_space<vmem>>
    %dma_wait3A_512 = tpu.memref_squeeze %dma_wait3A_511 : memref<1x80x128xf32, #tpu.memory_space<vmem>> -> memref<80x128xf32, #tpu.memory_space<vmem>>
    %dma_wait3A_513 = arith.constant 0 : i32
    %dma_wait3A_514 = arith.constant 0 : i32
    %dma_wait3A_515 = tpu.memref_slice %arg2[%dma_wait3A_513, %dma_wait3A_514] : memref<10000x128xf32, #tpu.memory_space<hbm>> -> memref<10000x128xf32, #tpu.memory_space<hbm>>
    tpu.wait_indirect_dma semaphore(%arg21 : memref<!tpu.dma_semaphore, #tpu.memory_space<semaphore_mem>>) src(%dma_wait3A_515 : memref<10000x128xf32, #tpu.memory_space<hbm>>) dst(%dma_wait3A_512 : memref<80x128xf32, #tpu.memory_space<vmem>>)
    %dma_wait3A_516 = arith.constant 0 : i32
    %dma_wait3A_517 = tpu.memref_slice %arg4[%dma_wait3A_516] : memref<320000xi32, #tpu.memory_space<hbm>> -> memref<80xi32, #tpu.memory_space<hbm>>
    %dma_wait3A_518 = arith.constant 0 : i32
    %dma_wait3A_519 = tpu.memref_slice %arg4[%dma_wait3A_518] : memref<320000xi32, #tpu.memory_space<hbm>> -> memref<80xi32, #tpu.memory_space<hbm>>
    tpu.wait_dma2 semaphore(%arg33 : memref<!tpu.dma_semaphore, #tpu.memory_space<semaphore_mem>>) src(%dma_wait3A_519 : memref<80xi32, #tpu.memory_space<hbm>>) dst(%arg12 : memref<80xi32, #tpu.memory_space<vmem>>)
    %dma_start3A_520 = arith.constant 0 : i32
    %dma_start3A_521 = arith.constant 0 : i32
    %dma_start3A_522 = arith.constant 0 : i32
    %dma_start3A_523 = tpu.memref_slice %arg18[%dma_start3A_520, %dma_start3A_521, %dma_start3A_522] : memref<3x80x128xf32, #tpu.memory_space<vmem>> -> memref<1x80x128xf32, #tpu.memory_space<vmem>>
    %dma_start3A_524 = tpu.memref_squeeze %dma_start3A_523 : memref<1x80x128xf32, #tpu.memory_space<vmem>> -> memref<80x128xf32, #tpu.memory_space<vmem>>
    %dma_start3A_525 = arith.constant 0 : i32
    %dma_start3A_526 = arith.constant 0 : i32
    %dma_start3A_527 = tpu.memref_slice %arg20[%dma_start3A_525, %dma_start3A_526] : memref<10000x128xf32, #tpu.memory_space<vmem_shared>> -> memref<10000x128xf32, #tpu.memory_space<vmem_shared>>
    tpu.enqueue_indirect_dma source(%dma_start3A_524 : memref<80x128xf32, #tpu.memory_space<vmem>>) target(%dma_start3A_527 : memref<10000x128xf32, #tpu.memory_space<vmem_shared>>) offsets(%arg12 : memref<80xi32, #tpu.memory_space<vmem>>) semaphore(%arg24 : memref<!tpu.dma_semaphore, #tpu.memory_space<semaphore_mem>>) {add = true}
    %dma_wait3A_528 = arith.constant 0 : i32
    %dma_wait3A_529 = arith.constant 0 : i32
    %dma_wait3A_530 = arith.constant 0 : i32
    %dma_wait3A_531 = tpu.memref_slice %arg18[%dma_wait3A_528, %dma_wait3A_529, %dma_wait3A_530] : memref<3x80x128xf32, #tpu.memory_space<vmem>> -> memref<1x80x128xf32, #tpu.memory_space<vmem>>
    %dma_wait3A_532 = tpu.memref_squeeze %dma_wait3A_531 : memref<1x80x128xf32, #tpu.memory_space<vmem>> -> memref<80x128xf32, #tpu.memory_space<vmem>>
    %dma_wait3A_533 = arith.constant 0 : i32
    %dma_wait3A_534 = arith.constant 0 : i32
    %dma_wait3A_535 = tpu.memref_slice %arg20[%dma_wait3A_533, %dma_wait3A_534] : memref<10000x128xf32, #tpu.memory_space<vmem_shared>> -> memref<10000x128xf32, #tpu.memory_space<vmem_shared>>
    tpu.wait_indirect_dma semaphore(%arg24 : memref<!tpu.dma_semaphore, #tpu.memory_space<semaphore_mem>>) src(%dma_wait3A_532 : memref<80x128xf32, #tpu.memory_space<vmem>>) dst(%dma_wait3A_535 : memref<10000x128xf32, #tpu.memory_space<vmem_shared>>)
    %dma_wait3A_536 = arith.constant 0 : i32
    %dma_wait3A_537 = tpu.memref_slice %arg3[%dma_wait3A_536] : memref<320000xi32, #tpu.memory_space<hbm>> -> memref<80xi32, #tpu.memory_space<hbm>>
    %dma_wait3A_538 = arith.constant 0 : i32
    %dma_wait3A_539 = tpu.memref_slice %arg3[%dma_wait3A_538] : memref<320000xi32, #tpu.memory_space<hbm>> -> memref<80xi32, #tpu.memory_space<hbm>>
    tpu.wait_dma2 semaphore(%arg30 : memref<!tpu.dma_semaphore, #tpu.memory_space<semaphore_mem>>) src(%dma_wait3A_539 : memref<80xi32, #tpu.memory_space<hbm>>) dst(%arg9 : memref<80xi32, #tpu.memory_space<vmem>>)
    %dma_start3A_540 = arith.constant 0 : i32
    %dma_start3A_541 = arith.constant 0 : i32
    %dma_start3A_542 = arith.constant 0 : i32
    %dma_start3A_543 = tpu.memref_slice %arg18[%dma_start3A_540, %dma_start3A_541, %dma_start3A_542] : memref<3x80x128xf32, #tpu.memory_space<vmem>> -> memref<1x80x128xf32, #tpu.memory_space<vmem>>
    %dma_start3A_544 = tpu.memref_squeeze %dma_start3A_543 : memref<1x80x128xf32, #tpu.memory_space<vmem>> -> memref<80x128xf32, #tpu.memory_space<vmem>>
    %dma_start3A_545 = arith.constant 0 : i32
    %dma_start3A_546 = arith.constant 0 : i32
    %dma_start3A_547 = tpu.memref_slice %arg2[%dma_start3A_545, %dma_start3A_546] : memref<10000x128xf32, #tpu.memory_space<hbm>> -> memref<10000x128xf32, #tpu.memory_space<hbm>>
    tpu.enqueue_indirect_dma source(%dma_start3A_547 : memref<10000x128xf32, #tpu.memory_space<hbm>>) target(%dma_start3A_544 : memref<80x128xf32, #tpu.memory_space<vmem>>) offsets(%arg9 : memref<80xi32, #tpu.memory_space<vmem>>) semaphore(%arg21 : memref<!tpu.dma_semaphore, #tpu.memory_space<semaphore_mem>>)
    %dma_wait3A_548 = arith.constant 1 : i32
    %dma_wait3A_549 = arith.constant 0 : i32
    %dma_wait3A_550 = arith.constant 0 : i32
    %dma_wait3A_551 = tpu.memref_slice %arg18[%dma_wait3A_548, %dma_wait3A_549, %dma_wait3A_550] : memref<3x80x128xf32, #tpu.memory_space<vmem>> -> memref<1x80x128xf32, #tpu.memory_space<vmem>>
    %dma_wait3A_552 = tpu.memref_squeeze %dma_wait3A_551 : memref<1x80x128xf32, #tpu.memory_space<vmem>> -> memref<80x128xf32, #tpu.memory_space<vmem>>
    %dma_wait3A_553 = arith.constant 0 : i32
    %dma_wait3A_554 = arith.constant 0 : i32
    %dma_wait3A_555 = tpu.memref_slice %arg2[%dma_wait3A_553, %dma_wait3A_554] : memref<10000x128xf32, #tpu.memory_space<hbm>> -> memref<10000x128xf32, #tpu.memory_space<hbm>>
    tpu.wait_indirect_dma semaphore(%arg22 : memref<!tpu.dma_semaphore, #tpu.memory_space<semaphore_mem>>) src(%dma_wait3A_555 : memref<10000x128xf32, #tpu.memory_space<hbm>>) dst(%dma_wait3A_552 : memref<80x128xf32, #tpu.memory_space<vmem>>)
    %dma_wait3A_556 = arith.constant 0 : i32
    %dma_wait3A_557 = tpu.memref_slice %arg4[%dma_wait3A_556] : memref<320000xi32, #tpu.memory_space<hbm>> -> memref<80xi32, #tpu.memory_space<hbm>>
    %dma_wait3A_558 = arith.constant 0 : i32
    %dma_wait3A_559 = tpu.memref_slice %arg4[%dma_wait3A_558] : memref<320000xi32, #tpu.memory_space<hbm>> -> memref<80xi32, #tpu.memory_space<hbm>>
    tpu.wait_dma2 semaphore(%arg34 : memref<!tpu.dma_semaphore, #tpu.memory_space<semaphore_mem>>) src(%dma_wait3A_559 : memref<80xi32, #tpu.memory_space<hbm>>) dst(%arg13 : memref<80xi32, #tpu.memory_space<vmem>>)
    %dma_start3A_560 = arith.constant 1 : i32
    %dma_start3A_561 = arith.constant 0 : i32
    %dma_start3A_562 = arith.constant 0 : i32
    %dma_start3A_563 = tpu.memref_slice %arg18[%dma_start3A_560, %dma_start3A_561, %dma_start3A_562] : memref<3x80x128xf32, #tpu.memory_space<vmem>> -> memref<1x80x128xf32, #tpu.memory_space<vmem>>
    %dma_start3A_564 = tpu.memref_squeeze %dma_start3A_563 : memref<1x80x128xf32, #tpu.memory_space<vmem>> -> memref<80x128xf32, #tpu.memory_space<vmem>>
    %dma_start3A_565 = arith.constant 0 : i32
    %dma_start3A_566 = arith.constant 0 : i32
    %dma_start3A_567 = tpu.memref_slice %arg20[%dma_start3A_565, %dma_start3A_566] : memref<10000x128xf32, #tpu.memory_space<vmem_shared>> -> memref<10000x128xf32, #tpu.memory_space<vmem_shared>>
    tpu.enqueue_indirect_dma source(%dma_start3A_564 : memref<80x128xf32, #tpu.memory_space<vmem>>) target(%dma_start3A_567 : memref<10000x128xf32, #tpu.memory_space<vmem_shared>>) offsets(%arg13 : memref<80xi32, #tpu.memory_space<vmem>>) semaphore(%arg25 : memref<!tpu.dma_semaphore, #tpu.memory_space<semaphore_mem>>) {add = true}
    %dma_wait3A_568 = arith.constant 1 : i32
    %dma_wait3A_569 = arith.constant 0 : i32
    %dma_wait3A_570 = arith.constant 0 : i32
    %dma_wait3A_571 = tpu.memref_slice %arg18[%dma_wait3A_568, %dma_wait3A_569, %dma_wait3A_570] : memref<3x80x128xf32, #tpu.memory_space<vmem>> -> memref<1x80x128xf32, #tpu.memory_space<vmem>>
    %dma_wait3A_572 = tpu.memref_squeeze %dma_wait3A_571 : memref<1x80x128xf32, #tpu.memory_space<vmem>> -> memref<80x128xf32, #tpu.memory_space<vmem>>
    %dma_wait3A_573 = arith.constant 0 : i32
    %dma_wait3A_574 = arith.constant 0 : i32
    %dma_wait3A_575 = tpu.memref_slice %arg20[%dma_wait3A_573, %dma_wait3A_574] : memref<10000x128xf32, #tpu.memory_space<vmem_shared>> -> memref<10000x128xf32, #tpu.memory_space<vmem_shared>>
    tpu.wait_indirect_dma semaphore(%arg25 : memref<!tpu.dma_semaphore, #tpu.memory_space<semaphore_mem>>) src(%dma_wait3A_572 : memref<80x128xf32, #tpu.memory_space<vmem>>) dst(%dma_wait3A_575 : memref<10000x128xf32, #tpu.memory_space<vmem_shared>>)
    %dma_wait3A_576 = arith.constant 0 : i32
    %dma_wait3A_577 = tpu.memref_slice %arg3[%dma_wait3A_576] : memref<320000xi32, #tpu.memory_space<hbm>> -> memref<80xi32, #tpu.memory_space<hbm>>
    %dma_wait3A_578 = arith.constant 0 : i32
    %dma_wait3A_579 = tpu.memref_slice %arg3[%dma_wait3A_578] : memref<320000xi32, #tpu.memory_space<hbm>> -> memref<80xi32, #tpu.memory_space<hbm>>
    tpu.wait_dma2 semaphore(%arg31 : memref<!tpu.dma_semaphore, #tpu.memory_space<semaphore_mem>>) src(%dma_wait3A_579 : memref<80xi32, #tpu.memory_space<hbm>>) dst(%arg10 : memref<80xi32, #tpu.memory_space<vmem>>)
    %dma_start3A_580 = arith.constant 1 : i32
    %dma_start3A_581 = arith.constant 0 : i32
    %dma_start3A_582 = arith.constant 0 : i32
    %dma_start3A_583 = tpu.memref_slice %arg18[%dma_start3A_580, %dma_start3A_581, %dma_start3A_582] : memref<3x80x128xf32, #tpu.memory_space<vmem>> -> memref<1x80x128xf32, #tpu.memory_space<vmem>>
    %dma_start3A_584 = tpu.memref_squeeze %dma_start3A_583 : memref<1x80x128xf32, #tpu.memory_space<vmem>> -> memref<80x128xf32, #tpu.memory_space<vmem>>
    %dma_start3A_585 = arith.constant 0 : i32
    %dma_start3A_586 = arith.constant 0 : i32
    %dma_start3A_587 = tpu.memref_slice %arg2[%dma_start3A_585, %dma_start3A_586] : memref<10000x128xf32, #tpu.memory_space<hbm>> -> memref<10000x128xf32, #tpu.memory_space<hbm>>
    tpu.enqueue_indirect_dma source(%dma_start3A_587 : memref<10000x128xf32, #tpu.memory_space<hbm>>) target(%dma_start3A_584 : memref<80x128xf32, #tpu.memory_space<vmem>>) offsets(%arg10 : memref<80xi32, #tpu.memory_space<vmem>>) semaphore(%arg22 : memref<!tpu.dma_semaphore, #tpu.memory_space<semaphore_mem>>)
    %dma_wait3A_588 = arith.constant 2 : i32
    %dma_wait3A_589 = arith.constant 0 : i32
    %dma_wait3A_590 = arith.constant 0 : i32
    %dma_wait3A_591 = tpu.memref_slice %arg18[%dma_wait3A_588, %dma_wait3A_589, %dma_wait3A_590] : memref<3x80x128xf32, #tpu.memory_space<vmem>> -> memref<1x80x128xf32, #tpu.memory_space<vmem>>
    %dma_wait3A_592 = tpu.memref_squeeze %dma_wait3A_591 : memref<1x80x128xf32, #tpu.memory_space<vmem>> -> memref<80x128xf32, #tpu.memory_space<vmem>>
    %dma_wait3A_593 = arith.constant 0 : i32
    %dma_wait3A_594 = arith.constant 0 : i32
    %dma_wait3A_595 = tpu.memref_slice %arg2[%dma_wait3A_593, %dma_wait3A_594] : memref<10000x128xf32, #tpu.memory_space<hbm>> -> memref<10000x128xf32, #tpu.memory_space<hbm>>
    tpu.wait_indirect_dma semaphore(%arg23 : memref<!tpu.dma_semaphore, #tpu.memory_space<semaphore_mem>>) src(%dma_wait3A_595 : memref<10000x128xf32, #tpu.memory_space<hbm>>) dst(%dma_wait3A_592 : memref<80x128xf32, #tpu.memory_space<vmem>>)
    %dma_wait3A_596 = arith.constant 0 : i32
    %dma_wait3A_597 = tpu.memref_slice %arg4[%dma_wait3A_596] : memref<320000xi32, #tpu.memory_space<hbm>> -> memref<80xi32, #tpu.memory_space<hbm>>
    %dma_wait3A_598 = arith.constant 0 : i32
    %dma_wait3A_599 = tpu.memref_slice %arg4[%dma_wait3A_598] : memref<320000xi32, #tpu.memory_space<hbm>> -> memref<80xi32, #tpu.memory_space<hbm>>
    tpu.wait_dma2 semaphore(%arg35 : memref<!tpu.dma_semaphore, #tpu.memory_space<semaphore_mem>>) src(%dma_wait3A_599 : memref<80xi32, #tpu.memory_space<hbm>>) dst(%arg14 : memref<80xi32, #tpu.memory_space<vmem>>)
    %dma_start3A_600 = arith.constant 2 : i32
    %dma_start3A_601 = arith.constant 0 : i32
    %dma_start3A_602 = arith.constant 0 : i32
    %dma_start3A_603 = tpu.memref_slice %arg18[%dma_start3A_600, %dma_start3A_601, %dma_start3A_602] : memref<3x80x128xf32, #tpu.memory_space<vmem>> -> memref<1x80x128xf32, #tpu.memory_space<vmem>>
    %dma_start3A_604 = tpu.memref_squeeze %dma_start3A_603 : memref<1x80x128xf32, #tpu.memory_space<vmem>> -> memref<80x128xf32, #tpu.memory_space<vmem>>
    %dma_start3A_605 = arith.constant 0 : i32
    %dma_start3A_606 = arith.constant 0 : i32
    %dma_start3A_607 = tpu.memref_slice %arg20[%dma_start3A_605, %dma_start3A_606] : memref<10000x128xf32, #tpu.memory_space<vmem_shared>> -> memref<10000x128xf32, #tpu.memory_space<vmem_shared>>
    tpu.enqueue_indirect_dma source(%dma_start3A_604 : memref<80x128xf32, #tpu.memory_space<vmem>>) target(%dma_start3A_607 : memref<10000x128xf32, #tpu.memory_space<vmem_shared>>) offsets(%arg14 : memref<80xi32, #tpu.memory_space<vmem>>) semaphore(%arg26 : memref<!tpu.dma_semaphore, #tpu.memory_space<semaphore_mem>>) {add = true}
    %dma_wait3A_608 = arith.constant 2 : i32
    %dma_wait3A_609 = arith.constant 0 : i32
    %dma_wait3A_610 = arith.constant 0 : i32
    %dma_wait3A_611 = tpu.memref_slice %arg18[%dma_wait3A_608, %dma_wait3A_609, %dma_wait3A_610] : memref<3x80x128xf32, #tpu.memory_space<vmem>> -> memref<1x80x128xf32, #tpu.memory_space<vmem>>
    %dma_wait3A_612 = tpu.memref_squeeze %dma_wait3A_611 : memref<1x80x128xf32, #tpu.memory_space<vmem>> -> memref<80x128xf32, #tpu.memory_space<vmem>>
    %dma_wait3A_613 = arith.constant 0 : i32
    %dma_wait3A_614 = arith.constant 0 : i32
    %dma_wait3A_615 = tpu.memref_slice %arg20[%dma_wait3A_613, %dma_wait3A_614] : memref<10000x128xf32, #tpu.memory_space<vmem_shared>> -> memref<10000x128xf32, #tpu.memory_space<vmem_shared>>
    tpu.wait_indirect_dma semaphore(%arg26 : memref<!tpu.dma_semaphore, #tpu.memory_space<semaphore_mem>>) src(%dma_wait3A_612 : memref<80x128xf32, #tpu.memory_space<vmem>>) dst(%dma_wait3A_615 : memref<10000x128xf32, #tpu.memory_space<vmem_shared>>)
    %dma_wait3A_616 = arith.constant 0 : i32
    %dma_wait3A_617 = arith.constant 0 : i32
    %dma_wait3A_618 = arith.constant 0 : i32
    %dma_wait3A_619 = tpu.memref_slice %arg18[%dma_wait3A_616, %dma_wait3A_617, %dma_wait3A_618] : memref<3x80x128xf32, #tpu.memory_space<vmem>> -> memref<1x80x128xf32, #tpu.memory_space<vmem>>
    %dma_wait3A_620 = tpu.memref_squeeze %dma_wait3A_619 : memref<1x80x128xf32, #tpu.memory_space<vmem>> -> memref<80x128xf32, #tpu.memory_space<vmem>>
    %dma_wait3A_621 = arith.constant 0 : i32
    %dma_wait3A_622 = arith.constant 0 : i32
    %dma_wait3A_623 = tpu.memref_slice %arg2[%dma_wait3A_621, %dma_wait3A_622] : memref<10000x128xf32, #tpu.memory_space<hbm>> -> memref<10000x128xf32, #tpu.memory_space<hbm>>
    tpu.wait_indirect_dma semaphore(%arg21 : memref<!tpu.dma_semaphore, #tpu.memory_space<semaphore_mem>>) src(%dma_wait3A_623 : memref<10000x128xf32, #tpu.memory_space<hbm>>) dst(%dma_wait3A_620 : memref<80x128xf32, #tpu.memory_space<vmem>>)
    %dma_wait3A_624 = arith.constant 0 : i32
    %dma_wait3A_625 = tpu.memref_slice %arg4[%dma_wait3A_624] : memref<320000xi32, #tpu.memory_space<hbm>> -> memref<80xi32, #tpu.memory_space<hbm>>
    %dma_wait3A_626 = arith.constant 0 : i32
    %dma_wait3A_627 = tpu.memref_slice %arg4[%dma_wait3A_626] : memref<320000xi32, #tpu.memory_space<hbm>> -> memref<80xi32, #tpu.memory_space<hbm>>
    tpu.wait_dma2 semaphore(%arg36 : memref<!tpu.dma_semaphore, #tpu.memory_space<semaphore_mem>>) src(%dma_wait3A_627 : memref<80xi32, #tpu.memory_space<hbm>>) dst(%arg15 : memref<80xi32, #tpu.memory_space<vmem>>)
    %dma_start3A_628 = arith.constant 0 : i32
    %dma_start3A_629 = arith.constant 0 : i32
    %dma_start3A_630 = arith.constant 0 : i32
    %dma_start3A_631 = tpu.memref_slice %arg18[%dma_start3A_628, %dma_start3A_629, %dma_start3A_630] : memref<3x80x128xf32, #tpu.memory_space<vmem>> -> memref<1x80x128xf32, #tpu.memory_space<vmem>>
    %dma_start3A_632 = tpu.memref_squeeze %dma_start3A_631 : memref<1x80x128xf32, #tpu.memory_space<vmem>> -> memref<80x128xf32, #tpu.memory_space<vmem>>
    %dma_start3A_633 = arith.constant 0 : i32
    %dma_start3A_634 = arith.constant 0 : i32
    %dma_start3A_635 = tpu.memref_slice %arg20[%dma_start3A_633, %dma_start3A_634] : memref<10000x128xf32, #tpu.memory_space<vmem_shared>> -> memref<10000x128xf32, #tpu.memory_space<vmem_shared>>
    tpu.enqueue_indirect_dma source(%dma_start3A_632 : memref<80x128xf32, #tpu.memory_space<vmem>>) target(%dma_start3A_635 : memref<10000x128xf32, #tpu.memory_space<vmem_shared>>) offsets(%arg15 : memref<80xi32, #tpu.memory_space<vmem>>) semaphore(%arg24 : memref<!tpu.dma_semaphore, #tpu.memory_space<semaphore_mem>>) {add = true}
    %dma_wait3A_636 = arith.constant 0 : i32
    %dma_wait3A_637 = arith.constant 0 : i32
    %dma_wait3A_638 = arith.constant 0 : i32
    %dma_wait3A_639 = tpu.memref_slice %arg18[%dma_wait3A_636, %dma_wait3A_637, %dma_wait3A_638] : memref<3x80x128xf32, #tpu.memory_space<vmem>> -> memref<1x80x128xf32, #tpu.memory_space<vmem>>
    %dma_wait3A_640 = tpu.memref_squeeze %dma_wait3A_639 : memref<1x80x128xf32, #tpu.memory_space<vmem>> -> memref<80x128xf32, #tpu.memory_space<vmem>>
    %dma_wait3A_641 = arith.constant 0 : i32
    %dma_wait3A_642 = arith.constant 0 : i32
    %dma_wait3A_643 = tpu.memref_slice %arg20[%dma_wait3A_641, %dma_wait3A_642] : memref<10000x128xf32, #tpu.memory_space<vmem_shared>> -> memref<10000x128xf32, #tpu.memory_space<vmem_shared>>
    tpu.wait_indirect_dma semaphore(%arg24 : memref<!tpu.dma_semaphore, #tpu.memory_space<semaphore_mem>>) src(%dma_wait3A_640 : memref<80x128xf32, #tpu.memory_space<vmem>>) dst(%dma_wait3A_643 : memref<10000x128xf32, #tpu.memory_space<vmem_shared>>)
    %dma_wait3A_644 = arith.constant 1 : i32
    %dma_wait3A_645 = arith.constant 0 : i32
    %dma_wait3A_646 = arith.constant 0 : i32
    %dma_wait3A_647 = tpu.memref_slice %arg18[%dma_wait3A_644, %dma_wait3A_645, %dma_wait3A_646] : memref<3x80x128xf32, #tpu.memory_space<vmem>> -> memref<1x80x128xf32, #tpu.memory_space<vmem>>
    %dma_wait3A_648 = tpu.memref_squeeze %dma_wait3A_647 : memref<1x80x128xf32, #tpu.memory_space<vmem>> -> memref<80x128xf32, #tpu.memory_space<vmem>>
    %dma_wait3A_649 = arith.constant 0 : i32
    %dma_wait3A_650 = arith.constant 0 : i32
    %dma_wait3A_651 = tpu.memref_slice %arg2[%dma_wait3A_649, %dma_wait3A_650] : memref<10000x128xf32, #tpu.memory_space<hbm>> -> memref<10000x128xf32, #tpu.memory_space<hbm>>
    tpu.wait_indirect_dma semaphore(%arg22 : memref<!tpu.dma_semaphore, #tpu.memory_space<semaphore_mem>>) src(%dma_wait3A_651 : memref<10000x128xf32, #tpu.memory_space<hbm>>) dst(%dma_wait3A_648 : memref<80x128xf32, #tpu.memory_space<vmem>>)
    %dma_wait3A_652 = arith.constant 0 : i32
    %dma_wait3A_653 = tpu.memref_slice %arg4[%dma_wait3A_652] : memref<320000xi32, #tpu.memory_space<hbm>> -> memref<80xi32, #tpu.memory_space<hbm>>
    %dma_wait3A_654 = arith.constant 0 : i32
    %dma_wait3A_655 = tpu.memref_slice %arg4[%dma_wait3A_654] : memref<320000xi32, #tpu.memory_space<hbm>> -> memref<80xi32, #tpu.memory_space<hbm>>
    tpu.wait_dma2 semaphore(%arg37 : memref<!tpu.dma_semaphore, #tpu.memory_space<semaphore_mem>>) src(%dma_wait3A_655 : memref<80xi32, #tpu.memory_space<hbm>>) dst(%arg16 : memref<80xi32, #tpu.memory_space<vmem>>)
    %dma_start3A_656 = arith.constant 1 : i32
    %dma_start3A_657 = arith.constant 0 : i32
    %dma_start3A_658 = arith.constant 0 : i32
    %dma_start3A_659 = tpu.memref_slice %arg18[%dma_start3A_656, %dma_start3A_657, %dma_start3A_658] : memref<3x80x128xf32, #tpu.memory_space<vmem>> -> memref<1x80x128xf32, #tpu.memory_space<vmem>>
    %dma_start3A_660 = tpu.memref_squeeze %dma_start3A_659 : memref<1x80x128xf32, #tpu.memory_space<vmem>> -> memref<80x128xf32, #tpu.memory_space<vmem>>
    %dma_start3A_661 = arith.constant 0 : i32
    %dma_start3A_662 = arith.constant 0 : i32
    %dma_start3A_663 = tpu.memref_slice %arg20[%dma_start3A_661, %dma_start3A_662] : memref<10000x128xf32, #tpu.memory_space<vmem_shared>> -> memref<10000x128xf32, #tpu.memory_space<vmem_shared>>
    tpu.enqueue_indirect_dma source(%dma_start3A_660 : memref<80x128xf32, #tpu.memory_space<vmem>>) target(%dma_start3A_663 : memref<10000x128xf32, #tpu.memory_space<vmem_shared>>) offsets(%arg16 : memref<80xi32, #tpu.memory_space<vmem>>) semaphore(%arg25 : memref<!tpu.dma_semaphore, #tpu.memory_space<semaphore_mem>>) {add = true}
    %dma_wait3A_664 = arith.constant 1 : i32
    %dma_wait3A_665 = arith.constant 0 : i32
    %dma_wait3A_666 = arith.constant 0 : i32
    %dma_wait3A_667 = tpu.memref_slice %arg18[%dma_wait3A_664, %dma_wait3A_665, %dma_wait3A_666] : memref<3x80x128xf32, #tpu.memory_space<vmem>> -> memref<1x80x128xf32, #tpu.memory_space<vmem>>
    %dma_wait3A_668 = tpu.memref_squeeze %dma_wait3A_667 : memref<1x80x128xf32, #tpu.memory_space<vmem>> -> memref<80x128xf32, #tpu.memory_space<vmem>>
    %dma_wait3A_669 = arith.constant 0 : i32
    %dma_wait3A_670 = arith.constant 0 : i32
    %dma_wait3A_671 = tpu.memref_slice %arg20[%dma_wait3A_669, %dma_wait3A_670] : memref<10000x128xf32, #tpu.memory_space<vmem_shared>> -> memref<10000x128xf32, #tpu.memory_space<vmem_shared>>
    tpu.wait_indirect_dma semaphore(%arg25 : memref<!tpu.dma_semaphore, #tpu.memory_space<semaphore_mem>>) src(%dma_wait3A_668 : memref<80x128xf32, #tpu.memory_space<vmem>>) dst(%dma_wait3A_671 : memref<10000x128xf32, #tpu.memory_space<vmem_shared>>)
    %barrier3A_672 = arith.constant 0 : index
    tpu.barrier barrier_id(%barrier3A_672)
    "tpu.region"() ({
      %run_scoped3A = tpu.sem_alloc : memref<!tpu.dma_semaphore, #tpu.memory_space<semaphore_mem>>
      %dma_start3A_673 = arith.constant 0 : i32
      %dma_start3A_674 = tpu.memref_slice %arg5[%arg0, %mul3A_4, %dma_start3A_673] <%select_n3A> : memref<2x10000x128xf32, #tpu.memory_space<hbm>> -> memref<1x?x128xf32, #tpu.memory_space<hbm>>
      %dma_start3A_675 = tpu.memref_squeeze %dma_start3A_674 : memref<1x?x128xf32, #tpu.memory_space<hbm>> -> memref<?x128xf32, #tpu.memory_space<hbm>>
      %dma_start3A_676 = arith.constant 0 : i32
      %dma_start3A_677 = tpu.memref_slice %arg20[%mul3A_4, %dma_start3A_676] <%select_n3A> : memref<10000x128xf32, #tpu.memory_space<vmem_shared>> -> memref<?x128xf32, #tpu.memory_space<vmem_shared>>
      tpu.enqueue_dma source(%dma_start3A_677 : memref<?x128xf32, #tpu.memory_space<vmem_shared>>) target(%dma_start3A_675 : memref<?x128xf32, #tpu.memory_space<hbm>>) target_semaphore(%run_scoped3A : memref<!tpu.dma_semaphore, #tpu.memory_space<semaphore_mem>>)
      %dma_wait3A_678 = arith.constant 0 : i32
      %dma_wait3A_679 = tpu.memref_slice %arg5[%arg0, %mul3A_4, %dma_wait3A_678] <%select_n3A> : memref<2x10000x128xf32, #tpu.memory_space<hbm>> -> memref<1x?x128xf32, #tpu.memory_space<hbm>>
      %dma_wait3A_680 = tpu.memref_squeeze %dma_wait3A_679 : memref<1x?x128xf32, #tpu.memory_space<hbm>> -> memref<?x128xf32, #tpu.memory_space<hbm>>
      %dma_wait3A_681 = arith.constant 0 : i32
      %dma_wait3A_682 = tpu.memref_slice %arg20[%mul3A_4, %dma_wait3A_681] <%select_n3A> : memref<10000x128xf32, #tpu.memory_space<vmem_shared>> -> memref<?x128xf32, #tpu.memory_space<vmem_shared>>
      tpu.wait_dma2 semaphore(%run_scoped3A : memref<!tpu.dma_semaphore, #tpu.memory_space<semaphore_mem>>) src(%dma_wait3A_682 : memref<?x128xf32, #tpu.memory_space<vmem_shared>>) dst(%dma_wait3A_680 : memref<?x128xf32, #tpu.memory_space<hbm>>)
      tpu.yield
    }) : () -> ()
    return
  }
}

#map = affine_map<(d0, d1) -> (0, 0)>
#map1 = affine_map<(d0, d1) -> (0)>
#map2 = affine_map<(d0, d1) -> (0, 0, 0)>
module attributes {stable_mosaic.version = 14 : i64} {
  func.func @_seg_sum_body(%arg0: i32, %arg1: i32, %arg2: memref<10000x128xf32, #tpu.memory_space<hbm>>, %arg3: memref<320000xi32, #tpu.memory_space<hbm>>, %arg4: memref<320000xi32, #tpu.memory_space<hbm>>, %arg5: memref<2x10000x128xf32, #tpu.memory_space<hbm>>, %arg6: memref<80xi32, #tpu.memory_space<vmem>>, %arg7: memref<80xi32, #tpu.memory_space<vmem>>, %arg8: memref<80xi32, #tpu.memory_space<vmem>>, %arg9: memref<80xi32, #tpu.memory_space<vmem>>, %arg10: memref<80xi32, #tpu.memory_space<vmem>>, %arg11: memref<80xi32, #tpu.memory_space<vmem>>, %arg12: memref<80xi32, #tpu.memory_space<vmem>>, %arg13: memref<80xi32, #tpu.memory_space<vmem>>, %arg14: memref<80xi32, #tpu.memory_space<vmem>>, %arg15: memref<80xi32, #tpu.memory_space<vmem>>, %arg16: memref<80xi32, #tpu.memory_space<vmem>>, %arg17: memref<80xi32, #tpu.memory_space<vmem>>, %arg18: memref<3x80x128xf32, #tpu.memory_space<vmem>>, %arg19: memref<8x128xf32, #tpu.memory_space<vmem>>, %arg20: memref<10000x128xf32, #tpu.memory_space<vmem_shared>>, %arg21: memref<!tpu.dma_semaphore, #tpu.memory_space<semaphore_mem>>, %arg22: memref<!tpu.dma_semaphore, #tpu.memory_space<semaphore_mem>>, %arg23: memref<!tpu.dma_semaphore, #tpu.memory_space<semaphore_mem>>, %arg24: memref<!tpu.dma_semaphore, #tpu.memory_space<semaphore_mem>>, %arg25: memref<!tpu.dma_semaphore, #tpu.memory_space<semaphore_mem>>, %arg26: memref<!tpu.dma_semaphore, #tpu.memory_space<semaphore_mem>>, %arg27: memref<!tpu.dma_semaphore, #tpu.memory_space<semaphore_mem>>, %arg28: memref<!tpu.dma_semaphore, #tpu.memory_space<semaphore_mem>>, %arg29: memref<!tpu.dma_semaphore, #tpu.memory_space<semaphore_mem>>, %arg30: memref<!tpu.dma_semaphore, #tpu.memory_space<semaphore_mem>>, %arg31: memref<!tpu.dma_semaphore, #tpu.memory_space<semaphore_mem>>, %arg32: memref<!tpu.dma_semaphore, #tpu.memory_space<semaphore_mem>>, %arg33: memref<!tpu.dma_semaphore, #tpu.memory_space<semaphore_mem>>, %arg34: memref<!tpu.dma_semaphore, #tpu.memory_space<semaphore_mem>>, %arg35: memref<!tpu.dma_semaphore, #tpu.memory_space<semaphore_mem>>, %arg36: memref<!tpu.dma_semaphore, #tpu.memory_space<semaphore_mem>>, %arg37: memref<!tpu.dma_semaphore, #tpu.memory_space<semaphore_mem>>, %arg38: memref<!tpu.dma_semaphore, #tpu.memory_space<semaphore_mem>>) attributes {dimension_semantics = [#tpu.dimension_semantics<core_parallel>, #tpu.dimension_semantics<subcore_parallel>], iteration_bounds = array<i64: 2, 16>, scalar_prefetch = 0 : i64, scratch_operands = 33 : i64, tpu.core_type = #tpu.core_type<sc_vector_subcore>, window_params = [{transform_indices = #map}, {transform_indices = #map1}, {transform_indices = #map1}, {transform_indices = #map2}]} {
    %mul3A = arith.constant 16 : i32
    %mul3A_0 = arith.muli %arg0, %mul3A : i32
    %add3A = arith.addi %mul3A_0, %arg1 : i32
    %mul3A_1 = arith.constant 10000 : i32
    %mul3A_2 = arith.muli %add3A, %mul3A_1 : i32
    %mul3A_3 = arith.constant 624 : i32
    %mul3A_4 = arith.muli %arg1, %mul3A_3 : i32
    %eq3A = arith.constant 15 : i32
    %eq3A_5 = arith.cmpi eq, %arg1, %eq3A : i32
    %jit3A = arith.constant 640 : i32
    %jit3A_6 = arith.constant 624 : i32
    %select_n3A = arith.select %eq3A_5, %jit3A, %jit3A_6 : i32
    %add3A_7 = arith.constant 0 : i32
    %add3A_8 = arith.addi %mul3A_2, %add3A_7 : i32
    %dma_start3A = tpu.memref_slice %arg3[%add3A_8] : memref<320000xi32, #tpu.memory_space<hbm>> -> memref<80xi32, #tpu.memory_space<hbm>>
    %dma_start3A_9 = tpu.memref_slice %arg3[%add3A_8] : memref<320000xi32, #tpu.memory_space<hbm>> -> memref<80xi32, #tpu.memory_space<hbm>>
    tpu.enqueue_dma source(%dma_start3A_9 : memref<80xi32, #tpu.memory_space<hbm>>) target(%arg6 : memref<80xi32, #tpu.memory_space<vmem>>) target_semaphore(%arg27 : memref<!tpu.dma_semaphore, #tpu.memory_space<semaphore_mem>>)
    %add3A_10 = arith.constant 0 : i32
    %add3A_11 = arith.addi %mul3A_2, %add3A_10 : i32
    %dma_start3A_12 = tpu.memref_slice %arg4[%add3A_11] : memref<320000xi32, #tpu.memory_space<hbm>> -> memref<80xi32, #tpu.memory_space<hbm>>
    %dma_start3A_13 = tpu.memref_slice %arg4[%add3A_11] : memref<320000xi32, #tpu.memory_space<hbm>> -> memref<80xi32, #tpu.memory_space<hbm>>
    tpu.enqueue_dma source(%dma_start3A_13 : memref<80xi32, #tpu.memory_space<hbm>>) target(%arg12 : memref<80xi32, #tpu.memory_space<vmem>>) target_semaphore(%arg33 : memref<!tpu.dma_semaphore, #tpu.memory_space<semaphore_mem>>)
    %add3A_14 = arith.constant 80 : i32
    %add3A_15 = arith.addi %mul3A_2, %add3A_14 : i32
    %dma_start3A_16 = tpu.memref_slice %arg3[%add3A_15] : memref<320000xi32, #tpu.memory_space<hbm>> -> memref<80xi32, #tpu.memory_space<hbm>>
    %dma_start3A_17 = tpu.memref_slice %arg3[%add3A_15] : memref<320000xi32, #tpu.memory_space<hbm>> -> memref<80xi32, #tpu.memory_space<hbm>>
    tpu.enqueue_dma source(%dma_start3A_17 : memref<80xi32, #tpu.memory_space<hbm>>) target(%arg7 : memref<80xi32, #tpu.memory_space<vmem>>) target_semaphore(%arg28 : memref<!tpu.dma_semaphore, #tpu.memory_space<semaphore_mem>>)
    %add3A_18 = arith.constant 80 : i32
    %add3A_19 = arith.addi %mul3A_2, %add3A_18 : i32
    %dma_start3A_20 = tpu.memref_slice %arg4[%add3A_19] : memref<320000xi32, #tpu.memory_space<hbm>> -> memref<80xi32, #tpu.memory_space<hbm>>
    %dma_start3A_21 = tpu.memref_slice %arg4[%add3A_19] : memref<320000xi32, #tpu.memory_space<hbm>> -> memref<80xi32, #tpu.memory_space<hbm>>
    tpu.enqueue_dma source(%dma_start3A_21 : memref<80xi32, #tpu.memory_space<hbm>>) target(%arg13 : memref<80xi32, #tpu.memory_space<vmem>>) target_semaphore(%arg34 : memref<!tpu.dma_semaphore, #tpu.memory_space<semaphore_mem>>)
    %add3A_22 = arith.constant 160 : i32
    %add3A_23 = arith.addi %mul3A_2, %add3A_22 : i32
    %dma_start3A_24 = tpu.memref_slice %arg3[%add3A_23] : memref<320000xi32, #tpu.memory_space<hbm>> -> memref<80xi32, #tpu.memory_space<hbm>>
    %dma_start3A_25 = tpu.memref_slice %arg3[%add3A_23] : memref<320000xi32, #tpu.memory_space<hbm>> -> memref<80xi32, #tpu.memory_space<hbm>>
    tpu.enqueue_dma source(%dma_start3A_25 : memref<80xi32, #tpu.memory_space<hbm>>) target(%arg8 : memref<80xi32, #tpu.memory_space<vmem>>) target_semaphore(%arg29 : memref<!tpu.dma_semaphore, #tpu.memory_space<semaphore_mem>>)
    %add3A_26 = arith.constant 160 : i32
    %add3A_27 = arith.addi %mul3A_2, %add3A_26 : i32
    %dma_start3A_28 = tpu.memref_slice %arg4[%add3A_27] : memref<320000xi32, #tpu.memory_space<hbm>> -> memref<80xi32, #tpu.memory_space<hbm>>
    %dma_start3A_29 = tpu.memref_slice %arg4[%add3A_27] : memref<320000xi32, #tpu.memory_space<hbm>> -> memref<80xi32, #tpu.memory_space<hbm>>
    tpu.enqueue_dma source(%dma_start3A_29 : memref<80xi32, #tpu.memory_space<hbm>>) target(%arg14 : memref<80xi32, #tpu.memory_space<vmem>>) target_semaphore(%arg35 : memref<!tpu.dma_semaphore, #tpu.memory_space<semaphore_mem>>)
    %add3A_30 = arith.constant 240 : i32
    %add3A_31 = arith.addi %mul3A_2, %add3A_30 : i32
    %dma_start3A_32 = tpu.memref_slice %arg3[%add3A_31] : memref<320000xi32, #tpu.memory_space<hbm>> -> memref<80xi32, #tpu.memory_space<hbm>>
    %dma_start3A_33 = tpu.memref_slice %arg3[%add3A_31] : memref<320000xi32, #tpu.memory_space<hbm>> -> memref<80xi32, #tpu.memory_space<hbm>>
    tpu.enqueue_dma source(%dma_start3A_33 : memref<80xi32, #tpu.memory_space<hbm>>) target(%arg9 : memref<80xi32, #tpu.memory_space<vmem>>) target_semaphore(%arg30 : memref<!tpu.dma_semaphore, #tpu.memory_space<semaphore_mem>>)
    %add3A_34 = arith.constant 240 : i32
    %add3A_35 = arith.addi %mul3A_2, %add3A_34 : i32
    %dma_start3A_36 = tpu.memref_slice %arg4[%add3A_35] : memref<320000xi32, #tpu.memory_space<hbm>> -> memref<80xi32, #tpu.memory_space<hbm>>
    %dma_start3A_37 = tpu.memref_slice %arg4[%add3A_35] : memref<320000xi32, #tpu.memory_space<hbm>> -> memref<80xi32, #tpu.memory_space<hbm>>
    tpu.enqueue_dma source(%dma_start3A_37 : memref<80xi32, #tpu.memory_space<hbm>>) target(%arg15 : memref<80xi32, #tpu.memory_space<vmem>>) target_semaphore(%arg36 : memref<!tpu.dma_semaphore, #tpu.memory_space<semaphore_mem>>)
    %add3A_38 = arith.constant 320 : i32
    %add3A_39 = arith.addi %mul3A_2, %add3A_38 : i32
    %dma_start3A_40 = tpu.memref_slice %arg3[%add3A_39] : memref<320000xi32, #tpu.memory_space<hbm>> -> memref<80xi32, #tpu.memory_space<hbm>>
    %dma_start3A_41 = tpu.memref_slice %arg3[%add3A_39] : memref<320000xi32, #tpu.memory_space<hbm>> -> memref<80xi32, #tpu.memory_space<hbm>>
    tpu.enqueue_dma source(%dma_start3A_41 : memref<80xi32, #tpu.memory_space<hbm>>) target(%arg10 : memref<80xi32, #tpu.memory_space<vmem>>) target_semaphore(%arg31 : memref<!tpu.dma_semaphore, #tpu.memory_space<semaphore_mem>>)
    %add3A_42 = arith.constant 320 : i32
    %add3A_43 = arith.addi %mul3A_2, %add3A_42 : i32
    %dma_start3A_44 = tpu.memref_slice %arg4[%add3A_43] : memref<320000xi32, #tpu.memory_space<hbm>> -> memref<80xi32, #tpu.memory_space<hbm>>
    %dma_start3A_45 = tpu.memref_slice %arg4[%add3A_43] : memref<320000xi32, #tpu.memory_space<hbm>> -> memref<80xi32, #tpu.memory_space<hbm>>
    tpu.enqueue_dma source(%dma_start3A_45 : memref<80xi32, #tpu.memory_space<hbm>>) target(%arg16 : memref<80xi32, #tpu.memory_space<vmem>>) target_semaphore(%arg37 : memref<!tpu.dma_semaphore, #tpu.memory_space<semaphore_mem>>)
    %add3A_46 = arith.constant 400 : i32
    %add3A_47 = arith.addi %mul3A_2, %add3A_46 : i32
    %dma_start3A_48 = tpu.memref_slice %arg3[%add3A_47] : memref<320000xi32, #tpu.memory_space<hbm>> -> memref<80xi32, #tpu.memory_space<hbm>>
    %dma_start3A_49 = tpu.memref_slice %arg3[%add3A_47] : memref<320000xi32, #tpu.memory_space<hbm>> -> memref<80xi32, #tpu.memory_space<hbm>>
    tpu.enqueue_dma source(%dma_start3A_49 : memref<80xi32, #tpu.memory_space<hbm>>) target(%arg11 : memref<80xi32, #tpu.memory_space<vmem>>) target_semaphore(%arg32 : memref<!tpu.dma_semaphore, #tpu.memory_space<semaphore_mem>>)
    %add3A_50 = arith.constant 400 : i32
    %add3A_51 = arith.addi %mul3A_2, %add3A_50 : i32
    %dma_start3A_52 = tpu.memref_slice %arg4[%add3A_51] : memref<320000xi32, #tpu.memory_space<hbm>> -> memref<80xi32, #tpu.memory_space<hbm>>
    %dma_start3A_53 = tpu.memref_slice %arg4[%add3A_51] : memref<320000xi32, #tpu.memory_space<hbm>> -> memref<80xi32, #tpu.memory_space<hbm>>
    tpu.enqueue_dma source(%dma_start3A_53 : memref<80xi32, #tpu.memory_space<hbm>>) target(%arg17 : memref<80xi32, #tpu.memory_space<vmem>>) target_semaphore(%arg38 : memref<!tpu.dma_semaphore, #tpu.memory_space<semaphore_mem>>)
    %dma_wait3A = arith.constant 0 : i32
    %dma_wait3A_54 = tpu.memref_slice %arg3[%dma_wait3A] : memref<320000xi32, #tpu.memory_space<hbm>> -> memref<80xi32, #tpu.memory_space<hbm>>
    %dma_wait3A_55 = arith.constant 0 : i32
    %dma_wait3A_56 = tpu.memref_slice %arg3[%dma_wait3A_55] : memref<320000xi32, #tpu.memory_space<hbm>> -> memref<80xi32, #tpu.memory_space<hbm>>
    tpu.wait_dma2 semaphore(%arg27 : memref<!tpu.dma_semaphore, #tpu.memory_space<semaphore_mem>>) src(%dma_wait3A_56 : memref<80xi32, #tpu.memory_space<hbm>>) dst(%arg6 : memref<80xi32, #tpu.memory_space<vmem>>)
    %dma_start3A_57 = arith.constant 0 : i32
    %dma_start3A_58 = arith.constant 0 : i32
    %dma_start3A_59 = arith.constant 0 : i32
    %dma_start3A_60 = tpu.memref_slice %arg18[%dma_start3A_57, %dma_start3A_58, %dma_start3A_59] : memref<3x80x128xf32, #tpu.memory_space<vmem>> -> memref<1x80x128xf32, #tpu.memory_space<vmem>>
    %dma_start3A_61 = tpu.memref_squeeze %dma_start3A_60 : memref<1x80x128xf32, #tpu.memory_space<vmem>> -> memref<80x128xf32, #tpu.memory_space<vmem>>
    %dma_start3A_62 = arith.constant 0 : i32
    %dma_start3A_63 = arith.constant 0 : i32
    %dma_start3A_64 = tpu.memref_slice %arg2[%dma_start3A_62, %dma_start3A_63] : memref<10000x128xf32, #tpu.memory_space<hbm>> -> memref<10000x128xf32, #tpu.memory_space<hbm>>
    tpu.enqueue_indirect_dma source(%dma_start3A_64 : memref<10000x128xf32, #tpu.memory_space<hbm>>) target(%dma_start3A_61 : memref<80x128xf32, #tpu.memory_space<vmem>>) offsets(%arg6 : memref<80xi32, #tpu.memory_space<vmem>>) semaphore(%arg21 : memref<!tpu.dma_semaphore, #tpu.memory_space<semaphore_mem>>)
    %dma_wait3A_65 = arith.constant 0 : i32
    %dma_wait3A_66 = tpu.memref_slice %arg3[%dma_wait3A_65] : memref<320000xi32, #tpu.memory_space<hbm>> -> memref<80xi32, #tpu.memory_space<hbm>>
    %dma_wait3A_67 = arith.constant 0 : i32
    %dma_wait3A_68 = tpu.memref_slice %arg3[%dma_wait3A_67] : memref<320000xi32, #tpu.memory_space<hbm>> -> memref<80xi32, #tpu.memory_space<hbm>>
    tpu.wait_dma2 semaphore(%arg28 : memref<!tpu.dma_semaphore, #tpu.memory_space<semaphore_mem>>) src(%dma_wait3A_68 : memref<80xi32, #tpu.memory_space<hbm>>) dst(%arg7 : memref<80xi32, #tpu.memory_space<vmem>>)
    %dma_start3A_69 = arith.constant 1 : i32
    %dma_start3A_70 = arith.constant 0 : i32
    %dma_start3A_71 = arith.constant 0 : i32
    %dma_start3A_72 = tpu.memref_slice %arg18[%dma_start3A_69, %dma_start3A_70, %dma_start3A_71] : memref<3x80x128xf32, #tpu.memory_space<vmem>> -> memref<1x80x128xf32, #tpu.memory_space<vmem>>
    %dma_start3A_73 = tpu.memref_squeeze %dma_start3A_72 : memref<1x80x128xf32, #tpu.memory_space<vmem>> -> memref<80x128xf32, #tpu.memory_space<vmem>>
    %dma_start3A_74 = arith.constant 0 : i32
    %dma_start3A_75 = arith.constant 0 : i32
    %dma_start3A_76 = tpu.memref_slice %arg2[%dma_start3A_74, %dma_start3A_75] : memref<10000x128xf32, #tpu.memory_space<hbm>> -> memref<10000x128xf32, #tpu.memory_space<hbm>>
    tpu.enqueue_indirect_dma source(%dma_start3A_76 : memref<10000x128xf32, #tpu.memory_space<hbm>>) target(%dma_start3A_73 : memref<80x128xf32, #tpu.memory_space<vmem>>) offsets(%arg7 : memref<80xi32, #tpu.memory_space<vmem>>) semaphore(%arg22 : memref<!tpu.dma_semaphore, #tpu.memory_space<semaphore_mem>>)
    %dma_wait3A_77 = arith.constant 0 : i32
    %dma_wait3A_78 = tpu.memref_slice %arg3[%dma_wait3A_77] : memref<320000xi32, #tpu.memory_space<hbm>> -> memref<80xi32, #tpu.memory_space<hbm>>
    %dma_wait3A_79 = arith.constant 0 : i32
    %dma_wait3A_80 = tpu.memref_slice %arg3[%dma_wait3A_79] : memref<320000xi32, #tpu.memory_space<hbm>> -> memref<80xi32, #tpu.memory_space<hbm>>
    tpu.wait_dma2 semaphore(%arg29 : memref<!tpu.dma_semaphore, #tpu.memory_space<semaphore_mem>>) src(%dma_wait3A_80 : memref<80xi32, #tpu.memory_space<hbm>>) dst(%arg8 : memref<80xi32, #tpu.memory_space<vmem>>)
    %dma_start3A_81 = arith.constant 2 : i32
    %dma_start3A_82 = arith.constant 0 : i32
    %dma_start3A_83 = arith.constant 0 : i32
    %dma_start3A_84 = tpu.memref_slice %arg18[%dma_start3A_81, %dma_start3A_82, %dma_start3A_83] : memref<3x80x128xf32, #tpu.memory_space<vmem>> -> memref<1x80x128xf32, #tpu.memory_space<vmem>>
    %dma_start3A_85 = tpu.memref_squeeze %dma_start3A_84 : memref<1x80x128xf32, #tpu.memory_space<vmem>> -> memref<80x128xf32, #tpu.memory_space<vmem>>
    %dma_start3A_86 = arith.constant 0 : i32
    %dma_start3A_87 = arith.constant 0 : i32
    %dma_start3A_88 = tpu.memref_slice %arg2[%dma_start3A_86, %dma_start3A_87] : memref<10000x128xf32, #tpu.memory_space<hbm>> -> memref<10000x128xf32, #tpu.memory_space<hbm>>
    tpu.enqueue_indirect_dma source(%dma_start3A_88 : memref<10000x128xf32, #tpu.memory_space<hbm>>) target(%dma_start3A_85 : memref<80x128xf32, #tpu.memory_space<vmem>>) offsets(%arg8 : memref<80xi32, #tpu.memory_space<vmem>>) semaphore(%arg23 : memref<!tpu.dma_semaphore, #tpu.memory_space<semaphore_mem>>)
    %broadcast_in_dim3A = arith.constant 0.000000e+00 : f32
    %broadcast_in_dim3A_89 = vector.broadcast %broadcast_in_dim3A : f32 to vector<16xf32>
    %swap3A = arith.constant 0 : i32
    %swap3A_90 = arith.index_cast %swap3A : i32 to index
    %swap3A_91 = arith.constant 0 : index
    %swap3A_92 = tpu.vector_load %arg19[%swap3A_90, %swap3A_91] {strides = array<i32>} : memref<8x128xf32, #tpu.memory_space<vmem>>, vector<1x16xf32>,
    %swap3A_93 = vector.shape_cast %swap3A_92 : vector<1x16xf32> to vector<16xf32>
    %swap3A_94 = vector.shape_cast %broadcast_in_dim3A_89 : vector<16xf32> to vector<1x16xf32>
    tpu.vector_store %arg19[%swap3A_90, %swap3A_91], %swap3A_94 {strides = array<i32>} : memref<8x128xf32, #tpu.memory_space<vmem>>, vector<1x16xf32>,
    %swap3A_95 = arith.constant 0 : i32
    %swap3A_96 = arith.index_cast %swap3A_95 : i32 to index
    %swap3A_97 = arith.constant 16 : index
    %swap3A_98 = tpu.vector_load %arg19[%swap3A_96, %swap3A_97] {strides = array<i32>} : memref<8x128xf32, #tpu.memory_space<vmem>>, vector<1x16xf32>,
    %swap3A_99 = vector.shape_cast %swap3A_98 : vector<1x16xf32> to vector<16xf32>
    %swap3A_100 = vector.shape_cast %broadcast_in_dim3A_89 : vector<16xf32> to vector<1x16xf32>
    tpu.vector_store %arg19[%swap3A_96, %swap3A_97], %swap3A_100 {strides = array<i32>} : memref<8x128xf32, #tpu.memory_space<vmem>>, vector<1x16xf32>,
    %swap3A_101 = arith.constant 0 : i32
    %swap3A_102 = arith.index_cast %swap3A_101 : i32 to index
    %swap3A_103 = arith.constant 32 : index
    %swap3A_104 = tpu.vector_load %arg19[%swap3A_102, %swap3A_103] {strides = array<i32>} : memref<8x128xf32, #tpu.memory_space<vmem>>, vector<1x16xf32>,
    %swap3A_105 = vector.shape_cast %swap3A_104 : vector<1x16xf32> to vector<16xf32>
    %swap3A_106 = vector.shape_cast %broadcast_in_dim3A_89 : vector<16xf32> to vector<1x16xf32>
    tpu.vector_store %arg19[%swap3A_102, %swap3A_103], %swap3A_106 {strides = array<i32>} : memref<8x128xf32, #tpu.memory_space<vmem>>, vector<1x16xf32>,
    %swap3A_107 = arith.constant 0 : i32
    %swap3A_108 = arith.index_cast %swap3A_107 : i32 to index
    %swap3A_109 = arith.constant 48 : index
    %swap3A_110 = tpu.vector_load %arg19[%swap3A_108, %swap3A_109] {strides = array<i32>} : memref<8x128xf32, #tpu.memory_space<vmem>>, vector<1x16xf32>,
    %swap3A_111 = vector.shape_cast %swap3A_110 : vector<1x16xf32> to vector<16xf32>
    %swap3A_112 = vector.shape_cast %broadcast_in_dim3A_89 : vector<16xf32> to vector<1x16xf32>
    tpu.vector_store %arg19[%swap3A_108, %swap3A_109], %swap3A_112 {strides = array<i32>} : memref<8x128xf32, #tpu.memory_space<vmem>>, vector<1x16xf32>,
    %swap3A_113 = arith.constant 0 : i32
    %swap3A_114 = arith.index_cast %swap3A_113 : i32 to index
    %swap3A_115 = arith.constant 64 : index
    %swap3A_116 = tpu.vector_load %arg19[%swap3A_114, %swap3A_115] {strides = array<i32>} : memref<8x128xf32, #tpu.memory_space<vmem>>, vector<1x16xf32>,
    %swap3A_117 = vector.shape_cast %swap3A_116 : vector<1x16xf32> to vector<16xf32>
    %swap3A_118 = vector.shape_cast %broadcast_in_dim3A_89 : vector<16xf32> to vector<1x16xf32>
    tpu.vector_store %arg19[%swap3A_114, %swap3A_115], %swap3A_118 {strides = array<i32>} : memref<8x128xf32, #tpu.memory_space<vmem>>, vector<1x16xf32>,
    %swap3A_119 = arith.constant 0 : i32
    %swap3A_120 = arith.index_cast %swap3A_119 : i32 to index
    %swap3A_121 = arith.constant 80 : index
    %swap3A_122 = tpu.vector_load %arg19[%swap3A_120, %swap3A_121] {strides = array<i32>} : memref<8x128xf32, #tpu.memory_space<vmem>>, vector<1x16xf32>,
    %swap3A_123 = vector.shape_cast %swap3A_122 : vector<1x16xf32> to vector<16xf32>
    %swap3A_124 = vector.shape_cast %broadcast_in_dim3A_89 : vector<16xf32> to vector<1x16xf32>
    tpu.vector_store %arg19[%swap3A_120, %swap3A_121], %swap3A_124 {strides = array<i32>} : memref<8x128xf32, #tpu.memory_space<vmem>>, vector<1x16xf32>,
    %swap3A_125 = arith.constant 0 : i32
    %swap3A_126 = arith.index_cast %swap3A_125 : i32 to index
    %swap3A_127 = arith.constant 96 : index
    %swap3A_128 = tpu.vector_load %arg19[%swap3A_126, %swap3A_127] {strides = array<i32>} : memref<8x128xf32, #tpu.memory_space<vmem>>, vector<1x16xf32>,
    %swap3A_129 = vector.shape_cast %swap3A_128 : vector<1x16xf32> to vector<16xf32>
    %swap3A_130 = vector.shape_cast %broadcast_in_dim3A_89 : vector<16xf32> to vector<1x16xf32>
    tpu.vector_store %arg19[%swap3A_126, %swap3A_127], %swap3A_130 {strides = array<i32>} : memref<8x128xf32, #tpu.memory_space<vmem>>, vector<1x16xf32>,
    %swap3A_131 = arith.constant 0 : i32
    %swap3A_132 = arith.index_cast %swap3A_131 : i32 to index
    %swap3A_133 = arith.constant 112 : index
    %swap3A_134 = tpu.vector_load %arg19[%swap3A_132, %swap3A_133] {strides = array<i32>} : memref<8x128xf32, #tpu.memory_space<vmem>>, vector<1x16xf32>,
    %swap3A_135 = vector.shape_cast %swap3A_134 : vector<1x16xf32> to vector<16xf32>
    %swap3A_136 = vector.shape_cast %broadcast_in_dim3A_89 : vector<16xf32> to vector<1x16xf32>
    tpu.vector_store %arg19[%swap3A_132, %swap3A_133], %swap3A_136 {strides = array<i32>} : memref<8x128xf32, #tpu.memory_space<vmem>>, vector<1x16xf32>,
    %swap3A_137 = arith.constant 1 : i32
    %swap3A_138 = arith.index_cast %swap3A_137 : i32 to index
    %swap3A_139 = arith.constant 0 : index
    %swap3A_140 = tpu.vector_load %arg19[%swap3A_138, %swap3A_139] {strides = array<i32>} : memref<8x128xf32, #tpu.memory_space<vmem>>, vector<1x16xf32>,
    %swap3A_141 = vector.shape_cast %swap3A_140 : vector<1x16xf32> to vector<16xf32>
    %swap3A_142 = vector.shape_cast %broadcast_in_dim3A_89 : vector<16xf32> to vector<1x16xf32>
    tpu.vector_store %arg19[%swap3A_138, %swap3A_139], %swap3A_142 {strides = array<i32>} : memref<8x128xf32, #tpu.memory_space<vmem>>, vector<1x16xf32>,
    %swap3A_143 = arith.constant 1 : i32
    %swap3A_144 = arith.index_cast %swap3A_143 : i32 to index
    %swap3A_145 = arith.constant 16 : index
    %swap3A_146 = tpu.vector_load %arg19[%swap3A_144, %swap3A_145] {strides = array<i32>} : memref<8x128xf32, #tpu.memory_space<vmem>>, vector<1x16xf32>,
    %swap3A_147 = vector.shape_cast %swap3A_146 : vector<1x16xf32> to vector<16xf32>
    %swap3A_148 = vector.shape_cast %broadcast_in_dim3A_89 : vector<16xf32> to vector<1x16xf32>
    tpu.vector_store %arg19[%swap3A_144, %swap3A_145], %swap3A_148 {strides = array<i32>} : memref<8x128xf32, #tpu.memory_space<vmem>>, vector<1x16xf32>,
    %swap3A_149 = arith.constant 1 : i32
    %swap3A_150 = arith.index_cast %swap3A_149 : i32 to index
    %swap3A_151 = arith.constant 32 : index
    %swap3A_152 = tpu.vector_load %arg19[%swap3A_150, %swap3A_151] {strides = array<i32>} : memref<8x128xf32, #tpu.memory_space<vmem>>, vector<1x16xf32>,
    %swap3A_153 = vector.shape_cast %swap3A_152 : vector<1x16xf32> to vector<16xf32>
    %swap3A_154 = vector.shape_cast %broadcast_in_dim3A_89 : vector<16xf32> to vector<1x16xf32>
    tpu.vector_store %arg19[%swap3A_150, %swap3A_151], %swap3A_154 {strides = array<i32>} : memref<8x128xf32, #tpu.memory_space<vmem>>, vector<1x16xf32>,
    %swap3A_155 = arith.constant 1 : i32
    %swap3A_156 = arith.index_cast %swap3A_155 : i32 to index
    %swap3A_157 = arith.constant 48 : index
    %swap3A_158 = tpu.vector_load %arg19[%swap3A_156, %swap3A_157] {strides = array<i32>} : memref<8x128xf32, #tpu.memory_space<vmem>>, vector<1x16xf32>,
    %swap3A_159 = vector.shape_cast %swap3A_158 : vector<1x16xf32> to vector<16xf32>
    %swap3A_160 = vector.shape_cast %broadcast_in_dim3A_89 : vector<16xf32> to vector<1x16xf32>
    tpu.vector_store %arg19[%swap3A_156, %swap3A_157], %swap3A_160 {strides = array<i32>} : memref<8x128xf32, #tpu.memory_space<vmem>>, vector<1x16xf32>,
    %swap3A_161 = arith.constant 1 : i32
    %swap3A_162 = arith.index_cast %swap3A_161 : i32 to index
    %swap3A_163 = arith.constant 64 : index
    %swap3A_164 = tpu.vector_load %arg19[%swap3A_162, %swap3A_163] {strides = array<i32>} : memref<8x128xf32, #tpu.memory_space<vmem>>, vector<1x16xf32>,
    %swap3A_165 = vector.shape_cast %swap3A_164 : vector<1x16xf32> to vector<16xf32>
    %swap3A_166 = vector.shape_cast %broadcast_in_dim3A_89 : vector<16xf32> to vector<1x16xf32>
    tpu.vector_store %arg19[%swap3A_162, %swap3A_163], %swap3A_166 {strides = array<i32>} : memref<8x128xf32, #tpu.memory_space<vmem>>, vector<1x16xf32>,
    %swap3A_167 = arith.constant 1 : i32
    %swap3A_168 = arith.index_cast %swap3A_167 : i32 to index
    %swap3A_169 = arith.constant 80 : index
    %swap3A_170 = tpu.vector_load %arg19[%swap3A_168, %swap3A_169] {strides = array<i32>} : memref<8x128xf32, #tpu.memory_space<vmem>>, vector<1x16xf32>,
    %swap3A_171 = vector.shape_cast %swap3A_170 : vector<1x16xf32> to vector<16xf32>
    %swap3A_172 = vector.shape_cast %broadcast_in_dim3A_89 : vector<16xf32> to vector<1x16xf32>
    tpu.vector_store %arg19[%swap3A_168, %swap3A_169], %swap3A_172 {strides = array<i32>} : memref<8x128xf32, #tpu.memory_space<vmem>>, vector<1x16xf32>,
    %swap3A_173 = arith.constant 1 : i32
    %swap3A_174 = arith.index_cast %swap3A_173 : i32 to index
    %swap3A_175 = arith.constant 96 : index
    %swap3A_176 = tpu.vector_load %arg19[%swap3A_174, %swap3A_175] {strides = array<i32>} : memref<8x128xf32, #tpu.memory_space<vmem>>, vector<1x16xf32>,
    %swap3A_177 = vector.shape_cast %swap3A_176 : vector<1x16xf32> to vector<16xf32>
    %swap3A_178 = vector.shape_cast %broadcast_in_dim3A_89 : vector<16xf32> to vector<1x16xf32>
    tpu.vector_store %arg19[%swap3A_174, %swap3A_175], %swap3A_178 {strides = array<i32>} : memref<8x128xf32, #tpu.memory_space<vmem>>, vector<1x16xf32>,
    %swap3A_179 = arith.constant 1 : i32
    %swap3A_180 = arith.index_cast %swap3A_179 : i32 to index
    %swap3A_181 = arith.constant 112 : index
    %swap3A_182 = tpu.vector_load %arg19[%swap3A_180, %swap3A_181] {strides = array<i32>} : memref<8x128xf32, #tpu.memory_space<vmem>>, vector<1x16xf32>,
    %swap3A_183 = vector.shape_cast %swap3A_182 : vector<1x16xf32> to vector<16xf32>
    %swap3A_184 = vector.shape_cast %broadcast_in_dim3A_89 : vector<16xf32> to vector<1x16xf32>
    tpu.vector_store %arg19[%swap3A_180, %swap3A_181], %swap3A_184 {strides = array<i32>} : memref<8x128xf32, #tpu.memory_space<vmem>>, vector<1x16xf32>,
    %swap3A_185 = arith.constant 2 : i32
    %swap3A_186 = arith.index_cast %swap3A_185 : i32 to index
    %swap3A_187 = arith.constant 0 : index
    %swap3A_188 = tpu.vector_load %arg19[%swap3A_186, %swap3A_187] {strides = array<i32>} : memref<8x128xf32, #tpu.memory_space<vmem>>, vector<1x16xf32>,
    %swap3A_189 = vector.shape_cast %swap3A_188 : vector<1x16xf32> to vector<16xf32>
    %swap3A_190 = vector.shape_cast %broadcast_in_dim3A_89 : vector<16xf32> to vector<1x16xf32>
    tpu.vector_store %arg19[%swap3A_186, %swap3A_187], %swap3A_190 {strides = array<i32>} : memref<8x128xf32, #tpu.memory_space<vmem>>, vector<1x16xf32>,
    %swap3A_191 = arith.constant 2 : i32
    %swap3A_192 = arith.index_cast %swap3A_191 : i32 to index
    %swap3A_193 = arith.constant 16 : index
    %swap3A_194 = tpu.vector_load %arg19[%swap3A_192, %swap3A_193] {strides = array<i32>} : memref<8x128xf32, #tpu.memory_space<vmem>>, vector<1x16xf32>,
    %swap3A_195 = vector.shape_cast %swap3A_194 : vector<1x16xf32> to vector<16xf32>
    %swap3A_196 = vector.shape_cast %broadcast_in_dim3A_89 : vector<16xf32> to vector<1x16xf32>
    tpu.vector_store %arg19[%swap3A_192, %swap3A_193], %swap3A_196 {strides = array<i32>} : memref<8x128xf32, #tpu.memory_space<vmem>>, vector<1x16xf32>,
    %swap3A_197 = arith.constant 2 : i32
    %swap3A_198 = arith.index_cast %swap3A_197 : i32 to index
    %swap3A_199 = arith.constant 32 : index
    %swap3A_200 = tpu.vector_load %arg19[%swap3A_198, %swap3A_199] {strides = array<i32>} : memref<8x128xf32, #tpu.memory_space<vmem>>, vector<1x16xf32>,
    %swap3A_201 = vector.shape_cast %swap3A_200 : vector<1x16xf32> to vector<16xf32>
    %swap3A_202 = vector.shape_cast %broadcast_in_dim3A_89 : vector<16xf32> to vector<1x16xf32>
    tpu.vector_store %arg19[%swap3A_198, %swap3A_199], %swap3A_202 {strides = array<i32>} : memref<8x128xf32, #tpu.memory_space<vmem>>, vector<1x16xf32>,
    %swap3A_203 = arith.constant 2 : i32
    %swap3A_204 = arith.index_cast %swap3A_203 : i32 to index
    %swap3A_205 = arith.constant 48 : index
    %swap3A_206 = tpu.vector_load %arg19[%swap3A_204, %swap3A_205] {strides = array<i32>} : memref<8x128xf32, #tpu.memory_space<vmem>>, vector<1x16xf32>,
    %swap3A_207 = vector.shape_cast %swap3A_206 : vector<1x16xf32> to vector<16xf32>
    %swap3A_208 = vector.shape_cast %broadcast_in_dim3A_89 : vector<16xf32> to vector<1x16xf32>
    tpu.vector_store %arg19[%swap3A_204, %swap3A_205], %swap3A_208 {strides = array<i32>} : memref<8x128xf32, #tpu.memory_space<vmem>>, vector<1x16xf32>,
    %swap3A_209 = arith.constant 2 : i32
    %swap3A_210 = arith.index_cast %swap3A_209 : i32 to index
    %swap3A_211 = arith.constant 64 : index
    %swap3A_212 = tpu.vector_load %arg19[%swap3A_210, %swap3A_211] {strides = array<i32>} : memref<8x128xf32, #tpu.memory_space<vmem>>, vector<1x16xf32>,
    %swap3A_213 = vector.shape_cast %swap3A_212 : vector<1x16xf32> to vector<16xf32>
    %swap3A_214 = vector.shape_cast %broadcast_in_dim3A_89 : vector<16xf32> to vector<1x16xf32>
    tpu.vector_store %arg19[%swap3A_210, %swap3A_211], %swap3A_214 {strides = array<i32>} : memref<8x128xf32, #tpu.memory_space<vmem>>, vector<1x16xf32>,
    %swap3A_215 = arith.constant 2 : i32
    %swap3A_216 = arith.index_cast %swap3A_215 : i32 to index
    %swap3A_217 = arith.constant 80 : index
    %swap3A_218 = tpu.vector_load %arg19[%swap3A_216, %swap3A_217] {strides = array<i32>} : memref<8x128xf32, #tpu.memory_space<vmem>>, vector<1x16xf32>,
    %swap3A_219 = vector.shape_cast %swap3A_218 : vector<1x16xf32> to vector<16xf32>
    %swap3A_220 = vector.shape_cast %broadcast_in_dim3A_89 : vector<16xf32> to vector<1x16xf32>
    tpu.vector_store %arg19[%swap3A_216, %swap3A_217], %swap3A_220 {strides = array<i32>} : memref<8x128xf32, #tpu.memory_space<vmem>>, vector<1x16xf32>,
    %swap3A_221 = arith.constant 2 : i32
    %swap3A_222 = arith.index_cast %swap3A_221 : i32 to index
    %swap3A_223 = arith.constant 96 : index
    %swap3A_224 = tpu.vector_load %arg19[%swap3A_222, %swap3A_223] {strides = array<i32>} : memref<8x128xf32, #tpu.memory_space<vmem>>, vector<1x16xf32>,
    %swap3A_225 = vector.shape_cast %swap3A_224 : vector<1x16xf32> to vector<16xf32>
    %swap3A_226 = vector.shape_cast %broadcast_in_dim3A_89 : vector<16xf32> to vector<1x16xf32>
    tpu.vector_store %arg19[%swap3A_222, %swap3A_223], %swap3A_226 {strides = array<i32>} : memref<8x128xf32, #tpu.memory_space<vmem>>, vector<1x16xf32>,
    %swap3A_227 = arith.constant 2 : i32
    %swap3A_228 = arith.index_cast %swap3A_227 : i32 to index
    %swap3A_229 = arith.constant 112 : index
    %swap3A_230 = tpu.vector_load %arg19[%swap3A_228, %swap3A_229] {strides = array<i32>} : memref<8x128xf32, #tpu.memory_space<vmem>>, vector<1x16xf32>,
    %swap3A_231 = vector.shape_cast %swap3A_230 : vector<1x16xf32> to vector<16xf32>
    %swap3A_232 = vector.shape_cast %broadcast_in_dim3A_89 : vector<16xf32> to vector<1x16xf32>
    tpu.vector_store %arg19[%swap3A_228, %swap3A_229], %swap3A_232 {strides = array<i32>} : memref<8x128xf32, #tpu.memory_space<vmem>>, vector<1x16xf32>,
    %swap3A_233 = arith.constant 3 : i32
    %swap3A_234 = arith.index_cast %swap3A_233 : i32 to index
    %swap3A_235 = arith.constant 0 : index
    %swap3A_236 = tpu.vector_load %arg19[%swap3A_234, %swap3A_235] {strides = array<i32>} : memref<8x128xf32, #tpu.memory_space<vmem>>, vector<1x16xf32>,
    %swap3A_237 = vector.shape_cast %swap3A_236 : vector<1x16xf32> to vector<16xf32>
    %swap3A_238 = vector.shape_cast %broadcast_in_dim3A_89 : vector<16xf32> to vector<1x16xf32>
    tpu.vector_store %arg19[%swap3A_234, %swap3A_235], %swap3A_238 {strides = array<i32>} : memref<8x128xf32, #tpu.memory_space<vmem>>, vector<1x16xf32>,
    %swap3A_239 = arith.constant 3 : i32
    %swap3A_240 = arith.index_cast %swap3A_239 : i32 to index
    %swap3A_241 = arith.constant 16 : index
    %swap3A_242 = tpu.vector_load %arg19[%swap3A_240, %swap3A_241] {strides = array<i32>} : memref<8x128xf32, #tpu.memory_space<vmem>>, vector<1x16xf32>,
    %swap3A_243 = vector.shape_cast %swap3A_242 : vector<1x16xf32> to vector<16xf32>
    %swap3A_244 = vector.shape_cast %broadcast_in_dim3A_89 : vector<16xf32> to vector<1x16xf32>
    tpu.vector_store %arg19[%swap3A_240, %swap3A_241], %swap3A_244 {strides = array<i32>} : memref<8x128xf32, #tpu.memory_space<vmem>>, vector<1x16xf32>,
    %swap3A_245 = arith.constant 3 : i32
    %swap3A_246 = arith.index_cast %swap3A_245 : i32 to index
    %swap3A_247 = arith.constant 32 : index
    %swap3A_248 = tpu.vector_load %arg19[%swap3A_246, %swap3A_247] {strides = array<i32>} : memref<8x128xf32, #tpu.memory_space<vmem>>, vector<1x16xf32>,
    %swap3A_249 = vector.shape_cast %swap3A_248 : vector<1x16xf32> to vector<16xf32>
    %swap3A_250 = vector.shape_cast %broadcast_in_dim3A_89 : vector<16xf32> to vector<1x16xf32>
    tpu.vector_store %arg19[%swap3A_246, %swap3A_247], %swap3A_250 {strides = array<i32>} : memref<8x128xf32, #tpu.memory_space<vmem>>, vector<1x16xf32>,
    %swap3A_251 = arith.constant 3 : i32
    %swap3A_252 = arith.index_cast %swap3A_251 : i32 to index
    %swap3A_253 = arith.constant 48 : index
    %swap3A_254 = tpu.vector_load %arg19[%swap3A_252, %swap3A_253] {strides = array<i32>} : memref<8x128xf32, #tpu.memory_space<vmem>>, vector<1x16xf32>,
    %swap3A_255 = vector.shape_cast %swap3A_254 : vector<1x16xf32> to vector<16xf32>
    %swap3A_256 = vector.shape_cast %broadcast_in_dim3A_89 : vector<16xf32> to vector<1x16xf32>
    tpu.vector_store %arg19[%swap3A_252, %swap3A_253], %swap3A_256 {strides = array<i32>} : memref<8x128xf32, #tpu.memory_space<vmem>>, vector<1x16xf32>,
    %swap3A_257 = arith.constant 3 : i32
    %swap3A_258 = arith.index_cast %swap3A_257 : i32 to index
    %swap3A_259 = arith.constant 64 : index
    %swap3A_260 = tpu.vector_load %arg19[%swap3A_258, %swap3A_259] {strides = array<i32>} : memref<8x128xf32, #tpu.memory_space<vmem>>, vector<1x16xf32>,
    %swap3A_261 = vector.shape_cast %swap3A_260 : vector<1x16xf32> to vector<16xf32>
    %swap3A_262 = vector.shape_cast %broadcast_in_dim3A_89 : vector<16xf32> to vector<1x16xf32>
    tpu.vector_store %arg19[%swap3A_258, %swap3A_259], %swap3A_262 {strides = array<i32>} : memref<8x128xf32, #tpu.memory_space<vmem>>, vector<1x16xf32>,
    %swap3A_263 = arith.constant 3 : i32
    %swap3A_264 = arith.index_cast %swap3A_263 : i32 to index
    %swap3A_265 = arith.constant 80 : index
    %swap3A_266 = tpu.vector_load %arg19[%swap3A_264, %swap3A_265] {strides = array<i32>} : memref<8x128xf32, #tpu.memory_space<vmem>>, vector<1x16xf32>,
    %swap3A_267 = vector.shape_cast %swap3A_266 : vector<1x16xf32> to vector<16xf32>
    %swap3A_268 = vector.shape_cast %broadcast_in_dim3A_89 : vector<16xf32> to vector<1x16xf32>
    tpu.vector_store %arg19[%swap3A_264, %swap3A_265], %swap3A_268 {strides = array<i32>} : memref<8x128xf32, #tpu.memory_space<vmem>>, vector<1x16xf32>,
    %swap3A_269 = arith.constant 3 : i32
    %swap3A_270 = arith.index_cast %swap3A_269 : i32 to index
    %swap3A_271 = arith.constant 96 : index
    %swap3A_272 = tpu.vector_load %arg19[%swap3A_270, %swap3A_271] {strides = array<i32>} : memref<8x128xf32, #tpu.memory_space<vmem>>, vector<1x16xf32>,
    %swap3A_273 = vector.shape_cast %swap3A_272 : vector<1x16xf32> to vector<16xf32>
    %swap3A_274 = vector.shape_cast %broadcast_in_dim3A_89 : vector<16xf32> to vector<1x16xf32>
    tpu.vector_store %arg19[%swap3A_270, %swap3A_271], %swap3A_274 {strides = array<i32>} : memref<8x128xf32, #tpu.memory_space<vmem>>, vector<1x16xf32>,
    %swap3A_275 = arith.constant 3 : i32
    %swap3A_276 = arith.index_cast %swap3A_275 : i32 to index
    %swap3A_277 = arith.constant 112 : index
    %swap3A_278 = tpu.vector_load %arg19[%swap3A_276, %swap3A_277] {strides = array<i32>} : memref<8x128xf32, #tpu.memory_space<vmem>>, vector<1x16xf32>,
    %swap3A_279 = vector.shape_cast %swap3A_278 : vector<1x16xf32> to vector<16xf32>
    %swap3A_280 = vector.shape_cast %broadcast_in_dim3A_89 : vector<16xf32> to vector<1x16xf32>
    tpu.vector_store %arg19[%swap3A_276, %swap3A_277], %swap3A_280 {strides = array<i32>} : memref<8x128xf32, #tpu.memory_space<vmem>>, vector<1x16xf32>,
    %swap3A_281 = arith.constant 4 : i32
    %swap3A_282 = arith.index_cast %swap3A_281 : i32 to index
    %swap3A_283 = arith.constant 0 : index
    %swap3A_284 = tpu.vector_load %arg19[%swap3A_282, %swap3A_283] {strides = array<i32>} : memref<8x128xf32, #tpu.memory_space<vmem>>, vector<1x16xf32>,
    %swap3A_285 = vector.shape_cast %swap3A_284 : vector<1x16xf32> to vector<16xf32>
    %swap3A_286 = vector.shape_cast %broadcast_in_dim3A_89 : vector<16xf32> to vector<1x16xf32>
    tpu.vector_store %arg19[%swap3A_282, %swap3A_283], %swap3A_286 {strides = array<i32>} : memref<8x128xf32, #tpu.memory_space<vmem>>, vector<1x16xf32>,
    %swap3A_287 = arith.constant 4 : i32
    %swap3A_288 = arith.index_cast %swap3A_287 : i32 to index
    %swap3A_289 = arith.constant 16 : index
    %swap3A_290 = tpu.vector_load %arg19[%swap3A_288, %swap3A_289] {strides = array<i32>} : memref<8x128xf32, #tpu.memory_space<vmem>>, vector<1x16xf32>,
    %swap3A_291 = vector.shape_cast %swap3A_290 : vector<1x16xf32> to vector<16xf32>
    %swap3A_292 = vector.shape_cast %broadcast_in_dim3A_89 : vector<16xf32> to vector<1x16xf32>
    tpu.vector_store %arg19[%swap3A_288, %swap3A_289], %swap3A_292 {strides = array<i32>} : memref<8x128xf32, #tpu.memory_space<vmem>>, vector<1x16xf32>,
    %swap3A_293 = arith.constant 4 : i32
    %swap3A_294 = arith.index_cast %swap3A_293 : i32 to index
    %swap3A_295 = arith.constant 32 : index
    %swap3A_296 = tpu.vector_load %arg19[%swap3A_294, %swap3A_295] {strides = array<i32>} : memref<8x128xf32, #tpu.memory_space<vmem>>, vector<1x16xf32>,
    %swap3A_297 = vector.shape_cast %swap3A_296 : vector<1x16xf32> to vector<16xf32>
    %swap3A_298 = vector.shape_cast %broadcast_in_dim3A_89 : vector<16xf32> to vector<1x16xf32>
    tpu.vector_store %arg19[%swap3A_294, %swap3A_295], %swap3A_298 {strides = array<i32>} : memref<8x128xf32, #tpu.memory_space<vmem>>, vector<1x16xf32>,
    %swap3A_299 = arith.constant 4 : i32
    %swap3A_300 = arith.index_cast %swap3A_299 : i32 to index
    %swap3A_301 = arith.constant 48 : index
    %swap3A_302 = tpu.vector_load %arg19[%swap3A_300, %swap3A_301] {strides = array<i32>} : memref<8x128xf32, #tpu.memory_space<vmem>>, vector<1x16xf32>,
    %swap3A_303 = vector.shape_cast %swap3A_302 : vector<1x16xf32> to vector<16xf32>
    %swap3A_304 = vector.shape_cast %broadcast_in_dim3A_89 : vector<16xf32> to vector<1x16xf32>
    tpu.vector_store %arg19[%swap3A_300, %swap3A_301], %swap3A_304 {strides = array<i32>} : memref<8x128xf32, #tpu.memory_space<vmem>>, vector<1x16xf32>,
    %swap3A_305 = arith.constant 4 : i32
    %swap3A_306 = arith.index_cast %swap3A_305 : i32 to index
    %swap3A_307 = arith.constant 64 : index
    %swap3A_308 = tpu.vector_load %arg19[%swap3A_306, %swap3A_307] {strides = array<i32>} : memref<8x128xf32, #tpu.memory_space<vmem>>, vector<1x16xf32>,
    %swap3A_309 = vector.shape_cast %swap3A_308 : vector<1x16xf32> to vector<16xf32>
    %swap3A_310 = vector.shape_cast %broadcast_in_dim3A_89 : vector<16xf32> to vector<1x16xf32>
    tpu.vector_store %arg19[%swap3A_306, %swap3A_307], %swap3A_310 {strides = array<i32>} : memref<8x128xf32, #tpu.memory_space<vmem>>, vector<1x16xf32>,
    %swap3A_311 = arith.constant 4 : i32
    %swap3A_312 = arith.index_cast %swap3A_311 : i32 to index
    %swap3A_313 = arith.constant 80 : index
    %swap3A_314 = tpu.vector_load %arg19[%swap3A_312, %swap3A_313] {strides = array<i32>} : memref<8x128xf32, #tpu.memory_space<vmem>>, vector<1x16xf32>,
    %swap3A_315 = vector.shape_cast %swap3A_314 : vector<1x16xf32> to vector<16xf32>
    %swap3A_316 = vector.shape_cast %broadcast_in_dim3A_89 : vector<16xf32> to vector<1x16xf32>
    tpu.vector_store %arg19[%swap3A_312, %swap3A_313], %swap3A_316 {strides = array<i32>} : memref<8x128xf32, #tpu.memory_space<vmem>>, vector<1x16xf32>,
    %swap3A_317 = arith.constant 4 : i32
    %swap3A_318 = arith.index_cast %swap3A_317 : i32 to index
    %swap3A_319 = arith.constant 96 : index
    %swap3A_320 = tpu.vector_load %arg19[%swap3A_318, %swap3A_319] {strides = array<i32>} : memref<8x128xf32, #tpu.memory_space<vmem>>, vector<1x16xf32>,
    %swap3A_321 = vector.shape_cast %swap3A_320 : vector<1x16xf32> to vector<16xf32>
    %swap3A_322 = vector.shape_cast %broadcast_in_dim3A_89 : vector<16xf32> to vector<1x16xf32>
    tpu.vector_store %arg19[%swap3A_318, %swap3A_319], %swap3A_322 {strides = array<i32>} : memref<8x128xf32, #tpu.memory_space<vmem>>, vector<1x16xf32>,
    %swap3A_323 = arith.constant 4 : i32
    %swap3A_324 = arith.index_cast %swap3A_323 : i32 to index
    %swap3A_325 = arith.constant 112 : index
    %swap3A_326 = tpu.vector_load %arg19[%swap3A_324, %swap3A_325] {strides = array<i32>} : memref<8x128xf32, #tpu.memory_space<vmem>>, vector<1x16xf32>,
    %swap3A_327 = vector.shape_cast %swap3A_326 : vector<1x16xf32> to vector<16xf32>
    %swap3A_328 = vector.shape_cast %broadcast_in_dim3A_89 : vector<16xf32> to vector<1x16xf32>
    tpu.vector_store %arg19[%swap3A_324, %swap3A_325], %swap3A_328 {strides = array<i32>} : memref<8x128xf32, #tpu.memory_space<vmem>>, vector<1x16xf32>,
    %swap3A_329 = arith.constant 5 : i32
    %swap3A_330 = arith.index_cast %swap3A_329 : i32 to index
    %swap3A_331 = arith.constant 0 : index
    %swap3A_332 = tpu.vector_load %arg19[%swap3A_330, %swap3A_331] {strides = array<i32>} : memref<8x128xf32, #tpu.memory_space<vmem>>, vector<1x16xf32>,
    %swap3A_333 = vector.shape_cast %swap3A_332 : vector<1x16xf32> to vector<16xf32>
    %swap3A_334 = vector.shape_cast %broadcast_in_dim3A_89 : vector<16xf32> to vector<1x16xf32>
    tpu.vector_store %arg19[%swap3A_330, %swap3A_331], %swap3A_334 {strides = array<i32>} : memref<8x128xf32, #tpu.memory_space<vmem>>, vector<1x16xf32>,
    %swap3A_335 = arith.constant 5 : i32
    %swap3A_336 = arith.index_cast %swap3A_335 : i32 to index
    %swap3A_337 = arith.constant 16 : index
    %swap3A_338 = tpu.vector_load %arg19[%swap3A_336, %swap3A_337] {strides = array<i32>} : memref<8x128xf32, #tpu.memory_space<vmem>>, vector<1x16xf32>,
    %swap3A_339 = vector.shape_cast %swap3A_338 : vector<1x16xf32> to vector<16xf32>
    %swap3A_340 = vector.shape_cast %broadcast_in_dim3A_89 : vector<16xf32> to vector<1x16xf32>
    tpu.vector_store %arg19[%swap3A_336, %swap3A_337], %swap3A_340 {strides = array<i32>} : memref<8x128xf32, #tpu.memory_space<vmem>>, vector<1x16xf32>,
    %swap3A_341 = arith.constant 5 : i32
    %swap3A_342 = arith.index_cast %swap3A_341 : i32 to index
    %swap3A_343 = arith.constant 32 : index
    %swap3A_344 = tpu.vector_load %arg19[%swap3A_342, %swap3A_343] {strides = array<i32>} : memref<8x128xf32, #tpu.memory_space<vmem>>, vector<1x16xf32>,
    %swap3A_345 = vector.shape_cast %swap3A_344 : vector<1x16xf32> to vector<16xf32>
    %swap3A_346 = vector.shape_cast %broadcast_in_dim3A_89 : vector<16xf32> to vector<1x16xf32>
    tpu.vector_store %arg19[%swap3A_342, %swap3A_343], %swap3A_346 {strides = array<i32>} : memref<8x128xf32, #tpu.memory_space<vmem>>, vector<1x16xf32>,
    %swap3A_347 = arith.constant 5 : i32
    %swap3A_348 = arith.index_cast %swap3A_347 : i32 to index
    %swap3A_349 = arith.constant 48 : index
    %swap3A_350 = tpu.vector_load %arg19[%swap3A_348, %swap3A_349] {strides = array<i32>} : memref<8x128xf32, #tpu.memory_space<vmem>>, vector<1x16xf32>,
    %swap3A_351 = vector.shape_cast %swap3A_350 : vector<1x16xf32> to vector<16xf32>
    %swap3A_352 = vector.shape_cast %broadcast_in_dim3A_89 : vector<16xf32> to vector<1x16xf32>
    tpu.vector_store %arg19[%swap3A_348, %swap3A_349], %swap3A_352 {strides = array<i32>} : memref<8x128xf32, #tpu.memory_space<vmem>>, vector<1x16xf32>,
    %swap3A_353 = arith.constant 5 : i32
    %swap3A_354 = arith.index_cast %swap3A_353 : i32 to index
    %swap3A_355 = arith.constant 64 : index
    %swap3A_356 = tpu.vector_load %arg19[%swap3A_354, %swap3A_355] {strides = array<i32>} : memref<8x128xf32, #tpu.memory_space<vmem>>, vector<1x16xf32>,
    %swap3A_357 = vector.shape_cast %swap3A_356 : vector<1x16xf32> to vector<16xf32>
    %swap3A_358 = vector.shape_cast %broadcast_in_dim3A_89 : vector<16xf32> to vector<1x16xf32>
    tpu.vector_store %arg19[%swap3A_354, %swap3A_355], %swap3A_358 {strides = array<i32>} : memref<8x128xf32, #tpu.memory_space<vmem>>, vector<1x16xf32>,
    %swap3A_359 = arith.constant 5 : i32
    %swap3A_360 = arith.index_cast %swap3A_359 : i32 to index
    %swap3A_361 = arith.constant 80 : index
    %swap3A_362 = tpu.vector_load %arg19[%swap3A_360, %swap3A_361] {strides = array<i32>} : memref<8x128xf32, #tpu.memory_space<vmem>>, vector<1x16xf32>,
    %swap3A_363 = vector.shape_cast %swap3A_362 : vector<1x16xf32> to vector<16xf32>
    %swap3A_364 = vector.shape_cast %broadcast_in_dim3A_89 : vector<16xf32> to vector<1x16xf32>
    tpu.vector_store %arg19[%swap3A_360, %swap3A_361], %swap3A_364 {strides = array<i32>} : memref<8x128xf32, #tpu.memory_space<vmem>>, vector<1x16xf32>,
    %swap3A_365 = arith.constant 5 : i32
    %swap3A_366 = arith.index_cast %swap3A_365 : i32 to index
    %swap3A_367 = arith.constant 96 : index
    %swap3A_368 = tpu.vector_load %arg19[%swap3A_366, %swap3A_367] {strides = array<i32>} : memref<8x128xf32, #tpu.memory_space<vmem>>, vector<1x16xf32>,
    %swap3A_369 = vector.shape_cast %swap3A_368 : vector<1x16xf32> to vector<16xf32>
    %swap3A_370 = vector.shape_cast %broadcast_in_dim3A_89 : vector<16xf32> to vector<1x16xf32>
    tpu.vector_store %arg19[%swap3A_366, %swap3A_367], %swap3A_370 {strides = array<i32>} : memref<8x128xf32, #tpu.memory_space<vmem>>, vector<1x16xf32>,
    %swap3A_371 = arith.constant 5 : i32
    %swap3A_372 = arith.index_cast %swap3A_371 : i32 to index
    %swap3A_373 = arith.constant 112 : index
    %swap3A_374 = tpu.vector_load %arg19[%swap3A_372, %swap3A_373] {strides = array<i32>} : memref<8x128xf32, #tpu.memory_space<vmem>>, vector<1x16xf32>,
    %swap3A_375 = vector.shape_cast %swap3A_374 : vector<1x16xf32> to vector<16xf32>
    %swap3A_376 = vector.shape_cast %broadcast_in_dim3A_89 : vector<16xf32> to vector<1x16xf32>
    tpu.vector_store %arg19[%swap3A_372, %swap3A_373], %swap3A_376 {strides = array<i32>} : memref<8x128xf32, #tpu.memory_space<vmem>>, vector<1x16xf32>,
    %swap3A_377 = arith.constant 6 : i32
    %swap3A_378 = arith.index_cast %swap3A_377 : i32 to index
    %swap3A_379 = arith.constant 0 : index
    %swap3A_380 = tpu.vector_load %arg19[%swap3A_378, %swap3A_379] {strides = array<i32>} : memref<8x128xf32, #tpu.memory_space<vmem>>, vector<1x16xf32>,
    %swap3A_381 = vector.shape_cast %swap3A_380 : vector<1x16xf32> to vector<16xf32>
    %swap3A_382 = vector.shape_cast %broadcast_in_dim3A_89 : vector<16xf32> to vector<1x16xf32>
    tpu.vector_store %arg19[%swap3A_378, %swap3A_379], %swap3A_382 {strides = array<i32>} : memref<8x128xf32, #tpu.memory_space<vmem>>, vector<1x16xf32>,
    %swap3A_383 = arith.constant 6 : i32
    %swap3A_384 = arith.index_cast %swap3A_383 : i32 to index
    %swap3A_385 = arith.constant 16 : index
    %swap3A_386 = tpu.vector_load %arg19[%swap3A_384, %swap3A_385] {strides = array<i32>} : memref<8x128xf32, #tpu.memory_space<vmem>>, vector<1x16xf32>,
    %swap3A_387 = vector.shape_cast %swap3A_386 : vector<1x16xf32> to vector<16xf32>
    %swap3A_388 = vector.shape_cast %broadcast_in_dim3A_89 : vector<16xf32> to vector<1x16xf32>
    tpu.vector_store %arg19[%swap3A_384, %swap3A_385], %swap3A_388 {strides = array<i32>} : memref<8x128xf32, #tpu.memory_space<vmem>>, vector<1x16xf32>,
    %swap3A_389 = arith.constant 6 : i32
    %swap3A_390 = arith.index_cast %swap3A_389 : i32 to index
    %swap3A_391 = arith.constant 32 : index
    %swap3A_392 = tpu.vector_load %arg19[%swap3A_390, %swap3A_391] {strides = array<i32>} : memref<8x128xf32, #tpu.memory_space<vmem>>, vector<1x16xf32>,
    %swap3A_393 = vector.shape_cast %swap3A_392 : vector<1x16xf32> to vector<16xf32>
    %swap3A_394 = vector.shape_cast %broadcast_in_dim3A_89 : vector<16xf32> to vector<1x16xf32>
    tpu.vector_store %arg19[%swap3A_390, %swap3A_391], %swap3A_394 {strides = array<i32>} : memref<8x128xf32, #tpu.memory_space<vmem>>, vector<1x16xf32>,
    %swap3A_395 = arith.constant 6 : i32
    %swap3A_396 = arith.index_cast %swap3A_395 : i32 to index
    %swap3A_397 = arith.constant 48 : index
    %swap3A_398 = tpu.vector_load %arg19[%swap3A_396, %swap3A_397] {strides = array<i32>} : memref<8x128xf32, #tpu.memory_space<vmem>>, vector<1x16xf32>,
    %swap3A_399 = vector.shape_cast %swap3A_398 : vector<1x16xf32> to vector<16xf32>
    %swap3A_400 = vector.shape_cast %broadcast_in_dim3A_89 : vector<16xf32> to vector<1x16xf32>
    tpu.vector_store %arg19[%swap3A_396, %swap3A_397], %swap3A_400 {strides = array<i32>} : memref<8x128xf32, #tpu.memory_space<vmem>>, vector<1x16xf32>,
    %swap3A_401 = arith.constant 6 : i32
    %swap3A_402 = arith.index_cast %swap3A_401 : i32 to index
    %swap3A_403 = arith.constant 64 : index
    %swap3A_404 = tpu.vector_load %arg19[%swap3A_402, %swap3A_403] {strides = array<i32>} : memref<8x128xf32, #tpu.memory_space<vmem>>, vector<1x16xf32>,
    %swap3A_405 = vector.shape_cast %swap3A_404 : vector<1x16xf32> to vector<16xf32>
    %swap3A_406 = vector.shape_cast %broadcast_in_dim3A_89 : vector<16xf32> to vector<1x16xf32>
    tpu.vector_store %arg19[%swap3A_402, %swap3A_403], %swap3A_406 {strides = array<i32>} : memref<8x128xf32, #tpu.memory_space<vmem>>, vector<1x16xf32>,
    %swap3A_407 = arith.constant 6 : i32
    %swap3A_408 = arith.index_cast %swap3A_407 : i32 to index
    %swap3A_409 = arith.constant 80 : index
    %swap3A_410 = tpu.vector_load %arg19[%swap3A_408, %swap3A_409] {strides = array<i32>} : memref<8x128xf32, #tpu.memory_space<vmem>>, vector<1x16xf32>,
    %swap3A_411 = vector.shape_cast %swap3A_410 : vector<1x16xf32> to vector<16xf32>
    %swap3A_412 = vector.shape_cast %broadcast_in_dim3A_89 : vector<16xf32> to vector<1x16xf32>
    tpu.vector_store %arg19[%swap3A_408, %swap3A_409], %swap3A_412 {strides = array<i32>} : memref<8x128xf32, #tpu.memory_space<vmem>>, vector<1x16xf32>,
    %swap3A_413 = arith.constant 6 : i32
    %swap3A_414 = arith.index_cast %swap3A_413 : i32 to index
    %swap3A_415 = arith.constant 96 : index
    %swap3A_416 = tpu.vector_load %arg19[%swap3A_414, %swap3A_415] {strides = array<i32>} : memref<8x128xf32, #tpu.memory_space<vmem>>, vector<1x16xf32>,
    %swap3A_417 = vector.shape_cast %swap3A_416 : vector<1x16xf32> to vector<16xf32>
    %swap3A_418 = vector.shape_cast %broadcast_in_dim3A_89 : vector<16xf32> to vector<1x16xf32>
    tpu.vector_store %arg19[%swap3A_414, %swap3A_415], %swap3A_418 {strides = array<i32>} : memref<8x128xf32, #tpu.memory_space<vmem>>, vector<1x16xf32>,
    %swap3A_419 = arith.constant 6 : i32
    %swap3A_420 = arith.index_cast %swap3A_419 : i32 to index
    %swap3A_421 = arith.constant 112 : index
    %swap3A_422 = tpu.vector_load %arg19[%swap3A_420, %swap3A_421] {strides = array<i32>} : memref<8x128xf32, #tpu.memory_space<vmem>>, vector<1x16xf32>,
    %swap3A_423 = vector.shape_cast %swap3A_422 : vector<1x16xf32> to vector<16xf32>
    %swap3A_424 = vector.shape_cast %broadcast_in_dim3A_89 : vector<16xf32> to vector<1x16xf32>
    tpu.vector_store %arg19[%swap3A_420, %swap3A_421], %swap3A_424 {strides = array<i32>} : memref<8x128xf32, #tpu.memory_space<vmem>>, vector<1x16xf32>,
    %swap3A_425 = arith.constant 7 : i32
    %swap3A_426 = arith.index_cast %swap3A_425 : i32 to index
    %swap3A_427 = arith.constant 0 : index
    %swap3A_428 = tpu.vector_load %arg19[%swap3A_426, %swap3A_427] {strides = array<i32>} : memref<8x128xf32, #tpu.memory_space<vmem>>, vector<1x16xf32>,
    %swap3A_429 = vector.shape_cast %swap3A_428 : vector<1x16xf32> to vector<16xf32>
    %swap3A_430 = vector.shape_cast %broadcast_in_dim3A_89 : vector<16xf32> to vector<1x16xf32>
    tpu.vector_store %arg19[%swap3A_426, %swap3A_427], %swap3A_430 {strides = array<i32>} : memref<8x128xf32, #tpu.memory_space<vmem>>, vector<1x16xf32>,
    %swap3A_431 = arith.constant 7 : i32
    %swap3A_432 = arith.index_cast %swap3A_431 : i32 to index
    %swap3A_433 = arith.constant 16 : index
    %swap3A_434 = tpu.vector_load %arg19[%swap3A_432, %swap3A_433] {strides = array<i32>} : memref<8x128xf32, #tpu.memory_space<vmem>>, vector<1x16xf32>,
    %swap3A_435 = vector.shape_cast %swap3A_434 : vector<1x16xf32> to vector<16xf32>
    %swap3A_436 = vector.shape_cast %broadcast_in_dim3A_89 : vector<16xf32> to vector<1x16xf32>
    tpu.vector_store %arg19[%swap3A_432, %swap3A_433], %swap3A_436 {strides = array<i32>} : memref<8x128xf32, #tpu.memory_space<vmem>>, vector<1x16xf32>,
    %swap3A_437 = arith.constant 7 : i32
    %swap3A_438 = arith.index_cast %swap3A_437 : i32 to index
    %swap3A_439 = arith.constant 32 : index
    %swap3A_440 = tpu.vector_load %arg19[%swap3A_438, %swap3A_439] {strides = array<i32>} : memref<8x128xf32, #tpu.memory_space<vmem>>, vector<1x16xf32>,
    %swap3A_441 = vector.shape_cast %swap3A_440 : vector<1x16xf32> to vector<16xf32>
    %swap3A_442 = vector.shape_cast %broadcast_in_dim3A_89 : vector<16xf32> to vector<1x16xf32>
    tpu.vector_store %arg19[%swap3A_438, %swap3A_439], %swap3A_442 {strides = array<i32>} : memref<8x128xf32, #tpu.memory_space<vmem>>, vector<1x16xf32>,
    %swap3A_443 = arith.constant 7 : i32
    %swap3A_444 = arith.index_cast %swap3A_443 : i32 to index
    %swap3A_445 = arith.constant 48 : index
    %swap3A_446 = tpu.vector_load %arg19[%swap3A_444, %swap3A_445] {strides = array<i32>} : memref<8x128xf32, #tpu.memory_space<vmem>>, vector<1x16xf32>,
    %swap3A_447 = vector.shape_cast %swap3A_446 : vector<1x16xf32> to vector<16xf32>
    %swap3A_448 = vector.shape_cast %broadcast_in_dim3A_89 : vector<16xf32> to vector<1x16xf32>
    tpu.vector_store %arg19[%swap3A_444, %swap3A_445], %swap3A_448 {strides = array<i32>} : memref<8x128xf32, #tpu.memory_space<vmem>>, vector<1x16xf32>,
    %swap3A_449 = arith.constant 7 : i32
    %swap3A_450 = arith.index_cast %swap3A_449 : i32 to index
    %swap3A_451 = arith.constant 64 : index
    %swap3A_452 = tpu.vector_load %arg19[%swap3A_450, %swap3A_451] {strides = array<i32>} : memref<8x128xf32, #tpu.memory_space<vmem>>, vector<1x16xf32>,
    %swap3A_453 = vector.shape_cast %swap3A_452 : vector<1x16xf32> to vector<16xf32>
    %swap3A_454 = vector.shape_cast %broadcast_in_dim3A_89 : vector<16xf32> to vector<1x16xf32>
    tpu.vector_store %arg19[%swap3A_450, %swap3A_451], %swap3A_454 {strides = array<i32>} : memref<8x128xf32, #tpu.memory_space<vmem>>, vector<1x16xf32>,
    %swap3A_455 = arith.constant 7 : i32
    %swap3A_456 = arith.index_cast %swap3A_455 : i32 to index
    %swap3A_457 = arith.constant 80 : index
    %swap3A_458 = tpu.vector_load %arg19[%swap3A_456, %swap3A_457] {strides = array<i32>} : memref<8x128xf32, #tpu.memory_space<vmem>>, vector<1x16xf32>,
    %swap3A_459 = vector.shape_cast %swap3A_458 : vector<1x16xf32> to vector<16xf32>
    %swap3A_460 = vector.shape_cast %broadcast_in_dim3A_89 : vector<16xf32> to vector<1x16xf32>
    tpu.vector_store %arg19[%swap3A_456, %swap3A_457], %swap3A_460 {strides = array<i32>} : memref<8x128xf32, #tpu.memory_space<vmem>>, vector<1x16xf32>,
    %swap3A_461 = arith.constant 7 : i32
    %swap3A_462 = arith.index_cast %swap3A_461 : i32 to index
    %swap3A_463 = arith.constant 96 : index
    %swap3A_464 = tpu.vector_load %arg19[%swap3A_462, %swap3A_463] {strides = array<i32>} : memref<8x128xf32, #tpu.memory_space<vmem>>, vector<1x16xf32>,
    %swap3A_465 = vector.shape_cast %swap3A_464 : vector<1x16xf32> to vector<16xf32>
    %swap3A_466 = vector.shape_cast %broadcast_in_dim3A_89 : vector<16xf32> to vector<1x16xf32>
    tpu.vector_store %arg19[%swap3A_462, %swap3A_463], %swap3A_466 {strides = array<i32>} : memref<8x128xf32, #tpu.memory_space<vmem>>, vector<1x16xf32>,
    %swap3A_467 = arith.constant 7 : i32
    %swap3A_468 = arith.index_cast %swap3A_467 : i32 to index
    %swap3A_469 = arith.constant 112 : index
    %swap3A_470 = tpu.vector_load %arg19[%swap3A_468, %swap3A_469] {strides = array<i32>} : memref<8x128xf32, #tpu.memory_space<vmem>>, vector<1x16xf32>,
    %swap3A_471 = vector.shape_cast %swap3A_470 : vector<1x16xf32> to vector<16xf32>
    %swap3A_472 = vector.shape_cast %broadcast_in_dim3A_89 : vector<16xf32> to vector<1x16xf32>
    tpu.vector_store %arg19[%swap3A_468, %swap3A_469], %swap3A_472 {strides = array<i32>} : memref<8x128xf32, #tpu.memory_space<vmem>>, vector<1x16xf32>,
    %jit3A_473 = arith.constant 8 : i32
    %div3A = arith.divsi %select_n3A, %jit3A_473 : i32
    %sign3A = arith.constant 0 : i32
    %sign3A_474 = arith.cmpi sgt, %select_n3A, %sign3A : i32
    %sign3A_475 = arith.extui %sign3A_474 : i1 to i32
    %sign3A_476 = arith.constant 0 : i32
    %sign3A_477 = arith.cmpi slt, %select_n3A, %sign3A_476 : i32
    %sign3A_478 = arith.extui %sign3A_477 : i1 to i32
    %sign3A_479 = arith.subi %sign3A_475, %sign3A_478 : i32
    %sign3A_480 = arith.constant 0 : i32
    %sign3A_481 = arith.cmpi sgt, %jit3A_473, %sign3A_480 : i32
    %sign3A_482 = arith.extui %sign3A_481 : i1 to i32
    %sign3A_483 = arith.constant 0 : i32
    %sign3A_484 = arith.cmpi slt, %jit3A_473, %sign3A_483 : i32
    %sign3A_485 = arith.extui %sign3A_484 : i1 to i32
    %sign3A_486 = arith.subi %sign3A_482, %sign3A_485 : i32
    %ne3A = arith.cmpi ne, %sign3A_479, %sign3A_486 : i32
    %rem3A = arith.remsi %select_n3A, %jit3A_473 : i32
    %ne3A_487 = arith.constant 0 : i32
    %ne3A_488 = arith.cmpi ne, %rem3A, %ne3A_487 : i32
    %and3A = arith.andi %ne3A, %ne3A_488 : i1
    %sub3A = arith.constant 1 : i32
    %sub3A_489 = arith.subi %div3A, %sub3A : i32
    %select_n3A_490 = arith.select %and3A, %sub3A_489, %div3A : i32
    %while3A = arith.constant 0 : i32
    %while3A_491 = arith.constant 0 : i32
    %while3A_492 = arith.subi %select_n3A_490, %while3A : i32
    %while3A_493 = arith.addi %while3A, %while3A_492 : i32
    %while3A_494 = arith.constant 1 : i32
    %while3A_495 = arith.divsi %while3A_492, %while3A_494 : i32
    %while3A_496 = arith.muli %while3A_495, %while3A_494 : i32
    %while3A_497 = arith.addi %while3A, %while3A_496 : i32
    %while3A_498 = arith.constant 1 : i32
    %while3A_499 = scf.for %while3A_673 = %while3A to %while3A_497 step %while3A_498 iter_args(%while3A_674 = %while3A_491) -> (i32)  : i32 {
      %mul3A_675 = arith.constant 8 : i32
      %mul3A_676 = arith.muli %while3A_673, %mul3A_675 : i32
      %add3A_677 = arith.addi %mul3A_4, %mul3A_676 : i32
      "tpu.region"() ({
        %run_scoped3A = tpu.sem_alloc : memref<!tpu.dma_semaphore, #tpu.memory_space<semaphore_mem>>
        %dma_start3A_679 = arith.constant 0 : i32
        %dma_start3A_680 = tpu.memref_slice %arg20[%add3A_677, %dma_start3A_679] : memref<10000x128xf32, #tpu.memory_space<vmem_shared>> -> memref<8x128xf32, #tpu.memory_space<vmem_shared>>
        %dma_start3A_681 = arith.constant 0 : i32
        %dma_start3A_682 = tpu.memref_slice %arg20[%add3A_677, %dma_start3A_681] : memref<10000x128xf32, #tpu.memory_space<vmem_shared>> -> memref<8x128xf32, #tpu.memory_space<vmem_shared>>
        tpu.enqueue_dma source(%arg19 : memref<8x128xf32, #tpu.memory_space<vmem>>) target(%dma_start3A_682 : memref<8x128xf32, #tpu.memory_space<vmem_shared>>) target_semaphore(%run_scoped3A : memref<!tpu.dma_semaphore, #tpu.memory_space<semaphore_mem>>)
        %dma_wait3A_683 = arith.constant 0 : i32
        %dma_wait3A_684 = tpu.memref_slice %arg20[%add3A_677, %dma_wait3A_683] : memref<10000x128xf32, #tpu.memory_space<vmem_shared>> -> memref<8x128xf32, #tpu.memory_space<vmem_shared>>
        %dma_wait3A_685 = arith.constant 0 : i32
        %dma_wait3A_686 = tpu.memref_slice %arg20[%add3A_677, %dma_wait3A_685] : memref<10000x128xf32, #tpu.memory_space<vmem_shared>> -> memref<8x128xf32, #tpu.memory_space<vmem_shared>>
        tpu.wait_dma2 semaphore(%run_scoped3A : memref<!tpu.dma_semaphore, #tpu.memory_space<semaphore_mem>>) src(%arg19 : memref<8x128xf32, #tpu.memory_space<vmem>>) dst(%dma_wait3A_686 : memref<8x128xf32, #tpu.memory_space<vmem_shared>>)
        tpu.yield
      }) : () -> ()
      %while3A_678 = arith.constant 0 : i32
      scf.yield %while3A_678 : i32
    }
    %while3A_500 = arith.constant 1 : i32
    %while3A_501 = scf.for %while3A_673 = %while3A_497 to %while3A_493 step %while3A_500 iter_args(%while3A_674 = %while3A_499) -> (i32)  : i32 {
      %mul3A_675 = arith.constant 8 : i32
      %mul3A_676 = arith.muli %while3A_673, %mul3A_675 : i32
      %add3A_677 = arith.addi %mul3A_4, %mul3A_676 : i32
      "tpu.region"() ({
        %run_scoped3A = tpu.sem_alloc : memref<!tpu.dma_semaphore, #tpu.memory_space<semaphore_mem>>
        %dma_start3A_679 = arith.constant 0 : i32
        %dma_start3A_680 = tpu.memref_slice %arg20[%add3A_677, %dma_start3A_679] : memref<10000x128xf32, #tpu.memory_space<vmem_shared>> -> memref<8x128xf32, #tpu.memory_space<vmem_shared>>
        %dma_start3A_681 = arith.constant 0 : i32
        %dma_start3A_682 = tpu.memref_slice %arg20[%add3A_677, %dma_start3A_681] : memref<10000x128xf32, #tpu.memory_space<vmem_shared>> -> memref<8x128xf32, #tpu.memory_space<vmem_shared>>
        tpu.enqueue_dma source(%arg19 : memref<8x128xf32, #tpu.memory_space<vmem>>) target(%dma_start3A_682 : memref<8x128xf32, #tpu.memory_space<vmem_shared>>) target_semaphore(%run_scoped3A : memref<!tpu.dma_semaphore, #tpu.memory_space<semaphore_mem>>)
        %dma_wait3A_683 = arith.constant 0 : i32
        %dma_wait3A_684 = tpu.memref_slice %arg20[%add3A_677, %dma_wait3A_683] : memref<10000x128xf32, #tpu.memory_space<vmem_shared>> -> memref<8x128xf32, #tpu.memory_space<vmem_shared>>
        %dma_wait3A_685 = arith.constant 0 : i32
        %dma_wait3A_686 = tpu.memref_slice %arg20[%add3A_677, %dma_wait3A_685] : memref<10000x128xf32, #tpu.memory_space<vmem_shared>> -> memref<8x128xf32, #tpu.memory_space<vmem_shared>>
        tpu.wait_dma2 semaphore(%run_scoped3A : memref<!tpu.dma_semaphore, #tpu.memory_space<semaphore_mem>>) src(%arg19 : memref<8x128xf32, #tpu.memory_space<vmem>>) dst(%dma_wait3A_686 : memref<8x128xf32, #tpu.memory_space<vmem_shared>>)
        tpu.yield
      }) : () -> ()
      %while3A_678 = arith.constant 0 : i32
      scf.yield %while3A_678 : i32
    }
    %barrier3A = arith.constant 0 : index
    tpu.barrier barrier_id(%barrier3A)
    %scan3A = arith.constant 0 : i32
    %scan3A_502 = arith.constant 0 : i32
    %scan3A_503 = arith.constant 20 : i32
    %scan3A_504 = arith.addi %scan3A_502, %scan3A_503 : i32
    %scan3A_505 = arith.constant 1 : i32
    %scan3A_506 = scf.for %scan3A_673 = %scan3A_502 to %scan3A_504 step %scan3A_505 iter_args(%scan3A_674 = %scan3A) -> (i32)  : i32 {
      %mul3A_675 = arith.constant 6 : i32
      %mul3A_676 = arith.muli %scan3A_673, %mul3A_675 : i32
      %add3A_677 = arith.constant 0 : i32
      %add3A_678 = arith.addi %mul3A_676, %add3A_677 : i32
      %dma_wait3A_679 = arith.constant 0 : i32
      %dma_wait3A_680 = arith.constant 0 : i32
      %dma_wait3A_681 = arith.constant 0 : i32
      %dma_wait3A_682 = tpu.memref_slice %arg18[%dma_wait3A_679, %dma_wait3A_680, %dma_wait3A_681] : memref<3x80x128xf32, #tpu.memory_space<vmem>> -> memref<1x80x128xf32, #tpu.memory_space<vmem>>
      %dma_wait3A_683 = tpu.memref_squeeze %dma_wait3A_682 : memref<1x80x128xf32, #tpu.memory_space<vmem>> -> memref<80x128xf32, #tpu.memory_space<vmem>>
      %dma_wait3A_684 = arith.constant 0 : i32
      %dma_wait3A_685 = arith.constant 0 : i32
      %dma_wait3A_686 = tpu.memref_slice %arg2[%dma_wait3A_684, %dma_wait3A_685] : memref<10000x128xf32, #tpu.memory_space<hbm>> -> memref<10000x128xf32, #tpu.memory_space<hbm>>
      tpu.wait_indirect_dma semaphore(%arg21 : memref<!tpu.dma_semaphore, #tpu.memory_space<semaphore_mem>>) src(%dma_wait3A_686 : memref<10000x128xf32, #tpu.memory_space<hbm>>) dst(%dma_wait3A_683 : memref<80x128xf32, #tpu.memory_space<vmem>>)
      %dma_wait3A_687 = arith.constant 0 : i32
      %dma_wait3A_688 = tpu.memref_slice %arg4[%dma_wait3A_687] : memref<320000xi32, #tpu.memory_space<hbm>> -> memref<80xi32, #tpu.memory_space<hbm>>
      %dma_wait3A_689 = arith.constant 0 : i32
      %dma_wait3A_690 = tpu.memref_slice %arg4[%dma_wait3A_689] : memref<320000xi32, #tpu.memory_space<hbm>> -> memref<80xi32, #tpu.memory_space<hbm>>
      tpu.wait_dma2 semaphore(%arg33 : memref<!tpu.dma_semaphore, #tpu.memory_space<semaphore_mem>>) src(%dma_wait3A_690 : memref<80xi32, #tpu.memory_space<hbm>>) dst(%arg12 : memref<80xi32, #tpu.memory_space<vmem>>)
      %dma_start3A_691 = arith.constant 0 : i32
      %dma_start3A_692 = arith.constant 0 : i32
      %dma_start3A_693 = arith.constant 0 : i32
      %dma_start3A_694 = tpu.memref_slice %arg18[%dma_start3A_691, %dma_start3A_692, %dma_start3A_693] : memref<3x80x128xf32, #tpu.memory_space<vmem>> -> memref<1x80x128xf32, #tpu.memory_space<vmem>>
      %dma_start3A_695 = tpu.memref_squeeze %dma_start3A_694 : memref<1x80x128xf32, #tpu.memory_space<vmem>> -> memref<80x128xf32, #tpu.memory_space<vmem>>
      %dma_start3A_696 = arith.constant 0 : i32
      %dma_start3A_697 = arith.constant 0 : i32
      %dma_start3A_698 = tpu.memref_slice %arg20[%dma_start3A_696, %dma_start3A_697] : memref<10000x128xf32, #tpu.memory_space<vmem_shared>> -> memref<10000x128xf32, #tpu.memory_space<vmem_shared>>
      tpu.enqueue_indirect_dma source(%dma_start3A_695 : memref<80x128xf32, #tpu.memory_space<vmem>>) target(%dma_start3A_698 : memref<10000x128xf32, #tpu.memory_space<vmem_shared>>) offsets(%arg12 : memref<80xi32, #tpu.memory_space<vmem>>) semaphore(%arg24 : memref<!tpu.dma_semaphore, #tpu.memory_space<semaphore_mem>>) {add = true}
      %dma_wait3A_699 = arith.constant 0 : i32
      %dma_wait3A_700 = arith.constant 0 : i32
      %dma_wait3A_701 = arith.constant 0 : i32
      %dma_wait3A_702 = tpu.memref_slice %arg18[%dma_wait3A_699, %dma_wait3A_700, %dma_wait3A_701] : memref<3x80x128xf32, #tpu.memory_space<vmem>> -> memref<1x80x128xf32, #tpu.memory_space<vmem>>
      %dma_wait3A_703 = tpu.memref_squeeze %dma_wait3A_702 : memref<1x80x128xf32, #tpu.memory_space<vmem>> -> memref<80x128xf32, #tpu.memory_space<vmem>>
      %dma_wait3A_704 = arith.constant 0 : i32
      %dma_wait3A_705 = arith.constant 0 : i32
      %dma_wait3A_706 = tpu.memref_slice %arg20[%dma_wait3A_704, %dma_wait3A_705] : memref<10000x128xf32, #tpu.memory_space<vmem_shared>> -> memref<10000x128xf32, #tpu.memory_space<vmem_shared>>
      tpu.wait_indirect_dma semaphore(%arg24 : memref<!tpu.dma_semaphore, #tpu.memory_space<semaphore_mem>>) src(%dma_wait3A_703 : memref<80x128xf32, #tpu.memory_space<vmem>>) dst(%dma_wait3A_706 : memref<10000x128xf32, #tpu.memory_space<vmem_shared>>)
      %dma_wait3A_707 = arith.constant 0 : i32
      %dma_wait3A_708 = tpu.memref_slice %arg3[%dma_wait3A_707] : memref<320000xi32, #tpu.memory_space<hbm>> -> memref<80xi32, #tpu.memory_space<hbm>>
      %dma_wait3A_709 = arith.constant 0 : i32
      %dma_wait3A_710 = tpu.memref_slice %arg3[%dma_wait3A_709] : memref<320000xi32, #tpu.memory_space<hbm>> -> memref<80xi32, #tpu.memory_space<hbm>>
      tpu.wait_dma2 semaphore(%arg30 : memref<!tpu.dma_semaphore, #tpu.memory_space<semaphore_mem>>) src(%dma_wait3A_710 : memref<80xi32, #tpu.memory_space<hbm>>) dst(%arg9 : memref<80xi32, #tpu.memory_space<vmem>>)
      %dma_start3A_711 = arith.constant 0 : i32
      %dma_start3A_712 = arith.constant 0 : i32
      %dma_start3A_713 = arith.constant 0 : i32
      %dma_start3A_714 = tpu.memref_slice %arg18[%dma_start3A_711, %dma_start3A_712, %dma_start3A_713] : memref<3x80x128xf32, #tpu.memory_space<vmem>> -> memref<1x80x128xf32, #tpu.memory_space<vmem>>
      %dma_start3A_715 = tpu.memref_squeeze %dma_start3A_714 : memref<1x80x128xf32, #tpu.memory_space<vmem>> -> memref<80x128xf32, #tpu.memory_space<vmem>>
      %dma_start3A_716 = arith.constant 0 : i32
      %dma_start3A_717 = arith.constant 0 : i32
      %dma_start3A_718 = tpu.memref_slice %arg2[%dma_start3A_716, %dma_start3A_717] : memref<10000x128xf32, #tpu.memory_space<hbm>> -> memref<10000x128xf32, #tpu.memory_space<hbm>>
      tpu.enqueue_indirect_dma source(%dma_start3A_718 : memref<10000x128xf32, #tpu.memory_space<hbm>>) target(%dma_start3A_715 : memref<80x128xf32, #tpu.memory_space<vmem>>) offsets(%arg9 : memref<80xi32, #tpu.memory_space<vmem>>) semaphore(%arg21 : memref<!tpu.dma_semaphore, #tpu.memory_space<semaphore_mem>>)
      %add3A_719 = arith.constant 6 : i32
      %add3A_720 = arith.addi %add3A_678, %add3A_719 : i32
      %lt3A = arith.constant 125 : i32
      %lt3A_721 = arith.cmpi slt, %add3A_720, %lt3A : i32
      %convert_element_type3A = arith.extui %lt3A_721 : i1 to i32
      %cond3A = arith.constant 0 : i32
      %cond3A_722 = arith.cmpi ne, %convert_element_type3A, %cond3A : i32
      scf.if %cond3A_722 {
        %mul3A_969 = arith.constant 80 : i32
        %mul3A_970 = arith.muli %add3A_720, %mul3A_969 : i32
        %add3A_971 = arith.addi %mul3A_2, %mul3A_970 : i32
        %dma_start3A_972 = tpu.memref_slice %arg3[%add3A_971] : memref<320000xi32, #tpu.memory_space<hbm>> -> memref<80xi32, #tpu.memory_space<hbm>>
        %dma_start3A_973 = tpu.memref_slice %arg3[%add3A_971] : memref<320000xi32, #tpu.memory_space<hbm>> -> memref<80xi32, #tpu.memory_space<hbm>>
        tpu.enqueue_dma source(%dma_start3A_973 : memref<80xi32, #tpu.memory_space<hbm>>) target(%arg6 : memref<80xi32, #tpu.memory_space<vmem>>) target_semaphore(%arg27 : memref<!tpu.dma_semaphore, #tpu.memory_space<semaphore_mem>>)
        %mul3A_974 = arith.constant 80 : i32
        %mul3A_975 = arith.muli %add3A_720, %mul3A_974 : i32
        %add3A_976 = arith.addi %mul3A_2, %mul3A_975 : i32
        %dma_start3A_977 = tpu.memref_slice %arg4[%add3A_976] : memref<320000xi32, #tpu.memory_space<hbm>> -> memref<80xi32, #tpu.memory_space<hbm>>
        %dma_start3A_978 = tpu.memref_slice %arg4[%add3A_976] : memref<320000xi32, #tpu.memory_space<hbm>> -> memref<80xi32, #tpu.memory_space<hbm>>
        tpu.enqueue_dma source(%dma_start3A_978 : memref<80xi32, #tpu.memory_space<hbm>>) target(%arg12 : memref<80xi32, #tpu.memory_space<vmem>>) target_semaphore(%arg33 : memref<!tpu.dma_semaphore, #tpu.memory_space<semaphore_mem>>)
      } else {
      }
      %add3A_723 = arith.constant 1 : i32
      %add3A_724 = arith.addi %mul3A_676, %add3A_723 : i32
      %dma_wait3A_725 = arith.constant 1 : i32
      %dma_wait3A_726 = arith.constant 0 : i32
      %dma_wait3A_727 = arith.constant 0 : i32
      %dma_wait3A_728 = tpu.memref_slice %arg18[%dma_wait3A_725, %dma_wait3A_726, %dma_wait3A_727] : memref<3x80x128xf32, #tpu.memory_space<vmem>> -> memref<1x80x128xf32, #tpu.memory_space<vmem>>
      %dma_wait3A_729 = tpu.memref_squeeze %dma_wait3A_728 : memref<1x80x128xf32, #tpu.memory_space<vmem>> -> memref<80x128xf32, #tpu.memory_space<vmem>>
      %dma_wait3A_730 = arith.constant 0 : i32
      %dma_wait3A_731 = arith.constant 0 : i32
      %dma_wait3A_732 = tpu.memref_slice %arg2[%dma_wait3A_730, %dma_wait3A_731] : memref<10000x128xf32, #tpu.memory_space<hbm>> -> memref<10000x128xf32, #tpu.memory_space<hbm>>
      tpu.wait_indirect_dma semaphore(%arg22 : memref<!tpu.dma_semaphore, #tpu.memory_space<semaphore_mem>>) src(%dma_wait3A_732 : memref<10000x128xf32, #tpu.memory_space<hbm>>) dst(%dma_wait3A_729 : memref<80x128xf32, #tpu.memory_space<vmem>>)
      %dma_wait3A_733 = arith.constant 0 : i32
      %dma_wait3A_734 = tpu.memref_slice %arg4[%dma_wait3A_733] : memref<320000xi32, #tpu.memory_space<hbm>> -> memref<80xi32, #tpu.memory_space<hbm>>
      %dma_wait3A_735 = arith.constant 0 : i32
      %dma_wait3A_736 = tpu.memref_slice %arg4[%dma_wait3A_735] : memref<320000xi32, #tpu.memory_space<hbm>> -> memref<80xi32, #tpu.memory_space<hbm>>
      tpu.wait_dma2 semaphore(%arg34 : memref<!tpu.dma_semaphore, #tpu.memory_space<semaphore_mem>>) src(%dma_wait3A_736 : memref<80xi32, #tpu.memory_space<hbm>>) dst(%arg13 : memref<80xi32, #tpu.memory_space<vmem>>)
      %dma_start3A_737 = arith.constant 1 : i32
      %dma_start3A_738 = arith.constant 0 : i32
      %dma_start3A_739 = arith.constant 0 : i32
      %dma_start3A_740 = tpu.memref_slice %arg18[%dma_start3A_737, %dma_start3A_738, %dma_start3A_739] : memref<3x80x128xf32, #tpu.memory_space<vmem>> -> memref<1x80x128xf32, #tpu.memory_space<vmem>>
      %dma_start3A_741 = tpu.memref_squeeze %dma_start3A_740 : memref<1x80x128xf32, #tpu.memory_space<vmem>> -> memref<80x128xf32, #tpu.memory_space<vmem>>
      %dma_start3A_742 = arith.constant 0 : i32
      %dma_start3A_743 = arith.constant 0 : i32
      %dma_start3A_744 = tpu.memref_slice %arg20[%dma_start3A_742, %dma_start3A_743] : memref<10000x128xf32, #tpu.memory_space<vmem_shared>> -> memref<10000x128xf32, #tpu.memory_space<vmem_shared>>
      tpu.enqueue_indirect_dma source(%dma_start3A_741 : memref<80x128xf32, #tpu.memory_space<vmem>>) target(%dma_start3A_744 : memref<10000x128xf32, #tpu.memory_space<vmem_shared>>) offsets(%arg13 : memref<80xi32, #tpu.memory_space<vmem>>) semaphore(%arg25 : memref<!tpu.dma_semaphore, #tpu.memory_space<semaphore_mem>>) {add = true}
      %dma_wait3A_745 = arith.constant 1 : i32
      %dma_wait3A_746 = arith.constant 0 : i32
      %dma_wait3A_747 = arith.constant 0 : i32
      %dma_wait3A_748 = tpu.memref_slice %arg18[%dma_wait3A_745, %dma_wait3A_746, %dma_wait3A_747] : memref<3x80x128xf32, #tpu.memory_space<vmem>> -> memref<1x80x128xf32, #tpu.memory_space<vmem>>
      %dma_wait3A_749 = tpu.memref_squeeze %dma_wait3A_748 : memref<1x80x128xf32, #tpu.memory_space<vmem>> -> memref<80x128xf32, #tpu.memory_space<vmem>>
      %dma_wait3A_750 = arith.constant 0 : i32
      %dma_wait3A_751 = arith.constant 0 : i32
      %dma_wait3A_752 = tpu.memref_slice %arg20[%dma_wait3A_750, %dma_wait3A_751] : memref<10000x128xf32, #tpu.memory_space<vmem_shared>> -> memref<10000x128xf32, #tpu.memory_space<vmem_shared>>
      tpu.wait_indirect_dma semaphore(%arg25 : memref<!tpu.dma_semaphore, #tpu.memory_space<semaphore_mem>>) src(%dma_wait3A_749 : memref<80x128xf32, #tpu.memory_space<vmem>>) dst(%dma_wait3A_752 : memref<10000x128xf32, #tpu.memory_space<vmem_shared>>)
      %dma_wait3A_753 = arith.constant 0 : i32
      %dma_wait3A_754 = tpu.memref_slice %arg3[%dma_wait3A_753] : memref<320000xi32, #tpu.memory_space<hbm>> -> memref<80xi32, #tpu.memory_space<hbm>>
      %dma_wait3A_755 = arith.constant 0 : i32
      %dma_wait3A_756 = tpu.memref_slice %arg3[%dma_wait3A_755] : memref<320000xi32, #tpu.memory_space<hbm>> -> memref<80xi32, #tpu.memory_space<hbm>>
      tpu.wait_dma2 semaphore(%arg31 : memref<!tpu.dma_semaphore, #tpu.memory_space<semaphore_mem>>) src(%dma_wait3A_756 : memref<80xi32, #tpu.memory_space<hbm>>) dst(%arg10 : memref<80xi32, #tpu.memory_space<vmem>>)
      %dma_start3A_757 = arith.constant 1 : i32
      %dma_start3A_758 = arith.constant 0 : i32
      %dma_start3A_759 = arith.constant 0 : i32
      %dma_start3A_760 = tpu.memref_slice %arg18[%dma_start3A_757, %dma_start3A_758, %dma_start3A_759] : memref<3x80x128xf32, #tpu.memory_space<vmem>> -> memref<1x80x128xf32, #tpu.memory_space<vmem>>
      %dma_start3A_761 = tpu.memref_squeeze %dma_start3A_760 : memref<1x80x128xf32, #tpu.memory_space<vmem>> -> memref<80x128xf32, #tpu.memory_space<vmem>>
      %dma_start3A_762 = arith.constant 0 : i32
      %dma_start3A_763 = arith.constant 0 : i32
      %dma_start3A_764 = tpu.memref_slice %arg2[%dma_start3A_762, %dma_start3A_763] : memref<10000x128xf32, #tpu.memory_space<hbm>> -> memref<10000x128xf32, #tpu.memory_space<hbm>>
      tpu.enqueue_indirect_dma source(%dma_start3A_764 : memref<10000x128xf32, #tpu.memory_space<hbm>>) target(%dma_start3A_761 : memref<80x128xf32, #tpu.memory_space<vmem>>) offsets(%arg10 : memref<80xi32, #tpu.memory_space<vmem>>) semaphore(%arg22 : memref<!tpu.dma_semaphore, #tpu.memory_space<semaphore_mem>>)
      %add3A_765 = arith.constant 6 : i32
      %add3A_766 = arith.addi %add3A_724, %add3A_765 : i32
      %lt3A_767 = arith.constant 125 : i32
      %lt3A_768 = arith.cmpi slt, %add3A_766, %lt3A_767 : i32
      %convert_element_type3A_769 = arith.extui %lt3A_768 : i1 to i32
      %cond3A_770 = arith.constant 0 : i32
      %cond3A_771 = arith.cmpi ne, %convert_element_type3A_769, %cond3A_770 : i32
      scf.if %cond3A_771 {
        %mul3A_969 = arith.constant 80 : i32
        %mul3A_970 = arith.muli %add3A_766, %mul3A_969 : i32
        %add3A_971 = arith.addi %mul3A_2, %mul3A_970 : i32
        %dma_start3A_972 = tpu.memref_slice %arg3[%add3A_971] : memref<320000xi32, #tpu.memory_space<hbm>> -> memref<80xi32, #tpu.memory_space<hbm>>
        %dma_start3A_973 = tpu.memref_slice %arg3[%add3A_971] : memref<320000xi32, #tpu.memory_space<hbm>> -> memref<80xi32, #tpu.memory_space<hbm>>
        tpu.enqueue_dma source(%dma_start3A_973 : memref<80xi32, #tpu.memory_space<hbm>>) target(%arg7 : memref<80xi32, #tpu.memory_space<vmem>>) target_semaphore(%arg28 : memref<!tpu.dma_semaphore, #tpu.memory_space<semaphore_mem>>)
        %mul3A_974 = arith.constant 80 : i32
        %mul3A_975 = arith.muli %add3A_766, %mul3A_974 : i32
        %add3A_976 = arith.addi %mul3A_2, %mul3A_975 : i32
        %dma_start3A_977 = tpu.memref_slice %arg4[%add3A_976] : memref<320000xi32, #tpu.memory_space<hbm>> -> memref<80xi32, #tpu.memory_space<hbm>>
        %dma_start3A_978 = tpu.memref_slice %arg4[%add3A_976] : memref<320000xi32, #tpu.memory_space<hbm>> -> memref<80xi32, #tpu.memory_space<hbm>>
        tpu.enqueue_dma source(%dma_start3A_978 : memref<80xi32, #tpu.memory_space<hbm>>) target(%arg13 : memref<80xi32, #tpu.memory_space<vmem>>) target_semaphore(%arg34 : memref<!tpu.dma_semaphore, #tpu.memory_space<semaphore_mem>>)
      } else {
      }
      %add3A_772 = arith.constant 2 : i32
      %add3A_773 = arith.addi %mul3A_676, %add3A_772 : i32
      %dma_wait3A_774 = arith.constant 2 : i32
      %dma_wait3A_775 = arith.constant 0 : i32
      %dma_wait3A_776 = arith.constant 0 : i32
      %dma_wait3A_777 = tpu.memref_slice %arg18[%dma_wait3A_774, %dma_wait3A_775, %dma_wait3A_776] : memref<3x80x128xf32, #tpu.memory_space<vmem>> -> memref<1x80x128xf32, #tpu.memory_space<vmem>>
      %dma_wait3A_778 = tpu.memref_squeeze %dma_wait3A_777 : memref<1x80x128xf32, #tpu.memory_space<vmem>> -> memref<80x128xf32, #tpu.memory_space<vmem>>
      %dma_wait3A_779 = arith.constant 0 : i32
      %dma_wait3A_780 = arith.constant 0 : i32
      %dma_wait3A_781 = tpu.memref_slice %arg2[%dma_wait3A_779, %dma_wait3A_780] : memref<10000x128xf32, #tpu.memory_space<hbm>> -> memref<10000x128xf32, #tpu.memory_space<hbm>>
      tpu.wait_indirect_dma semaphore(%arg23 : memref<!tpu.dma_semaphore, #tpu.memory_space<semaphore_mem>>) src(%dma_wait3A_781 : memref<10000x128xf32, #tpu.memory_space<hbm>>) dst(%dma_wait3A_778 : memref<80x128xf32, #tpu.memory_space<vmem>>)
      %dma_wait3A_782 = arith.constant 0 : i32
      %dma_wait3A_783 = tpu.memref_slice %arg4[%dma_wait3A_782] : memref<320000xi32, #tpu.memory_space<hbm>> -> memref<80xi32, #tpu.memory_space<hbm>>
      %dma_wait3A_784 = arith.constant 0 : i32
      %dma_wait3A_785 = tpu.memref_slice %arg4[%dma_wait3A_784] : memref<320000xi32, #tpu.memory_space<hbm>> -> memref<80xi32, #tpu.memory_space<hbm>>
      tpu.wait_dma2 semaphore(%arg35 : memref<!tpu.dma_semaphore, #tpu.memory_space<semaphore_mem>>) src(%dma_wait3A_785 : memref<80xi32, #tpu.memory_space<hbm>>) dst(%arg14 : memref<80xi32, #tpu.memory_space<vmem>>)
      %dma_start3A_786 = arith.constant 2 : i32
      %dma_start3A_787 = arith.constant 0 : i32
      %dma_start3A_788 = arith.constant 0 : i32
      %dma_start3A_789 = tpu.memref_slice %arg18[%dma_start3A_786, %dma_start3A_787, %dma_start3A_788] : memref<3x80x128xf32, #tpu.memory_space<vmem>> -> memref<1x80x128xf32, #tpu.memory_space<vmem>>
      %dma_start3A_790 = tpu.memref_squeeze %dma_start3A_789 : memref<1x80x128xf32, #tpu.memory_space<vmem>> -> memref<80x128xf32, #tpu.memory_space<vmem>>
      %dma_start3A_791 = arith.constant 0 : i32
      %dma_start3A_792 = arith.constant 0 : i32
      %dma_start3A_793 = tpu.memref_slice %arg20[%dma_start3A_791, %dma_start3A_792] : memref<10000x128xf32, #tpu.memory_space<vmem_shared>> -> memref<10000x128xf32, #tpu.memory_space<vmem_shared>>
      tpu.enqueue_indirect_dma source(%dma_start3A_790 : memref<80x128xf32, #tpu.memory_space<vmem>>) target(%dma_start3A_793 : memref<10000x128xf32, #tpu.memory_space<vmem_shared>>) offsets(%arg14 : memref<80xi32, #tpu.memory_space<vmem>>) semaphore(%arg26 : memref<!tpu.dma_semaphore, #tpu.memory_space<semaphore_mem>>) {add = true}
      %dma_wait3A_794 = arith.constant 2 : i32
      %dma_wait3A_795 = arith.constant 0 : i32
      %dma_wait3A_796 = arith.constant 0 : i32
      %dma_wait3A_797 = tpu.memref_slice %arg18[%dma_wait3A_794, %dma_wait3A_795, %dma_wait3A_796] : memref<3x80x128xf32, #tpu.memory_space<vmem>> -> memref<1x80x128xf32, #tpu.memory_space<vmem>>
      %dma_wait3A_798 = tpu.memref_squeeze %dma_wait3A_797 : memref<1x80x128xf32, #tpu.memory_space<vmem>> -> memref<80x128xf32, #tpu.memory_space<vmem>>
      %dma_wait3A_799 = arith.constant 0 : i32
      %dma_wait3A_800 = arith.constant 0 : i32
      %dma_wait3A_801 = tpu.memref_slice %arg20[%dma_wait3A_799, %dma_wait3A_800] : memref<10000x128xf32, #tpu.memory_space<vmem_shared>> -> memref<10000x128xf32, #tpu.memory_space<vmem_shared>>
      tpu.wait_indirect_dma semaphore(%arg26 : memref<!tpu.dma_semaphore, #tpu.memory_space<semaphore_mem>>) src(%dma_wait3A_798 : memref<80x128xf32, #tpu.memory_space<vmem>>) dst(%dma_wait3A_801 : memref<10000x128xf32, #tpu.memory_space<vmem_shared>>)
      %dma_wait3A_802 = arith.constant 0 : i32
      %dma_wait3A_803 = tpu.memref_slice %arg3[%dma_wait3A_802] : memref<320000xi32, #tpu.memory_space<hbm>> -> memref<80xi32, #tpu.memory_space<hbm>>
      %dma_wait3A_804 = arith.constant 0 : i32
      %dma_wait3A_805 = tpu.memref_slice %arg3[%dma_wait3A_804] : memref<320000xi32, #tpu.memory_space<hbm>> -> memref<80xi32, #tpu.memory_space<hbm>>
      tpu.wait_dma2 semaphore(%arg32 : memref<!tpu.dma_semaphore, #tpu.memory_space<semaphore_mem>>) src(%dma_wait3A_805 : memref<80xi32, #tpu.memory_space<hbm>>) dst(%arg11 : memref<80xi32, #tpu.memory_space<vmem>>)
      %dma_start3A_806 = arith.constant 2 : i32
      %dma_start3A_807 = arith.constant 0 : i32
      %dma_start3A_808 = arith.constant 0 : i32
      %dma_start3A_809 = tpu.memref_slice %arg18[%dma_start3A_806, %dma_start3A_807, %dma_start3A_808] : memref<3x80x128xf32, #tpu.memory_space<vmem>> -> memref<1x80x128xf32, #tpu.memory_space<vmem>>
      %dma_start3A_810 = tpu.memref_squeeze %dma_start3A_809 : memref<1x80x128xf32, #tpu.memory_space<vmem>> -> memref<80x128xf32, #tpu.memory_space<vmem>>
      %dma_start3A_811 = arith.constant 0 : i32
      %dma_start3A_812 = arith.constant 0 : i32
      %dma_start3A_813 = tpu.memref_slice %arg2[%dma_start3A_811, %dma_start3A_812] : memref<10000x128xf32, #tpu.memory_space<hbm>> -> memref<10000x128xf32, #tpu.memory_space<hbm>>
      tpu.enqueue_indirect_dma source(%dma_start3A_813 : memref<10000x128xf32, #tpu.memory_space<hbm>>) target(%dma_start3A_810 : memref<80x128xf32, #tpu.memory_space<vmem>>) offsets(%arg11 : memref<80xi32, #tpu.memory_space<vmem>>) semaphore(%arg23 : memref<!tpu.dma_semaphore, #tpu.memory_space<semaphore_mem>>)
      %add3A_814 = arith.constant 6 : i32
      %add3A_815 = arith.addi %add3A_773, %add3A_814 : i32
      %lt3A_816 = arith.constant 125 : i32
      %lt3A_817 = arith.cmpi slt, %add3A_815, %lt3A_816 : i32
      %convert_element_type3A_818 = arith.extui %lt3A_817 : i1 to i32
      %cond3A_819 = arith.constant 0 : i32
      %cond3A_820 = arith.cmpi ne, %convert_element_type3A_818, %cond3A_819 : i32
      scf.if %cond3A_820 {
        %mul3A_969 = arith.constant 80 : i32
        %mul3A_970 = arith.muli %add3A_815, %mul3A_969 : i32
        %add3A_971 = arith.addi %mul3A_2, %mul3A_970 : i32
        %dma_start3A_972 = tpu.memref_slice %arg3[%add3A_971] : memref<320000xi32, #tpu.memory_space<hbm>> -> memref<80xi32, #tpu.memory_space<hbm>>
        %dma_start3A_973 = tpu.memref_slice %arg3[%add3A_971] : memref<320000xi32, #tpu.memory_space<hbm>> -> memref<80xi32, #tpu.memory_space<hbm>>
        tpu.enqueue_dma source(%dma_start3A_973 : memref<80xi32, #tpu.memory_space<hbm>>) target(%arg8 : memref<80xi32, #tpu.memory_space<vmem>>) target_semaphore(%arg29 : memref<!tpu.dma_semaphore, #tpu.memory_space<semaphore_mem>>)
        %mul3A_974 = arith.constant 80 : i32
        %mul3A_975 = arith.muli %add3A_815, %mul3A_974 : i32
        %add3A_976 = arith.addi %mul3A_2, %mul3A_975 : i32
        %dma_start3A_977 = tpu.memref_slice %arg4[%add3A_976] : memref<320000xi32, #tpu.memory_space<hbm>> -> memref<80xi32, #tpu.memory_space<hbm>>
        %dma_start3A_978 = tpu.memref_slice %arg4[%add3A_976] : memref<320000xi32, #tpu.memory_space<hbm>> -> memref<80xi32, #tpu.memory_space<hbm>>
        tpu.enqueue_dma source(%dma_start3A_978 : memref<80xi32, #tpu.memory_space<hbm>>) target(%arg14 : memref<80xi32, #tpu.memory_space<vmem>>) target_semaphore(%arg35 : memref<!tpu.dma_semaphore, #tpu.memory_space<semaphore_mem>>)
      } else {
      }
      %add3A_821 = arith.constant 3 : i32
      %add3A_822 = arith.addi %mul3A_676, %add3A_821 : i32
      %dma_wait3A_823 = arith.constant 0 : i32
      %dma_wait3A_824 = arith.constant 0 : i32
      %dma_wait3A_825 = arith.constant 0 : i32
      %dma_wait3A_826 = tpu.memref_slice %arg18[%dma_wait3A_823, %dma_wait3A_824, %dma_wait3A_825] : memref<3x80x128xf32, #tpu.memory_space<vmem>> -> memref<1x80x128xf32, #tpu.memory_space<vmem>>
      %dma_wait3A_827 = tpu.memref_squeeze %dma_wait3A_826 : memref<1x80x128xf32, #tpu.memory_space<vmem>> -> memref<80x128xf32, #tpu.memory_space<vmem>>
      %dma_wait3A_828 = arith.constant 0 : i32
      %dma_wait3A_829 = arith.constant 0 : i32
      %dma_wait3A_830 = tpu.memref_slice %arg2[%dma_wait3A_828, %dma_wait3A_829] : memref<10000x128xf32, #tpu.memory_space<hbm>> -> memref<10000x128xf32, #tpu.memory_space<hbm>>
      tpu.wait_indirect_dma semaphore(%arg21 : memref<!tpu.dma_semaphore, #tpu.memory_space<semaphore_mem>>) src(%dma_wait3A_830 : memref<10000x128xf32, #tpu.memory_space<hbm>>) dst(%dma_wait3A_827 : memref<80x128xf32, #tpu.memory_space<vmem>>)
      %dma_wait3A_831 = arith.constant 0 : i32
      %dma_wait3A_832 = tpu.memref_slice %arg4[%dma_wait3A_831] : memref<320000xi32, #tpu.memory_space<hbm>> -> memref<80xi32, #tpu.memory_space<hbm>>
      %dma_wait3A_833 = arith.constant 0 : i32
      %dma_wait3A_834 = tpu.memref_slice %arg4[%dma_wait3A_833] : memref<320000xi32, #tpu.memory_space<hbm>> -> memref<80xi32, #tpu.memory_space<hbm>>
      tpu.wait_dma2 semaphore(%arg36 : memref<!tpu.dma_semaphore, #tpu.memory_space<semaphore_mem>>) src(%dma_wait3A_834 : memref<80xi32, #tpu.memory_space<hbm>>) dst(%arg15 : memref<80xi32, #tpu.memory_space<vmem>>)
      %dma_start3A_835 = arith.constant 0 : i32
      %dma_start3A_836 = arith.constant 0 : i32
      %dma_start3A_837 = arith.constant 0 : i32
      %dma_start3A_838 = tpu.memref_slice %arg18[%dma_start3A_835, %dma_start3A_836, %dma_start3A_837] : memref<3x80x128xf32, #tpu.memory_space<vmem>> -> memref<1x80x128xf32, #tpu.memory_space<vmem>>
      %dma_start3A_839 = tpu.memref_squeeze %dma_start3A_838 : memref<1x80x128xf32, #tpu.memory_space<vmem>> -> memref<80x128xf32, #tpu.memory_space<vmem>>
      %dma_start3A_840 = arith.constant 0 : i32
      %dma_start3A_841 = arith.constant 0 : i32
      %dma_start3A_842 = tpu.memref_slice %arg20[%dma_start3A_840, %dma_start3A_841] : memref<10000x128xf32, #tpu.memory_space<vmem_shared>> -> memref<10000x128xf32, #tpu.memory_space<vmem_shared>>
      tpu.enqueue_indirect_dma source(%dma_start3A_839 : memref<80x128xf32, #tpu.memory_space<vmem>>) target(%dma_start3A_842 : memref<10000x128xf32, #tpu.memory_space<vmem_shared>>) offsets(%arg15 : memref<80xi32, #tpu.memory_space<vmem>>) semaphore(%arg24 : memref<!tpu.dma_semaphore, #tpu.memory_space<semaphore_mem>>) {add = true}
      %dma_wait3A_843 = arith.constant 0 : i32
      %dma_wait3A_844 = arith.constant 0 : i32
      %dma_wait3A_845 = arith.constant 0 : i32
      %dma_wait3A_846 = tpu.memref_slice %arg18[%dma_wait3A_843, %dma_wait3A_844, %dma_wait3A_845] : memref<3x80x128xf32, #tpu.memory_space<vmem>> -> memref<1x80x128xf32, #tpu.memory_space<vmem>>
      %dma_wait3A_847 = tpu.memref_squeeze %dma_wait3A_846 : memref<1x80x128xf32, #tpu.memory_space<vmem>> -> memref<80x128xf32, #tpu.memory_space<vmem>>
      %dma_wait3A_848 = arith.constant 0 : i32
      %dma_wait3A_849 = arith.constant 0 : i32
      %dma_wait3A_850 = tpu.memref_slice %arg20[%dma_wait3A_848, %dma_wait3A_849] : memref<10000x128xf32, #tpu.memory_space<vmem_shared>> -> memref<10000x128xf32, #tpu.memory_space<vmem_shared>>
      tpu.wait_indirect_dma semaphore(%arg24 : memref<!tpu.dma_semaphore, #tpu.memory_space<semaphore_mem>>) src(%dma_wait3A_847 : memref<80x128xf32, #tpu.memory_space<vmem>>) dst(%dma_wait3A_850 : memref<10000x128xf32, #tpu.memory_space<vmem_shared>>)
      %dma_wait3A_851 = arith.constant 0 : i32
      %dma_wait3A_852 = tpu.memref_slice %arg3[%dma_wait3A_851] : memref<320000xi32, #tpu.memory_space<hbm>> -> memref<80xi32, #tpu.memory_space<hbm>>
      %dma_wait3A_853 = arith.constant 0 : i32
      %dma_wait3A_854 = tpu.memref_slice %arg3[%dma_wait3A_853] : memref<320000xi32, #tpu.memory_space<hbm>> -> memref<80xi32, #tpu.memory_space<hbm>>
      tpu.wait_dma2 semaphore(%arg27 : memref<!tpu.dma_semaphore, #tpu.memory_space<semaphore_mem>>) src(%dma_wait3A_854 : memref<80xi32, #tpu.memory_space<hbm>>) dst(%arg6 : memref<80xi32, #tpu.memory_space<vmem>>)
      %dma_start3A_855 = arith.constant 0 : i32
      %dma_start3A_856 = arith.constant 0 : i32
      %dma_start3A_857 = arith.constant 0 : i32
      %dma_start3A_858 = tpu.memref_slice %arg18[%dma_start3A_855, %dma_start3A_856, %dma_start3A_857] : memref<3x80x128xf32, #tpu.memory_space<vmem>> -> memref<1x80x128xf32, #tpu.memory_space<vmem>>
      %dma_start3A_859 = tpu.memref_squeeze %dma_start3A_858 : memref<1x80x128xf32, #tpu.memory_space<vmem>> -> memref<80x128xf32, #tpu.memory_space<vmem>>
      %dma_start3A_860 = arith.constant 0 : i32
      %dma_start3A_861 = arith.constant 0 : i32
      %dma_start3A_862 = tpu.memref_slice %arg2[%dma_start3A_860, %dma_start3A_861] : memref<10000x128xf32, #tpu.memory_space<hbm>> -> memref<10000x128xf32, #tpu.memory_space<hbm>>
      tpu.enqueue_indirect_dma source(%dma_start3A_862 : memref<10000x128xf32, #tpu.memory_space<hbm>>) target(%dma_start3A_859 : memref<80x128xf32, #tpu.memory_space<vmem>>) offsets(%arg6 : memref<80xi32, #tpu.memory_space<vmem>>) semaphore(%arg21 : memref<!tpu.dma_semaphore, #tpu.memory_space<semaphore_mem>>)
      %add3A_863 = arith.constant 6 : i32
      %add3A_864 = arith.addi %add3A_822, %add3A_863 : i32
      %lt3A_865 = arith.constant 125 : i32
      %lt3A_866 = arith.cmpi slt, %add3A_864, %lt3A_865 : i32
      %convert_element_type3A_867 = arith.extui %lt3A_866 : i1 to i32
      %cond3A_868 = arith.constant 0 : i32
      %cond3A_869 = arith.cmpi ne, %convert_element_type3A_867, %cond3A_868 : i32
      scf.if %cond3A_869 {
        %mul3A_969 = arith.constant 80 : i32
        %mul3A_970 = arith.muli %add3A_864, %mul3A_969 : i32
        %add3A_971 = arith.addi %mul3A_2, %mul3A_970 : i32
        %dma_start3A_972 = tpu.memref_slice %arg3[%add3A_971] : memref<320000xi32, #tpu.memory_space<hbm>> -> memref<80xi32, #tpu.memory_space<hbm>>
        %dma_start3A_973 = tpu.memref_slice %arg3[%add3A_971] : memref<320000xi32, #tpu.memory_space<hbm>> -> memref<80xi32, #tpu.memory_space<hbm>>
        tpu.enqueue_dma source(%dma_start3A_973 : memref<80xi32, #tpu.memory_space<hbm>>) target(%arg9 : memref<80xi32, #tpu.memory_space<vmem>>) target_semaphore(%arg30 : memref<!tpu.dma_semaphore, #tpu.memory_space<semaphore_mem>>)
        %mul3A_974 = arith.constant 80 : i32
        %mul3A_975 = arith.muli %add3A_864, %mul3A_974 : i32
        %add3A_976 = arith.addi %mul3A_2, %mul3A_975 : i32
        %dma_start3A_977 = tpu.memref_slice %arg4[%add3A_976] : memref<320000xi32, #tpu.memory_space<hbm>> -> memref<80xi32, #tpu.memory_space<hbm>>
        %dma_start3A_978 = tpu.memref_slice %arg4[%add3A_976] : memref<320000xi32, #tpu.memory_space<hbm>> -> memref<80xi32, #tpu.memory_space<hbm>>
        tpu.enqueue_dma source(%dma_start3A_978 : memref<80xi32, #tpu.memory_space<hbm>>) target(%arg15 : memref<80xi32, #tpu.memory_space<vmem>>) target_semaphore(%arg36 : memref<!tpu.dma_semaphore, #tpu.memory_space<semaphore_mem>>)
      } else {
      }
      %add3A_870 = arith.constant 4 : i32
      %add3A_871 = arith.addi %mul3A_676, %add3A_870 : i32
      %dma_wait3A_872 = arith.constant 1 : i32
      %dma_wait3A_873 = arith.constant 0 : i32
      %dma_wait3A_874 = arith.constant 0 : i32
      %dma_wait3A_875 = tpu.memref_slice %arg18[%dma_wait3A_872, %dma_wait3A_873, %dma_wait3A_874] : memref<3x80x128xf32, #tpu.memory_space<vmem>> -> memref<1x80x128xf32, #tpu.memory_space<vmem>>
      %dma_wait3A_876 = tpu.memref_squeeze %dma_wait3A_875 : memref<1x80x128xf32, #tpu.memory_space<vmem>> -> memref<80x128xf32, #tpu.memory_space<vmem>>
      %dma_wait3A_877 = arith.constant 0 : i32
      %dma_wait3A_878 = arith.constant 0 : i32
      %dma_wait3A_879 = tpu.memref_slice %arg2[%dma_wait3A_877, %dma_wait3A_878] : memref<10000x128xf32, #tpu.memory_space<hbm>> -> memref<10000x128xf32, #tpu.memory_space<hbm>>
      tpu.wait_indirect_dma semaphore(%arg22 : memref<!tpu.dma_semaphore, #tpu.memory_space<semaphore_mem>>) src(%dma_wait3A_879 : memref<10000x128xf32, #tpu.memory_space<hbm>>) dst(%dma_wait3A_876 : memref<80x128xf32, #tpu.memory_space<vmem>>)
      %dma_wait3A_880 = arith.constant 0 : i32
      %dma_wait3A_881 = tpu.memref_slice %arg4[%dma_wait3A_880] : memref<320000xi32, #tpu.memory_space<hbm>> -> memref<80xi32, #tpu.memory_space<hbm>>
      %dma_wait3A_882 = arith.constant 0 : i32
      %dma_wait3A_883 = tpu.memref_slice %arg4[%dma_wait3A_882] : memref<320000xi32, #tpu.memory_space<hbm>> -> memref<80xi32, #tpu.memory_space<hbm>>
      tpu.wait_dma2 semaphore(%arg37 : memref<!tpu.dma_semaphore, #tpu.memory_space<semaphore_mem>>) src(%dma_wait3A_883 : memref<80xi32, #tpu.memory_space<hbm>>) dst(%arg16 : memref<80xi32, #tpu.memory_space<vmem>>)
      %dma_start3A_884 = arith.constant 1 : i32
      %dma_start3A_885 = arith.constant 0 : i32
      %dma_start3A_886 = arith.constant 0 : i32
      %dma_start3A_887 = tpu.memref_slice %arg18[%dma_start3A_884, %dma_start3A_885, %dma_start3A_886] : memref<3x80x128xf32, #tpu.memory_space<vmem>> -> memref<1x80x128xf32, #tpu.memory_space<vmem>>
      %dma_start3A_888 = tpu.memref_squeeze %dma_start3A_887 : memref<1x80x128xf32, #tpu.memory_space<vmem>> -> memref<80x128xf32, #tpu.memory_space<vmem>>
      %dma_start3A_889 = arith.constant 0 : i32
      %dma_start3A_890 = arith.constant 0 : i32
      %dma_start3A_891 = tpu.memref_slice %arg20[%dma_start3A_889, %dma_start3A_890] : memref<10000x128xf32, #tpu.memory_space<vmem_shared>> -> memref<10000x128xf32, #tpu.memory_space<vmem_shared>>
      tpu.enqueue_indirect_dma source(%dma_start3A_888 : memref<80x128xf32, #tpu.memory_space<vmem>>) target(%dma_start3A_891 : memref<10000x128xf32, #tpu.memory_space<vmem_shared>>) offsets(%arg16 : memref<80xi32, #tpu.memory_space<vmem>>) semaphore(%arg25 : memref<!tpu.dma_semaphore, #tpu.memory_space<semaphore_mem>>) {add = true}
      %dma_wait3A_892 = arith.constant 1 : i32
      %dma_wait3A_893 = arith.constant 0 : i32
      %dma_wait3A_894 = arith.constant 0 : i32
      %dma_wait3A_895 = tpu.memref_slice %arg18[%dma_wait3A_892, %dma_wait3A_893, %dma_wait3A_894] : memref<3x80x128xf32, #tpu.memory_space<vmem>> -> memref<1x80x128xf32, #tpu.memory_space<vmem>>
      %dma_wait3A_896 = tpu.memref_squeeze %dma_wait3A_895 : memref<1x80x128xf32, #tpu.memory_space<vmem>> -> memref<80x128xf32, #tpu.memory_space<vmem>>
      %dma_wait3A_897 = arith.constant 0 : i32
      %dma_wait3A_898 = arith.constant 0 : i32
      %dma_wait3A_899 = tpu.memref_slice %arg20[%dma_wait3A_897, %dma_wait3A_898] : memref<10000x128xf32, #tpu.memory_space<vmem_shared>> -> memref<10000x128xf32, #tpu.memory_space<vmem_shared>>
      tpu.wait_indirect_dma semaphore(%arg25 : memref<!tpu.dma_semaphore, #tpu.memory_space<semaphore_mem>>) src(%dma_wait3A_896 : memref<80x128xf32, #tpu.memory_space<vmem>>) dst(%dma_wait3A_899 : memref<10000x128xf32, #tpu.memory_space<vmem_shared>>)
      %dma_wait3A_900 = arith.constant 0 : i32
      %dma_wait3A_901 = tpu.memref_slice %arg3[%dma_wait3A_900] : memref<320000xi32, #tpu.memory_space<hbm>> -> memref<80xi32, #tpu.memory_space<hbm>>
      %dma_wait3A_902 = arith.constant 0 : i32
      %dma_wait3A_903 = tpu.memref_slice %arg3[%dma_wait3A_902] : memref<320000xi32, #tpu.memory_space<hbm>> -> memref<80xi32, #tpu.memory_space<hbm>>
      tpu.wait_dma2 semaphore(%arg28 : memref<!tpu.dma_semaphore, #tpu.memory_space<semaphore_mem>>) src(%dma_wait3A_903 : memref<80xi32, #tpu.memory_space<hbm>>) dst(%arg7 : memref<80xi32, #tpu.memory_space<vmem>>)
      %dma_start3A_904 = arith.constant 1 : i32
      %dma_start3A_905 = arith.constant 0 : i32
      %dma_start3A_906 = arith.constant 0 : i32
      %dma_start3A_907 = tpu.memref_slice %arg18[%dma_start3A_904, %dma_start3A_905, %dma_start3A_906] : memref<3x80x128xf32, #tpu.memory_space<vmem>> -> memref<1x80x128xf32, #tpu.memory_space<vmem>>
      %dma_start3A_908 = tpu.memref_squeeze %dma_start3A_907 : memref<1x80x128xf32, #tpu.memory_space<vmem>> -> memref<80x128xf32, #tpu.memory_space<vmem>>
      %dma_start3A_909 = arith.constant 0 : i32
      %dma_start3A_910 = arith.constant 0 : i32
      %dma_start3A_911 = tpu.memref_slice %arg2[%dma_start3A_909, %dma_start3A_910] : memref<10000x128xf32, #tpu.memory_space<hbm>> -> memref<10000x128xf32, #tpu.memory_space<hbm>>
      tpu.enqueue_indirect_dma source(%dma_start3A_911 : memref<10000x128xf32, #tpu.memory_space<hbm>>) target(%dma_start3A_908 : memref<80x128xf32, #tpu.memory_space<vmem>>) offsets(%arg7 : memref<80xi32, #tpu.memory_space<vmem>>) semaphore(%arg22 : memref<!tpu.dma_semaphore, #tpu.memory_space<semaphore_mem>>)
      %add3A_912 = arith.constant 6 : i32
      %add3A_913 = arith.addi %add3A_871, %add3A_912 : i32
      %lt3A_914 = arith.constant 125 : i32
      %lt3A_915 = arith.cmpi slt, %add3A_913, %lt3A_914 : i32
      %convert_element_type3A_916 = arith.extui %lt3A_915 : i1 to i32
      %cond3A_917 = arith.constant 0 : i32
      %cond3A_918 = arith.cmpi ne, %convert_element_type3A_916, %cond3A_917 : i32
      scf.if %cond3A_918 {
        %mul3A_969 = arith.constant 80 : i32
        %mul3A_970 = arith.muli %add3A_913, %mul3A_969 : i32
        %add3A_971 = arith.addi %mul3A_2, %mul3A_970 : i32
        %dma_start3A_972 = tpu.memref_slice %arg3[%add3A_971] : memref<320000xi32, #tpu.memory_space<hbm>> -> memref<80xi32, #tpu.memory_space<hbm>>
        %dma_start3A_973 = tpu.memref_slice %arg3[%add3A_971] : memref<320000xi32, #tpu.memory_space<hbm>> -> memref<80xi32, #tpu.memory_space<hbm>>
        tpu.enqueue_dma source(%dma_start3A_973 : memref<80xi32, #tpu.memory_space<hbm>>) target(%arg10 : memref<80xi32, #tpu.memory_space<vmem>>) target_semaphore(%arg31 : memref<!tpu.dma_semaphore, #tpu.memory_space<semaphore_mem>>)
        %mul3A_974 = arith.constant 80 : i32
        %mul3A_975 = arith.muli %add3A_913, %mul3A_974 : i32
        %add3A_976 = arith.addi %mul3A_2, %mul3A_975 : i32
        %dma_start3A_977 = tpu.memref_slice %arg4[%add3A_976] : memref<320000xi32, #tpu.memory_space<hbm>> -> memref<80xi32, #tpu.memory_space<hbm>>
        %dma_start3A_978 = tpu.memref_slice %arg4[%add3A_976] : memref<320000xi32, #tpu.memory_space<hbm>> -> memref<80xi32, #tpu.memory_space<hbm>>
        tpu.enqueue_dma source(%dma_start3A_978 : memref<80xi32, #tpu.memory_space<hbm>>) target(%arg16 : memref<80xi32, #tpu.memory_space<vmem>>) target_semaphore(%arg37 : memref<!tpu.dma_semaphore, #tpu.memory_space<semaphore_mem>>)
      } else {
      }
      %add3A_919 = arith.constant 5 : i32
      %add3A_920 = arith.addi %mul3A_676, %add3A_919 : i32
      %dma_wait3A_921 = arith.constant 2 : i32
      %dma_wait3A_922 = arith.constant 0 : i32
      %dma_wait3A_923 = arith.constant 0 : i32
      %dma_wait3A_924 = tpu.memref_slice %arg18[%dma_wait3A_921, %dma_wait3A_922, %dma_wait3A_923] : memref<3x80x128xf32, #tpu.memory_space<vmem>> -> memref<1x80x128xf32, #tpu.memory_space<vmem>>
      %dma_wait3A_925 = tpu.memref_squeeze %dma_wait3A_924 : memref<1x80x128xf32, #tpu.memory_space<vmem>> -> memref<80x128xf32, #tpu.memory_space<vmem>>
      %dma_wait3A_926 = arith.constant 0 : i32
      %dma_wait3A_927 = arith.constant 0 : i32
      %dma_wait3A_928 = tpu.memref_slice %arg2[%dma_wait3A_926, %dma_wait3A_927] : memref<10000x128xf32, #tpu.memory_space<hbm>> -> memref<10000x128xf32, #tpu.memory_space<hbm>>
      tpu.wait_indirect_dma semaphore(%arg23 : memref<!tpu.dma_semaphore, #tpu.memory_space<semaphore_mem>>) src(%dma_wait3A_928 : memref<10000x128xf32, #tpu.memory_space<hbm>>) dst(%dma_wait3A_925 : memref<80x128xf32, #tpu.memory_space<vmem>>)
      %dma_wait3A_929 = arith.constant 0 : i32
      %dma_wait3A_930 = tpu.memref_slice %arg4[%dma_wait3A_929] : memref<320000xi32, #tpu.memory_space<hbm>> -> memref<80xi32, #tpu.memory_space<hbm>>
      %dma_wait3A_931 = arith.constant 0 : i32
      %dma_wait3A_932 = tpu.memref_slice %arg4[%dma_wait3A_931] : memref<320000xi32, #tpu.memory_space<hbm>> -> memref<80xi32, #tpu.memory_space<hbm>>
      tpu.wait_dma2 semaphore(%arg38 : memref<!tpu.dma_semaphore, #tpu.memory_space<semaphore_mem>>) src(%dma_wait3A_932 : memref<80xi32, #tpu.memory_space<hbm>>) dst(%arg17 : memref<80xi32, #tpu.memory_space<vmem>>)
      %dma_start3A_933 = arith.constant 2 : i32
      %dma_start3A_934 = arith.constant 0 : i32
      %dma_start3A_935 = arith.constant 0 : i32
      %dma_start3A_936 = tpu.memref_slice %arg18[%dma_start3A_933, %dma_start3A_934, %dma_start3A_935] : memref<3x80x128xf32, #tpu.memory_space<vmem>> -> memref<1x80x128xf32, #tpu.memory_space<vmem>>
      %dma_start3A_937 = tpu.memref_squeeze %dma_start3A_936 : memref<1x80x128xf32, #tpu.memory_space<vmem>> -> memref<80x128xf32, #tpu.memory_space<vmem>>
      %dma_start3A_938 = arith.constant 0 : i32
      %dma_start3A_939 = arith.constant 0 : i32
      %dma_start3A_940 = tpu.memref_slice %arg20[%dma_start3A_938, %dma_start3A_939] : memref<10000x128xf32, #tpu.memory_space<vmem_shared>> -> memref<10000x128xf32, #tpu.memory_space<vmem_shared>>
      tpu.enqueue_indirect_dma source(%dma_start3A_937 : memref<80x128xf32, #tpu.memory_space<vmem>>) target(%dma_start3A_940 : memref<10000x128xf32, #tpu.memory_space<vmem_shared>>) offsets(%arg17 : memref<80xi32, #tpu.memory_space<vmem>>) semaphore(%arg26 : memref<!tpu.dma_semaphore, #tpu.memory_space<semaphore_mem>>) {add = true}
      %dma_wait3A_941 = arith.constant 2 : i32
      %dma_wait3A_942 = arith.constant 0 : i32
      %dma_wait3A_943 = arith.constant 0 : i32
      %dma_wait3A_944 = tpu.memref_slice %arg18[%dma_wait3A_941, %dma_wait3A_942, %dma_wait3A_943] : memref<3x80x128xf32, #tpu.memory_space<vmem>> -> memref<1x80x128xf32, #tpu.memory_space<vmem>>
      %dma_wait3A_945 = tpu.memref_squeeze %dma_wait3A_944 : memref<1x80x128xf32, #tpu.memory_space<vmem>> -> memref<80x128xf32, #tpu.memory_space<vmem>>
      %dma_wait3A_946 = arith.constant 0 : i32
      %dma_wait3A_947 = arith.constant 0 : i32
      %dma_wait3A_948 = tpu.memref_slice %arg20[%dma_wait3A_946, %dma_wait3A_947] : memref<10000x128xf32, #tpu.memory_space<vmem_shared>> -> memref<10000x128xf32, #tpu.memory_space<vmem_shared>>
      tpu.wait_indirect_dma semaphore(%arg26 : memref<!tpu.dma_semaphore, #tpu.memory_space<semaphore_mem>>) src(%dma_wait3A_945 : memref<80x128xf32, #tpu.memory_space<vmem>>) dst(%dma_wait3A_948 : memref<10000x128xf32, #tpu.memory_space<vmem_shared>>)
      %dma_wait3A_949 = arith.constant 0 : i32
      %dma_wait3A_950 = tpu.memref_slice %arg3[%dma_wait3A_949] : memref<320000xi32, #tpu.memory_space<hbm>> -> memref<80xi32, #tpu.memory_space<hbm>>
      %dma_wait3A_951 = arith.constant 0 : i32
      %dma_wait3A_952 = tpu.memref_slice %arg3[%dma_wait3A_951] : memref<320000xi32, #tpu.memory_space<hbm>> -> memref<80xi32, #tpu.memory_space<hbm>>
      tpu.wait_dma2 semaphore(%arg29 : memref<!tpu.dma_semaphore, #tpu.memory_space<semaphore_mem>>) src(%dma_wait3A_952 : memref<80xi32, #tpu.memory_space<hbm>>) dst(%arg8 : memref<80xi32, #tpu.memory_space<vmem>>)
      %dma_start3A_953 = arith.constant 2 : i32
      %dma_start3A_954 = arith.constant 0 : i32
      %dma_start3A_955 = arith.constant 0 : i32
      %dma_start3A_956 = tpu.memref_slice %arg18[%dma_start3A_953, %dma_start3A_954, %dma_start3A_955] : memref<3x80x128xf32, #tpu.memory_space<vmem>> -> memref<1x80x128xf32, #tpu.memory_space<vmem>>
      %dma_start3A_957 = tpu.memref_squeeze %dma_start3A_956 : memref<1x80x128xf32, #tpu.memory_space<vmem>> -> memref<80x128xf32, #tpu.memory_space<vmem>>
      %dma_start3A_958 = arith.constant 0 : i32
      %dma_start3A_959 = arith.constant 0 : i32
      %dma_start3A_960 = tpu.memref_slice %arg2[%dma_start3A_958, %dma_start3A_959] : memref<10000x128xf32, #tpu.memory_space<hbm>> -> memref<10000x128xf32, #tpu.memory_space<hbm>>
      tpu.enqueue_indirect_dma source(%dma_start3A_960 : memref<10000x128xf32, #tpu.memory_space<hbm>>) target(%dma_start3A_957 : memref<80x128xf32, #tpu.memory_space<vmem>>) offsets(%arg8 : memref<80xi32, #tpu.memory_space<vmem>>) semaphore(%arg23 : memref<!tpu.dma_semaphore, #tpu.memory_space<semaphore_mem>>)
      %add3A_961 = arith.constant 6 : i32
      %add3A_962 = arith.addi %add3A_920, %add3A_961 : i32
      %lt3A_963 = arith.constant 125 : i32
      %lt3A_964 = arith.cmpi slt, %add3A_962, %lt3A_963 : i32
      %convert_element_type3A_965 = arith.extui %lt3A_964 : i1 to i32
      %cond3A_966 = arith.constant 0 : i32
      %cond3A_967 = arith.cmpi ne, %convert_element_type3A_965, %cond3A_966 : i32
      scf.if %cond3A_967 {
        %mul3A_969 = arith.constant 80 : i32
        %mul3A_970 = arith.muli %add3A_962, %mul3A_969 : i32
        %add3A_971 = arith.addi %mul3A_2, %mul3A_970 : i32
        %dma_start3A_972 = tpu.memref_slice %arg3[%add3A_971] : memref<320000xi32, #tpu.memory_space<hbm>> -> memref<80xi32, #tpu.memory_space<hbm>>
        %dma_start3A_973 = tpu.memref_slice %arg3[%add3A_971] : memref<320000xi32, #tpu.memory_space<hbm>> -> memref<80xi32, #tpu.memory_space<hbm>>
        tpu.enqueue_dma source(%dma_start3A_973 : memref<80xi32, #tpu.memory_space<hbm>>) target(%arg11 : memref<80xi32, #tpu.memory_space<vmem>>) target_semaphore(%arg32 : memref<!tpu.dma_semaphore, #tpu.memory_space<semaphore_mem>>)
        %mul3A_974 = arith.constant 80 : i32
        %mul3A_975 = arith.muli %add3A_962, %mul3A_974 : i32
        %add3A_976 = arith.addi %mul3A_2, %mul3A_975 : i32
        %dma_start3A_977 = tpu.memref_slice %arg4[%add3A_976] : memref<320000xi32, #tpu.memory_space<hbm>> -> memref<80xi32, #tpu.memory_space<hbm>>
        %dma_start3A_978 = tpu.memref_slice %arg4[%add3A_976] : memref<320000xi32, #tpu.memory_space<hbm>> -> memref<80xi32, #tpu.memory_space<hbm>>
        tpu.enqueue_dma source(%dma_start3A_978 : memref<80xi32, #tpu.memory_space<hbm>>) target(%arg17 : memref<80xi32, #tpu.memory_space<vmem>>) target_semaphore(%arg38 : memref<!tpu.dma_semaphore, #tpu.memory_space<semaphore_mem>>)
      } else {
      }
      %scan3A_968 = arith.constant 0 : i32
      scf.yield %scan3A_968 : i32
    }
    %scan3A_507 = arith.constant 20 : i32
    %dma_wait3A_508 = arith.constant 0 : i32
    %dma_wait3A_509 = arith.constant 0 : i32
    %dma_wait3A_510 = arith.constant 0 : i32
    %dma_wait3A_511 = tpu.memref_slice %arg18[%dma_wait3A_508, %dma_wait3A_509, %dma_wait3A_510] : memref<3x80x128xf32, #tpu.memory_space<vmem>> -> memref<1x80x128xf32, #tpu.memory_space<vmem>>
    %dma_wait3A_512 = tpu.memref_squeeze %dma_wait3A_511 : memref<1x80x128xf32, #tpu.memory_space<vmem>> -> memref<80x128xf32, #tpu.memory_space<vmem>>
    %dma_wait3A_513 = arith.constant 0 : i32
    %dma_wait3A_514 = arith.constant 0 : i32
    %dma_wait3A_515 = tpu.memref_slice %arg2[%dma_wait3A_513, %dma_wait3A_514] : memref<10000x128xf32, #tpu.memory_space<hbm>> -> memref<10000x128xf32, #tpu.memory_space<hbm>>
    tpu.wait_indirect_dma semaphore(%arg21 : memref<!tpu.dma_semaphore, #tpu.memory_space<semaphore_mem>>) src(%dma_wait3A_515 : memref<10000x128xf32, #tpu.memory_space<hbm>>) dst(%dma_wait3A_512 : memref<80x128xf32, #tpu.memory_space<vmem>>)
    %dma_wait3A_516 = arith.constant 0 : i32
    %dma_wait3A_517 = tpu.memref_slice %arg4[%dma_wait3A_516] : memref<320000xi32, #tpu.memory_space<hbm>> -> memref<80xi32, #tpu.memory_space<hbm>>
    %dma_wait3A_518 = arith.constant 0 : i32
    %dma_wait3A_519 = tpu.memref_slice %arg4[%dma_wait3A_518] : memref<320000xi32, #tpu.memory_space<hbm>> -> memref<80xi32, #tpu.memory_space<hbm>>
    tpu.wait_dma2 semaphore(%arg33 : memref<!tpu.dma_semaphore, #tpu.memory_space<semaphore_mem>>) src(%dma_wait3A_519 : memref<80xi32, #tpu.memory_space<hbm>>) dst(%arg12 : memref<80xi32, #tpu.memory_space<vmem>>)
    %dma_start3A_520 = arith.constant 0 : i32
    %dma_start3A_521 = arith.constant 0 : i32
    %dma_start3A_522 = arith.constant 0 : i32
    %dma_start3A_523 = tpu.memref_slice %arg18[%dma_start3A_520, %dma_start3A_521, %dma_start3A_522] : memref<3x80x128xf32, #tpu.memory_space<vmem>> -> memref<1x80x128xf32, #tpu.memory_space<vmem>>
    %dma_start3A_524 = tpu.memref_squeeze %dma_start3A_523 : memref<1x80x128xf32, #tpu.memory_space<vmem>> -> memref<80x128xf32, #tpu.memory_space<vmem>>
    %dma_start3A_525 = arith.constant 0 : i32
    %dma_start3A_526 = arith.constant 0 : i32
    %dma_start3A_527 = tpu.memref_slice %arg20[%dma_start3A_525, %dma_start3A_526] : memref<10000x128xf32, #tpu.memory_space<vmem_shared>> -> memref<10000x128xf32, #tpu.memory_space<vmem_shared>>
    tpu.enqueue_indirect_dma source(%dma_start3A_524 : memref<80x128xf32, #tpu.memory_space<vmem>>) target(%dma_start3A_527 : memref<10000x128xf32, #tpu.memory_space<vmem_shared>>) offsets(%arg12 : memref<80xi32, #tpu.memory_space<vmem>>) semaphore(%arg24 : memref<!tpu.dma_semaphore, #tpu.memory_space<semaphore_mem>>) {add = true}
    %dma_wait3A_528 = arith.constant 0 : i32
    %dma_wait3A_529 = arith.constant 0 : i32
    %dma_wait3A_530 = arith.constant 0 : i32
    %dma_wait3A_531 = tpu.memref_slice %arg18[%dma_wait3A_528, %dma_wait3A_529, %dma_wait3A_530] : memref<3x80x128xf32, #tpu.memory_space<vmem>> -> memref<1x80x128xf32, #tpu.memory_space<vmem>>
    %dma_wait3A_532 = tpu.memref_squeeze %dma_wait3A_531 : memref<1x80x128xf32, #tpu.memory_space<vmem>> -> memref<80x128xf32, #tpu.memory_space<vmem>>
    %dma_wait3A_533 = arith.constant 0 : i32
    %dma_wait3A_534 = arith.constant 0 : i32
    %dma_wait3A_535 = tpu.memref_slice %arg20[%dma_wait3A_533, %dma_wait3A_534] : memref<10000x128xf32, #tpu.memory_space<vmem_shared>> -> memref<10000x128xf32, #tpu.memory_space<vmem_shared>>
    tpu.wait_indirect_dma semaphore(%arg24 : memref<!tpu.dma_semaphore, #tpu.memory_space<semaphore_mem>>) src(%dma_wait3A_532 : memref<80x128xf32, #tpu.memory_space<vmem>>) dst(%dma_wait3A_535 : memref<10000x128xf32, #tpu.memory_space<vmem_shared>>)
    %dma_wait3A_536 = arith.constant 0 : i32
    %dma_wait3A_537 = tpu.memref_slice %arg3[%dma_wait3A_536] : memref<320000xi32, #tpu.memory_space<hbm>> -> memref<80xi32, #tpu.memory_space<hbm>>
    %dma_wait3A_538 = arith.constant 0 : i32
    %dma_wait3A_539 = tpu.memref_slice %arg3[%dma_wait3A_538] : memref<320000xi32, #tpu.memory_space<hbm>> -> memref<80xi32, #tpu.memory_space<hbm>>
    tpu.wait_dma2 semaphore(%arg30 : memref<!tpu.dma_semaphore, #tpu.memory_space<semaphore_mem>>) src(%dma_wait3A_539 : memref<80xi32, #tpu.memory_space<hbm>>) dst(%arg9 : memref<80xi32, #tpu.memory_space<vmem>>)
    %dma_start3A_540 = arith.constant 0 : i32
    %dma_start3A_541 = arith.constant 0 : i32
    %dma_start3A_542 = arith.constant 0 : i32
    %dma_start3A_543 = tpu.memref_slice %arg18[%dma_start3A_540, %dma_start3A_541, %dma_start3A_542] : memref<3x80x128xf32, #tpu.memory_space<vmem>> -> memref<1x80x128xf32, #tpu.memory_space<vmem>>
    %dma_start3A_544 = tpu.memref_squeeze %dma_start3A_543 : memref<1x80x128xf32, #tpu.memory_space<vmem>> -> memref<80x128xf32, #tpu.memory_space<vmem>>
    %dma_start3A_545 = arith.constant 0 : i32
    %dma_start3A_546 = arith.constant 0 : i32
    %dma_start3A_547 = tpu.memref_slice %arg2[%dma_start3A_545, %dma_start3A_546] : memref<10000x128xf32, #tpu.memory_space<hbm>> -> memref<10000x128xf32, #tpu.memory_space<hbm>>
    tpu.enqueue_indirect_dma source(%dma_start3A_547 : memref<10000x128xf32, #tpu.memory_space<hbm>>) target(%dma_start3A_544 : memref<80x128xf32, #tpu.memory_space<vmem>>) offsets(%arg9 : memref<80xi32, #tpu.memory_space<vmem>>) semaphore(%arg21 : memref<!tpu.dma_semaphore, #tpu.memory_space<semaphore_mem>>)
    %dma_wait3A_548 = arith.constant 1 : i32
    %dma_wait3A_549 = arith.constant 0 : i32
    %dma_wait3A_550 = arith.constant 0 : i32
    %dma_wait3A_551 = tpu.memref_slice %arg18[%dma_wait3A_548, %dma_wait3A_549, %dma_wait3A_550] : memref<3x80x128xf32, #tpu.memory_space<vmem>> -> memref<1x80x128xf32, #tpu.memory_space<vmem>>
    %dma_wait3A_552 = tpu.memref_squeeze %dma_wait3A_551 : memref<1x80x128xf32, #tpu.memory_space<vmem>> -> memref<80x128xf32, #tpu.memory_space<vmem>>
    %dma_wait3A_553 = arith.constant 0 : i32
    %dma_wait3A_554 = arith.constant 0 : i32
    %dma_wait3A_555 = tpu.memref_slice %arg2[%dma_wait3A_553, %dma_wait3A_554] : memref<10000x128xf32, #tpu.memory_space<hbm>> -> memref<10000x128xf32, #tpu.memory_space<hbm>>
    tpu.wait_indirect_dma semaphore(%arg22 : memref<!tpu.dma_semaphore, #tpu.memory_space<semaphore_mem>>) src(%dma_wait3A_555 : memref<10000x128xf32, #tpu.memory_space<hbm>>) dst(%dma_wait3A_552 : memref<80x128xf32, #tpu.memory_space<vmem>>)
    %dma_wait3A_556 = arith.constant 0 : i32
    %dma_wait3A_557 = tpu.memref_slice %arg4[%dma_wait3A_556] : memref<320000xi32, #tpu.memory_space<hbm>> -> memref<80xi32, #tpu.memory_space<hbm>>
    %dma_wait3A_558 = arith.constant 0 : i32
    %dma_wait3A_559 = tpu.memref_slice %arg4[%dma_wait3A_558] : memref<320000xi32, #tpu.memory_space<hbm>> -> memref<80xi32, #tpu.memory_space<hbm>>
    tpu.wait_dma2 semaphore(%arg34 : memref<!tpu.dma_semaphore, #tpu.memory_space<semaphore_mem>>) src(%dma_wait3A_559 : memref<80xi32, #tpu.memory_space<hbm>>) dst(%arg13 : memref<80xi32, #tpu.memory_space<vmem>>)
    %dma_start3A_560 = arith.constant 1 : i32
    %dma_start3A_561 = arith.constant 0 : i32
    %dma_start3A_562 = arith.constant 0 : i32
    %dma_start3A_563 = tpu.memref_slice %arg18[%dma_start3A_560, %dma_start3A_561, %dma_start3A_562] : memref<3x80x128xf32, #tpu.memory_space<vmem>> -> memref<1x80x128xf32, #tpu.memory_space<vmem>>
    %dma_start3A_564 = tpu.memref_squeeze %dma_start3A_563 : memref<1x80x128xf32, #tpu.memory_space<vmem>> -> memref<80x128xf32, #tpu.memory_space<vmem>>
    %dma_start3A_565 = arith.constant 0 : i32
    %dma_start3A_566 = arith.constant 0 : i32
    %dma_start3A_567 = tpu.memref_slice %arg20[%dma_start3A_565, %dma_start3A_566] : memref<10000x128xf32, #tpu.memory_space<vmem_shared>> -> memref<10000x128xf32, #tpu.memory_space<vmem_shared>>
    tpu.enqueue_indirect_dma source(%dma_start3A_564 : memref<80x128xf32, #tpu.memory_space<vmem>>) target(%dma_start3A_567 : memref<10000x128xf32, #tpu.memory_space<vmem_shared>>) offsets(%arg13 : memref<80xi32, #tpu.memory_space<vmem>>) semaphore(%arg25 : memref<!tpu.dma_semaphore, #tpu.memory_space<semaphore_mem>>) {add = true}
    %dma_wait3A_568 = arith.constant 1 : i32
    %dma_wait3A_569 = arith.constant 0 : i32
    %dma_wait3A_570 = arith.constant 0 : i32
    %dma_wait3A_571 = tpu.memref_slice %arg18[%dma_wait3A_568, %dma_wait3A_569, %dma_wait3A_570] : memref<3x80x128xf32, #tpu.memory_space<vmem>> -> memref<1x80x128xf32, #tpu.memory_space<vmem>>
    %dma_wait3A_572 = tpu.memref_squeeze %dma_wait3A_571 : memref<1x80x128xf32, #tpu.memory_space<vmem>> -> memref<80x128xf32, #tpu.memory_space<vmem>>
    %dma_wait3A_573 = arith.constant 0 : i32
    %dma_wait3A_574 = arith.constant 0 : i32
    %dma_wait3A_575 = tpu.memref_slice %arg20[%dma_wait3A_573, %dma_wait3A_574] : memref<10000x128xf32, #tpu.memory_space<vmem_shared>> -> memref<10000x128xf32, #tpu.memory_space<vmem_shared>>
    tpu.wait_indirect_dma semaphore(%arg25 : memref<!tpu.dma_semaphore, #tpu.memory_space<semaphore_mem>>) src(%dma_wait3A_572 : memref<80x128xf32, #tpu.memory_space<vmem>>) dst(%dma_wait3A_575 : memref<10000x128xf32, #tpu.memory_space<vmem_shared>>)
    %dma_wait3A_576 = arith.constant 0 : i32
    %dma_wait3A_577 = tpu.memref_slice %arg3[%dma_wait3A_576] : memref<320000xi32, #tpu.memory_space<hbm>> -> memref<80xi32, #tpu.memory_space<hbm>>
    %dma_wait3A_578 = arith.constant 0 : i32
    %dma_wait3A_579 = tpu.memref_slice %arg3[%dma_wait3A_578] : memref<320000xi32, #tpu.memory_space<hbm>> -> memref<80xi32, #tpu.memory_space<hbm>>
    tpu.wait_dma2 semaphore(%arg31 : memref<!tpu.dma_semaphore, #tpu.memory_space<semaphore_mem>>) src(%dma_wait3A_579 : memref<80xi32, #tpu.memory_space<hbm>>) dst(%arg10 : memref<80xi32, #tpu.memory_space<vmem>>)
    %dma_start3A_580 = arith.constant 1 : i32
    %dma_start3A_581 = arith.constant 0 : i32
    %dma_start3A_582 = arith.constant 0 : i32
    %dma_start3A_583 = tpu.memref_slice %arg18[%dma_start3A_580, %dma_start3A_581, %dma_start3A_582] : memref<3x80x128xf32, #tpu.memory_space<vmem>> -> memref<1x80x128xf32, #tpu.memory_space<vmem>>
    %dma_start3A_584 = tpu.memref_squeeze %dma_start3A_583 : memref<1x80x128xf32, #tpu.memory_space<vmem>> -> memref<80x128xf32, #tpu.memory_space<vmem>>
    %dma_start3A_585 = arith.constant 0 : i32
    %dma_start3A_586 = arith.constant 0 : i32
    %dma_start3A_587 = tpu.memref_slice %arg2[%dma_start3A_585, %dma_start3A_586] : memref<10000x128xf32, #tpu.memory_space<hbm>> -> memref<10000x128xf32, #tpu.memory_space<hbm>>
    tpu.enqueue_indirect_dma source(%dma_start3A_587 : memref<10000x128xf32, #tpu.memory_space<hbm>>) target(%dma_start3A_584 : memref<80x128xf32, #tpu.memory_space<vmem>>) offsets(%arg10 : memref<80xi32, #tpu.memory_space<vmem>>) semaphore(%arg22 : memref<!tpu.dma_semaphore, #tpu.memory_space<semaphore_mem>>)
    %dma_wait3A_588 = arith.constant 2 : i32
    %dma_wait3A_589 = arith.constant 0 : i32
    %dma_wait3A_590 = arith.constant 0 : i32
    %dma_wait3A_591 = tpu.memref_slice %arg18[%dma_wait3A_588, %dma_wait3A_589, %dma_wait3A_590] : memref<3x80x128xf32, #tpu.memory_space<vmem>> -> memref<1x80x128xf32, #tpu.memory_space<vmem>>
    %dma_wait3A_592 = tpu.memref_squeeze %dma_wait3A_591 : memref<1x80x128xf32, #tpu.memory_space<vmem>> -> memref<80x128xf32, #tpu.memory_space<vmem>>
    %dma_wait3A_593 = arith.constant 0 : i32
    %dma_wait3A_594 = arith.constant 0 : i32
    %dma_wait3A_595 = tpu.memref_slice %arg2[%dma_wait3A_593, %dma_wait3A_594] : memref<10000x128xf32, #tpu.memory_space<hbm>> -> memref<10000x128xf32, #tpu.memory_space<hbm>>
    tpu.wait_indirect_dma semaphore(%arg23 : memref<!tpu.dma_semaphore, #tpu.memory_space<semaphore_mem>>) src(%dma_wait3A_595 : memref<10000x128xf32, #tpu.memory_space<hbm>>) dst(%dma_wait3A_592 : memref<80x128xf32, #tpu.memory_space<vmem>>)
    %dma_wait3A_596 = arith.constant 0 : i32
    %dma_wait3A_597 = tpu.memref_slice %arg4[%dma_wait3A_596] : memref<320000xi32, #tpu.memory_space<hbm>> -> memref<80xi32, #tpu.memory_space<hbm>>
    %dma_wait3A_598 = arith.constant 0 : i32
    %dma_wait3A_599 = tpu.memref_slice %arg4[%dma_wait3A_598] : memref<320000xi32, #tpu.memory_space<hbm>> -> memref<80xi32, #tpu.memory_space<hbm>>
    tpu.wait_dma2 semaphore(%arg35 : memref<!tpu.dma_semaphore, #tpu.memory_space<semaphore_mem>>) src(%dma_wait3A_599 : memref<80xi32, #tpu.memory_space<hbm>>) dst(%arg14 : memref<80xi32, #tpu.memory_space<vmem>>)
    %dma_start3A_600 = arith.constant 2 : i32
    %dma_start3A_601 = arith.constant 0 : i32
    %dma_start3A_602 = arith.constant 0 : i32
    %dma_start3A_603 = tpu.memref_slice %arg18[%dma_start3A_600, %dma_start3A_601, %dma_start3A_602] : memref<3x80x128xf32, #tpu.memory_space<vmem>> -> memref<1x80x128xf32, #tpu.memory_space<vmem>>
    %dma_start3A_604 = tpu.memref_squeeze %dma_start3A_603 : memref<1x80x128xf32, #tpu.memory_space<vmem>> -> memref<80x128xf32, #tpu.memory_space<vmem>>
    %dma_start3A_605 = arith.constant 0 : i32
    %dma_start3A_606 = arith.constant 0 : i32
    %dma_start3A_607 = tpu.memref_slice %arg20[%dma_start3A_605, %dma_start3A_606] : memref<10000x128xf32, #tpu.memory_space<vmem_shared>> -> memref<10000x128xf32, #tpu.memory_space<vmem_shared>>
    tpu.enqueue_indirect_dma source(%dma_start3A_604 : memref<80x128xf32, #tpu.memory_space<vmem>>) target(%dma_start3A_607 : memref<10000x128xf32, #tpu.memory_space<vmem_shared>>) offsets(%arg14 : memref<80xi32, #tpu.memory_space<vmem>>) semaphore(%arg26 : memref<!tpu.dma_semaphore, #tpu.memory_space<semaphore_mem>>) {add = true}
    %dma_wait3A_608 = arith.constant 2 : i32
    %dma_wait3A_609 = arith.constant 0 : i32
    %dma_wait3A_610 = arith.constant 0 : i32
    %dma_wait3A_611 = tpu.memref_slice %arg18[%dma_wait3A_608, %dma_wait3A_609, %dma_wait3A_610] : memref<3x80x128xf32, #tpu.memory_space<vmem>> -> memref<1x80x128xf32, #tpu.memory_space<vmem>>
    %dma_wait3A_612 = tpu.memref_squeeze %dma_wait3A_611 : memref<1x80x128xf32, #tpu.memory_space<vmem>> -> memref<80x128xf32, #tpu.memory_space<vmem>>
    %dma_wait3A_613 = arith.constant 0 : i32
    %dma_wait3A_614 = arith.constant 0 : i32
    %dma_wait3A_615 = tpu.memref_slice %arg20[%dma_wait3A_613, %dma_wait3A_614] : memref<10000x128xf32, #tpu.memory_space<vmem_shared>> -> memref<10000x128xf32, #tpu.memory_space<vmem_shared>>
    tpu.wait_indirect_dma semaphore(%arg26 : memref<!tpu.dma_semaphore, #tpu.memory_space<semaphore_mem>>) src(%dma_wait3A_612 : memref<80x128xf32, #tpu.memory_space<vmem>>) dst(%dma_wait3A_615 : memref<10000x128xf32, #tpu.memory_space<vmem_shared>>)
    %dma_wait3A_616 = arith.constant 0 : i32
    %dma_wait3A_617 = arith.constant 0 : i32
    %dma_wait3A_618 = arith.constant 0 : i32
    %dma_wait3A_619 = tpu.memref_slice %arg18[%dma_wait3A_616, %dma_wait3A_617, %dma_wait3A_618] : memref<3x80x128xf32, #tpu.memory_space<vmem>> -> memref<1x80x128xf32, #tpu.memory_space<vmem>>
    %dma_wait3A_620 = tpu.memref_squeeze %dma_wait3A_619 : memref<1x80x128xf32, #tpu.memory_space<vmem>> -> memref<80x128xf32, #tpu.memory_space<vmem>>
    %dma_wait3A_621 = arith.constant 0 : i32
    %dma_wait3A_622 = arith.constant 0 : i32
    %dma_wait3A_623 = tpu.memref_slice %arg2[%dma_wait3A_621, %dma_wait3A_622] : memref<10000x128xf32, #tpu.memory_space<hbm>> -> memref<10000x128xf32, #tpu.memory_space<hbm>>
    tpu.wait_indirect_dma semaphore(%arg21 : memref<!tpu.dma_semaphore, #tpu.memory_space<semaphore_mem>>) src(%dma_wait3A_623 : memref<10000x128xf32, #tpu.memory_space<hbm>>) dst(%dma_wait3A_620 : memref<80x128xf32, #tpu.memory_space<vmem>>)
    %dma_wait3A_624 = arith.constant 0 : i32
    %dma_wait3A_625 = tpu.memref_slice %arg4[%dma_wait3A_624] : memref<320000xi32, #tpu.memory_space<hbm>> -> memref<80xi32, #tpu.memory_space<hbm>>
    %dma_wait3A_626 = arith.constant 0 : i32
    %dma_wait3A_627 = tpu.memref_slice %arg4[%dma_wait3A_626] : memref<320000xi32, #tpu.memory_space<hbm>> -> memref<80xi32, #tpu.memory_space<hbm>>
    tpu.wait_dma2 semaphore(%arg36 : memref<!tpu.dma_semaphore, #tpu.memory_space<semaphore_mem>>) src(%dma_wait3A_627 : memref<80xi32, #tpu.memory_space<hbm>>) dst(%arg15 : memref<80xi32, #tpu.memory_space<vmem>>)
    %dma_start3A_628 = arith.constant 0 : i32
    %dma_start3A_629 = arith.constant 0 : i32
    %dma_start3A_630 = arith.constant 0 : i32
    %dma_start3A_631 = tpu.memref_slice %arg18[%dma_start3A_628, %dma_start3A_629, %dma_start3A_630] : memref<3x80x128xf32, #tpu.memory_space<vmem>> -> memref<1x80x128xf32, #tpu.memory_space<vmem>>
    %dma_start3A_632 = tpu.memref_squeeze %dma_start3A_631 : memref<1x80x128xf32, #tpu.memory_space<vmem>> -> memref<80x128xf32, #tpu.memory_space<vmem>>
    %dma_start3A_633 = arith.constant 0 : i32
    %dma_start3A_634 = arith.constant 0 : i32
    %dma_start3A_635 = tpu.memref_slice %arg20[%dma_start3A_633, %dma_start3A_634] : memref<10000x128xf32, #tpu.memory_space<vmem_shared>> -> memref<10000x128xf32, #tpu.memory_space<vmem_shared>>
    tpu.enqueue_indirect_dma source(%dma_start3A_632 : memref<80x128xf32, #tpu.memory_space<vmem>>) target(%dma_start3A_635 : memref<10000x128xf32, #tpu.memory_space<vmem_shared>>) offsets(%arg15 : memref<80xi32, #tpu.memory_space<vmem>>) semaphore(%arg24 : memref<!tpu.dma_semaphore, #tpu.memory_space<semaphore_mem>>) {add = true}
    %dma_wait3A_636 = arith.constant 0 : i32
    %dma_wait3A_637 = arith.constant 0 : i32
    %dma_wait3A_638 = arith.constant 0 : i32
    %dma_wait3A_639 = tpu.memref_slice %arg18[%dma_wait3A_636, %dma_wait3A_637, %dma_wait3A_638] : memref<3x80x128xf32, #tpu.memory_space<vmem>> -> memref<1x80x128xf32, #tpu.memory_space<vmem>>
    %dma_wait3A_640 = tpu.memref_squeeze %dma_wait3A_639 : memref<1x80x128xf32, #tpu.memory_space<vmem>> -> memref<80x128xf32, #tpu.memory_space<vmem>>
    %dma_wait3A_641 = arith.constant 0 : i32
    %dma_wait3A_642 = arith.constant 0 : i32
    %dma_wait3A_643 = tpu.memref_slice %arg20[%dma_wait3A_641, %dma_wait3A_642] : memref<10000x128xf32, #tpu.memory_space<vmem_shared>> -> memref<10000x128xf32, #tpu.memory_space<vmem_shared>>
    tpu.wait_indirect_dma semaphore(%arg24 : memref<!tpu.dma_semaphore, #tpu.memory_space<semaphore_mem>>) src(%dma_wait3A_640 : memref<80x128xf32, #tpu.memory_space<vmem>>) dst(%dma_wait3A_643 : memref<10000x128xf32, #tpu.memory_space<vmem_shared>>)
    %dma_wait3A_644 = arith.constant 1 : i32
    %dma_wait3A_645 = arith.constant 0 : i32
    %dma_wait3A_646 = arith.constant 0 : i32
    %dma_wait3A_647 = tpu.memref_slice %arg18[%dma_wait3A_644, %dma_wait3A_645, %dma_wait3A_646] : memref<3x80x128xf32, #tpu.memory_space<vmem>> -> memref<1x80x128xf32, #tpu.memory_space<vmem>>
    %dma_wait3A_648 = tpu.memref_squeeze %dma_wait3A_647 : memref<1x80x128xf32, #tpu.memory_space<vmem>> -> memref<80x128xf32, #tpu.memory_space<vmem>>
    %dma_wait3A_649 = arith.constant 0 : i32
    %dma_wait3A_650 = arith.constant 0 : i32
    %dma_wait3A_651 = tpu.memref_slice %arg2[%dma_wait3A_649, %dma_wait3A_650] : memref<10000x128xf32, #tpu.memory_space<hbm>> -> memref<10000x128xf32, #tpu.memory_space<hbm>>
    tpu.wait_indirect_dma semaphore(%arg22 : memref<!tpu.dma_semaphore, #tpu.memory_space<semaphore_mem>>) src(%dma_wait3A_651 : memref<10000x128xf32, #tpu.memory_space<hbm>>) dst(%dma_wait3A_648 : memref<80x128xf32, #tpu.memory_space<vmem>>)
    %dma_wait3A_652 = arith.constant 0 : i32
    %dma_wait3A_653 = tpu.memref_slice %arg4[%dma_wait3A_652] : memref<320000xi32, #tpu.memory_space<hbm>> -> memref<80xi32, #tpu.memory_space<hbm>>
    %dma_wait3A_654 = arith.constant 0 : i32
    %dma_wait3A_655 = tpu.memref_slice %arg4[%dma_wait3A_654] : memref<320000xi32, #tpu.memory_space<hbm>> -> memref<80xi32, #tpu.memory_space<hbm>>
    tpu.wait_dma2 semaphore(%arg37 : memref<!tpu.dma_semaphore, #tpu.memory_space<semaphore_mem>>) src(%dma_wait3A_655 : memref<80xi32, #tpu.memory_space<hbm>>) dst(%arg16 : memref<80xi32, #tpu.memory_space<vmem>>)
    %dma_start3A_656 = arith.constant 1 : i32
    %dma_start3A_657 = arith.constant 0 : i32
    %dma_start3A_658 = arith.constant 0 : i32
    %dma_start3A_659 = tpu.memref_slice %arg18[%dma_start3A_656, %dma_start3A_657, %dma_start3A_658] : memref<3x80x128xf32, #tpu.memory_space<vmem>> -> memref<1x80x128xf32, #tpu.memory_space<vmem>>
    %dma_start3A_660 = tpu.memref_squeeze %dma_start3A_659 : memref<1x80x128xf32, #tpu.memory_space<vmem>> -> memref<80x128xf32, #tpu.memory_space<vmem>>
    %dma_start3A_661 = arith.constant 0 : i32
    %dma_start3A_662 = arith.constant 0 : i32
    %dma_start3A_663 = tpu.memref_slice %arg20[%dma_start3A_661, %dma_start3A_662] : memref<10000x128xf32, #tpu.memory_space<vmem_shared>> -> memref<10000x128xf32, #tpu.memory_space<vmem_shared>>
    tpu.enqueue_indirect_dma source(%dma_start3A_660 : memref<80x128xf32, #tpu.memory_space<vmem>>) target(%dma_start3A_663 : memref<10000x128xf32, #tpu.memory_space<vmem_shared>>) offsets(%arg16 : memref<80xi32, #tpu.memory_space<vmem>>) semaphore(%arg25 : memref<!tpu.dma_semaphore, #tpu.memory_space<semaphore_mem>>) {add = true}
    %dma_wait3A_664 = arith.constant 1 : i32
    %dma_wait3A_665 = arith.constant 0 : i32
    %dma_wait3A_666 = arith.constant 0 : i32
    %dma_wait3A_667 = tpu.memref_slice %arg18[%dma_wait3A_664, %dma_wait3A_665, %dma_wait3A_666] : memref<3x80x128xf32, #tpu.memory_space<vmem>> -> memref<1x80x128xf32, #tpu.memory_space<vmem>>
    %dma_wait3A_668 = tpu.memref_squeeze %dma_wait3A_667 : memref<1x80x128xf32, #tpu.memory_space<vmem>> -> memref<80x128xf32, #tpu.memory_space<vmem>>
    %dma_wait3A_669 = arith.constant 0 : i32
    %dma_wait3A_670 = arith.constant 0 : i32
    %dma_wait3A_671 = tpu.memref_slice %arg20[%dma_wait3A_669, %dma_wait3A_670] : memref<10000x128xf32, #tpu.memory_space<vmem_shared>> -> memref<10000x128xf32, #tpu.memory_space<vmem_shared>>
    tpu.wait_indirect_dma semaphore(%arg25 : memref<!tpu.dma_semaphore, #tpu.memory_space<semaphore_mem>>) src(%dma_wait3A_668 : memref<80x128xf32, #tpu.memory_space<vmem>>) dst(%dma_wait3A_671 : memref<10000x128xf32, #tpu.memory_space<vmem_shared>>)
    %barrier3A_672 = arith.constant 0 : index
    tpu.barrier barrier_id(%barrier3A_672)
    "tpu.region"() ({
      %run_scoped3A = tpu.sem_alloc : memref<!tpu.dma_semaphore, #tpu.memory_space<semaphore_mem>>
      %dma_start3A_673 = arith.constant 0 : i32
      %dma_start3A_674 = tpu.memref_slice %arg5[%arg0, %mul3A_4, %dma_start3A_673] <%select_n3A> : memref<2x10000x128xf32, #tpu.memory_space<hbm>> -> memref<1x?x128xf32, #tpu.memory_space<hbm>>
      %dma_start3A_675 = tpu.memref_squeeze %dma_start3A_674 : memref<1x?x128xf32, #tpu.memory_space<hbm>> -> memref<?x128xf32, #tpu.memory_space<hbm>>
      %dma_start3A_676 = arith.constant 0 : i32
      %dma_start3A_677 = tpu.memref_slice %arg20[%mul3A_4, %dma_start3A_676] <%select_n3A> : memref<10000x128xf32, #tpu.memory_space<vmem_shared>> -> memref<?x128xf32, #tpu.memory_space<vmem_shared>>
      tpu.enqueue_dma source(%dma_start3A_677 : memref<?x128xf32, #tpu.memory_space<vmem_shared>>) target(%dma_start3A_675 : memref<?x128xf32, #tpu.memory_space<hbm>>) target_semaphore(%run_scoped3A : memref<!tpu.dma_semaphore, #tpu.memory_space<semaphore_mem>>)
      %dma_wait3A_678 = arith.constant 0 : i32
      %dma_wait3A_679 = tpu.memref_slice %arg5[%arg0, %mul3A_4, %dma_wait3A_678] <%select_n3A> : memref<2x10000x128xf32, #tpu.memory_space<hbm>> -> memref<1x?x128xf32, #tpu.memory_space<hbm>>
      %dma_wait3A_680 = tpu.memref_squeeze %dma_wait3A_679 : memref<1x?x128xf32, #tpu.memory_space<hbm>> -> memref<?x128xf32, #tpu.memory_space<hbm>>
      %dma_wait3A_681 = arith.constant 0 : i32
      %dma_wait3A_682 = tpu.memref_slice %arg20[%mul3A_4, %dma_wait3A_681] <%select_n3A> : memref<10000x128xf32, #tpu.memory_space<vmem_shared>> -> memref<?x128xf32, #tpu.memory_space<vmem_shared>>
      tpu.wait_dma2 semaphore(%run_scoped3A : memref<!tpu.dma_semaphore, #tpu.memory_space<semaphore_mem>>) src(%dma_wait3A_682 : memref<?x128xf32, #tpu.memory_space<vmem_shared>>) dst(%dma_wait3A_680 : memref<?x128xf32, #tpu.memory_space<hbm>>)
      tpu.yield
    }) : () -> ()
    return
  }
}

#map = affine_map<(d0, d1) -> (0, 0)>
#map1 = affine_map<(d0, d1) -> (0)>
#map2 = affine_map<(d0, d1) -> (0, 0, 0)>
module attributes {stable_mosaic.version = 14 : i64} {
  func.func @_seg_sum_body(%arg0: i32, %arg1: i32, %arg2: memref<10000x128xf32, #tpu.memory_space<hbm>>, %arg3: memref<320000xi32, #tpu.memory_space<hbm>>, %arg4: memref<320000xi32, #tpu.memory_space<hbm>>, %arg5: memref<2x10000x128xf32, #tpu.memory_space<hbm>>, %arg6: memref<80xi32, #tpu.memory_space<vmem>>, %arg7: memref<80xi32, #tpu.memory_space<vmem>>, %arg8: memref<80xi32, #tpu.memory_space<vmem>>, %arg9: memref<80xi32, #tpu.memory_space<vmem>>, %arg10: memref<80xi32, #tpu.memory_space<vmem>>, %arg11: memref<80xi32, #tpu.memory_space<vmem>>, %arg12: memref<80xi32, #tpu.memory_space<vmem>>, %arg13: memref<80xi32, #tpu.memory_space<vmem>>, %arg14: memref<80xi32, #tpu.memory_space<vmem>>, %arg15: memref<80xi32, #tpu.memory_space<vmem>>, %arg16: memref<80xi32, #tpu.memory_space<vmem>>, %arg17: memref<80xi32, #tpu.memory_space<vmem>>, %arg18: memref<3x80x128xf32, #tpu.memory_space<vmem>>, %arg19: memref<8x128xf32, #tpu.memory_space<vmem>>, %arg20: memref<10000x128xf32, #tpu.memory_space<vmem_shared>>, %arg21: memref<!tpu.dma_semaphore, #tpu.memory_space<semaphore_mem>>, %arg22: memref<!tpu.dma_semaphore, #tpu.memory_space<semaphore_mem>>, %arg23: memref<!tpu.dma_semaphore, #tpu.memory_space<semaphore_mem>>, %arg24: memref<!tpu.dma_semaphore, #tpu.memory_space<semaphore_mem>>, %arg25: memref<!tpu.dma_semaphore, #tpu.memory_space<semaphore_mem>>, %arg26: memref<!tpu.dma_semaphore, #tpu.memory_space<semaphore_mem>>, %arg27: memref<!tpu.dma_semaphore, #tpu.memory_space<semaphore_mem>>, %arg28: memref<!tpu.dma_semaphore, #tpu.memory_space<semaphore_mem>>, %arg29: memref<!tpu.dma_semaphore, #tpu.memory_space<semaphore_mem>>, %arg30: memref<!tpu.dma_semaphore, #tpu.memory_space<semaphore_mem>>, %arg31: memref<!tpu.dma_semaphore, #tpu.memory_space<semaphore_mem>>, %arg32: memref<!tpu.dma_semaphore, #tpu.memory_space<semaphore_mem>>, %arg33: memref<!tpu.dma_semaphore, #tpu.memory_space<semaphore_mem>>, %arg34: memref<!tpu.dma_semaphore, #tpu.memory_space<semaphore_mem>>, %arg35: memref<!tpu.dma_semaphore, #tpu.memory_space<semaphore_mem>>, %arg36: memref<!tpu.dma_semaphore, #tpu.memory_space<semaphore_mem>>, %arg37: memref<!tpu.dma_semaphore, #tpu.memory_space<semaphore_mem>>, %arg38: memref<!tpu.dma_semaphore, #tpu.memory_space<semaphore_mem>>) attributes {dimension_semantics = [#tpu.dimension_semantics<core_parallel>, #tpu.dimension_semantics<subcore_parallel>], iteration_bounds = array<i64: 2, 16>, scalar_prefetch = 0 : i64, scratch_operands = 33 : i64, tpu.core_type = #tpu.core_type<sc_vector_subcore>, window_params = [{transform_indices = #map}, {transform_indices = #map1}, {transform_indices = #map1}, {transform_indices = #map2}]} {
    %mul3A = arith.constant 16 : i32
    %mul3A_0 = arith.muli %arg0, %mul3A : i32
    %add3A = arith.addi %mul3A_0, %arg1 : i32
    %mul3A_1 = arith.constant 10000 : i32
    %mul3A_2 = arith.muli %add3A, %mul3A_1 : i32
    %mul3A_3 = arith.constant 624 : i32
    %mul3A_4 = arith.muli %arg1, %mul3A_3 : i32
    %eq3A = arith.constant 15 : i32
    %eq3A_5 = arith.cmpi eq, %arg1, %eq3A : i32
    %jit3A = arith.constant 640 : i32
    %jit3A_6 = arith.constant 624 : i32
    %select_n3A = arith.select %eq3A_5, %jit3A, %jit3A_6 : i32
    %add3A_7 = arith.constant 0 : i32
    %add3A_8 = arith.addi %mul3A_2, %add3A_7 : i32
    %dma_start3A = tpu.memref_slice %arg3[%add3A_8] : memref<320000xi32, #tpu.memory_space<hbm>> -> memref<80xi32, #tpu.memory_space<hbm>>
    %dma_start3A_9 = tpu.memref_slice %arg3[%add3A_8] : memref<320000xi32, #tpu.memory_space<hbm>> -> memref<80xi32, #tpu.memory_space<hbm>>
    tpu.enqueue_dma source(%dma_start3A_9 : memref<80xi32, #tpu.memory_space<hbm>>) target(%arg6 : memref<80xi32, #tpu.memory_space<vmem>>) target_semaphore(%arg27 : memref<!tpu.dma_semaphore, #tpu.memory_space<semaphore_mem>>)
    %add3A_10 = arith.constant 0 : i32
    %add3A_11 = arith.addi %mul3A_2, %add3A_10 : i32
    %dma_start3A_12 = tpu.memref_slice %arg4[%add3A_11] : memref<320000xi32, #tpu.memory_space<hbm>> -> memref<80xi32, #tpu.memory_space<hbm>>
    %dma_start3A_13 = tpu.memref_slice %arg4[%add3A_11] : memref<320000xi32, #tpu.memory_space<hbm>> -> memref<80xi32, #tpu.memory_space<hbm>>
    tpu.enqueue_dma source(%dma_start3A_13 : memref<80xi32, #tpu.memory_space<hbm>>) target(%arg12 : memref<80xi32, #tpu.memory_space<vmem>>) target_semaphore(%arg33 : memref<!tpu.dma_semaphore, #tpu.memory_space<semaphore_mem>>)
    %add3A_14 = arith.constant 80 : i32
    %add3A_15 = arith.addi %mul3A_2, %add3A_14 : i32
    %dma_start3A_16 = tpu.memref_slice %arg3[%add3A_15] : memref<320000xi32, #tpu.memory_space<hbm>> -> memref<80xi32, #tpu.memory_space<hbm>>
    %dma_start3A_17 = tpu.memref_slice %arg3[%add3A_15] : memref<320000xi32, #tpu.memory_space<hbm>> -> memref<80xi32, #tpu.memory_space<hbm>>
    tpu.enqueue_dma source(%dma_start3A_17 : memref<80xi32, #tpu.memory_space<hbm>>) target(%arg7 : memref<80xi32, #tpu.memory_space<vmem>>) target_semaphore(%arg28 : memref<!tpu.dma_semaphore, #tpu.memory_space<semaphore_mem>>)
    %add3A_18 = arith.constant 80 : i32
    %add3A_19 = arith.addi %mul3A_2, %add3A_18 : i32
    %dma_start3A_20 = tpu.memref_slice %arg4[%add3A_19] : memref<320000xi32, #tpu.memory_space<hbm>> -> memref<80xi32, #tpu.memory_space<hbm>>
    %dma_start3A_21 = tpu.memref_slice %arg4[%add3A_19] : memref<320000xi32, #tpu.memory_space<hbm>> -> memref<80xi32, #tpu.memory_space<hbm>>
    tpu.enqueue_dma source(%dma_start3A_21 : memref<80xi32, #tpu.memory_space<hbm>>) target(%arg13 : memref<80xi32, #tpu.memory_space<vmem>>) target_semaphore(%arg34 : memref<!tpu.dma_semaphore, #tpu.memory_space<semaphore_mem>>)
    %add3A_22 = arith.constant 160 : i32
    %add3A_23 = arith.addi %mul3A_2, %add3A_22 : i32
    %dma_start3A_24 = tpu.memref_slice %arg3[%add3A_23] : memref<320000xi32, #tpu.memory_space<hbm>> -> memref<80xi32, #tpu.memory_space<hbm>>
    %dma_start3A_25 = tpu.memref_slice %arg3[%add3A_23] : memref<320000xi32, #tpu.memory_space<hbm>> -> memref<80xi32, #tpu.memory_space<hbm>>
    tpu.enqueue_dma source(%dma_start3A_25 : memref<80xi32, #tpu.memory_space<hbm>>) target(%arg8 : memref<80xi32, #tpu.memory_space<vmem>>) target_semaphore(%arg29 : memref<!tpu.dma_semaphore, #tpu.memory_space<semaphore_mem>>)
    %add3A_26 = arith.constant 160 : i32
    %add3A_27 = arith.addi %mul3A_2, %add3A_26 : i32
    %dma_start3A_28 = tpu.memref_slice %arg4[%add3A_27] : memref<320000xi32, #tpu.memory_space<hbm>> -> memref<80xi32, #tpu.memory_space<hbm>>
    %dma_start3A_29 = tpu.memref_slice %arg4[%add3A_27] : memref<320000xi32, #tpu.memory_space<hbm>> -> memref<80xi32, #tpu.memory_space<hbm>>
    tpu.enqueue_dma source(%dma_start3A_29 : memref<80xi32, #tpu.memory_space<hbm>>) target(%arg14 : memref<80xi32, #tpu.memory_space<vmem>>) target_semaphore(%arg35 : memref<!tpu.dma_semaphore, #tpu.memory_space<semaphore_mem>>)
    %add3A_30 = arith.constant 240 : i32
    %add3A_31 = arith.addi %mul3A_2, %add3A_30 : i32
    %dma_start3A_32 = tpu.memref_slice %arg3[%add3A_31] : memref<320000xi32, #tpu.memory_space<hbm>> -> memref<80xi32, #tpu.memory_space<hbm>>
    %dma_start3A_33 = tpu.memref_slice %arg3[%add3A_31] : memref<320000xi32, #tpu.memory_space<hbm>> -> memref<80xi32, #tpu.memory_space<hbm>>
    tpu.enqueue_dma source(%dma_start3A_33 : memref<80xi32, #tpu.memory_space<hbm>>) target(%arg9 : memref<80xi32, #tpu.memory_space<vmem>>) target_semaphore(%arg30 : memref<!tpu.dma_semaphore, #tpu.memory_space<semaphore_mem>>)
    %add3A_34 = arith.constant 240 : i32
    %add3A_35 = arith.addi %mul3A_2, %add3A_34 : i32
    %dma_start3A_36 = tpu.memref_slice %arg4[%add3A_35] : memref<320000xi32, #tpu.memory_space<hbm>> -> memref<80xi32, #tpu.memory_space<hbm>>
    %dma_start3A_37 = tpu.memref_slice %arg4[%add3A_35] : memref<320000xi32, #tpu.memory_space<hbm>> -> memref<80xi32, #tpu.memory_space<hbm>>
    tpu.enqueue_dma source(%dma_start3A_37 : memref<80xi32, #tpu.memory_space<hbm>>) target(%arg15 : memref<80xi32, #tpu.memory_space<vmem>>) target_semaphore(%arg36 : memref<!tpu.dma_semaphore, #tpu.memory_space<semaphore_mem>>)
    %add3A_38 = arith.constant 320 : i32
    %add3A_39 = arith.addi %mul3A_2, %add3A_38 : i32
    %dma_start3A_40 = tpu.memref_slice %arg3[%add3A_39] : memref<320000xi32, #tpu.memory_space<hbm>> -> memref<80xi32, #tpu.memory_space<hbm>>
    %dma_start3A_41 = tpu.memref_slice %arg3[%add3A_39] : memref<320000xi32, #tpu.memory_space<hbm>> -> memref<80xi32, #tpu.memory_space<hbm>>
    tpu.enqueue_dma source(%dma_start3A_41 : memref<80xi32, #tpu.memory_space<hbm>>) target(%arg10 : memref<80xi32, #tpu.memory_space<vmem>>) target_semaphore(%arg31 : memref<!tpu.dma_semaphore, #tpu.memory_space<semaphore_mem>>)
    %add3A_42 = arith.constant 320 : i32
    %add3A_43 = arith.addi %mul3A_2, %add3A_42 : i32
    %dma_start3A_44 = tpu.memref_slice %arg4[%add3A_43] : memref<320000xi32, #tpu.memory_space<hbm>> -> memref<80xi32, #tpu.memory_space<hbm>>
    %dma_start3A_45 = tpu.memref_slice %arg4[%add3A_43] : memref<320000xi32, #tpu.memory_space<hbm>> -> memref<80xi32, #tpu.memory_space<hbm>>
    tpu.enqueue_dma source(%dma_start3A_45 : memref<80xi32, #tpu.memory_space<hbm>>) target(%arg16 : memref<80xi32, #tpu.memory_space<vmem>>) target_semaphore(%arg37 : memref<!tpu.dma_semaphore, #tpu.memory_space<semaphore_mem>>)
    %add3A_46 = arith.constant 400 : i32
    %add3A_47 = arith.addi %mul3A_2, %add3A_46 : i32
    %dma_start3A_48 = tpu.memref_slice %arg3[%add3A_47] : memref<320000xi32, #tpu.memory_space<hbm>> -> memref<80xi32, #tpu.memory_space<hbm>>
    %dma_start3A_49 = tpu.memref_slice %arg3[%add3A_47] : memref<320000xi32, #tpu.memory_space<hbm>> -> memref<80xi32, #tpu.memory_space<hbm>>
    tpu.enqueue_dma source(%dma_start3A_49 : memref<80xi32, #tpu.memory_space<hbm>>) target(%arg11 : memref<80xi32, #tpu.memory_space<vmem>>) target_semaphore(%arg32 : memref<!tpu.dma_semaphore, #tpu.memory_space<semaphore_mem>>)
    %add3A_50 = arith.constant 400 : i32
    %add3A_51 = arith.addi %mul3A_2, %add3A_50 : i32
    %dma_start3A_52 = tpu.memref_slice %arg4[%add3A_51] : memref<320000xi32, #tpu.memory_space<hbm>> -> memref<80xi32, #tpu.memory_space<hbm>>
    %dma_start3A_53 = tpu.memref_slice %arg4[%add3A_51] : memref<320000xi32, #tpu.memory_space<hbm>> -> memref<80xi32, #tpu.memory_space<hbm>>
    tpu.enqueue_dma source(%dma_start3A_53 : memref<80xi32, #tpu.memory_space<hbm>>) target(%arg17 : memref<80xi32, #tpu.memory_space<vmem>>) target_semaphore(%arg38 : memref<!tpu.dma_semaphore, #tpu.memory_space<semaphore_mem>>)
    %dma_wait3A = arith.constant 0 : i32
    %dma_wait3A_54 = tpu.memref_slice %arg3[%dma_wait3A] : memref<320000xi32, #tpu.memory_space<hbm>> -> memref<80xi32, #tpu.memory_space<hbm>>
    %dma_wait3A_55 = arith.constant 0 : i32
    %dma_wait3A_56 = tpu.memref_slice %arg3[%dma_wait3A_55] : memref<320000xi32, #tpu.memory_space<hbm>> -> memref<80xi32, #tpu.memory_space<hbm>>
    tpu.wait_dma2 semaphore(%arg27 : memref<!tpu.dma_semaphore, #tpu.memory_space<semaphore_mem>>) src(%dma_wait3A_56 : memref<80xi32, #tpu.memory_space<hbm>>) dst(%arg6 : memref<80xi32, #tpu.memory_space<vmem>>)
    %dma_start3A_57 = arith.constant 0 : i32
    %dma_start3A_58 = arith.constant 0 : i32
    %dma_start3A_59 = arith.constant 0 : i32
    %dma_start3A_60 = tpu.memref_slice %arg18[%dma_start3A_57, %dma_start3A_58, %dma_start3A_59] : memref<3x80x128xf32, #tpu.memory_space<vmem>> -> memref<1x80x128xf32, #tpu.memory_space<vmem>>
    %dma_start3A_61 = tpu.memref_squeeze %dma_start3A_60 : memref<1x80x128xf32, #tpu.memory_space<vmem>> -> memref<80x128xf32, #tpu.memory_space<vmem>>
    %dma_start3A_62 = arith.constant 0 : i32
    %dma_start3A_63 = arith.constant 0 : i32
    %dma_start3A_64 = tpu.memref_slice %arg2[%dma_start3A_62, %dma_start3A_63] : memref<10000x128xf32, #tpu.memory_space<hbm>> -> memref<10000x128xf32, #tpu.memory_space<hbm>>
    tpu.enqueue_indirect_dma source(%dma_start3A_64 : memref<10000x128xf32, #tpu.memory_space<hbm>>) target(%dma_start3A_61 : memref<80x128xf32, #tpu.memory_space<vmem>>) offsets(%arg6 : memref<80xi32, #tpu.memory_space<vmem>>) semaphore(%arg21 : memref<!tpu.dma_semaphore, #tpu.memory_space<semaphore_mem>>)
    %dma_wait3A_65 = arith.constant 0 : i32
    %dma_wait3A_66 = tpu.memref_slice %arg3[%dma_wait3A_65] : memref<320000xi32, #tpu.memory_space<hbm>> -> memref<80xi32, #tpu.memory_space<hbm>>
    %dma_wait3A_67 = arith.constant 0 : i32
    %dma_wait3A_68 = tpu.memref_slice %arg3[%dma_wait3A_67] : memref<320000xi32, #tpu.memory_space<hbm>> -> memref<80xi32, #tpu.memory_space<hbm>>
    tpu.wait_dma2 semaphore(%arg28 : memref<!tpu.dma_semaphore, #tpu.memory_space<semaphore_mem>>) src(%dma_wait3A_68 : memref<80xi32, #tpu.memory_space<hbm>>) dst(%arg7 : memref<80xi32, #tpu.memory_space<vmem>>)
    %dma_start3A_69 = arith.constant 1 : i32
    %dma_start3A_70 = arith.constant 0 : i32
    %dma_start3A_71 = arith.constant 0 : i32
    %dma_start3A_72 = tpu.memref_slice %arg18[%dma_start3A_69, %dma_start3A_70, %dma_start3A_71] : memref<3x80x128xf32, #tpu.memory_space<vmem>> -> memref<1x80x128xf32, #tpu.memory_space<vmem>>
    %dma_start3A_73 = tpu.memref_squeeze %dma_start3A_72 : memref<1x80x128xf32, #tpu.memory_space<vmem>> -> memref<80x128xf32, #tpu.memory_space<vmem>>
    %dma_start3A_74 = arith.constant 0 : i32
    %dma_start3A_75 = arith.constant 0 : i32
    %dma_start3A_76 = tpu.memref_slice %arg2[%dma_start3A_74, %dma_start3A_75] : memref<10000x128xf32, #tpu.memory_space<hbm>> -> memref<10000x128xf32, #tpu.memory_space<hbm>>
    tpu.enqueue_indirect_dma source(%dma_start3A_76 : memref<10000x128xf32, #tpu.memory_space<hbm>>) target(%dma_start3A_73 : memref<80x128xf32, #tpu.memory_space<vmem>>) offsets(%arg7 : memref<80xi32, #tpu.memory_space<vmem>>) semaphore(%arg22 : memref<!tpu.dma_semaphore, #tpu.memory_space<semaphore_mem>>)
    %dma_wait3A_77 = arith.constant 0 : i32
    %dma_wait3A_78 = tpu.memref_slice %arg3[%dma_wait3A_77] : memref<320000xi32, #tpu.memory_space<hbm>> -> memref<80xi32, #tpu.memory_space<hbm>>
    %dma_wait3A_79 = arith.constant 0 : i32
    %dma_wait3A_80 = tpu.memref_slice %arg3[%dma_wait3A_79] : memref<320000xi32, #tpu.memory_space<hbm>> -> memref<80xi32, #tpu.memory_space<hbm>>
    tpu.wait_dma2 semaphore(%arg29 : memref<!tpu.dma_semaphore, #tpu.memory_space<semaphore_mem>>) src(%dma_wait3A_80 : memref<80xi32, #tpu.memory_space<hbm>>) dst(%arg8 : memref<80xi32, #tpu.memory_space<vmem>>)
    %dma_start3A_81 = arith.constant 2 : i32
    %dma_start3A_82 = arith.constant 0 : i32
    %dma_start3A_83 = arith.constant 0 : i32
    %dma_start3A_84 = tpu.memref_slice %arg18[%dma_start3A_81, %dma_start3A_82, %dma_start3A_83] : memref<3x80x128xf32, #tpu.memory_space<vmem>> -> memref<1x80x128xf32, #tpu.memory_space<vmem>>
    %dma_start3A_85 = tpu.memref_squeeze %dma_start3A_84 : memref<1x80x128xf32, #tpu.memory_space<vmem>> -> memref<80x128xf32, #tpu.memory_space<vmem>>
    %dma_start3A_86 = arith.constant 0 : i32
    %dma_start3A_87 = arith.constant 0 : i32
    %dma_start3A_88 = tpu.memref_slice %arg2[%dma_start3A_86, %dma_start3A_87] : memref<10000x128xf32, #tpu.memory_space<hbm>> -> memref<10000x128xf32, #tpu.memory_space<hbm>>
    tpu.enqueue_indirect_dma source(%dma_start3A_88 : memref<10000x128xf32, #tpu.memory_space<hbm>>) target(%dma_start3A_85 : memref<80x128xf32, #tpu.memory_space<vmem>>) offsets(%arg8 : memref<80xi32, #tpu.memory_space<vmem>>) semaphore(%arg23 : memref<!tpu.dma_semaphore, #tpu.memory_space<semaphore_mem>>)
    %broadcast_in_dim3A = arith.constant 0.000000e+00 : f32
    %broadcast_in_dim3A_89 = vector.broadcast %broadcast_in_dim3A : f32 to vector<16xf32>
    %swap3A = arith.constant 0 : i32
    %swap3A_90 = arith.index_cast %swap3A : i32 to index
    %swap3A_91 = arith.constant 0 : index
    %swap3A_92 = tpu.vector_load %arg19[%swap3A_90, %swap3A_91] {strides = array<i32>} : memref<8x128xf32, #tpu.memory_space<vmem>>, vector<1x16xf32>,
    %swap3A_93 = vector.shape_cast %swap3A_92 : vector<1x16xf32> to vector<16xf32>
    %swap3A_94 = vector.shape_cast %broadcast_in_dim3A_89 : vector<16xf32> to vector<1x16xf32>
    tpu.vector_store %arg19[%swap3A_90, %swap3A_91], %swap3A_94 {strides = array<i32>} : memref<8x128xf32, #tpu.memory_space<vmem>>, vector<1x16xf32>,
    %swap3A_95 = arith.constant 0 : i32
    %swap3A_96 = arith.index_cast %swap3A_95 : i32 to index
    %swap3A_97 = arith.constant 16 : index
    %swap3A_98 = tpu.vector_load %arg19[%swap3A_96, %swap3A_97] {strides = array<i32>} : memref<8x128xf32, #tpu.memory_space<vmem>>, vector<1x16xf32>,
    %swap3A_99 = vector.shape_cast %swap3A_98 : vector<1x16xf32> to vector<16xf32>
    %swap3A_100 = vector.shape_cast %broadcast_in_dim3A_89 : vector<16xf32> to vector<1x16xf32>
    tpu.vector_store %arg19[%swap3A_96, %swap3A_97], %swap3A_100 {strides = array<i32>} : memref<8x128xf32, #tpu.memory_space<vmem>>, vector<1x16xf32>,
    %swap3A_101 = arith.constant 0 : i32
    %swap3A_102 = arith.index_cast %swap3A_101 : i32 to index
    %swap3A_103 = arith.constant 32 : index
    %swap3A_104 = tpu.vector_load %arg19[%swap3A_102, %swap3A_103] {strides = array<i32>} : memref<8x128xf32, #tpu.memory_space<vmem>>, vector<1x16xf32>,
    %swap3A_105 = vector.shape_cast %swap3A_104 : vector<1x16xf32> to vector<16xf32>
    %swap3A_106 = vector.shape_cast %broadcast_in_dim3A_89 : vector<16xf32> to vector<1x16xf32>
    tpu.vector_store %arg19[%swap3A_102, %swap3A_103], %swap3A_106 {strides = array<i32>} : memref<8x128xf32, #tpu.memory_space<vmem>>, vector<1x16xf32>,
    %swap3A_107 = arith.constant 0 : i32
    %swap3A_108 = arith.index_cast %swap3A_107 : i32 to index
    %swap3A_109 = arith.constant 48 : index
    %swap3A_110 = tpu.vector_load %arg19[%swap3A_108, %swap3A_109] {strides = array<i32>} : memref<8x128xf32, #tpu.memory_space<vmem>>, vector<1x16xf32>,
    %swap3A_111 = vector.shape_cast %swap3A_110 : vector<1x16xf32> to vector<16xf32>
    %swap3A_112 = vector.shape_cast %broadcast_in_dim3A_89 : vector<16xf32> to vector<1x16xf32>
    tpu.vector_store %arg19[%swap3A_108, %swap3A_109], %swap3A_112 {strides = array<i32>} : memref<8x128xf32, #tpu.memory_space<vmem>>, vector<1x16xf32>,
    %swap3A_113 = arith.constant 0 : i32
    %swap3A_114 = arith.index_cast %swap3A_113 : i32 to index
    %swap3A_115 = arith.constant 64 : index
    %swap3A_116 = tpu.vector_load %arg19[%swap3A_114, %swap3A_115] {strides = array<i32>} : memref<8x128xf32, #tpu.memory_space<vmem>>, vector<1x16xf32>,
    %swap3A_117 = vector.shape_cast %swap3A_116 : vector<1x16xf32> to vector<16xf32>
    %swap3A_118 = vector.shape_cast %broadcast_in_dim3A_89 : vector<16xf32> to vector<1x16xf32>
    tpu.vector_store %arg19[%swap3A_114, %swap3A_115], %swap3A_118 {strides = array<i32>} : memref<8x128xf32, #tpu.memory_space<vmem>>, vector<1x16xf32>,
    %swap3A_119 = arith.constant 0 : i32
    %swap3A_120 = arith.index_cast %swap3A_119 : i32 to index
    %swap3A_121 = arith.constant 80 : index
    %swap3A_122 = tpu.vector_load %arg19[%swap3A_120, %swap3A_121] {strides = array<i32>} : memref<8x128xf32, #tpu.memory_space<vmem>>, vector<1x16xf32>,
    %swap3A_123 = vector.shape_cast %swap3A_122 : vector<1x16xf32> to vector<16xf32>
    %swap3A_124 = vector.shape_cast %broadcast_in_dim3A_89 : vector<16xf32> to vector<1x16xf32>
    tpu.vector_store %arg19[%swap3A_120, %swap3A_121], %swap3A_124 {strides = array<i32>} : memref<8x128xf32, #tpu.memory_space<vmem>>, vector<1x16xf32>,
    %swap3A_125 = arith.constant 0 : i32
    %swap3A_126 = arith.index_cast %swap3A_125 : i32 to index
    %swap3A_127 = arith.constant 96 : index
    %swap3A_128 = tpu.vector_load %arg19[%swap3A_126, %swap3A_127] {strides = array<i32>} : memref<8x128xf32, #tpu.memory_space<vmem>>, vector<1x16xf32>,
    %swap3A_129 = vector.shape_cast %swap3A_128 : vector<1x16xf32> to vector<16xf32>
    %swap3A_130 = vector.shape_cast %broadcast_in_dim3A_89 : vector<16xf32> to vector<1x16xf32>
    tpu.vector_store %arg19[%swap3A_126, %swap3A_127], %swap3A_130 {strides = array<i32>} : memref<8x128xf32, #tpu.memory_space<vmem>>, vector<1x16xf32>,
    %swap3A_131 = arith.constant 0 : i32
    %swap3A_132 = arith.index_cast %swap3A_131 : i32 to index
    %swap3A_133 = arith.constant 112 : index
    %swap3A_134 = tpu.vector_load %arg19[%swap3A_132, %swap3A_133] {strides = array<i32>} : memref<8x128xf32, #tpu.memory_space<vmem>>, vector<1x16xf32>,
    %swap3A_135 = vector.shape_cast %swap3A_134 : vector<1x16xf32> to vector<16xf32>
    %swap3A_136 = vector.shape_cast %broadcast_in_dim3A_89 : vector<16xf32> to vector<1x16xf32>
    tpu.vector_store %arg19[%swap3A_132, %swap3A_133], %swap3A_136 {strides = array<i32>} : memref<8x128xf32, #tpu.memory_space<vmem>>, vector<1x16xf32>,
    %swap3A_137 = arith.constant 1 : i32
    %swap3A_138 = arith.index_cast %swap3A_137 : i32 to index
    %swap3A_139 = arith.constant 0 : index
    %swap3A_140 = tpu.vector_load %arg19[%swap3A_138, %swap3A_139] {strides = array<i32>} : memref<8x128xf32, #tpu.memory_space<vmem>>, vector<1x16xf32>,
    %swap3A_141 = vector.shape_cast %swap3A_140 : vector<1x16xf32> to vector<16xf32>
    %swap3A_142 = vector.shape_cast %broadcast_in_dim3A_89 : vector<16xf32> to vector<1x16xf32>
    tpu.vector_store %arg19[%swap3A_138, %swap3A_139], %swap3A_142 {strides = array<i32>} : memref<8x128xf32, #tpu.memory_space<vmem>>, vector<1x16xf32>,
    %swap3A_143 = arith.constant 1 : i32
    %swap3A_144 = arith.index_cast %swap3A_143 : i32 to index
    %swap3A_145 = arith.constant 16 : index
    %swap3A_146 = tpu.vector_load %arg19[%swap3A_144, %swap3A_145] {strides = array<i32>} : memref<8x128xf32, #tpu.memory_space<vmem>>, vector<1x16xf32>,
    %swap3A_147 = vector.shape_cast %swap3A_146 : vector<1x16xf32> to vector<16xf32>
    %swap3A_148 = vector.shape_cast %broadcast_in_dim3A_89 : vector<16xf32> to vector<1x16xf32>
    tpu.vector_store %arg19[%swap3A_144, %swap3A_145], %swap3A_148 {strides = array<i32>} : memref<8x128xf32, #tpu.memory_space<vmem>>, vector<1x16xf32>,
    %swap3A_149 = arith.constant 1 : i32
    %swap3A_150 = arith.index_cast %swap3A_149 : i32 to index
    %swap3A_151 = arith.constant 32 : index
    %swap3A_152 = tpu.vector_load %arg19[%swap3A_150, %swap3A_151] {strides = array<i32>} : memref<8x128xf32, #tpu.memory_space<vmem>>, vector<1x16xf32>,
    %swap3A_153 = vector.shape_cast %swap3A_152 : vector<1x16xf32> to vector<16xf32>
    %swap3A_154 = vector.shape_cast %broadcast_in_dim3A_89 : vector<16xf32> to vector<1x16xf32>
    tpu.vector_store %arg19[%swap3A_150, %swap3A_151], %swap3A_154 {strides = array<i32>} : memref<8x128xf32, #tpu.memory_space<vmem>>, vector<1x16xf32>,
    %swap3A_155 = arith.constant 1 : i32
    %swap3A_156 = arith.index_cast %swap3A_155 : i32 to index
    %swap3A_157 = arith.constant 48 : index
    %swap3A_158 = tpu.vector_load %arg19[%swap3A_156, %swap3A_157] {strides = array<i32>} : memref<8x128xf32, #tpu.memory_space<vmem>>, vector<1x16xf32>,
    %swap3A_159 = vector.shape_cast %swap3A_158 : vector<1x16xf32> to vector<16xf32>
    %swap3A_160 = vector.shape_cast %broadcast_in_dim3A_89 : vector<16xf32> to vector<1x16xf32>
    tpu.vector_store %arg19[%swap3A_156, %swap3A_157], %swap3A_160 {strides = array<i32>} : memref<8x128xf32, #tpu.memory_space<vmem>>, vector<1x16xf32>,
    %swap3A_161 = arith.constant 1 : i32
    %swap3A_162 = arith.index_cast %swap3A_161 : i32 to index
    %swap3A_163 = arith.constant 64 : index
    %swap3A_164 = tpu.vector_load %arg19[%swap3A_162, %swap3A_163] {strides = array<i32>} : memref<8x128xf32, #tpu.memory_space<vmem>>, vector<1x16xf32>,
    %swap3A_165 = vector.shape_cast %swap3A_164 : vector<1x16xf32> to vector<16xf32>
    %swap3A_166 = vector.shape_cast %broadcast_in_dim3A_89 : vector<16xf32> to vector<1x16xf32>
    tpu.vector_store %arg19[%swap3A_162, %swap3A_163], %swap3A_166 {strides = array<i32>} : memref<8x128xf32, #tpu.memory_space<vmem>>, vector<1x16xf32>,
    %swap3A_167 = arith.constant 1 : i32
    %swap3A_168 = arith.index_cast %swap3A_167 : i32 to index
    %swap3A_169 = arith.constant 80 : index
    %swap3A_170 = tpu.vector_load %arg19[%swap3A_168, %swap3A_169] {strides = array<i32>} : memref<8x128xf32, #tpu.memory_space<vmem>>, vector<1x16xf32>,
    %swap3A_171 = vector.shape_cast %swap3A_170 : vector<1x16xf32> to vector<16xf32>
    %swap3A_172 = vector.shape_cast %broadcast_in_dim3A_89 : vector<16xf32> to vector<1x16xf32>
    tpu.vector_store %arg19[%swap3A_168, %swap3A_169], %swap3A_172 {strides = array<i32>} : memref<8x128xf32, #tpu.memory_space<vmem>>, vector<1x16xf32>,
    %swap3A_173 = arith.constant 1 : i32
    %swap3A_174 = arith.index_cast %swap3A_173 : i32 to index
    %swap3A_175 = arith.constant 96 : index
    %swap3A_176 = tpu.vector_load %arg19[%swap3A_174, %swap3A_175] {strides = array<i32>} : memref<8x128xf32, #tpu.memory_space<vmem>>, vector<1x16xf32>,
    %swap3A_177 = vector.shape_cast %swap3A_176 : vector<1x16xf32> to vector<16xf32>
    %swap3A_178 = vector.shape_cast %broadcast_in_dim3A_89 : vector<16xf32> to vector<1x16xf32>
    tpu.vector_store %arg19[%swap3A_174, %swap3A_175], %swap3A_178 {strides = array<i32>} : memref<8x128xf32, #tpu.memory_space<vmem>>, vector<1x16xf32>,
    %swap3A_179 = arith.constant 1 : i32
    %swap3A_180 = arith.index_cast %swap3A_179 : i32 to index
    %swap3A_181 = arith.constant 112 : index
    %swap3A_182 = tpu.vector_load %arg19[%swap3A_180, %swap3A_181] {strides = array<i32>} : memref<8x128xf32, #tpu.memory_space<vmem>>, vector<1x16xf32>,
    %swap3A_183 = vector.shape_cast %swap3A_182 : vector<1x16xf32> to vector<16xf32>
    %swap3A_184 = vector.shape_cast %broadcast_in_dim3A_89 : vector<16xf32> to vector<1x16xf32>
    tpu.vector_store %arg19[%swap3A_180, %swap3A_181], %swap3A_184 {strides = array<i32>} : memref<8x128xf32, #tpu.memory_space<vmem>>, vector<1x16xf32>,
    %swap3A_185 = arith.constant 2 : i32
    %swap3A_186 = arith.index_cast %swap3A_185 : i32 to index
    %swap3A_187 = arith.constant 0 : index
    %swap3A_188 = tpu.vector_load %arg19[%swap3A_186, %swap3A_187] {strides = array<i32>} : memref<8x128xf32, #tpu.memory_space<vmem>>, vector<1x16xf32>,
    %swap3A_189 = vector.shape_cast %swap3A_188 : vector<1x16xf32> to vector<16xf32>
    %swap3A_190 = vector.shape_cast %broadcast_in_dim3A_89 : vector<16xf32> to vector<1x16xf32>
    tpu.vector_store %arg19[%swap3A_186, %swap3A_187], %swap3A_190 {strides = array<i32>} : memref<8x128xf32, #tpu.memory_space<vmem>>, vector<1x16xf32>,
    %swap3A_191 = arith.constant 2 : i32
    %swap3A_192 = arith.index_cast %swap3A_191 : i32 to index
    %swap3A_193 = arith.constant 16 : index
    %swap3A_194 = tpu.vector_load %arg19[%swap3A_192, %swap3A_193] {strides = array<i32>} : memref<8x128xf32, #tpu.memory_space<vmem>>, vector<1x16xf32>,
    %swap3A_195 = vector.shape_cast %swap3A_194 : vector<1x16xf32> to vector<16xf32>
    %swap3A_196 = vector.shape_cast %broadcast_in_dim3A_89 : vector<16xf32> to vector<1x16xf32>
    tpu.vector_store %arg19[%swap3A_192, %swap3A_193], %swap3A_196 {strides = array<i32>} : memref<8x128xf32, #tpu.memory_space<vmem>>, vector<1x16xf32>,
    %swap3A_197 = arith.constant 2 : i32
    %swap3A_198 = arith.index_cast %swap3A_197 : i32 to index
    %swap3A_199 = arith.constant 32 : index
    %swap3A_200 = tpu.vector_load %arg19[%swap3A_198, %swap3A_199] {strides = array<i32>} : memref<8x128xf32, #tpu.memory_space<vmem>>, vector<1x16xf32>,
    %swap3A_201 = vector.shape_cast %swap3A_200 : vector<1x16xf32> to vector<16xf32>
    %swap3A_202 = vector.shape_cast %broadcast_in_dim3A_89 : vector<16xf32> to vector<1x16xf32>
    tpu.vector_store %arg19[%swap3A_198, %swap3A_199], %swap3A_202 {strides = array<i32>} : memref<8x128xf32, #tpu.memory_space<vmem>>, vector<1x16xf32>,
    %swap3A_203 = arith.constant 2 : i32
    %swap3A_204 = arith.index_cast %swap3A_203 : i32 to index
    %swap3A_205 = arith.constant 48 : index
    %swap3A_206 = tpu.vector_load %arg19[%swap3A_204, %swap3A_205] {strides = array<i32>} : memref<8x128xf32, #tpu.memory_space<vmem>>, vector<1x16xf32>,
    %swap3A_207 = vector.shape_cast %swap3A_206 : vector<1x16xf32> to vector<16xf32>
    %swap3A_208 = vector.shape_cast %broadcast_in_dim3A_89 : vector<16xf32> to vector<1x16xf32>
    tpu.vector_store %arg19[%swap3A_204, %swap3A_205], %swap3A_208 {strides = array<i32>} : memref<8x128xf32, #tpu.memory_space<vmem>>, vector<1x16xf32>,
    %swap3A_209 = arith.constant 2 : i32
    %swap3A_210 = arith.index_cast %swap3A_209 : i32 to index
    %swap3A_211 = arith.constant 64 : index
    %swap3A_212 = tpu.vector_load %arg19[%swap3A_210, %swap3A_211] {strides = array<i32>} : memref<8x128xf32, #tpu.memory_space<vmem>>, vector<1x16xf32>,
    %swap3A_213 = vector.shape_cast %swap3A_212 : vector<1x16xf32> to vector<16xf32>
    %swap3A_214 = vector.shape_cast %broadcast_in_dim3A_89 : vector<16xf32> to vector<1x16xf32>
    tpu.vector_store %arg19[%swap3A_210, %swap3A_211], %swap3A_214 {strides = array<i32>} : memref<8x128xf32, #tpu.memory_space<vmem>>, vector<1x16xf32>,
    %swap3A_215 = arith.constant 2 : i32
    %swap3A_216 = arith.index_cast %swap3A_215 : i32 to index
    %swap3A_217 = arith.constant 80 : index
    %swap3A_218 = tpu.vector_load %arg19[%swap3A_216, %swap3A_217] {strides = array<i32>} : memref<8x128xf32, #tpu.memory_space<vmem>>, vector<1x16xf32>,
    %swap3A_219 = vector.shape_cast %swap3A_218 : vector<1x16xf32> to vector<16xf32>
    %swap3A_220 = vector.shape_cast %broadcast_in_dim3A_89 : vector<16xf32> to vector<1x16xf32>
    tpu.vector_store %arg19[%swap3A_216, %swap3A_217], %swap3A_220 {strides = array<i32>} : memref<8x128xf32, #tpu.memory_space<vmem>>, vector<1x16xf32>,
    %swap3A_221 = arith.constant 2 : i32
    %swap3A_222 = arith.index_cast %swap3A_221 : i32 to index
    %swap3A_223 = arith.constant 96 : index
    %swap3A_224 = tpu.vector_load %arg19[%swap3A_222, %swap3A_223] {strides = array<i32>} : memref<8x128xf32, #tpu.memory_space<vmem>>, vector<1x16xf32>,
    %swap3A_225 = vector.shape_cast %swap3A_224 : vector<1x16xf32> to vector<16xf32>
    %swap3A_226 = vector.shape_cast %broadcast_in_dim3A_89 : vector<16xf32> to vector<1x16xf32>
    tpu.vector_store %arg19[%swap3A_222, %swap3A_223], %swap3A_226 {strides = array<i32>} : memref<8x128xf32, #tpu.memory_space<vmem>>, vector<1x16xf32>,
    %swap3A_227 = arith.constant 2 : i32
    %swap3A_228 = arith.index_cast %swap3A_227 : i32 to index
    %swap3A_229 = arith.constant 112 : index
    %swap3A_230 = tpu.vector_load %arg19[%swap3A_228, %swap3A_229] {strides = array<i32>} : memref<8x128xf32, #tpu.memory_space<vmem>>, vector<1x16xf32>,
    %swap3A_231 = vector.shape_cast %swap3A_230 : vector<1x16xf32> to vector<16xf32>
    %swap3A_232 = vector.shape_cast %broadcast_in_dim3A_89 : vector<16xf32> to vector<1x16xf32>
    tpu.vector_store %arg19[%swap3A_228, %swap3A_229], %swap3A_232 {strides = array<i32>} : memref<8x128xf32, #tpu.memory_space<vmem>>, vector<1x16xf32>,
    %swap3A_233 = arith.constant 3 : i32
    %swap3A_234 = arith.index_cast %swap3A_233 : i32 to index
    %swap3A_235 = arith.constant 0 : index
    %swap3A_236 = tpu.vector_load %arg19[%swap3A_234, %swap3A_235] {strides = array<i32>} : memref<8x128xf32, #tpu.memory_space<vmem>>, vector<1x16xf32>,
    %swap3A_237 = vector.shape_cast %swap3A_236 : vector<1x16xf32> to vector<16xf32>
    %swap3A_238 = vector.shape_cast %broadcast_in_dim3A_89 : vector<16xf32> to vector<1x16xf32>
    tpu.vector_store %arg19[%swap3A_234, %swap3A_235], %swap3A_238 {strides = array<i32>} : memref<8x128xf32, #tpu.memory_space<vmem>>, vector<1x16xf32>,
    %swap3A_239 = arith.constant 3 : i32
    %swap3A_240 = arith.index_cast %swap3A_239 : i32 to index
    %swap3A_241 = arith.constant 16 : index
    %swap3A_242 = tpu.vector_load %arg19[%swap3A_240, %swap3A_241] {strides = array<i32>} : memref<8x128xf32, #tpu.memory_space<vmem>>, vector<1x16xf32>,
    %swap3A_243 = vector.shape_cast %swap3A_242 : vector<1x16xf32> to vector<16xf32>
    %swap3A_244 = vector.shape_cast %broadcast_in_dim3A_89 : vector<16xf32> to vector<1x16xf32>
    tpu.vector_store %arg19[%swap3A_240, %swap3A_241], %swap3A_244 {strides = array<i32>} : memref<8x128xf32, #tpu.memory_space<vmem>>, vector<1x16xf32>,
    %swap3A_245 = arith.constant 3 : i32
    %swap3A_246 = arith.index_cast %swap3A_245 : i32 to index
    %swap3A_247 = arith.constant 32 : index
    %swap3A_248 = tpu.vector_load %arg19[%swap3A_246, %swap3A_247] {strides = array<i32>} : memref<8x128xf32, #tpu.memory_space<vmem>>, vector<1x16xf32>,
    %swap3A_249 = vector.shape_cast %swap3A_248 : vector<1x16xf32> to vector<16xf32>
    %swap3A_250 = vector.shape_cast %broadcast_in_dim3A_89 : vector<16xf32> to vector<1x16xf32>
    tpu.vector_store %arg19[%swap3A_246, %swap3A_247], %swap3A_250 {strides = array<i32>} : memref<8x128xf32, #tpu.memory_space<vmem>>, vector<1x16xf32>,
    %swap3A_251 = arith.constant 3 : i32
    %swap3A_252 = arith.index_cast %swap3A_251 : i32 to index
    %swap3A_253 = arith.constant 48 : index
    %swap3A_254 = tpu.vector_load %arg19[%swap3A_252, %swap3A_253] {strides = array<i32>} : memref<8x128xf32, #tpu.memory_space<vmem>>, vector<1x16xf32>,
    %swap3A_255 = vector.shape_cast %swap3A_254 : vector<1x16xf32> to vector<16xf32>
    %swap3A_256 = vector.shape_cast %broadcast_in_dim3A_89 : vector<16xf32> to vector<1x16xf32>
    tpu.vector_store %arg19[%swap3A_252, %swap3A_253], %swap3A_256 {strides = array<i32>} : memref<8x128xf32, #tpu.memory_space<vmem>>, vector<1x16xf32>,
    %swap3A_257 = arith.constant 3 : i32
    %swap3A_258 = arith.index_cast %swap3A_257 : i32 to index
    %swap3A_259 = arith.constant 64 : index
    %swap3A_260 = tpu.vector_load %arg19[%swap3A_258, %swap3A_259] {strides = array<i32>} : memref<8x128xf32, #tpu.memory_space<vmem>>, vector<1x16xf32>,
    %swap3A_261 = vector.shape_cast %swap3A_260 : vector<1x16xf32> to vector<16xf32>
    %swap3A_262 = vector.shape_cast %broadcast_in_dim3A_89 : vector<16xf32> to vector<1x16xf32>
    tpu.vector_store %arg19[%swap3A_258, %swap3A_259], %swap3A_262 {strides = array<i32>} : memref<8x128xf32, #tpu.memory_space<vmem>>, vector<1x16xf32>,
    %swap3A_263 = arith.constant 3 : i32
    %swap3A_264 = arith.index_cast %swap3A_263 : i32 to index
    %swap3A_265 = arith.constant 80 : index
    %swap3A_266 = tpu.vector_load %arg19[%swap3A_264, %swap3A_265] {strides = array<i32>} : memref<8x128xf32, #tpu.memory_space<vmem>>, vector<1x16xf32>,
    %swap3A_267 = vector.shape_cast %swap3A_266 : vector<1x16xf32> to vector<16xf32>
    %swap3A_268 = vector.shape_cast %broadcast_in_dim3A_89 : vector<16xf32> to vector<1x16xf32>
    tpu.vector_store %arg19[%swap3A_264, %swap3A_265], %swap3A_268 {strides = array<i32>} : memref<8x128xf32, #tpu.memory_space<vmem>>, vector<1x16xf32>,
    %swap3A_269 = arith.constant 3 : i32
    %swap3A_270 = arith.index_cast %swap3A_269 : i32 to index
    %swap3A_271 = arith.constant 96 : index
    %swap3A_272 = tpu.vector_load %arg19[%swap3A_270, %swap3A_271] {strides = array<i32>} : memref<8x128xf32, #tpu.memory_space<vmem>>, vector<1x16xf32>,
    %swap3A_273 = vector.shape_cast %swap3A_272 : vector<1x16xf32> to vector<16xf32>
    %swap3A_274 = vector.shape_cast %broadcast_in_dim3A_89 : vector<16xf32> to vector<1x16xf32>
    tpu.vector_store %arg19[%swap3A_270, %swap3A_271], %swap3A_274 {strides = array<i32>} : memref<8x128xf32, #tpu.memory_space<vmem>>, vector<1x16xf32>,
    %swap3A_275 = arith.constant 3 : i32
    %swap3A_276 = arith.index_cast %swap3A_275 : i32 to index
    %swap3A_277 = arith.constant 112 : index
    %swap3A_278 = tpu.vector_load %arg19[%swap3A_276, %swap3A_277] {strides = array<i32>} : memref<8x128xf32, #tpu.memory_space<vmem>>, vector<1x16xf32>,
    %swap3A_279 = vector.shape_cast %swap3A_278 : vector<1x16xf32> to vector<16xf32>
    %swap3A_280 = vector.shape_cast %broadcast_in_dim3A_89 : vector<16xf32> to vector<1x16xf32>
    tpu.vector_store %arg19[%swap3A_276, %swap3A_277], %swap3A_280 {strides = array<i32>} : memref<8x128xf32, #tpu.memory_space<vmem>>, vector<1x16xf32>,
    %swap3A_281 = arith.constant 4 : i32
    %swap3A_282 = arith.index_cast %swap3A_281 : i32 to index
    %swap3A_283 = arith.constant 0 : index
    %swap3A_284 = tpu.vector_load %arg19[%swap3A_282, %swap3A_283] {strides = array<i32>} : memref<8x128xf32, #tpu.memory_space<vmem>>, vector<1x16xf32>,
    %swap3A_285 = vector.shape_cast %swap3A_284 : vector<1x16xf32> to vector<16xf32>
    %swap3A_286 = vector.shape_cast %broadcast_in_dim3A_89 : vector<16xf32> to vector<1x16xf32>
    tpu.vector_store %arg19[%swap3A_282, %swap3A_283], %swap3A_286 {strides = array<i32>} : memref<8x128xf32, #tpu.memory_space<vmem>>, vector<1x16xf32>,
    %swap3A_287 = arith.constant 4 : i32
    %swap3A_288 = arith.index_cast %swap3A_287 : i32 to index
    %swap3A_289 = arith.constant 16 : index
    %swap3A_290 = tpu.vector_load %arg19[%swap3A_288, %swap3A_289] {strides = array<i32>} : memref<8x128xf32, #tpu.memory_space<vmem>>, vector<1x16xf32>,
    %swap3A_291 = vector.shape_cast %swap3A_290 : vector<1x16xf32> to vector<16xf32>
    %swap3A_292 = vector.shape_cast %broadcast_in_dim3A_89 : vector<16xf32> to vector<1x16xf32>
    tpu.vector_store %arg19[%swap3A_288, %swap3A_289], %swap3A_292 {strides = array<i32>} : memref<8x128xf32, #tpu.memory_space<vmem>>, vector<1x16xf32>,
    %swap3A_293 = arith.constant 4 : i32
    %swap3A_294 = arith.index_cast %swap3A_293 : i32 to index
    %swap3A_295 = arith.constant 32 : index
    %swap3A_296 = tpu.vector_load %arg19[%swap3A_294, %swap3A_295] {strides = array<i32>} : memref<8x128xf32, #tpu.memory_space<vmem>>, vector<1x16xf32>,
    %swap3A_297 = vector.shape_cast %swap3A_296 : vector<1x16xf32> to vector<16xf32>
    %swap3A_298 = vector.shape_cast %broadcast_in_dim3A_89 : vector<16xf32> to vector<1x16xf32>
    tpu.vector_store %arg19[%swap3A_294, %swap3A_295], %swap3A_298 {strides = array<i32>} : memref<8x128xf32, #tpu.memory_space<vmem>>, vector<1x16xf32>,
    %swap3A_299 = arith.constant 4 : i32
    %swap3A_300 = arith.index_cast %swap3A_299 : i32 to index
    %swap3A_301 = arith.constant 48 : index
    %swap3A_302 = tpu.vector_load %arg19[%swap3A_300, %swap3A_301] {strides = array<i32>} : memref<8x128xf32, #tpu.memory_space<vmem>>, vector<1x16xf32>,
    %swap3A_303 = vector.shape_cast %swap3A_302 : vector<1x16xf32> to vector<16xf32>
    %swap3A_304 = vector.shape_cast %broadcast_in_dim3A_89 : vector<16xf32> to vector<1x16xf32>
    tpu.vector_store %arg19[%swap3A_300, %swap3A_301], %swap3A_304 {strides = array<i32>} : memref<8x128xf32, #tpu.memory_space<vmem>>, vector<1x16xf32>,
    %swap3A_305 = arith.constant 4 : i32
    %swap3A_306 = arith.index_cast %swap3A_305 : i32 to index
    %swap3A_307 = arith.constant 64 : index
    %swap3A_308 = tpu.vector_load %arg19[%swap3A_306, %swap3A_307] {strides = array<i32>} : memref<8x128xf32, #tpu.memory_space<vmem>>, vector<1x16xf32>,
    %swap3A_309 = vector.shape_cast %swap3A_308 : vector<1x16xf32> to vector<16xf32>
    %swap3A_310 = vector.shape_cast %broadcast_in_dim3A_89 : vector<16xf32> to vector<1x16xf32>
    tpu.vector_store %arg19[%swap3A_306, %swap3A_307], %swap3A_310 {strides = array<i32>} : memref<8x128xf32, #tpu.memory_space<vmem>>, vector<1x16xf32>,
    %swap3A_311 = arith.constant 4 : i32
    %swap3A_312 = arith.index_cast %swap3A_311 : i32 to index
    %swap3A_313 = arith.constant 80 : index
    %swap3A_314 = tpu.vector_load %arg19[%swap3A_312, %swap3A_313] {strides = array<i32>} : memref<8x128xf32, #tpu.memory_space<vmem>>, vector<1x16xf32>,
    %swap3A_315 = vector.shape_cast %swap3A_314 : vector<1x16xf32> to vector<16xf32>
    %swap3A_316 = vector.shape_cast %broadcast_in_dim3A_89 : vector<16xf32> to vector<1x16xf32>
    tpu.vector_store %arg19[%swap3A_312, %swap3A_313], %swap3A_316 {strides = array<i32>} : memref<8x128xf32, #tpu.memory_space<vmem>>, vector<1x16xf32>,
    %swap3A_317 = arith.constant 4 : i32
    %swap3A_318 = arith.index_cast %swap3A_317 : i32 to index
    %swap3A_319 = arith.constant 96 : index
    %swap3A_320 = tpu.vector_load %arg19[%swap3A_318, %swap3A_319] {strides = array<i32>} : memref<8x128xf32, #tpu.memory_space<vmem>>, vector<1x16xf32>,
    %swap3A_321 = vector.shape_cast %swap3A_320 : vector<1x16xf32> to vector<16xf32>
    %swap3A_322 = vector.shape_cast %broadcast_in_dim3A_89 : vector<16xf32> to vector<1x16xf32>
    tpu.vector_store %arg19[%swap3A_318, %swap3A_319], %swap3A_322 {strides = array<i32>} : memref<8x128xf32, #tpu.memory_space<vmem>>, vector<1x16xf32>,
    %swap3A_323 = arith.constant 4 : i32
    %swap3A_324 = arith.index_cast %swap3A_323 : i32 to index
    %swap3A_325 = arith.constant 112 : index
    %swap3A_326 = tpu.vector_load %arg19[%swap3A_324, %swap3A_325] {strides = array<i32>} : memref<8x128xf32, #tpu.memory_space<vmem>>, vector<1x16xf32>,
    %swap3A_327 = vector.shape_cast %swap3A_326 : vector<1x16xf32> to vector<16xf32>
    %swap3A_328 = vector.shape_cast %broadcast_in_dim3A_89 : vector<16xf32> to vector<1x16xf32>
    tpu.vector_store %arg19[%swap3A_324, %swap3A_325], %swap3A_328 {strides = array<i32>} : memref<8x128xf32, #tpu.memory_space<vmem>>, vector<1x16xf32>,
    %swap3A_329 = arith.constant 5 : i32
    %swap3A_330 = arith.index_cast %swap3A_329 : i32 to index
    %swap3A_331 = arith.constant 0 : index
    %swap3A_332 = tpu.vector_load %arg19[%swap3A_330, %swap3A_331] {strides = array<i32>} : memref<8x128xf32, #tpu.memory_space<vmem>>, vector<1x16xf32>,
    %swap3A_333 = vector.shape_cast %swap3A_332 : vector<1x16xf32> to vector<16xf32>
    %swap3A_334 = vector.shape_cast %broadcast_in_dim3A_89 : vector<16xf32> to vector<1x16xf32>
    tpu.vector_store %arg19[%swap3A_330, %swap3A_331], %swap3A_334 {strides = array<i32>} : memref<8x128xf32, #tpu.memory_space<vmem>>, vector<1x16xf32>,
    %swap3A_335 = arith.constant 5 : i32
    %swap3A_336 = arith.index_cast %swap3A_335 : i32 to index
    %swap3A_337 = arith.constant 16 : index
    %swap3A_338 = tpu.vector_load %arg19[%swap3A_336, %swap3A_337] {strides = array<i32>} : memref<8x128xf32, #tpu.memory_space<vmem>>, vector<1x16xf32>,
    %swap3A_339 = vector.shape_cast %swap3A_338 : vector<1x16xf32> to vector<16xf32>
    %swap3A_340 = vector.shape_cast %broadcast_in_dim3A_89 : vector<16xf32> to vector<1x16xf32>
    tpu.vector_store %arg19[%swap3A_336, %swap3A_337], %swap3A_340 {strides = array<i32>} : memref<8x128xf32, #tpu.memory_space<vmem>>, vector<1x16xf32>,
    %swap3A_341 = arith.constant 5 : i32
    %swap3A_342 = arith.index_cast %swap3A_341 : i32 to index
    %swap3A_343 = arith.constant 32 : index
    %swap3A_344 = tpu.vector_load %arg19[%swap3A_342, %swap3A_343] {strides = array<i32>} : memref<8x128xf32, #tpu.memory_space<vmem>>, vector<1x16xf32>,
    %swap3A_345 = vector.shape_cast %swap3A_344 : vector<1x16xf32> to vector<16xf32>
    %swap3A_346 = vector.shape_cast %broadcast_in_dim3A_89 : vector<16xf32> to vector<1x16xf32>
    tpu.vector_store %arg19[%swap3A_342, %swap3A_343], %swap3A_346 {strides = array<i32>} : memref<8x128xf32, #tpu.memory_space<vmem>>, vector<1x16xf32>,
    %swap3A_347 = arith.constant 5 : i32
    %swap3A_348 = arith.index_cast %swap3A_347 : i32 to index
    %swap3A_349 = arith.constant 48 : index
    %swap3A_350 = tpu.vector_load %arg19[%swap3A_348, %swap3A_349] {strides = array<i32>} : memref<8x128xf32, #tpu.memory_space<vmem>>, vector<1x16xf32>,
    %swap3A_351 = vector.shape_cast %swap3A_350 : vector<1x16xf32> to vector<16xf32>
    %swap3A_352 = vector.shape_cast %broadcast_in_dim3A_89 : vector<16xf32> to vector<1x16xf32>
    tpu.vector_store %arg19[%swap3A_348, %swap3A_349], %swap3A_352 {strides = array<i32>} : memref<8x128xf32, #tpu.memory_space<vmem>>, vector<1x16xf32>,
    %swap3A_353 = arith.constant 5 : i32
    %swap3A_354 = arith.index_cast %swap3A_353 : i32 to index
    %swap3A_355 = arith.constant 64 : index
    %swap3A_356 = tpu.vector_load %arg19[%swap3A_354, %swap3A_355] {strides = array<i32>} : memref<8x128xf32, #tpu.memory_space<vmem>>, vector<1x16xf32>,
    %swap3A_357 = vector.shape_cast %swap3A_356 : vector<1x16xf32> to vector<16xf32>
    %swap3A_358 = vector.shape_cast %broadcast_in_dim3A_89 : vector<16xf32> to vector<1x16xf32>
    tpu.vector_store %arg19[%swap3A_354, %swap3A_355], %swap3A_358 {strides = array<i32>} : memref<8x128xf32, #tpu.memory_space<vmem>>, vector<1x16xf32>,
    %swap3A_359 = arith.constant 5 : i32
    %swap3A_360 = arith.index_cast %swap3A_359 : i32 to index
    %swap3A_361 = arith.constant 80 : index
    %swap3A_362 = tpu.vector_load %arg19[%swap3A_360, %swap3A_361] {strides = array<i32>} : memref<8x128xf32, #tpu.memory_space<vmem>>, vector<1x16xf32>,
    %swap3A_363 = vector.shape_cast %swap3A_362 : vector<1x16xf32> to vector<16xf32>
    %swap3A_364 = vector.shape_cast %broadcast_in_dim3A_89 : vector<16xf32> to vector<1x16xf32>
    tpu.vector_store %arg19[%swap3A_360, %swap3A_361], %swap3A_364 {strides = array<i32>} : memref<8x128xf32, #tpu.memory_space<vmem>>, vector<1x16xf32>,
    %swap3A_365 = arith.constant 5 : i32
    %swap3A_366 = arith.index_cast %swap3A_365 : i32 to index
    %swap3A_367 = arith.constant 96 : index
    %swap3A_368 = tpu.vector_load %arg19[%swap3A_366, %swap3A_367] {strides = array<i32>} : memref<8x128xf32, #tpu.memory_space<vmem>>, vector<1x16xf32>,
    %swap3A_369 = vector.shape_cast %swap3A_368 : vector<1x16xf32> to vector<16xf32>
    %swap3A_370 = vector.shape_cast %broadcast_in_dim3A_89 : vector<16xf32> to vector<1x16xf32>
    tpu.vector_store %arg19[%swap3A_366, %swap3A_367], %swap3A_370 {strides = array<i32>} : memref<8x128xf32, #tpu.memory_space<vmem>>, vector<1x16xf32>,
    %swap3A_371 = arith.constant 5 : i32
    %swap3A_372 = arith.index_cast %swap3A_371 : i32 to index
    %swap3A_373 = arith.constant 112 : index
    %swap3A_374 = tpu.vector_load %arg19[%swap3A_372, %swap3A_373] {strides = array<i32>} : memref<8x128xf32, #tpu.memory_space<vmem>>, vector<1x16xf32>,
    %swap3A_375 = vector.shape_cast %swap3A_374 : vector<1x16xf32> to vector<16xf32>
    %swap3A_376 = vector.shape_cast %broadcast_in_dim3A_89 : vector<16xf32> to vector<1x16xf32>
    tpu.vector_store %arg19[%swap3A_372, %swap3A_373], %swap3A_376 {strides = array<i32>} : memref<8x128xf32, #tpu.memory_space<vmem>>, vector<1x16xf32>,
    %swap3A_377 = arith.constant 6 : i32
    %swap3A_378 = arith.index_cast %swap3A_377 : i32 to index
    %swap3A_379 = arith.constant 0 : index
    %swap3A_380 = tpu.vector_load %arg19[%swap3A_378, %swap3A_379] {strides = array<i32>} : memref<8x128xf32, #tpu.memory_space<vmem>>, vector<1x16xf32>,
    %swap3A_381 = vector.shape_cast %swap3A_380 : vector<1x16xf32> to vector<16xf32>
    %swap3A_382 = vector.shape_cast %broadcast_in_dim3A_89 : vector<16xf32> to vector<1x16xf32>
    tpu.vector_store %arg19[%swap3A_378, %swap3A_379], %swap3A_382 {strides = array<i32>} : memref<8x128xf32, #tpu.memory_space<vmem>>, vector<1x16xf32>,
    %swap3A_383 = arith.constant 6 : i32
    %swap3A_384 = arith.index_cast %swap3A_383 : i32 to index
    %swap3A_385 = arith.constant 16 : index
    %swap3A_386 = tpu.vector_load %arg19[%swap3A_384, %swap3A_385] {strides = array<i32>} : memref<8x128xf32, #tpu.memory_space<vmem>>, vector<1x16xf32>,
    %swap3A_387 = vector.shape_cast %swap3A_386 : vector<1x16xf32> to vector<16xf32>
    %swap3A_388 = vector.shape_cast %broadcast_in_dim3A_89 : vector<16xf32> to vector<1x16xf32>
    tpu.vector_store %arg19[%swap3A_384, %swap3A_385], %swap3A_388 {strides = array<i32>} : memref<8x128xf32, #tpu.memory_space<vmem>>, vector<1x16xf32>,
    %swap3A_389 = arith.constant 6 : i32
    %swap3A_390 = arith.index_cast %swap3A_389 : i32 to index
    %swap3A_391 = arith.constant 32 : index
    %swap3A_392 = tpu.vector_load %arg19[%swap3A_390, %swap3A_391] {strides = array<i32>} : memref<8x128xf32, #tpu.memory_space<vmem>>, vector<1x16xf32>,
    %swap3A_393 = vector.shape_cast %swap3A_392 : vector<1x16xf32> to vector<16xf32>
    %swap3A_394 = vector.shape_cast %broadcast_in_dim3A_89 : vector<16xf32> to vector<1x16xf32>
    tpu.vector_store %arg19[%swap3A_390, %swap3A_391], %swap3A_394 {strides = array<i32>} : memref<8x128xf32, #tpu.memory_space<vmem>>, vector<1x16xf32>,
    %swap3A_395 = arith.constant 6 : i32
    %swap3A_396 = arith.index_cast %swap3A_395 : i32 to index
    %swap3A_397 = arith.constant 48 : index
    %swap3A_398 = tpu.vector_load %arg19[%swap3A_396, %swap3A_397] {strides = array<i32>} : memref<8x128xf32, #tpu.memory_space<vmem>>, vector<1x16xf32>,
    %swap3A_399 = vector.shape_cast %swap3A_398 : vector<1x16xf32> to vector<16xf32>
    %swap3A_400 = vector.shape_cast %broadcast_in_dim3A_89 : vector<16xf32> to vector<1x16xf32>
    tpu.vector_store %arg19[%swap3A_396, %swap3A_397], %swap3A_400 {strides = array<i32>} : memref<8x128xf32, #tpu.memory_space<vmem>>, vector<1x16xf32>,
    %swap3A_401 = arith.constant 6 : i32
    %swap3A_402 = arith.index_cast %swap3A_401 : i32 to index
    %swap3A_403 = arith.constant 64 : index
    %swap3A_404 = tpu.vector_load %arg19[%swap3A_402, %swap3A_403] {strides = array<i32>} : memref<8x128xf32, #tpu.memory_space<vmem>>, vector<1x16xf32>,
    %swap3A_405 = vector.shape_cast %swap3A_404 : vector<1x16xf32> to vector<16xf32>
    %swap3A_406 = vector.shape_cast %broadcast_in_dim3A_89 : vector<16xf32> to vector<1x16xf32>
    tpu.vector_store %arg19[%swap3A_402, %swap3A_403], %swap3A_406 {strides = array<i32>} : memref<8x128xf32, #tpu.memory_space<vmem>>, vector<1x16xf32>,
    %swap3A_407 = arith.constant 6 : i32
    %swap3A_408 = arith.index_cast %swap3A_407 : i32 to index
    %swap3A_409 = arith.constant 80 : index
    %swap3A_410 = tpu.vector_load %arg19[%swap3A_408, %swap3A_409] {strides = array<i32>} : memref<8x128xf32, #tpu.memory_space<vmem>>, vector<1x16xf32>,
    %swap3A_411 = vector.shape_cast %swap3A_410 : vector<1x16xf32> to vector<16xf32>
    %swap3A_412 = vector.shape_cast %broadcast_in_dim3A_89 : vector<16xf32> to vector<1x16xf32>
    tpu.vector_store %arg19[%swap3A_408, %swap3A_409], %swap3A_412 {strides = array<i32>} : memref<8x128xf32, #tpu.memory_space<vmem>>, vector<1x16xf32>,
    %swap3A_413 = arith.constant 6 : i32
    %swap3A_414 = arith.index_cast %swap3A_413 : i32 to index
    %swap3A_415 = arith.constant 96 : index
    %swap3A_416 = tpu.vector_load %arg19[%swap3A_414, %swap3A_415] {strides = array<i32>} : memref<8x128xf32, #tpu.memory_space<vmem>>, vector<1x16xf32>,
    %swap3A_417 = vector.shape_cast %swap3A_416 : vector<1x16xf32> to vector<16xf32>
    %swap3A_418 = vector.shape_cast %broadcast_in_dim3A_89 : vector<16xf32> to vector<1x16xf32>
    tpu.vector_store %arg19[%swap3A_414, %swap3A_415], %swap3A_418 {strides = array<i32>} : memref<8x128xf32, #tpu.memory_space<vmem>>, vector<1x16xf32>,
    %swap3A_419 = arith.constant 6 : i32
    %swap3A_420 = arith.index_cast %swap3A_419 : i32 to index
    %swap3A_421 = arith.constant 112 : index
    %swap3A_422 = tpu.vector_load %arg19[%swap3A_420, %swap3A_421] {strides = array<i32>} : memref<8x128xf32, #tpu.memory_space<vmem>>, vector<1x16xf32>,
    %swap3A_423 = vector.shape_cast %swap3A_422 : vector<1x16xf32> to vector<16xf32>
    %swap3A_424 = vector.shape_cast %broadcast_in_dim3A_89 : vector<16xf32> to vector<1x16xf32>
    tpu.vector_store %arg19[%swap3A_420, %swap3A_421], %swap3A_424 {strides = array<i32>} : memref<8x128xf32, #tpu.memory_space<vmem>>, vector<1x16xf32>,
    %swap3A_425 = arith.constant 7 : i32
    %swap3A_426 = arith.index_cast %swap3A_425 : i32 to index
    %swap3A_427 = arith.constant 0 : index
    %swap3A_428 = tpu.vector_load %arg19[%swap3A_426, %swap3A_427] {strides = array<i32>} : memref<8x128xf32, #tpu.memory_space<vmem>>, vector<1x16xf32>,
    %swap3A_429 = vector.shape_cast %swap3A_428 : vector<1x16xf32> to vector<16xf32>
    %swap3A_430 = vector.shape_cast %broadcast_in_dim3A_89 : vector<16xf32> to vector<1x16xf32>
    tpu.vector_store %arg19[%swap3A_426, %swap3A_427], %swap3A_430 {strides = array<i32>} : memref<8x128xf32, #tpu.memory_space<vmem>>, vector<1x16xf32>,
    %swap3A_431 = arith.constant 7 : i32
    %swap3A_432 = arith.index_cast %swap3A_431 : i32 to index
    %swap3A_433 = arith.constant 16 : index
    %swap3A_434 = tpu.vector_load %arg19[%swap3A_432, %swap3A_433] {strides = array<i32>} : memref<8x128xf32, #tpu.memory_space<vmem>>, vector<1x16xf32>,
    %swap3A_435 = vector.shape_cast %swap3A_434 : vector<1x16xf32> to vector<16xf32>
    %swap3A_436 = vector.shape_cast %broadcast_in_dim3A_89 : vector<16xf32> to vector<1x16xf32>
    tpu.vector_store %arg19[%swap3A_432, %swap3A_433], %swap3A_436 {strides = array<i32>} : memref<8x128xf32, #tpu.memory_space<vmem>>, vector<1x16xf32>,
    %swap3A_437 = arith.constant 7 : i32
    %swap3A_438 = arith.index_cast %swap3A_437 : i32 to index
    %swap3A_439 = arith.constant 32 : index
    %swap3A_440 = tpu.vector_load %arg19[%swap3A_438, %swap3A_439] {strides = array<i32>} : memref<8x128xf32, #tpu.memory_space<vmem>>, vector<1x16xf32>,
    %swap3A_441 = vector.shape_cast %swap3A_440 : vector<1x16xf32> to vector<16xf32>
    %swap3A_442 = vector.shape_cast %broadcast_in_dim3A_89 : vector<16xf32> to vector<1x16xf32>
    tpu.vector_store %arg19[%swap3A_438, %swap3A_439], %swap3A_442 {strides = array<i32>} : memref<8x128xf32, #tpu.memory_space<vmem>>, vector<1x16xf32>,
    %swap3A_443 = arith.constant 7 : i32
    %swap3A_444 = arith.index_cast %swap3A_443 : i32 to index
    %swap3A_445 = arith.constant 48 : index
    %swap3A_446 = tpu.vector_load %arg19[%swap3A_444, %swap3A_445] {strides = array<i32>} : memref<8x128xf32, #tpu.memory_space<vmem>>, vector<1x16xf32>,
    %swap3A_447 = vector.shape_cast %swap3A_446 : vector<1x16xf32> to vector<16xf32>
    %swap3A_448 = vector.shape_cast %broadcast_in_dim3A_89 : vector<16xf32> to vector<1x16xf32>
    tpu.vector_store %arg19[%swap3A_444, %swap3A_445], %swap3A_448 {strides = array<i32>} : memref<8x128xf32, #tpu.memory_space<vmem>>, vector<1x16xf32>,
    %swap3A_449 = arith.constant 7 : i32
    %swap3A_450 = arith.index_cast %swap3A_449 : i32 to index
    %swap3A_451 = arith.constant 64 : index
    %swap3A_452 = tpu.vector_load %arg19[%swap3A_450, %swap3A_451] {strides = array<i32>} : memref<8x128xf32, #tpu.memory_space<vmem>>, vector<1x16xf32>,
    %swap3A_453 = vector.shape_cast %swap3A_452 : vector<1x16xf32> to vector<16xf32>
    %swap3A_454 = vector.shape_cast %broadcast_in_dim3A_89 : vector<16xf32> to vector<1x16xf32>
    tpu.vector_store %arg19[%swap3A_450, %swap3A_451], %swap3A_454 {strides = array<i32>} : memref<8x128xf32, #tpu.memory_space<vmem>>, vector<1x16xf32>,
    %swap3A_455 = arith.constant 7 : i32
    %swap3A_456 = arith.index_cast %swap3A_455 : i32 to index
    %swap3A_457 = arith.constant 80 : index
    %swap3A_458 = tpu.vector_load %arg19[%swap3A_456, %swap3A_457] {strides = array<i32>} : memref<8x128xf32, #tpu.memory_space<vmem>>, vector<1x16xf32>,
    %swap3A_459 = vector.shape_cast %swap3A_458 : vector<1x16xf32> to vector<16xf32>
    %swap3A_460 = vector.shape_cast %broadcast_in_dim3A_89 : vector<16xf32> to vector<1x16xf32>
    tpu.vector_store %arg19[%swap3A_456, %swap3A_457], %swap3A_460 {strides = array<i32>} : memref<8x128xf32, #tpu.memory_space<vmem>>, vector<1x16xf32>,
    %swap3A_461 = arith.constant 7 : i32
    %swap3A_462 = arith.index_cast %swap3A_461 : i32 to index
    %swap3A_463 = arith.constant 96 : index
    %swap3A_464 = tpu.vector_load %arg19[%swap3A_462, %swap3A_463] {strides = array<i32>} : memref<8x128xf32, #tpu.memory_space<vmem>>, vector<1x16xf32>,
    %swap3A_465 = vector.shape_cast %swap3A_464 : vector<1x16xf32> to vector<16xf32>
    %swap3A_466 = vector.shape_cast %broadcast_in_dim3A_89 : vector<16xf32> to vector<1x16xf32>
    tpu.vector_store %arg19[%swap3A_462, %swap3A_463], %swap3A_466 {strides = array<i32>} : memref<8x128xf32, #tpu.memory_space<vmem>>, vector<1x16xf32>,
    %swap3A_467 = arith.constant 7 : i32
    %swap3A_468 = arith.index_cast %swap3A_467 : i32 to index
    %swap3A_469 = arith.constant 112 : index
    %swap3A_470 = tpu.vector_load %arg19[%swap3A_468, %swap3A_469] {strides = array<i32>} : memref<8x128xf32, #tpu.memory_space<vmem>>, vector<1x16xf32>,
    %swap3A_471 = vector.shape_cast %swap3A_470 : vector<1x16xf32> to vector<16xf32>
    %swap3A_472 = vector.shape_cast %broadcast_in_dim3A_89 : vector<16xf32> to vector<1x16xf32>
    tpu.vector_store %arg19[%swap3A_468, %swap3A_469], %swap3A_472 {strides = array<i32>} : memref<8x128xf32, #tpu.memory_space<vmem>>, vector<1x16xf32>,
    %jit3A_473 = arith.constant 8 : i32
    %div3A = arith.divsi %select_n3A, %jit3A_473 : i32
    %sign3A = arith.constant 0 : i32
    %sign3A_474 = arith.cmpi sgt, %select_n3A, %sign3A : i32
    %sign3A_475 = arith.extui %sign3A_474 : i1 to i32
    %sign3A_476 = arith.constant 0 : i32
    %sign3A_477 = arith.cmpi slt, %select_n3A, %sign3A_476 : i32
    %sign3A_478 = arith.extui %sign3A_477 : i1 to i32
    %sign3A_479 = arith.subi %sign3A_475, %sign3A_478 : i32
    %sign3A_480 = arith.constant 0 : i32
    %sign3A_481 = arith.cmpi sgt, %jit3A_473, %sign3A_480 : i32
    %sign3A_482 = arith.extui %sign3A_481 : i1 to i32
    %sign3A_483 = arith.constant 0 : i32
    %sign3A_484 = arith.cmpi slt, %jit3A_473, %sign3A_483 : i32
    %sign3A_485 = arith.extui %sign3A_484 : i1 to i32
    %sign3A_486 = arith.subi %sign3A_482, %sign3A_485 : i32
    %ne3A = arith.cmpi ne, %sign3A_479, %sign3A_486 : i32
    %rem3A = arith.remsi %select_n3A, %jit3A_473 : i32
    %ne3A_487 = arith.constant 0 : i32
    %ne3A_488 = arith.cmpi ne, %rem3A, %ne3A_487 : i32
    %and3A = arith.andi %ne3A, %ne3A_488 : i1
    %sub3A = arith.constant 1 : i32
    %sub3A_489 = arith.subi %div3A, %sub3A : i32
    %select_n3A_490 = arith.select %and3A, %sub3A_489, %div3A : i32
    %while3A = arith.constant 0 : i32
    %while3A_491 = arith.constant 0 : i32
    %while3A_492 = arith.subi %select_n3A_490, %while3A : i32
    %while3A_493 = arith.addi %while3A, %while3A_492 : i32
    %while3A_494 = arith.constant 1 : i32
    %while3A_495 = arith.divsi %while3A_492, %while3A_494 : i32
    %while3A_496 = arith.muli %while3A_495, %while3A_494 : i32
    %while3A_497 = arith.addi %while3A, %while3A_496 : i32
    %while3A_498 = arith.constant 1 : i32
    %while3A_499 = scf.for %while3A_673 = %while3A to %while3A_497 step %while3A_498 iter_args(%while3A_674 = %while3A_491) -> (i32)  : i32 {
      %mul3A_675 = arith.constant 8 : i32
      %mul3A_676 = arith.muli %while3A_673, %mul3A_675 : i32
      %add3A_677 = arith.addi %mul3A_4, %mul3A_676 : i32
      "tpu.region"() ({
        %run_scoped3A = tpu.sem_alloc : memref<!tpu.dma_semaphore, #tpu.memory_space<semaphore_mem>>
        %dma_start3A_679 = arith.constant 0 : i32
        %dma_start3A_680 = tpu.memref_slice %arg20[%add3A_677, %dma_start3A_679] : memref<10000x128xf32, #tpu.memory_space<vmem_shared>> -> memref<8x128xf32, #tpu.memory_space<vmem_shared>>
        %dma_start3A_681 = arith.constant 0 : i32
        %dma_start3A_682 = tpu.memref_slice %arg20[%add3A_677, %dma_start3A_681] : memref<10000x128xf32, #tpu.memory_space<vmem_shared>> -> memref<8x128xf32, #tpu.memory_space<vmem_shared>>
        tpu.enqueue_dma source(%arg19 : memref<8x128xf32, #tpu.memory_space<vmem>>) target(%dma_start3A_682 : memref<8x128xf32, #tpu.memory_space<vmem_shared>>) target_semaphore(%run_scoped3A : memref<!tpu.dma_semaphore, #tpu.memory_space<semaphore_mem>>)
        %dma_wait3A_683 = arith.constant 0 : i32
        %dma_wait3A_684 = tpu.memref_slice %arg20[%add3A_677, %dma_wait3A_683] : memref<10000x128xf32, #tpu.memory_space<vmem_shared>> -> memref<8x128xf32, #tpu.memory_space<vmem_shared>>
        %dma_wait3A_685 = arith.constant 0 : i32
        %dma_wait3A_686 = tpu.memref_slice %arg20[%add3A_677, %dma_wait3A_685] : memref<10000x128xf32, #tpu.memory_space<vmem_shared>> -> memref<8x128xf32, #tpu.memory_space<vmem_shared>>
        tpu.wait_dma2 semaphore(%run_scoped3A : memref<!tpu.dma_semaphore, #tpu.memory_space<semaphore_mem>>) src(%arg19 : memref<8x128xf32, #tpu.memory_space<vmem>>) dst(%dma_wait3A_686 : memref<8x128xf32, #tpu.memory_space<vmem_shared>>)
        tpu.yield
      }) : () -> ()
      %while3A_678 = arith.constant 0 : i32
      scf.yield %while3A_678 : i32
    }
    %while3A_500 = arith.constant 1 : i32
    %while3A_501 = scf.for %while3A_673 = %while3A_497 to %while3A_493 step %while3A_500 iter_args(%while3A_674 = %while3A_499) -> (i32)  : i32 {
      %mul3A_675 = arith.constant 8 : i32
      %mul3A_676 = arith.muli %while3A_673, %mul3A_675 : i32
      %add3A_677 = arith.addi %mul3A_4, %mul3A_676 : i32
      "tpu.region"() ({
        %run_scoped3A = tpu.sem_alloc : memref<!tpu.dma_semaphore, #tpu.memory_space<semaphore_mem>>
        %dma_start3A_679 = arith.constant 0 : i32
        %dma_start3A_680 = tpu.memref_slice %arg20[%add3A_677, %dma_start3A_679] : memref<10000x128xf32, #tpu.memory_space<vmem_shared>> -> memref<8x128xf32, #tpu.memory_space<vmem_shared>>
        %dma_start3A_681 = arith.constant 0 : i32
        %dma_start3A_682 = tpu.memref_slice %arg20[%add3A_677, %dma_start3A_681] : memref<10000x128xf32, #tpu.memory_space<vmem_shared>> -> memref<8x128xf32, #tpu.memory_space<vmem_shared>>
        tpu.enqueue_dma source(%arg19 : memref<8x128xf32, #tpu.memory_space<vmem>>) target(%dma_start3A_682 : memref<8x128xf32, #tpu.memory_space<vmem_shared>>) target_semaphore(%run_scoped3A : memref<!tpu.dma_semaphore, #tpu.memory_space<semaphore_mem>>)
        %dma_wait3A_683 = arith.constant 0 : i32
        %dma_wait3A_684 = tpu.memref_slice %arg20[%add3A_677, %dma_wait3A_683] : memref<10000x128xf32, #tpu.memory_space<vmem_shared>> -> memref<8x128xf32, #tpu.memory_space<vmem_shared>>
        %dma_wait3A_685 = arith.constant 0 : i32
        %dma_wait3A_686 = tpu.memref_slice %arg20[%add3A_677, %dma_wait3A_685] : memref<10000x128xf32, #tpu.memory_space<vmem_shared>> -> memref<8x128xf32, #tpu.memory_space<vmem_shared>>
        tpu.wait_dma2 semaphore(%run_scoped3A : memref<!tpu.dma_semaphore, #tpu.memory_space<semaphore_mem>>) src(%arg19 : memref<8x128xf32, #tpu.memory_space<vmem>>) dst(%dma_wait3A_686 : memref<8x128xf32, #tpu.memory_space<vmem_shared>>)
        tpu.yield
      }) : () -> ()
      %while3A_678 = arith.constant 0 : i32
      scf.yield %while3A_678 : i32
    }
    %barrier3A = arith.constant 0 : index
    tpu.barrier barrier_id(%barrier3A)
    %scan3A = arith.constant 0 : i32
    %scan3A_502 = arith.constant 0 : i32
    %scan3A_503 = arith.constant 20 : i32
    %scan3A_504 = arith.addi %scan3A_502, %scan3A_503 : i32
    %scan3A_505 = arith.constant 1 : i32
    %scan3A_506 = scf.for %scan3A_673 = %scan3A_502 to %scan3A_504 step %scan3A_505 iter_args(%scan3A_674 = %scan3A) -> (i32)  : i32 {
      %mul3A_675 = arith.constant 6 : i32
      %mul3A_676 = arith.muli %scan3A_673, %mul3A_675 : i32
      %add3A_677 = arith.constant 0 : i32
      %add3A_678 = arith.addi %mul3A_676, %add3A_677 : i32
      %dma_wait3A_679 = arith.constant 0 : i32
      %dma_wait3A_680 = arith.constant 0 : i32
      %dma_wait3A_681 = arith.constant 0 : i32
      %dma_wait3A_682 = tpu.memref_slice %arg18[%dma_wait3A_679, %dma_wait3A_680, %dma_wait3A_681] : memref<3x80x128xf32, #tpu.memory_space<vmem>> -> memref<1x80x128xf32, #tpu.memory_space<vmem>>
      %dma_wait3A_683 = tpu.memref_squeeze %dma_wait3A_682 : memref<1x80x128xf32, #tpu.memory_space<vmem>> -> memref<80x128xf32, #tpu.memory_space<vmem>>
      %dma_wait3A_684 = arith.constant 0 : i32
      %dma_wait3A_685 = arith.constant 0 : i32
      %dma_wait3A_686 = tpu.memref_slice %arg2[%dma_wait3A_684, %dma_wait3A_685] : memref<10000x128xf32, #tpu.memory_space<hbm>> -> memref<10000x128xf32, #tpu.memory_space<hbm>>
      tpu.wait_indirect_dma semaphore(%arg21 : memref<!tpu.dma_semaphore, #tpu.memory_space<semaphore_mem>>) src(%dma_wait3A_686 : memref<10000x128xf32, #tpu.memory_space<hbm>>) dst(%dma_wait3A_683 : memref<80x128xf32, #tpu.memory_space<vmem>>)
      %dma_wait3A_687 = arith.constant 0 : i32
      %dma_wait3A_688 = tpu.memref_slice %arg4[%dma_wait3A_687] : memref<320000xi32, #tpu.memory_space<hbm>> -> memref<80xi32, #tpu.memory_space<hbm>>
      %dma_wait3A_689 = arith.constant 0 : i32
      %dma_wait3A_690 = tpu.memref_slice %arg4[%dma_wait3A_689] : memref<320000xi32, #tpu.memory_space<hbm>> -> memref<80xi32, #tpu.memory_space<hbm>>
      tpu.wait_dma2 semaphore(%arg33 : memref<!tpu.dma_semaphore, #tpu.memory_space<semaphore_mem>>) src(%dma_wait3A_690 : memref<80xi32, #tpu.memory_space<hbm>>) dst(%arg12 : memref<80xi32, #tpu.memory_space<vmem>>)
      %dma_start3A_691 = arith.constant 0 : i32
      %dma_start3A_692 = arith.constant 0 : i32
      %dma_start3A_693 = arith.constant 0 : i32
      %dma_start3A_694 = tpu.memref_slice %arg18[%dma_start3A_691, %dma_start3A_692, %dma_start3A_693] : memref<3x80x128xf32, #tpu.memory_space<vmem>> -> memref<1x80x128xf32, #tpu.memory_space<vmem>>
      %dma_start3A_695 = tpu.memref_squeeze %dma_start3A_694 : memref<1x80x128xf32, #tpu.memory_space<vmem>> -> memref<80x128xf32, #tpu.memory_space<vmem>>
      %dma_start3A_696 = arith.constant 0 : i32
      %dma_start3A_697 = arith.constant 0 : i32
      %dma_start3A_698 = tpu.memref_slice %arg20[%dma_start3A_696, %dma_start3A_697] : memref<10000x128xf32, #tpu.memory_space<vmem_shared>> -> memref<10000x128xf32, #tpu.memory_space<vmem_shared>>
      tpu.enqueue_indirect_dma source(%dma_start3A_695 : memref<80x128xf32, #tpu.memory_space<vmem>>) target(%dma_start3A_698 : memref<10000x128xf32, #tpu.memory_space<vmem_shared>>) offsets(%arg12 : memref<80xi32, #tpu.memory_space<vmem>>) semaphore(%arg24 : memref<!tpu.dma_semaphore, #tpu.memory_space<semaphore_mem>>) {add = true}
      %dma_wait3A_699 = arith.constant 0 : i32
      %dma_wait3A_700 = arith.constant 0 : i32
      %dma_wait3A_701 = arith.constant 0 : i32
      %dma_wait3A_702 = tpu.memref_slice %arg18[%dma_wait3A_699, %dma_wait3A_700, %dma_wait3A_701] : memref<3x80x128xf32, #tpu.memory_space<vmem>> -> memref<1x80x128xf32, #tpu.memory_space<vmem>>
      %dma_wait3A_703 = tpu.memref_squeeze %dma_wait3A_702 : memref<1x80x128xf32, #tpu.memory_space<vmem>> -> memref<80x128xf32, #tpu.memory_space<vmem>>
      %dma_wait3A_704 = arith.constant 0 : i32
      %dma_wait3A_705 = arith.constant 0 : i32
      %dma_wait3A_706 = tpu.memref_slice %arg20[%dma_wait3A_704, %dma_wait3A_705] : memref<10000x128xf32, #tpu.memory_space<vmem_shared>> -> memref<10000x128xf32, #tpu.memory_space<vmem_shared>>
      tpu.wait_indirect_dma semaphore(%arg24 : memref<!tpu.dma_semaphore, #tpu.memory_space<semaphore_mem>>) src(%dma_wait3A_703 : memref<80x128xf32, #tpu.memory_space<vmem>>) dst(%dma_wait3A_706 : memref<10000x128xf32, #tpu.memory_space<vmem_shared>>)
      %dma_wait3A_707 = arith.constant 0 : i32
      %dma_wait3A_708 = tpu.memref_slice %arg3[%dma_wait3A_707] : memref<320000xi32, #tpu.memory_space<hbm>> -> memref<80xi32, #tpu.memory_space<hbm>>
      %dma_wait3A_709 = arith.constant 0 : i32
      %dma_wait3A_710 = tpu.memref_slice %arg3[%dma_wait3A_709] : memref<320000xi32, #tpu.memory_space<hbm>> -> memref<80xi32, #tpu.memory_space<hbm>>
      tpu.wait_dma2 semaphore(%arg30 : memref<!tpu.dma_semaphore, #tpu.memory_space<semaphore_mem>>) src(%dma_wait3A_710 : memref<80xi32, #tpu.memory_space<hbm>>) dst(%arg9 : memref<80xi32, #tpu.memory_space<vmem>>)
      %dma_start3A_711 = arith.constant 0 : i32
      %dma_start3A_712 = arith.constant 0 : i32
      %dma_start3A_713 = arith.constant 0 : i32
      %dma_start3A_714 = tpu.memref_slice %arg18[%dma_start3A_711, %dma_start3A_712, %dma_start3A_713] : memref<3x80x128xf32, #tpu.memory_space<vmem>> -> memref<1x80x128xf32, #tpu.memory_space<vmem>>
      %dma_start3A_715 = tpu.memref_squeeze %dma_start3A_714 : memref<1x80x128xf32, #tpu.memory_space<vmem>> -> memref<80x128xf32, #tpu.memory_space<vmem>>
      %dma_start3A_716 = arith.constant 0 : i32
      %dma_start3A_717 = arith.constant 0 : i32
      %dma_start3A_718 = tpu.memref_slice %arg2[%dma_start3A_716, %dma_start3A_717] : memref<10000x128xf32, #tpu.memory_space<hbm>> -> memref<10000x128xf32, #tpu.memory_space<hbm>>
      tpu.enqueue_indirect_dma source(%dma_start3A_718 : memref<10000x128xf32, #tpu.memory_space<hbm>>) target(%dma_start3A_715 : memref<80x128xf32, #tpu.memory_space<vmem>>) offsets(%arg9 : memref<80xi32, #tpu.memory_space<vmem>>) semaphore(%arg21 : memref<!tpu.dma_semaphore, #tpu.memory_space<semaphore_mem>>)
      %add3A_719 = arith.constant 6 : i32
      %add3A_720 = arith.addi %add3A_678, %add3A_719 : i32
      %lt3A = arith.constant 125 : i32
      %lt3A_721 = arith.cmpi slt, %add3A_720, %lt3A : i32
      %convert_element_type3A = arith.extui %lt3A_721 : i1 to i32
      %cond3A = arith.constant 0 : i32
      %cond3A_722 = arith.cmpi ne, %convert_element_type3A, %cond3A : i32
      scf.if %cond3A_722 {
        %mul3A_969 = arith.constant 80 : i32
        %mul3A_970 = arith.muli %add3A_720, %mul3A_969 : i32
        %add3A_971 = arith.addi %mul3A_2, %mul3A_970 : i32
        %dma_start3A_972 = tpu.memref_slice %arg3[%add3A_971] : memref<320000xi32, #tpu.memory_space<hbm>> -> memref<80xi32, #tpu.memory_space<hbm>>
        %dma_start3A_973 = tpu.memref_slice %arg3[%add3A_971] : memref<320000xi32, #tpu.memory_space<hbm>> -> memref<80xi32, #tpu.memory_space<hbm>>
        tpu.enqueue_dma source(%dma_start3A_973 : memref<80xi32, #tpu.memory_space<hbm>>) target(%arg6 : memref<80xi32, #tpu.memory_space<vmem>>) target_semaphore(%arg27 : memref<!tpu.dma_semaphore, #tpu.memory_space<semaphore_mem>>)
        %mul3A_974 = arith.constant 80 : i32
        %mul3A_975 = arith.muli %add3A_720, %mul3A_974 : i32
        %add3A_976 = arith.addi %mul3A_2, %mul3A_975 : i32
        %dma_start3A_977 = tpu.memref_slice %arg4[%add3A_976] : memref<320000xi32, #tpu.memory_space<hbm>> -> memref<80xi32, #tpu.memory_space<hbm>>
        %dma_start3A_978 = tpu.memref_slice %arg4[%add3A_976] : memref<320000xi32, #tpu.memory_space<hbm>> -> memref<80xi32, #tpu.memory_space<hbm>>
        tpu.enqueue_dma source(%dma_start3A_978 : memref<80xi32, #tpu.memory_space<hbm>>) target(%arg12 : memref<80xi32, #tpu.memory_space<vmem>>) target_semaphore(%arg33 : memref<!tpu.dma_semaphore, #tpu.memory_space<semaphore_mem>>)
      } else {
      }
      %add3A_723 = arith.constant 1 : i32
      %add3A_724 = arith.addi %mul3A_676, %add3A_723 : i32
      %dma_wait3A_725 = arith.constant 1 : i32
      %dma_wait3A_726 = arith.constant 0 : i32
      %dma_wait3A_727 = arith.constant 0 : i32
      %dma_wait3A_728 = tpu.memref_slice %arg18[%dma_wait3A_725, %dma_wait3A_726, %dma_wait3A_727] : memref<3x80x128xf32, #tpu.memory_space<vmem>> -> memref<1x80x128xf32, #tpu.memory_space<vmem>>
      %dma_wait3A_729 = tpu.memref_squeeze %dma_wait3A_728 : memref<1x80x128xf32, #tpu.memory_space<vmem>> -> memref<80x128xf32, #tpu.memory_space<vmem>>
      %dma_wait3A_730 = arith.constant 0 : i32
      %dma_wait3A_731 = arith.constant 0 : i32
      %dma_wait3A_732 = tpu.memref_slice %arg2[%dma_wait3A_730, %dma_wait3A_731] : memref<10000x128xf32, #tpu.memory_space<hbm>> -> memref<10000x128xf32, #tpu.memory_space<hbm>>
      tpu.wait_indirect_dma semaphore(%arg22 : memref<!tpu.dma_semaphore, #tpu.memory_space<semaphore_mem>>) src(%dma_wait3A_732 : memref<10000x128xf32, #tpu.memory_space<hbm>>) dst(%dma_wait3A_729 : memref<80x128xf32, #tpu.memory_space<vmem>>)
      %dma_wait3A_733 = arith.constant 0 : i32
      %dma_wait3A_734 = tpu.memref_slice %arg4[%dma_wait3A_733] : memref<320000xi32, #tpu.memory_space<hbm>> -> memref<80xi32, #tpu.memory_space<hbm>>
      %dma_wait3A_735 = arith.constant 0 : i32
      %dma_wait3A_736 = tpu.memref_slice %arg4[%dma_wait3A_735] : memref<320000xi32, #tpu.memory_space<hbm>> -> memref<80xi32, #tpu.memory_space<hbm>>
      tpu.wait_dma2 semaphore(%arg34 : memref<!tpu.dma_semaphore, #tpu.memory_space<semaphore_mem>>) src(%dma_wait3A_736 : memref<80xi32, #tpu.memory_space<hbm>>) dst(%arg13 : memref<80xi32, #tpu.memory_space<vmem>>)
      %dma_start3A_737 = arith.constant 1 : i32
      %dma_start3A_738 = arith.constant 0 : i32
      %dma_start3A_739 = arith.constant 0 : i32
      %dma_start3A_740 = tpu.memref_slice %arg18[%dma_start3A_737, %dma_start3A_738, %dma_start3A_739] : memref<3x80x128xf32, #tpu.memory_space<vmem>> -> memref<1x80x128xf32, #tpu.memory_space<vmem>>
      %dma_start3A_741 = tpu.memref_squeeze %dma_start3A_740 : memref<1x80x128xf32, #tpu.memory_space<vmem>> -> memref<80x128xf32, #tpu.memory_space<vmem>>
      %dma_start3A_742 = arith.constant 0 : i32
      %dma_start3A_743 = arith.constant 0 : i32
      %dma_start3A_744 = tpu.memref_slice %arg20[%dma_start3A_742, %dma_start3A_743] : memref<10000x128xf32, #tpu.memory_space<vmem_shared>> -> memref<10000x128xf32, #tpu.memory_space<vmem_shared>>
      tpu.enqueue_indirect_dma source(%dma_start3A_741 : memref<80x128xf32, #tpu.memory_space<vmem>>) target(%dma_start3A_744 : memref<10000x128xf32, #tpu.memory_space<vmem_shared>>) offsets(%arg13 : memref<80xi32, #tpu.memory_space<vmem>>) semaphore(%arg25 : memref<!tpu.dma_semaphore, #tpu.memory_space<semaphore_mem>>) {add = true}
      %dma_wait3A_745 = arith.constant 1 : i32
      %dma_wait3A_746 = arith.constant 0 : i32
      %dma_wait3A_747 = arith.constant 0 : i32
      %dma_wait3A_748 = tpu.memref_slice %arg18[%dma_wait3A_745, %dma_wait3A_746, %dma_wait3A_747] : memref<3x80x128xf32, #tpu.memory_space<vmem>> -> memref<1x80x128xf32, #tpu.memory_space<vmem>>
      %dma_wait3A_749 = tpu.memref_squeeze %dma_wait3A_748 : memref<1x80x128xf32, #tpu.memory_space<vmem>> -> memref<80x128xf32, #tpu.memory_space<vmem>>
      %dma_wait3A_750 = arith.constant 0 : i32
      %dma_wait3A_751 = arith.constant 0 : i32
      %dma_wait3A_752 = tpu.memref_slice %arg20[%dma_wait3A_750, %dma_wait3A_751] : memref<10000x128xf32, #tpu.memory_space<vmem_shared>> -> memref<10000x128xf32, #tpu.memory_space<vmem_shared>>
      tpu.wait_indirect_dma semaphore(%arg25 : memref<!tpu.dma_semaphore, #tpu.memory_space<semaphore_mem>>) src(%dma_wait3A_749 : memref<80x128xf32, #tpu.memory_space<vmem>>) dst(%dma_wait3A_752 : memref<10000x128xf32, #tpu.memory_space<vmem_shared>>)
      %dma_wait3A_753 = arith.constant 0 : i32
      %dma_wait3A_754 = tpu.memref_slice %arg3[%dma_wait3A_753] : memref<320000xi32, #tpu.memory_space<hbm>> -> memref<80xi32, #tpu.memory_space<hbm>>
      %dma_wait3A_755 = arith.constant 0 : i32
      %dma_wait3A_756 = tpu.memref_slice %arg3[%dma_wait3A_755] : memref<320000xi32, #tpu.memory_space<hbm>> -> memref<80xi32, #tpu.memory_space<hbm>>
      tpu.wait_dma2 semaphore(%arg31 : memref<!tpu.dma_semaphore, #tpu.memory_space<semaphore_mem>>) src(%dma_wait3A_756 : memref<80xi32, #tpu.memory_space<hbm>>) dst(%arg10 : memref<80xi32, #tpu.memory_space<vmem>>)
      %dma_start3A_757 = arith.constant 1 : i32
      %dma_start3A_758 = arith.constant 0 : i32
      %dma_start3A_759 = arith.constant 0 : i32
      %dma_start3A_760 = tpu.memref_slice %arg18[%dma_start3A_757, %dma_start3A_758, %dma_start3A_759] : memref<3x80x128xf32, #tpu.memory_space<vmem>> -> memref<1x80x128xf32, #tpu.memory_space<vmem>>
      %dma_start3A_761 = tpu.memref_squeeze %dma_start3A_760 : memref<1x80x128xf32, #tpu.memory_space<vmem>> -> memref<80x128xf32, #tpu.memory_space<vmem>>
      %dma_start3A_762 = arith.constant 0 : i32
      %dma_start3A_763 = arith.constant 0 : i32
      %dma_start3A_764 = tpu.memref_slice %arg2[%dma_start3A_762, %dma_start3A_763] : memref<10000x128xf32, #tpu.memory_space<hbm>> -> memref<10000x128xf32, #tpu.memory_space<hbm>>
      tpu.enqueue_indirect_dma source(%dma_start3A_764 : memref<10000x128xf32, #tpu.memory_space<hbm>>) target(%dma_start3A_761 : memref<80x128xf32, #tpu.memory_space<vmem>>) offsets(%arg10 : memref<80xi32, #tpu.memory_space<vmem>>) semaphore(%arg22 : memref<!tpu.dma_semaphore, #tpu.memory_space<semaphore_mem>>)
      %add3A_765 = arith.constant 6 : i32
      %add3A_766 = arith.addi %add3A_724, %add3A_765 : i32
      %lt3A_767 = arith.constant 125 : i32
      %lt3A_768 = arith.cmpi slt, %add3A_766, %lt3A_767 : i32
      %convert_element_type3A_769 = arith.extui %lt3A_768 : i1 to i32
      %cond3A_770 = arith.constant 0 : i32
      %cond3A_771 = arith.cmpi ne, %convert_element_type3A_769, %cond3A_770 : i32
      scf.if %cond3A_771 {
        %mul3A_969 = arith.constant 80 : i32
        %mul3A_970 = arith.muli %add3A_766, %mul3A_969 : i32
        %add3A_971 = arith.addi %mul3A_2, %mul3A_970 : i32
        %dma_start3A_972 = tpu.memref_slice %arg3[%add3A_971] : memref<320000xi32, #tpu.memory_space<hbm>> -> memref<80xi32, #tpu.memory_space<hbm>>
        %dma_start3A_973 = tpu.memref_slice %arg3[%add3A_971] : memref<320000xi32, #tpu.memory_space<hbm>> -> memref<80xi32, #tpu.memory_space<hbm>>
        tpu.enqueue_dma source(%dma_start3A_973 : memref<80xi32, #tpu.memory_space<hbm>>) target(%arg7 : memref<80xi32, #tpu.memory_space<vmem>>) target_semaphore(%arg28 : memref<!tpu.dma_semaphore, #tpu.memory_space<semaphore_mem>>)
        %mul3A_974 = arith.constant 80 : i32
        %mul3A_975 = arith.muli %add3A_766, %mul3A_974 : i32
        %add3A_976 = arith.addi %mul3A_2, %mul3A_975 : i32
        %dma_start3A_977 = tpu.memref_slice %arg4[%add3A_976] : memref<320000xi32, #tpu.memory_space<hbm>> -> memref<80xi32, #tpu.memory_space<hbm>>
        %dma_start3A_978 = tpu.memref_slice %arg4[%add3A_976] : memref<320000xi32, #tpu.memory_space<hbm>> -> memref<80xi32, #tpu.memory_space<hbm>>
        tpu.enqueue_dma source(%dma_start3A_978 : memref<80xi32, #tpu.memory_space<hbm>>) target(%arg13 : memref<80xi32, #tpu.memory_space<vmem>>) target_semaphore(%arg34 : memref<!tpu.dma_semaphore, #tpu.memory_space<semaphore_mem>>)
      } else {
      }
      %add3A_772 = arith.constant 2 : i32
      %add3A_773 = arith.addi %mul3A_676, %add3A_772 : i32
      %dma_wait3A_774 = arith.constant 2 : i32
      %dma_wait3A_775 = arith.constant 0 : i32
      %dma_wait3A_776 = arith.constant 0 : i32
      %dma_wait3A_777 = tpu.memref_slice %arg18[%dma_wait3A_774, %dma_wait3A_775, %dma_wait3A_776] : memref<3x80x128xf32, #tpu.memory_space<vmem>> -> memref<1x80x128xf32, #tpu.memory_space<vmem>>
      %dma_wait3A_778 = tpu.memref_squeeze %dma_wait3A_777 : memref<1x80x128xf32, #tpu.memory_space<vmem>> -> memref<80x128xf32, #tpu.memory_space<vmem>>
      %dma_wait3A_779 = arith.constant 0 : i32
      %dma_wait3A_780 = arith.constant 0 : i32
      %dma_wait3A_781 = tpu.memref_slice %arg2[%dma_wait3A_779, %dma_wait3A_780] : memref<10000x128xf32, #tpu.memory_space<hbm>> -> memref<10000x128xf32, #tpu.memory_space<hbm>>
      tpu.wait_indirect_dma semaphore(%arg23 : memref<!tpu.dma_semaphore, #tpu.memory_space<semaphore_mem>>) src(%dma_wait3A_781 : memref<10000x128xf32, #tpu.memory_space<hbm>>) dst(%dma_wait3A_778 : memref<80x128xf32, #tpu.memory_space<vmem>>)
      %dma_wait3A_782 = arith.constant 0 : i32
      %dma_wait3A_783 = tpu.memref_slice %arg4[%dma_wait3A_782] : memref<320000xi32, #tpu.memory_space<hbm>> -> memref<80xi32, #tpu.memory_space<hbm>>
      %dma_wait3A_784 = arith.constant 0 : i32
      %dma_wait3A_785 = tpu.memref_slice %arg4[%dma_wait3A_784] : memref<320000xi32, #tpu.memory_space<hbm>> -> memref<80xi32, #tpu.memory_space<hbm>>
      tpu.wait_dma2 semaphore(%arg35 : memref<!tpu.dma_semaphore, #tpu.memory_space<semaphore_mem>>) src(%dma_wait3A_785 : memref<80xi32, #tpu.memory_space<hbm>>) dst(%arg14 : memref<80xi32, #tpu.memory_space<vmem>>)
      %dma_start3A_786 = arith.constant 2 : i32
      %dma_start3A_787 = arith.constant 0 : i32
      %dma_start3A_788 = arith.constant 0 : i32
      %dma_start3A_789 = tpu.memref_slice %arg18[%dma_start3A_786, %dma_start3A_787, %dma_start3A_788] : memref<3x80x128xf32, #tpu.memory_space<vmem>> -> memref<1x80x128xf32, #tpu.memory_space<vmem>>
      %dma_start3A_790 = tpu.memref_squeeze %dma_start3A_789 : memref<1x80x128xf32, #tpu.memory_space<vmem>> -> memref<80x128xf32, #tpu.memory_space<vmem>>
      %dma_start3A_791 = arith.constant 0 : i32
      %dma_start3A_792 = arith.constant 0 : i32
      %dma_start3A_793 = tpu.memref_slice %arg20[%dma_start3A_791, %dma_start3A_792] : memref<10000x128xf32, #tpu.memory_space<vmem_shared>> -> memref<10000x128xf32, #tpu.memory_space<vmem_shared>>
      tpu.enqueue_indirect_dma source(%dma_start3A_790 : memref<80x128xf32, #tpu.memory_space<vmem>>) target(%dma_start3A_793 : memref<10000x128xf32, #tpu.memory_space<vmem_shared>>) offsets(%arg14 : memref<80xi32, #tpu.memory_space<vmem>>) semaphore(%arg26 : memref<!tpu.dma_semaphore, #tpu.memory_space<semaphore_mem>>) {add = true}
      %dma_wait3A_794 = arith.constant 2 : i32
      %dma_wait3A_795 = arith.constant 0 : i32
      %dma_wait3A_796 = arith.constant 0 : i32
      %dma_wait3A_797 = tpu.memref_slice %arg18[%dma_wait3A_794, %dma_wait3A_795, %dma_wait3A_796] : memref<3x80x128xf32, #tpu.memory_space<vmem>> -> memref<1x80x128xf32, #tpu.memory_space<vmem>>
      %dma_wait3A_798 = tpu.memref_squeeze %dma_wait3A_797 : memref<1x80x128xf32, #tpu.memory_space<vmem>> -> memref<80x128xf32, #tpu.memory_space<vmem>>
      %dma_wait3A_799 = arith.constant 0 : i32
      %dma_wait3A_800 = arith.constant 0 : i32
      %dma_wait3A_801 = tpu.memref_slice %arg20[%dma_wait3A_799, %dma_wait3A_800] : memref<10000x128xf32, #tpu.memory_space<vmem_shared>> -> memref<10000x128xf32, #tpu.memory_space<vmem_shared>>
      tpu.wait_indirect_dma semaphore(%arg26 : memref<!tpu.dma_semaphore, #tpu.memory_space<semaphore_mem>>) src(%dma_wait3A_798 : memref<80x128xf32, #tpu.memory_space<vmem>>) dst(%dma_wait3A_801 : memref<10000x128xf32, #tpu.memory_space<vmem_shared>>)
      %dma_wait3A_802 = arith.constant 0 : i32
      %dma_wait3A_803 = tpu.memref_slice %arg3[%dma_wait3A_802] : memref<320000xi32, #tpu.memory_space<hbm>> -> memref<80xi32, #tpu.memory_space<hbm>>
      %dma_wait3A_804 = arith.constant 0 : i32
      %dma_wait3A_805 = tpu.memref_slice %arg3[%dma_wait3A_804] : memref<320000xi32, #tpu.memory_space<hbm>> -> memref<80xi32, #tpu.memory_space<hbm>>
      tpu.wait_dma2 semaphore(%arg32 : memref<!tpu.dma_semaphore, #tpu.memory_space<semaphore_mem>>) src(%dma_wait3A_805 : memref<80xi32, #tpu.memory_space<hbm>>) dst(%arg11 : memref<80xi32, #tpu.memory_space<vmem>>)
      %dma_start3A_806 = arith.constant 2 : i32
      %dma_start3A_807 = arith.constant 0 : i32
      %dma_start3A_808 = arith.constant 0 : i32
      %dma_start3A_809 = tpu.memref_slice %arg18[%dma_start3A_806, %dma_start3A_807, %dma_start3A_808] : memref<3x80x128xf32, #tpu.memory_space<vmem>> -> memref<1x80x128xf32, #tpu.memory_space<vmem>>
      %dma_start3A_810 = tpu.memref_squeeze %dma_start3A_809 : memref<1x80x128xf32, #tpu.memory_space<vmem>> -> memref<80x128xf32, #tpu.memory_space<vmem>>
      %dma_start3A_811 = arith.constant 0 : i32
      %dma_start3A_812 = arith.constant 0 : i32
      %dma_start3A_813 = tpu.memref_slice %arg2[%dma_start3A_811, %dma_start3A_812] : memref<10000x128xf32, #tpu.memory_space<hbm>> -> memref<10000x128xf32, #tpu.memory_space<hbm>>
      tpu.enqueue_indirect_dma source(%dma_start3A_813 : memref<10000x128xf32, #tpu.memory_space<hbm>>) target(%dma_start3A_810 : memref<80x128xf32, #tpu.memory_space<vmem>>) offsets(%arg11 : memref<80xi32, #tpu.memory_space<vmem>>) semaphore(%arg23 : memref<!tpu.dma_semaphore, #tpu.memory_space<semaphore_mem>>)
      %add3A_814 = arith.constant 6 : i32
      %add3A_815 = arith.addi %add3A_773, %add3A_814 : i32
      %lt3A_816 = arith.constant 125 : i32
      %lt3A_817 = arith.cmpi slt, %add3A_815, %lt3A_816 : i32
      %convert_element_type3A_818 = arith.extui %lt3A_817 : i1 to i32
      %cond3A_819 = arith.constant 0 : i32
      %cond3A_820 = arith.cmpi ne, %convert_element_type3A_818, %cond3A_819 : i32
      scf.if %cond3A_820 {
        %mul3A_969 = arith.constant 80 : i32
        %mul3A_970 = arith.muli %add3A_815, %mul3A_969 : i32
        %add3A_971 = arith.addi %mul3A_2, %mul3A_970 : i32
        %dma_start3A_972 = tpu.memref_slice %arg3[%add3A_971] : memref<320000xi32, #tpu.memory_space<hbm>> -> memref<80xi32, #tpu.memory_space<hbm>>
        %dma_start3A_973 = tpu.memref_slice %arg3[%add3A_971] : memref<320000xi32, #tpu.memory_space<hbm>> -> memref<80xi32, #tpu.memory_space<hbm>>
        tpu.enqueue_dma source(%dma_start3A_973 : memref<80xi32, #tpu.memory_space<hbm>>) target(%arg8 : memref<80xi32, #tpu.memory_space<vmem>>) target_semaphore(%arg29 : memref<!tpu.dma_semaphore, #tpu.memory_space<semaphore_mem>>)
        %mul3A_974 = arith.constant 80 : i32
        %mul3A_975 = arith.muli %add3A_815, %mul3A_974 : i32
        %add3A_976 = arith.addi %mul3A_2, %mul3A_975 : i32
        %dma_start3A_977 = tpu.memref_slice %arg4[%add3A_976] : memref<320000xi32, #tpu.memory_space<hbm>> -> memref<80xi32, #tpu.memory_space<hbm>>
        %dma_start3A_978 = tpu.memref_slice %arg4[%add3A_976] : memref<320000xi32, #tpu.memory_space<hbm>> -> memref<80xi32, #tpu.memory_space<hbm>>
        tpu.enqueue_dma source(%dma_start3A_978 : memref<80xi32, #tpu.memory_space<hbm>>) target(%arg14 : memref<80xi32, #tpu.memory_space<vmem>>) target_semaphore(%arg35 : memref<!tpu.dma_semaphore, #tpu.memory_space<semaphore_mem>>)
      } else {
      }
      %add3A_821 = arith.constant 3 : i32
      %add3A_822 = arith.addi %mul3A_676, %add3A_821 : i32
      %dma_wait3A_823 = arith.constant 0 : i32
      %dma_wait3A_824 = arith.constant 0 : i32
      %dma_wait3A_825 = arith.constant 0 : i32
      %dma_wait3A_826 = tpu.memref_slice %arg18[%dma_wait3A_823, %dma_wait3A_824, %dma_wait3A_825] : memref<3x80x128xf32, #tpu.memory_space<vmem>> -> memref<1x80x128xf32, #tpu.memory_space<vmem>>
      %dma_wait3A_827 = tpu.memref_squeeze %dma_wait3A_826 : memref<1x80x128xf32, #tpu.memory_space<vmem>> -> memref<80x128xf32, #tpu.memory_space<vmem>>
      %dma_wait3A_828 = arith.constant 0 : i32
      %dma_wait3A_829 = arith.constant 0 : i32
      %dma_wait3A_830 = tpu.memref_slice %arg2[%dma_wait3A_828, %dma_wait3A_829] : memref<10000x128xf32, #tpu.memory_space<hbm>> -> memref<10000x128xf32, #tpu.memory_space<hbm>>
      tpu.wait_indirect_dma semaphore(%arg21 : memref<!tpu.dma_semaphore, #tpu.memory_space<semaphore_mem>>) src(%dma_wait3A_830 : memref<10000x128xf32, #tpu.memory_space<hbm>>) dst(%dma_wait3A_827 : memref<80x128xf32, #tpu.memory_space<vmem>>)
      %dma_wait3A_831 = arith.constant 0 : i32
      %dma_wait3A_832 = tpu.memref_slice %arg4[%dma_wait3A_831] : memref<320000xi32, #tpu.memory_space<hbm>> -> memref<80xi32, #tpu.memory_space<hbm>>
      %dma_wait3A_833 = arith.constant 0 : i32
      %dma_wait3A_834 = tpu.memref_slice %arg4[%dma_wait3A_833] : memref<320000xi32, #tpu.memory_space<hbm>> -> memref<80xi32, #tpu.memory_space<hbm>>
      tpu.wait_dma2 semaphore(%arg36 : memref<!tpu.dma_semaphore, #tpu.memory_space<semaphore_mem>>) src(%dma_wait3A_834 : memref<80xi32, #tpu.memory_space<hbm>>) dst(%arg15 : memref<80xi32, #tpu.memory_space<vmem>>)
      %dma_start3A_835 = arith.constant 0 : i32
      %dma_start3A_836 = arith.constant 0 : i32
      %dma_start3A_837 = arith.constant 0 : i32
      %dma_start3A_838 = tpu.memref_slice %arg18[%dma_start3A_835, %dma_start3A_836, %dma_start3A_837] : memref<3x80x128xf32, #tpu.memory_space<vmem>> -> memref<1x80x128xf32, #tpu.memory_space<vmem>>
      %dma_start3A_839 = tpu.memref_squeeze %dma_start3A_838 : memref<1x80x128xf32, #tpu.memory_space<vmem>> -> memref<80x128xf32, #tpu.memory_space<vmem>>
      %dma_start3A_840 = arith.constant 0 : i32
      %dma_start3A_841 = arith.constant 0 : i32
      %dma_start3A_842 = tpu.memref_slice %arg20[%dma_start3A_840, %dma_start3A_841] : memref<10000x128xf32, #tpu.memory_space<vmem_shared>> -> memref<10000x128xf32, #tpu.memory_space<vmem_shared>>
      tpu.enqueue_indirect_dma source(%dma_start3A_839 : memref<80x128xf32, #tpu.memory_space<vmem>>) target(%dma_start3A_842 : memref<10000x128xf32, #tpu.memory_space<vmem_shared>>) offsets(%arg15 : memref<80xi32, #tpu.memory_space<vmem>>) semaphore(%arg24 : memref<!tpu.dma_semaphore, #tpu.memory_space<semaphore_mem>>) {add = true}
      %dma_wait3A_843 = arith.constant 0 : i32
      %dma_wait3A_844 = arith.constant 0 : i32
      %dma_wait3A_845 = arith.constant 0 : i32
      %dma_wait3A_846 = tpu.memref_slice %arg18[%dma_wait3A_843, %dma_wait3A_844, %dma_wait3A_845] : memref<3x80x128xf32, #tpu.memory_space<vmem>> -> memref<1x80x128xf32, #tpu.memory_space<vmem>>
      %dma_wait3A_847 = tpu.memref_squeeze %dma_wait3A_846 : memref<1x80x128xf32, #tpu.memory_space<vmem>> -> memref<80x128xf32, #tpu.memory_space<vmem>>
      %dma_wait3A_848 = arith.constant 0 : i32
      %dma_wait3A_849 = arith.constant 0 : i32
      %dma_wait3A_850 = tpu.memref_slice %arg20[%dma_wait3A_848, %dma_wait3A_849] : memref<10000x128xf32, #tpu.memory_space<vmem_shared>> -> memref<10000x128xf32, #tpu.memory_space<vmem_shared>>
      tpu.wait_indirect_dma semaphore(%arg24 : memref<!tpu.dma_semaphore, #tpu.memory_space<semaphore_mem>>) src(%dma_wait3A_847 : memref<80x128xf32, #tpu.memory_space<vmem>>) dst(%dma_wait3A_850 : memref<10000x128xf32, #tpu.memory_space<vmem_shared>>)
      %dma_wait3A_851 = arith.constant 0 : i32
      %dma_wait3A_852 = tpu.memref_slice %arg3[%dma_wait3A_851] : memref<320000xi32, #tpu.memory_space<hbm>> -> memref<80xi32, #tpu.memory_space<hbm>>
      %dma_wait3A_853 = arith.constant 0 : i32
      %dma_wait3A_854 = tpu.memref_slice %arg3[%dma_wait3A_853] : memref<320000xi32, #tpu.memory_space<hbm>> -> memref<80xi32, #tpu.memory_space<hbm>>
      tpu.wait_dma2 semaphore(%arg27 : memref<!tpu.dma_semaphore, #tpu.memory_space<semaphore_mem>>) src(%dma_wait3A_854 : memref<80xi32, #tpu.memory_space<hbm>>) dst(%arg6 : memref<80xi32, #tpu.memory_space<vmem>>)
      %dma_start3A_855 = arith.constant 0 : i32
      %dma_start3A_856 = arith.constant 0 : i32
      %dma_start3A_857 = arith.constant 0 : i32
      %dma_start3A_858 = tpu.memref_slice %arg18[%dma_start3A_855, %dma_start3A_856, %dma_start3A_857] : memref<3x80x128xf32, #tpu.memory_space<vmem>> -> memref<1x80x128xf32, #tpu.memory_space<vmem>>
      %dma_start3A_859 = tpu.memref_squeeze %dma_start3A_858 : memref<1x80x128xf32, #tpu.memory_space<vmem>> -> memref<80x128xf32, #tpu.memory_space<vmem>>
      %dma_start3A_860 = arith.constant 0 : i32
      %dma_start3A_861 = arith.constant 0 : i32
      %dma_start3A_862 = tpu.memref_slice %arg2[%dma_start3A_860, %dma_start3A_861] : memref<10000x128xf32, #tpu.memory_space<hbm>> -> memref<10000x128xf32, #tpu.memory_space<hbm>>
      tpu.enqueue_indirect_dma source(%dma_start3A_862 : memref<10000x128xf32, #tpu.memory_space<hbm>>) target(%dma_start3A_859 : memref<80x128xf32, #tpu.memory_space<vmem>>) offsets(%arg6 : memref<80xi32, #tpu.memory_space<vmem>>) semaphore(%arg21 : memref<!tpu.dma_semaphore, #tpu.memory_space<semaphore_mem>>)
      %add3A_863 = arith.constant 6 : i32
      %add3A_864 = arith.addi %add3A_822, %add3A_863 : i32
      %lt3A_865 = arith.constant 125 : i32
      %lt3A_866 = arith.cmpi slt, %add3A_864, %lt3A_865 : i32
      %convert_element_type3A_867 = arith.extui %lt3A_866 : i1 to i32
      %cond3A_868 = arith.constant 0 : i32
      %cond3A_869 = arith.cmpi ne, %convert_element_type3A_867, %cond3A_868 : i32
      scf.if %cond3A_869 {
        %mul3A_969 = arith.constant 80 : i32
        %mul3A_970 = arith.muli %add3A_864, %mul3A_969 : i32
        %add3A_971 = arith.addi %mul3A_2, %mul3A_970 : i32
        %dma_start3A_972 = tpu.memref_slice %arg3[%add3A_971] : memref<320000xi32, #tpu.memory_space<hbm>> -> memref<80xi32, #tpu.memory_space<hbm>>
        %dma_start3A_973 = tpu.memref_slice %arg3[%add3A_971] : memref<320000xi32, #tpu.memory_space<hbm>> -> memref<80xi32, #tpu.memory_space<hbm>>
        tpu.enqueue_dma source(%dma_start3A_973 : memref<80xi32, #tpu.memory_space<hbm>>) target(%arg9 : memref<80xi32, #tpu.memory_space<vmem>>) target_semaphore(%arg30 : memref<!tpu.dma_semaphore, #tpu.memory_space<semaphore_mem>>)
        %mul3A_974 = arith.constant 80 : i32
        %mul3A_975 = arith.muli %add3A_864, %mul3A_974 : i32
        %add3A_976 = arith.addi %mul3A_2, %mul3A_975 : i32
        %dma_start3A_977 = tpu.memref_slice %arg4[%add3A_976] : memref<320000xi32, #tpu.memory_space<hbm>> -> memref<80xi32, #tpu.memory_space<hbm>>
        %dma_start3A_978 = tpu.memref_slice %arg4[%add3A_976] : memref<320000xi32, #tpu.memory_space<hbm>> -> memref<80xi32, #tpu.memory_space<hbm>>
        tpu.enqueue_dma source(%dma_start3A_978 : memref<80xi32, #tpu.memory_space<hbm>>) target(%arg15 : memref<80xi32, #tpu.memory_space<vmem>>) target_semaphore(%arg36 : memref<!tpu.dma_semaphore, #tpu.memory_space<semaphore_mem>>)
      } else {
      }
      %add3A_870 = arith.constant 4 : i32
      %add3A_871 = arith.addi %mul3A_676, %add3A_870 : i32
      %dma_wait3A_872 = arith.constant 1 : i32
      %dma_wait3A_873 = arith.constant 0 : i32
      %dma_wait3A_874 = arith.constant 0 : i32
      %dma_wait3A_875 = tpu.memref_slice %arg18[%dma_wait3A_872, %dma_wait3A_873, %dma_wait3A_874] : memref<3x80x128xf32, #tpu.memory_space<vmem>> -> memref<1x80x128xf32, #tpu.memory_space<vmem>>
      %dma_wait3A_876 = tpu.memref_squeeze %dma_wait3A_875 : memref<1x80x128xf32, #tpu.memory_space<vmem>> -> memref<80x128xf32, #tpu.memory_space<vmem>>
      %dma_wait3A_877 = arith.constant 0 : i32
      %dma_wait3A_878 = arith.constant 0 : i32
      %dma_wait3A_879 = tpu.memref_slice %arg2[%dma_wait3A_877, %dma_wait3A_878] : memref<10000x128xf32, #tpu.memory_space<hbm>> -> memref<10000x128xf32, #tpu.memory_space<hbm>>
      tpu.wait_indirect_dma semaphore(%arg22 : memref<!tpu.dma_semaphore, #tpu.memory_space<semaphore_mem>>) src(%dma_wait3A_879 : memref<10000x128xf32, #tpu.memory_space<hbm>>) dst(%dma_wait3A_876 : memref<80x128xf32, #tpu.memory_space<vmem>>)
      %dma_wait3A_880 = arith.constant 0 : i32
      %dma_wait3A_881 = tpu.memref_slice %arg4[%dma_wait3A_880] : memref<320000xi32, #tpu.memory_space<hbm>> -> memref<80xi32, #tpu.memory_space<hbm>>
      %dma_wait3A_882 = arith.constant 0 : i32
      %dma_wait3A_883 = tpu.memref_slice %arg4[%dma_wait3A_882] : memref<320000xi32, #tpu.memory_space<hbm>> -> memref<80xi32, #tpu.memory_space<hbm>>
      tpu.wait_dma2 semaphore(%arg37 : memref<!tpu.dma_semaphore, #tpu.memory_space<semaphore_mem>>) src(%dma_wait3A_883 : memref<80xi32, #tpu.memory_space<hbm>>) dst(%arg16 : memref<80xi32, #tpu.memory_space<vmem>>)
      %dma_start3A_884 = arith.constant 1 : i32
      %dma_start3A_885 = arith.constant 0 : i32
      %dma_start3A_886 = arith.constant 0 : i32
      %dma_start3A_887 = tpu.memref_slice %arg18[%dma_start3A_884, %dma_start3A_885, %dma_start3A_886] : memref<3x80x128xf32, #tpu.memory_space<vmem>> -> memref<1x80x128xf32, #tpu.memory_space<vmem>>
      %dma_start3A_888 = tpu.memref_squeeze %dma_start3A_887 : memref<1x80x128xf32, #tpu.memory_space<vmem>> -> memref<80x128xf32, #tpu.memory_space<vmem>>
      %dma_start3A_889 = arith.constant 0 : i32
      %dma_start3A_890 = arith.constant 0 : i32
      %dma_start3A_891 = tpu.memref_slice %arg20[%dma_start3A_889, %dma_start3A_890] : memref<10000x128xf32, #tpu.memory_space<vmem_shared>> -> memref<10000x128xf32, #tpu.memory_space<vmem_shared>>
      tpu.enqueue_indirect_dma source(%dma_start3A_888 : memref<80x128xf32, #tpu.memory_space<vmem>>) target(%dma_start3A_891 : memref<10000x128xf32, #tpu.memory_space<vmem_shared>>) offsets(%arg16 : memref<80xi32, #tpu.memory_space<vmem>>) semaphore(%arg25 : memref<!tpu.dma_semaphore, #tpu.memory_space<semaphore_mem>>) {add = true}
      %dma_wait3A_892 = arith.constant 1 : i32
      %dma_wait3A_893 = arith.constant 0 : i32
      %dma_wait3A_894 = arith.constant 0 : i32
      %dma_wait3A_895 = tpu.memref_slice %arg18[%dma_wait3A_892, %dma_wait3A_893, %dma_wait3A_894] : memref<3x80x128xf32, #tpu.memory_space<vmem>> -> memref<1x80x128xf32, #tpu.memory_space<vmem>>
      %dma_wait3A_896 = tpu.memref_squeeze %dma_wait3A_895 : memref<1x80x128xf32, #tpu.memory_space<vmem>> -> memref<80x128xf32, #tpu.memory_space<vmem>>
      %dma_wait3A_897 = arith.constant 0 : i32
      %dma_wait3A_898 = arith.constant 0 : i32
      %dma_wait3A_899 = tpu.memref_slice %arg20[%dma_wait3A_897, %dma_wait3A_898] : memref<10000x128xf32, #tpu.memory_space<vmem_shared>> -> memref<10000x128xf32, #tpu.memory_space<vmem_shared>>
      tpu.wait_indirect_dma semaphore(%arg25 : memref<!tpu.dma_semaphore, #tpu.memory_space<semaphore_mem>>) src(%dma_wait3A_896 : memref<80x128xf32, #tpu.memory_space<vmem>>) dst(%dma_wait3A_899 : memref<10000x128xf32, #tpu.memory_space<vmem_shared>>)
      %dma_wait3A_900 = arith.constant 0 : i32
      %dma_wait3A_901 = tpu.memref_slice %arg3[%dma_wait3A_900] : memref<320000xi32, #tpu.memory_space<hbm>> -> memref<80xi32, #tpu.memory_space<hbm>>
      %dma_wait3A_902 = arith.constant 0 : i32
      %dma_wait3A_903 = tpu.memref_slice %arg3[%dma_wait3A_902] : memref<320000xi32, #tpu.memory_space<hbm>> -> memref<80xi32, #tpu.memory_space<hbm>>
      tpu.wait_dma2 semaphore(%arg28 : memref<!tpu.dma_semaphore, #tpu.memory_space<semaphore_mem>>) src(%dma_wait3A_903 : memref<80xi32, #tpu.memory_space<hbm>>) dst(%arg7 : memref<80xi32, #tpu.memory_space<vmem>>)
      %dma_start3A_904 = arith.constant 1 : i32
      %dma_start3A_905 = arith.constant 0 : i32
      %dma_start3A_906 = arith.constant 0 : i32
      %dma_start3A_907 = tpu.memref_slice %arg18[%dma_start3A_904, %dma_start3A_905, %dma_start3A_906] : memref<3x80x128xf32, #tpu.memory_space<vmem>> -> memref<1x80x128xf32, #tpu.memory_space<vmem>>
      %dma_start3A_908 = tpu.memref_squeeze %dma_start3A_907 : memref<1x80x128xf32, #tpu.memory_space<vmem>> -> memref<80x128xf32, #tpu.memory_space<vmem>>
      %dma_start3A_909 = arith.constant 0 : i32
      %dma_start3A_910 = arith.constant 0 : i32
      %dma_start3A_911 = tpu.memref_slice %arg2[%dma_start3A_909, %dma_start3A_910] : memref<10000x128xf32, #tpu.memory_space<hbm>> -> memref<10000x128xf32, #tpu.memory_space<hbm>>
      tpu.enqueue_indirect_dma source(%dma_start3A_911 : memref<10000x128xf32, #tpu.memory_space<hbm>>) target(%dma_start3A_908 : memref<80x128xf32, #tpu.memory_space<vmem>>) offsets(%arg7 : memref<80xi32, #tpu.memory_space<vmem>>) semaphore(%arg22 : memref<!tpu.dma_semaphore, #tpu.memory_space<semaphore_mem>>)
      %add3A_912 = arith.constant 6 : i32
      %add3A_913 = arith.addi %add3A_871, %add3A_912 : i32
      %lt3A_914 = arith.constant 125 : i32
      %lt3A_915 = arith.cmpi slt, %add3A_913, %lt3A_914 : i32
      %convert_element_type3A_916 = arith.extui %lt3A_915 : i1 to i32
      %cond3A_917 = arith.constant 0 : i32
      %cond3A_918 = arith.cmpi ne, %convert_element_type3A_916, %cond3A_917 : i32
      scf.if %cond3A_918 {
        %mul3A_969 = arith.constant 80 : i32
        %mul3A_970 = arith.muli %add3A_913, %mul3A_969 : i32
        %add3A_971 = arith.addi %mul3A_2, %mul3A_970 : i32
        %dma_start3A_972 = tpu.memref_slice %arg3[%add3A_971] : memref<320000xi32, #tpu.memory_space<hbm>> -> memref<80xi32, #tpu.memory_space<hbm>>
        %dma_start3A_973 = tpu.memref_slice %arg3[%add3A_971] : memref<320000xi32, #tpu.memory_space<hbm>> -> memref<80xi32, #tpu.memory_space<hbm>>
        tpu.enqueue_dma source(%dma_start3A_973 : memref<80xi32, #tpu.memory_space<hbm>>) target(%arg10 : memref<80xi32, #tpu.memory_space<vmem>>) target_semaphore(%arg31 : memref<!tpu.dma_semaphore, #tpu.memory_space<semaphore_mem>>)
        %mul3A_974 = arith.constant 80 : i32
        %mul3A_975 = arith.muli %add3A_913, %mul3A_974 : i32
        %add3A_976 = arith.addi %mul3A_2, %mul3A_975 : i32
        %dma_start3A_977 = tpu.memref_slice %arg4[%add3A_976] : memref<320000xi32, #tpu.memory_space<hbm>> -> memref<80xi32, #tpu.memory_space<hbm>>
        %dma_start3A_978 = tpu.memref_slice %arg4[%add3A_976] : memref<320000xi32, #tpu.memory_space<hbm>> -> memref<80xi32, #tpu.memory_space<hbm>>
        tpu.enqueue_dma source(%dma_start3A_978 : memref<80xi32, #tpu.memory_space<hbm>>) target(%arg16 : memref<80xi32, #tpu.memory_space<vmem>>) target_semaphore(%arg37 : memref<!tpu.dma_semaphore, #tpu.memory_space<semaphore_mem>>)
      } else {
      }
      %add3A_919 = arith.constant 5 : i32
      %add3A_920 = arith.addi %mul3A_676, %add3A_919 : i32
      %dma_wait3A_921 = arith.constant 2 : i32
      %dma_wait3A_922 = arith.constant 0 : i32
      %dma_wait3A_923 = arith.constant 0 : i32
      %dma_wait3A_924 = tpu.memref_slice %arg18[%dma_wait3A_921, %dma_wait3A_922, %dma_wait3A_923] : memref<3x80x128xf32, #tpu.memory_space<vmem>> -> memref<1x80x128xf32, #tpu.memory_space<vmem>>
      %dma_wait3A_925 = tpu.memref_squeeze %dma_wait3A_924 : memref<1x80x128xf32, #tpu.memory_space<vmem>> -> memref<80x128xf32, #tpu.memory_space<vmem>>
      %dma_wait3A_926 = arith.constant 0 : i32
      %dma_wait3A_927 = arith.constant 0 : i32
      %dma_wait3A_928 = tpu.memref_slice %arg2[%dma_wait3A_926, %dma_wait3A_927] : memref<10000x128xf32, #tpu.memory_space<hbm>> -> memref<10000x128xf32, #tpu.memory_space<hbm>>
      tpu.wait_indirect_dma semaphore(%arg23 : memref<!tpu.dma_semaphore, #tpu.memory_space<semaphore_mem>>) src(%dma_wait3A_928 : memref<10000x128xf32, #tpu.memory_space<hbm>>) dst(%dma_wait3A_925 : memref<80x128xf32, #tpu.memory_space<vmem>>)
      %dma_wait3A_929 = arith.constant 0 : i32
      %dma_wait3A_930 = tpu.memref_slice %arg4[%dma_wait3A_929] : memref<320000xi32, #tpu.memory_space<hbm>> -> memref<80xi32, #tpu.memory_space<hbm>>
      %dma_wait3A_931 = arith.constant 0 : i32
      %dma_wait3A_932 = tpu.memref_slice %arg4[%dma_wait3A_931] : memref<320000xi32, #tpu.memory_space<hbm>> -> memref<80xi32, #tpu.memory_space<hbm>>
      tpu.wait_dma2 semaphore(%arg38 : memref<!tpu.dma_semaphore, #tpu.memory_space<semaphore_mem>>) src(%dma_wait3A_932 : memref<80xi32, #tpu.memory_space<hbm>>) dst(%arg17 : memref<80xi32, #tpu.memory_space<vmem>>)
      %dma_start3A_933 = arith.constant 2 : i32
      %dma_start3A_934 = arith.constant 0 : i32
      %dma_start3A_935 = arith.constant 0 : i32
      %dma_start3A_936 = tpu.memref_slice %arg18[%dma_start3A_933, %dma_start3A_934, %dma_start3A_935] : memref<3x80x128xf32, #tpu.memory_space<vmem>> -> memref<1x80x128xf32, #tpu.memory_space<vmem>>
      %dma_start3A_937 = tpu.memref_squeeze %dma_start3A_936 : memref<1x80x128xf32, #tpu.memory_space<vmem>> -> memref<80x128xf32, #tpu.memory_space<vmem>>
      %dma_start3A_938 = arith.constant 0 : i32
      %dma_start3A_939 = arith.constant 0 : i32
      %dma_start3A_940 = tpu.memref_slice %arg20[%dma_start3A_938, %dma_start3A_939] : memref<10000x128xf32, #tpu.memory_space<vmem_shared>> -> memref<10000x128xf32, #tpu.memory_space<vmem_shared>>
      tpu.enqueue_indirect_dma source(%dma_start3A_937 : memref<80x128xf32, #tpu.memory_space<vmem>>) target(%dma_start3A_940 : memref<10000x128xf32, #tpu.memory_space<vmem_shared>>) offsets(%arg17 : memref<80xi32, #tpu.memory_space<vmem>>) semaphore(%arg26 : memref<!tpu.dma_semaphore, #tpu.memory_space<semaphore_mem>>) {add = true}
      %dma_wait3A_941 = arith.constant 2 : i32
      %dma_wait3A_942 = arith.constant 0 : i32
      %dma_wait3A_943 = arith.constant 0 : i32
      %dma_wait3A_944 = tpu.memref_slice %arg18[%dma_wait3A_941, %dma_wait3A_942, %dma_wait3A_943] : memref<3x80x128xf32, #tpu.memory_space<vmem>> -> memref<1x80x128xf32, #tpu.memory_space<vmem>>
      %dma_wait3A_945 = tpu.memref_squeeze %dma_wait3A_944 : memref<1x80x128xf32, #tpu.memory_space<vmem>> -> memref<80x128xf32, #tpu.memory_space<vmem>>
      %dma_wait3A_946 = arith.constant 0 : i32
      %dma_wait3A_947 = arith.constant 0 : i32
      %dma_wait3A_948 = tpu.memref_slice %arg20[%dma_wait3A_946, %dma_wait3A_947] : memref<10000x128xf32, #tpu.memory_space<vmem_shared>> -> memref<10000x128xf32, #tpu.memory_space<vmem_shared>>
      tpu.wait_indirect_dma semaphore(%arg26 : memref<!tpu.dma_semaphore, #tpu.memory_space<semaphore_mem>>) src(%dma_wait3A_945 : memref<80x128xf32, #tpu.memory_space<vmem>>) dst(%dma_wait3A_948 : memref<10000x128xf32, #tpu.memory_space<vmem_shared>>)
      %dma_wait3A_949 = arith.constant 0 : i32
      %dma_wait3A_950 = tpu.memref_slice %arg3[%dma_wait3A_949] : memref<320000xi32, #tpu.memory_space<hbm>> -> memref<80xi32, #tpu.memory_space<hbm>>
      %dma_wait3A_951 = arith.constant 0 : i32
      %dma_wait3A_952 = tpu.memref_slice %arg3[%dma_wait3A_951] : memref<320000xi32, #tpu.memory_space<hbm>> -> memref<80xi32, #tpu.memory_space<hbm>>
      tpu.wait_dma2 semaphore(%arg29 : memref<!tpu.dma_semaphore, #tpu.memory_space<semaphore_mem>>) src(%dma_wait3A_952 : memref<80xi32, #tpu.memory_space<hbm>>) dst(%arg8 : memref<80xi32, #tpu.memory_space<vmem>>)
      %dma_start3A_953 = arith.constant 2 : i32
      %dma_start3A_954 = arith.constant 0 : i32
      %dma_start3A_955 = arith.constant 0 : i32
      %dma_start3A_956 = tpu.memref_slice %arg18[%dma_start3A_953, %dma_start3A_954, %dma_start3A_955] : memref<3x80x128xf32, #tpu.memory_space<vmem>> -> memref<1x80x128xf32, #tpu.memory_space<vmem>>
      %dma_start3A_957 = tpu.memref_squeeze %dma_start3A_956 : memref<1x80x128xf32, #tpu.memory_space<vmem>> -> memref<80x128xf32, #tpu.memory_space<vmem>>
      %dma_start3A_958 = arith.constant 0 : i32
      %dma_start3A_959 = arith.constant 0 : i32
      %dma_start3A_960 = tpu.memref_slice %arg2[%dma_start3A_958, %dma_start3A_959] : memref<10000x128xf32, #tpu.memory_space<hbm>> -> memref<10000x128xf32, #tpu.memory_space<hbm>>
      tpu.enqueue_indirect_dma source(%dma_start3A_960 : memref<10000x128xf32, #tpu.memory_space<hbm>>) target(%dma_start3A_957 : memref<80x128xf32, #tpu.memory_space<vmem>>) offsets(%arg8 : memref<80xi32, #tpu.memory_space<vmem>>) semaphore(%arg23 : memref<!tpu.dma_semaphore, #tpu.memory_space<semaphore_mem>>)
      %add3A_961 = arith.constant 6 : i32
      %add3A_962 = arith.addi %add3A_920, %add3A_961 : i32
      %lt3A_963 = arith.constant 125 : i32
      %lt3A_964 = arith.cmpi slt, %add3A_962, %lt3A_963 : i32
      %convert_element_type3A_965 = arith.extui %lt3A_964 : i1 to i32
      %cond3A_966 = arith.constant 0 : i32
      %cond3A_967 = arith.cmpi ne, %convert_element_type3A_965, %cond3A_966 : i32
      scf.if %cond3A_967 {
        %mul3A_969 = arith.constant 80 : i32
        %mul3A_970 = arith.muli %add3A_962, %mul3A_969 : i32
        %add3A_971 = arith.addi %mul3A_2, %mul3A_970 : i32
        %dma_start3A_972 = tpu.memref_slice %arg3[%add3A_971] : memref<320000xi32, #tpu.memory_space<hbm>> -> memref<80xi32, #tpu.memory_space<hbm>>
        %dma_start3A_973 = tpu.memref_slice %arg3[%add3A_971] : memref<320000xi32, #tpu.memory_space<hbm>> -> memref<80xi32, #tpu.memory_space<hbm>>
        tpu.enqueue_dma source(%dma_start3A_973 : memref<80xi32, #tpu.memory_space<hbm>>) target(%arg11 : memref<80xi32, #tpu.memory_space<vmem>>) target_semaphore(%arg32 : memref<!tpu.dma_semaphore, #tpu.memory_space<semaphore_mem>>)
        %mul3A_974 = arith.constant 80 : i32
        %mul3A_975 = arith.muli %add3A_962, %mul3A_974 : i32
        %add3A_976 = arith.addi %mul3A_2, %mul3A_975 : i32
        %dma_start3A_977 = tpu.memref_slice %arg4[%add3A_976] : memref<320000xi32, #tpu.memory_space<hbm>> -> memref<80xi32, #tpu.memory_space<hbm>>
        %dma_start3A_978 = tpu.memref_slice %arg4[%add3A_976] : memref<320000xi32, #tpu.memory_space<hbm>> -> memref<80xi32, #tpu.memory_space<hbm>>
        tpu.enqueue_dma source(%dma_start3A_978 : memref<80xi32, #tpu.memory_space<hbm>>) target(%arg17 : memref<80xi32, #tpu.memory_space<vmem>>) target_semaphore(%arg38 : memref<!tpu.dma_semaphore, #tpu.memory_space<semaphore_mem>>)
      } else {
      }
      %scan3A_968 = arith.constant 0 : i32
      scf.yield %scan3A_968 : i32
    }
    %scan3A_507 = arith.constant 20 : i32
    %dma_wait3A_508 = arith.constant 0 : i32
    %dma_wait3A_509 = arith.constant 0 : i32
    %dma_wait3A_510 = arith.constant 0 : i32
    %dma_wait3A_511 = tpu.memref_slice %arg18[%dma_wait3A_508, %dma_wait3A_509, %dma_wait3A_510] : memref<3x80x128xf32, #tpu.memory_space<vmem>> -> memref<1x80x128xf32, #tpu.memory_space<vmem>>
    %dma_wait3A_512 = tpu.memref_squeeze %dma_wait3A_511 : memref<1x80x128xf32, #tpu.memory_space<vmem>> -> memref<80x128xf32, #tpu.memory_space<vmem>>
    %dma_wait3A_513 = arith.constant 0 : i32
    %dma_wait3A_514 = arith.constant 0 : i32
    %dma_wait3A_515 = tpu.memref_slice %arg2[%dma_wait3A_513, %dma_wait3A_514] : memref<10000x128xf32, #tpu.memory_space<hbm>> -> memref<10000x128xf32, #tpu.memory_space<hbm>>
    tpu.wait_indirect_dma semaphore(%arg21 : memref<!tpu.dma_semaphore, #tpu.memory_space<semaphore_mem>>) src(%dma_wait3A_515 : memref<10000x128xf32, #tpu.memory_space<hbm>>) dst(%dma_wait3A_512 : memref<80x128xf32, #tpu.memory_space<vmem>>)
    %dma_wait3A_516 = arith.constant 0 : i32
    %dma_wait3A_517 = tpu.memref_slice %arg4[%dma_wait3A_516] : memref<320000xi32, #tpu.memory_space<hbm>> -> memref<80xi32, #tpu.memory_space<hbm>>
    %dma_wait3A_518 = arith.constant 0 : i32
    %dma_wait3A_519 = tpu.memref_slice %arg4[%dma_wait3A_518] : memref<320000xi32, #tpu.memory_space<hbm>> -> memref<80xi32, #tpu.memory_space<hbm>>
    tpu.wait_dma2 semaphore(%arg33 : memref<!tpu.dma_semaphore, #tpu.memory_space<semaphore_mem>>) src(%dma_wait3A_519 : memref<80xi32, #tpu.memory_space<hbm>>) dst(%arg12 : memref<80xi32, #tpu.memory_space<vmem>>)
    %dma_start3A_520 = arith.constant 0 : i32
    %dma_start3A_521 = arith.constant 0 : i32
    %dma_start3A_522 = arith.constant 0 : i32
    %dma_start3A_523 = tpu.memref_slice %arg18[%dma_start3A_520, %dma_start3A_521, %dma_start3A_522] : memref<3x80x128xf32, #tpu.memory_space<vmem>> -> memref<1x80x128xf32, #tpu.memory_space<vmem>>
    %dma_start3A_524 = tpu.memref_squeeze %dma_start3A_523 : memref<1x80x128xf32, #tpu.memory_space<vmem>> -> memref<80x128xf32, #tpu.memory_space<vmem>>
    %dma_start3A_525 = arith.constant 0 : i32
    %dma_start3A_526 = arith.constant 0 : i32
    %dma_start3A_527 = tpu.memref_slice %arg20[%dma_start3A_525, %dma_start3A_526] : memref<10000x128xf32, #tpu.memory_space<vmem_shared>> -> memref<10000x128xf32, #tpu.memory_space<vmem_shared>>
    tpu.enqueue_indirect_dma source(%dma_start3A_524 : memref<80x128xf32, #tpu.memory_space<vmem>>) target(%dma_start3A_527 : memref<10000x128xf32, #tpu.memory_space<vmem_shared>>) offsets(%arg12 : memref<80xi32, #tpu.memory_space<vmem>>) semaphore(%arg24 : memref<!tpu.dma_semaphore, #tpu.memory_space<semaphore_mem>>) {add = true}
    %dma_wait3A_528 = arith.constant 0 : i32
    %dma_wait3A_529 = arith.constant 0 : i32
    %dma_wait3A_530 = arith.constant 0 : i32
    %dma_wait3A_531 = tpu.memref_slice %arg18[%dma_wait3A_528, %dma_wait3A_529, %dma_wait3A_530] : memref<3x80x128xf32, #tpu.memory_space<vmem>> -> memref<1x80x128xf32, #tpu.memory_space<vmem>>
    %dma_wait3A_532 = tpu.memref_squeeze %dma_wait3A_531 : memref<1x80x128xf32, #tpu.memory_space<vmem>> -> memref<80x128xf32, #tpu.memory_space<vmem>>
    %dma_wait3A_533 = arith.constant 0 : i32
    %dma_wait3A_534 = arith.constant 0 : i32
    %dma_wait3A_535 = tpu.memref_slice %arg20[%dma_wait3A_533, %dma_wait3A_534] : memref<10000x128xf32, #tpu.memory_space<vmem_shared>> -> memref<10000x128xf32, #tpu.memory_space<vmem_shared>>
    tpu.wait_indirect_dma semaphore(%arg24 : memref<!tpu.dma_semaphore, #tpu.memory_space<semaphore_mem>>) src(%dma_wait3A_532 : memref<80x128xf32, #tpu.memory_space<vmem>>) dst(%dma_wait3A_535 : memref<10000x128xf32, #tpu.memory_space<vmem_shared>>)
    %dma_wait3A_536 = arith.constant 0 : i32
    %dma_wait3A_537 = tpu.memref_slice %arg3[%dma_wait3A_536] : memref<320000xi32, #tpu.memory_space<hbm>> -> memref<80xi32, #tpu.memory_space<hbm>>
    %dma_wait3A_538 = arith.constant 0 : i32
    %dma_wait3A_539 = tpu.memref_slice %arg3[%dma_wait3A_538] : memref<320000xi32, #tpu.memory_space<hbm>> -> memref<80xi32, #tpu.memory_space<hbm>>
    tpu.wait_dma2 semaphore(%arg30 : memref<!tpu.dma_semaphore, #tpu.memory_space<semaphore_mem>>) src(%dma_wait3A_539 : memref<80xi32, #tpu.memory_space<hbm>>) dst(%arg9 : memref<80xi32, #tpu.memory_space<vmem>>)
    %dma_start3A_540 = arith.constant 0 : i32
    %dma_start3A_541 = arith.constant 0 : i32
    %dma_start3A_542 = arith.constant 0 : i32
    %dma_start3A_543 = tpu.memref_slice %arg18[%dma_start3A_540, %dma_start3A_541, %dma_start3A_542] : memref<3x80x128xf32, #tpu.memory_space<vmem>> -> memref<1x80x128xf32, #tpu.memory_space<vmem>>
    %dma_start3A_544 = tpu.memref_squeeze %dma_start3A_543 : memref<1x80x128xf32, #tpu.memory_space<vmem>> -> memref<80x128xf32, #tpu.memory_space<vmem>>
    %dma_start3A_545 = arith.constant 0 : i32
    %dma_start3A_546 = arith.constant 0 : i32
    %dma_start3A_547 = tpu.memref_slice %arg2[%dma_start3A_545, %dma_start3A_546] : memref<10000x128xf32, #tpu.memory_space<hbm>> -> memref<10000x128xf32, #tpu.memory_space<hbm>>
    tpu.enqueue_indirect_dma source(%dma_start3A_547 : memref<10000x128xf32, #tpu.memory_space<hbm>>) target(%dma_start3A_544 : memref<80x128xf32, #tpu.memory_space<vmem>>) offsets(%arg9 : memref<80xi32, #tpu.memory_space<vmem>>) semaphore(%arg21 : memref<!tpu.dma_semaphore, #tpu.memory_space<semaphore_mem>>)
    %dma_wait3A_548 = arith.constant 1 : i32
    %dma_wait3A_549 = arith.constant 0 : i32
    %dma_wait3A_550 = arith.constant 0 : i32
    %dma_wait3A_551 = tpu.memref_slice %arg18[%dma_wait3A_548, %dma_wait3A_549, %dma_wait3A_550] : memref<3x80x128xf32, #tpu.memory_space<vmem>> -> memref<1x80x128xf32, #tpu.memory_space<vmem>>
    %dma_wait3A_552 = tpu.memref_squeeze %dma_wait3A_551 : memref<1x80x128xf32, #tpu.memory_space<vmem>> -> memref<80x128xf32, #tpu.memory_space<vmem>>
    %dma_wait3A_553 = arith.constant 0 : i32
    %dma_wait3A_554 = arith.constant 0 : i32
    %dma_wait3A_555 = tpu.memref_slice %arg2[%dma_wait3A_553, %dma_wait3A_554] : memref<10000x128xf32, #tpu.memory_space<hbm>> -> memref<10000x128xf32, #tpu.memory_space<hbm>>
    tpu.wait_indirect_dma semaphore(%arg22 : memref<!tpu.dma_semaphore, #tpu.memory_space<semaphore_mem>>) src(%dma_wait3A_555 : memref<10000x128xf32, #tpu.memory_space<hbm>>) dst(%dma_wait3A_552 : memref<80x128xf32, #tpu.memory_space<vmem>>)
    %dma_wait3A_556 = arith.constant 0 : i32
    %dma_wait3A_557 = tpu.memref_slice %arg4[%dma_wait3A_556] : memref<320000xi32, #tpu.memory_space<hbm>> -> memref<80xi32, #tpu.memory_space<hbm>>
    %dma_wait3A_558 = arith.constant 0 : i32
    %dma_wait3A_559 = tpu.memref_slice %arg4[%dma_wait3A_558] : memref<320000xi32, #tpu.memory_space<hbm>> -> memref<80xi32, #tpu.memory_space<hbm>>
    tpu.wait_dma2 semaphore(%arg34 : memref<!tpu.dma_semaphore, #tpu.memory_space<semaphore_mem>>) src(%dma_wait3A_559 : memref<80xi32, #tpu.memory_space<hbm>>) dst(%arg13 : memref<80xi32, #tpu.memory_space<vmem>>)
    %dma_start3A_560 = arith.constant 1 : i32
    %dma_start3A_561 = arith.constant 0 : i32
    %dma_start3A_562 = arith.constant 0 : i32
    %dma_start3A_563 = tpu.memref_slice %arg18[%dma_start3A_560, %dma_start3A_561, %dma_start3A_562] : memref<3x80x128xf32, #tpu.memory_space<vmem>> -> memref<1x80x128xf32, #tpu.memory_space<vmem>>
    %dma_start3A_564 = tpu.memref_squeeze %dma_start3A_563 : memref<1x80x128xf32, #tpu.memory_space<vmem>> -> memref<80x128xf32, #tpu.memory_space<vmem>>
    %dma_start3A_565 = arith.constant 0 : i32
    %dma_start3A_566 = arith.constant 0 : i32
    %dma_start3A_567 = tpu.memref_slice %arg20[%dma_start3A_565, %dma_start3A_566] : memref<10000x128xf32, #tpu.memory_space<vmem_shared>> -> memref<10000x128xf32, #tpu.memory_space<vmem_shared>>
    tpu.enqueue_indirect_dma source(%dma_start3A_564 : memref<80x128xf32, #tpu.memory_space<vmem>>) target(%dma_start3A_567 : memref<10000x128xf32, #tpu.memory_space<vmem_shared>>) offsets(%arg13 : memref<80xi32, #tpu.memory_space<vmem>>) semaphore(%arg25 : memref<!tpu.dma_semaphore, #tpu.memory_space<semaphore_mem>>) {add = true}
    %dma_wait3A_568 = arith.constant 1 : i32
    %dma_wait3A_569 = arith.constant 0 : i32
    %dma_wait3A_570 = arith.constant 0 : i32
    %dma_wait3A_571 = tpu.memref_slice %arg18[%dma_wait3A_568, %dma_wait3A_569, %dma_wait3A_570] : memref<3x80x128xf32, #tpu.memory_space<vmem>> -> memref<1x80x128xf32, #tpu.memory_space<vmem>>
    %dma_wait3A_572 = tpu.memref_squeeze %dma_wait3A_571 : memref<1x80x128xf32, #tpu.memory_space<vmem>> -> memref<80x128xf32, #tpu.memory_space<vmem>>
    %dma_wait3A_573 = arith.constant 0 : i32
    %dma_wait3A_574 = arith.constant 0 : i32
    %dma_wait3A_575 = tpu.memref_slice %arg20[%dma_wait3A_573, %dma_wait3A_574] : memref<10000x128xf32, #tpu.memory_space<vmem_shared>> -> memref<10000x128xf32, #tpu.memory_space<vmem_shared>>
    tpu.wait_indirect_dma semaphore(%arg25 : memref<!tpu.dma_semaphore, #tpu.memory_space<semaphore_mem>>) src(%dma_wait3A_572 : memref<80x128xf32, #tpu.memory_space<vmem>>) dst(%dma_wait3A_575 : memref<10000x128xf32, #tpu.memory_space<vmem_shared>>)
    %dma_wait3A_576 = arith.constant 0 : i32
    %dma_wait3A_577 = tpu.memref_slice %arg3[%dma_wait3A_576] : memref<320000xi32, #tpu.memory_space<hbm>> -> memref<80xi32, #tpu.memory_space<hbm>>
    %dma_wait3A_578 = arith.constant 0 : i32
    %dma_wait3A_579 = tpu.memref_slice %arg3[%dma_wait3A_578] : memref<320000xi32, #tpu.memory_space<hbm>> -> memref<80xi32, #tpu.memory_space<hbm>>
    tpu.wait_dma2 semaphore(%arg31 : memref<!tpu.dma_semaphore, #tpu.memory_space<semaphore_mem>>) src(%dma_wait3A_579 : memref<80xi32, #tpu.memory_space<hbm>>) dst(%arg10 : memref<80xi32, #tpu.memory_space<vmem>>)
    %dma_start3A_580 = arith.constant 1 : i32
    %dma_start3A_581 = arith.constant 0 : i32
    %dma_start3A_582 = arith.constant 0 : i32
    %dma_start3A_583 = tpu.memref_slice %arg18[%dma_start3A_580, %dma_start3A_581, %dma_start3A_582] : memref<3x80x128xf32, #tpu.memory_space<vmem>> -> memref<1x80x128xf32, #tpu.memory_space<vmem>>
    %dma_start3A_584 = tpu.memref_squeeze %dma_start3A_583 : memref<1x80x128xf32, #tpu.memory_space<vmem>> -> memref<80x128xf32, #tpu.memory_space<vmem>>
    %dma_start3A_585 = arith.constant 0 : i32
    %dma_start3A_586 = arith.constant 0 : i32
    %dma_start3A_587 = tpu.memref_slice %arg2[%dma_start3A_585, %dma_start3A_586] : memref<10000x128xf32, #tpu.memory_space<hbm>> -> memref<10000x128xf32, #tpu.memory_space<hbm>>
    tpu.enqueue_indirect_dma source(%dma_start3A_587 : memref<10000x128xf32, #tpu.memory_space<hbm>>) target(%dma_start3A_584 : memref<80x128xf32, #tpu.memory_space<vmem>>) offsets(%arg10 : memref<80xi32, #tpu.memory_space<vmem>>) semaphore(%arg22 : memref<!tpu.dma_semaphore, #tpu.memory_space<semaphore_mem>>)
    %dma_wait3A_588 = arith.constant 2 : i32
    %dma_wait3A_589 = arith.constant 0 : i32
    %dma_wait3A_590 = arith.constant 0 : i32
    %dma_wait3A_591 = tpu.memref_slice %arg18[%dma_wait3A_588, %dma_wait3A_589, %dma_wait3A_590] : memref<3x80x128xf32, #tpu.memory_space<vmem>> -> memref<1x80x128xf32, #tpu.memory_space<vmem>>
    %dma_wait3A_592 = tpu.memref_squeeze %dma_wait3A_591 : memref<1x80x128xf32, #tpu.memory_space<vmem>> -> memref<80x128xf32, #tpu.memory_space<vmem>>
    %dma_wait3A_593 = arith.constant 0 : i32
    %dma_wait3A_594 = arith.constant 0 : i32
    %dma_wait3A_595 = tpu.memref_slice %arg2[%dma_wait3A_593, %dma_wait3A_594] : memref<10000x128xf32, #tpu.memory_space<hbm>> -> memref<10000x128xf32, #tpu.memory_space<hbm>>
    tpu.wait_indirect_dma semaphore(%arg23 : memref<!tpu.dma_semaphore, #tpu.memory_space<semaphore_mem>>) src(%dma_wait3A_595 : memref<10000x128xf32, #tpu.memory_space<hbm>>) dst(%dma_wait3A_592 : memref<80x128xf32, #tpu.memory_space<vmem>>)
    %dma_wait3A_596 = arith.constant 0 : i32
    %dma_wait3A_597 = tpu.memref_slice %arg4[%dma_wait3A_596] : memref<320000xi32, #tpu.memory_space<hbm>> -> memref<80xi32, #tpu.memory_space<hbm>>
    %dma_wait3A_598 = arith.constant 0 : i32
    %dma_wait3A_599 = tpu.memref_slice %arg4[%dma_wait3A_598] : memref<320000xi32, #tpu.memory_space<hbm>> -> memref<80xi32, #tpu.memory_space<hbm>>
    tpu.wait_dma2 semaphore(%arg35 : memref<!tpu.dma_semaphore, #tpu.memory_space<semaphore_mem>>) src(%dma_wait3A_599 : memref<80xi32, #tpu.memory_space<hbm>>) dst(%arg14 : memref<80xi32, #tpu.memory_space<vmem>>)
    %dma_start3A_600 = arith.constant 2 : i32
    %dma_start3A_601 = arith.constant 0 : i32
    %dma_start3A_602 = arith.constant 0 : i32
    %dma_start3A_603 = tpu.memref_slice %arg18[%dma_start3A_600, %dma_start3A_601, %dma_start3A_602] : memref<3x80x128xf32, #tpu.memory_space<vmem>> -> memref<1x80x128xf32, #tpu.memory_space<vmem>>
    %dma_start3A_604 = tpu.memref_squeeze %dma_start3A_603 : memref<1x80x128xf32, #tpu.memory_space<vmem>> -> memref<80x128xf32, #tpu.memory_space<vmem>>
    %dma_start3A_605 = arith.constant 0 : i32
    %dma_start3A_606 = arith.constant 0 : i32
    %dma_start3A_607 = tpu.memref_slice %arg20[%dma_start3A_605, %dma_start3A_606] : memref<10000x128xf32, #tpu.memory_space<vmem_shared>> -> memref<10000x128xf32, #tpu.memory_space<vmem_shared>>
    tpu.enqueue_indirect_dma source(%dma_start3A_604 : memref<80x128xf32, #tpu.memory_space<vmem>>) target(%dma_start3A_607 : memref<10000x128xf32, #tpu.memory_space<vmem_shared>>) offsets(%arg14 : memref<80xi32, #tpu.memory_space<vmem>>) semaphore(%arg26 : memref<!tpu.dma_semaphore, #tpu.memory_space<semaphore_mem>>) {add = true}
    %dma_wait3A_608 = arith.constant 2 : i32
    %dma_wait3A_609 = arith.constant 0 : i32
    %dma_wait3A_610 = arith.constant 0 : i32
    %dma_wait3A_611 = tpu.memref_slice %arg18[%dma_wait3A_608, %dma_wait3A_609, %dma_wait3A_610] : memref<3x80x128xf32, #tpu.memory_space<vmem>> -> memref<1x80x128xf32, #tpu.memory_space<vmem>>
    %dma_wait3A_612 = tpu.memref_squeeze %dma_wait3A_611 : memref<1x80x128xf32, #tpu.memory_space<vmem>> -> memref<80x128xf32, #tpu.memory_space<vmem>>
    %dma_wait3A_613 = arith.constant 0 : i32
    %dma_wait3A_614 = arith.constant 0 : i32
    %dma_wait3A_615 = tpu.memref_slice %arg20[%dma_wait3A_613, %dma_wait3A_614] : memref<10000x128xf32, #tpu.memory_space<vmem_shared>> -> memref<10000x128xf32, #tpu.memory_space<vmem_shared>>
    tpu.wait_indirect_dma semaphore(%arg26 : memref<!tpu.dma_semaphore, #tpu.memory_space<semaphore_mem>>) src(%dma_wait3A_612 : memref<80x128xf32, #tpu.memory_space<vmem>>) dst(%dma_wait3A_615 : memref<10000x128xf32, #tpu.memory_space<vmem_shared>>)
    %dma_wait3A_616 = arith.constant 0 : i32
    %dma_wait3A_617 = arith.constant 0 : i32
    %dma_wait3A_618 = arith.constant 0 : i32
    %dma_wait3A_619 = tpu.memref_slice %arg18[%dma_wait3A_616, %dma_wait3A_617, %dma_wait3A_618] : memref<3x80x128xf32, #tpu.memory_space<vmem>> -> memref<1x80x128xf32, #tpu.memory_space<vmem>>
    %dma_wait3A_620 = tpu.memref_squeeze %dma_wait3A_619 : memref<1x80x128xf32, #tpu.memory_space<vmem>> -> memref<80x128xf32, #tpu.memory_space<vmem>>
    %dma_wait3A_621 = arith.constant 0 : i32
    %dma_wait3A_622 = arith.constant 0 : i32
    %dma_wait3A_623 = tpu.memref_slice %arg2[%dma_wait3A_621, %dma_wait3A_622] : memref<10000x128xf32, #tpu.memory_space<hbm>> -> memref<10000x128xf32, #tpu.memory_space<hbm>>
    tpu.wait_indirect_dma semaphore(%arg21 : memref<!tpu.dma_semaphore, #tpu.memory_space<semaphore_mem>>) src(%dma_wait3A_623 : memref<10000x128xf32, #tpu.memory_space<hbm>>) dst(%dma_wait3A_620 : memref<80x128xf32, #tpu.memory_space<vmem>>)
    %dma_wait3A_624 = arith.constant 0 : i32
    %dma_wait3A_625 = tpu.memref_slice %arg4[%dma_wait3A_624] : memref<320000xi32, #tpu.memory_space<hbm>> -> memref<80xi32, #tpu.memory_space<hbm>>
    %dma_wait3A_626 = arith.constant 0 : i32
    %dma_wait3A_627 = tpu.memref_slice %arg4[%dma_wait3A_626] : memref<320000xi32, #tpu.memory_space<hbm>> -> memref<80xi32, #tpu.memory_space<hbm>>
    tpu.wait_dma2 semaphore(%arg36 : memref<!tpu.dma_semaphore, #tpu.memory_space<semaphore_mem>>) src(%dma_wait3A_627 : memref<80xi32, #tpu.memory_space<hbm>>) dst(%arg15 : memref<80xi32, #tpu.memory_space<vmem>>)
    %dma_start3A_628 = arith.constant 0 : i32
    %dma_start3A_629 = arith.constant 0 : i32
    %dma_start3A_630 = arith.constant 0 : i32
    %dma_start3A_631 = tpu.memref_slice %arg18[%dma_start3A_628, %dma_start3A_629, %dma_start3A_630] : memref<3x80x128xf32, #tpu.memory_space<vmem>> -> memref<1x80x128xf32, #tpu.memory_space<vmem>>
    %dma_start3A_632 = tpu.memref_squeeze %dma_start3A_631 : memref<1x80x128xf32, #tpu.memory_space<vmem>> -> memref<80x128xf32, #tpu.memory_space<vmem>>
    %dma_start3A_633 = arith.constant 0 : i32
    %dma_start3A_634 = arith.constant 0 : i32
    %dma_start3A_635 = tpu.memref_slice %arg20[%dma_start3A_633, %dma_start3A_634] : memref<10000x128xf32, #tpu.memory_space<vmem_shared>> -> memref<10000x128xf32, #tpu.memory_space<vmem_shared>>
    tpu.enqueue_indirect_dma source(%dma_start3A_632 : memref<80x128xf32, #tpu.memory_space<vmem>>) target(%dma_start3A_635 : memref<10000x128xf32, #tpu.memory_space<vmem_shared>>) offsets(%arg15 : memref<80xi32, #tpu.memory_space<vmem>>) semaphore(%arg24 : memref<!tpu.dma_semaphore, #tpu.memory_space<semaphore_mem>>) {add = true}
    %dma_wait3A_636 = arith.constant 0 : i32
    %dma_wait3A_637 = arith.constant 0 : i32
    %dma_wait3A_638 = arith.constant 0 : i32
    %dma_wait3A_639 = tpu.memref_slice %arg18[%dma_wait3A_636, %dma_wait3A_637, %dma_wait3A_638] : memref<3x80x128xf32, #tpu.memory_space<vmem>> -> memref<1x80x128xf32, #tpu.memory_space<vmem>>
    %dma_wait3A_640 = tpu.memref_squeeze %dma_wait3A_639 : memref<1x80x128xf32, #tpu.memory_space<vmem>> -> memref<80x128xf32, #tpu.memory_space<vmem>>
    %dma_wait3A_641 = arith.constant 0 : i32
    %dma_wait3A_642 = arith.constant 0 : i32
    %dma_wait3A_643 = tpu.memref_slice %arg20[%dma_wait3A_641, %dma_wait3A_642] : memref<10000x128xf32, #tpu.memory_space<vmem_shared>> -> memref<10000x128xf32, #tpu.memory_space<vmem_shared>>
    tpu.wait_indirect_dma semaphore(%arg24 : memref<!tpu.dma_semaphore, #tpu.memory_space<semaphore_mem>>) src(%dma_wait3A_640 : memref<80x128xf32, #tpu.memory_space<vmem>>) dst(%dma_wait3A_643 : memref<10000x128xf32, #tpu.memory_space<vmem_shared>>)
    %dma_wait3A_644 = arith.constant 1 : i32
    %dma_wait3A_645 = arith.constant 0 : i32
    %dma_wait3A_646 = arith.constant 0 : i32
    %dma_wait3A_647 = tpu.memref_slice %arg18[%dma_wait3A_644, %dma_wait3A_645, %dma_wait3A_646] : memref<3x80x128xf32, #tpu.memory_space<vmem>> -> memref<1x80x128xf32, #tpu.memory_space<vmem>>
    %dma_wait3A_648 = tpu.memref_squeeze %dma_wait3A_647 : memref<1x80x128xf32, #tpu.memory_space<vmem>> -> memref<80x128xf32, #tpu.memory_space<vmem>>
    %dma_wait3A_649 = arith.constant 0 : i32
    %dma_wait3A_650 = arith.constant 0 : i32
    %dma_wait3A_651 = tpu.memref_slice %arg2[%dma_wait3A_649, %dma_wait3A_650] : memref<10000x128xf32, #tpu.memory_space<hbm>> -> memref<10000x128xf32, #tpu.memory_space<hbm>>
    tpu.wait_indirect_dma semaphore(%arg22 : memref<!tpu.dma_semaphore, #tpu.memory_space<semaphore_mem>>) src(%dma_wait3A_651 : memref<10000x128xf32, #tpu.memory_space<hbm>>) dst(%dma_wait3A_648 : memref<80x128xf32, #tpu.memory_space<vmem>>)
    %dma_wait3A_652 = arith.constant 0 : i32
    %dma_wait3A_653 = tpu.memref_slice %arg4[%dma_wait3A_652] : memref<320000xi32, #tpu.memory_space<hbm>> -> memref<80xi32, #tpu.memory_space<hbm>>
    %dma_wait3A_654 = arith.constant 0 : i32
    %dma_wait3A_655 = tpu.memref_slice %arg4[%dma_wait3A_654] : memref<320000xi32, #tpu.memory_space<hbm>> -> memref<80xi32, #tpu.memory_space<hbm>>
    tpu.wait_dma2 semaphore(%arg37 : memref<!tpu.dma_semaphore, #tpu.memory_space<semaphore_mem>>) src(%dma_wait3A_655 : memref<80xi32, #tpu.memory_space<hbm>>) dst(%arg16 : memref<80xi32, #tpu.memory_space<vmem>>)
    %dma_start3A_656 = arith.constant 1 : i32
    %dma_start3A_657 = arith.constant 0 : i32
    %dma_start3A_658 = arith.constant 0 : i32
    %dma_start3A_659 = tpu.memref_slice %arg18[%dma_start3A_656, %dma_start3A_657, %dma_start3A_658] : memref<3x80x128xf32, #tpu.memory_space<vmem>> -> memref<1x80x128xf32, #tpu.memory_space<vmem>>
    %dma_start3A_660 = tpu.memref_squeeze %dma_start3A_659 : memref<1x80x128xf32, #tpu.memory_space<vmem>> -> memref<80x128xf32, #tpu.memory_space<vmem>>
    %dma_start3A_661 = arith.constant 0 : i32
    %dma_start3A_662 = arith.constant 0 : i32
    %dma_start3A_663 = tpu.memref_slice %arg20[%dma_start3A_661, %dma_start3A_662] : memref<10000x128xf32, #tpu.memory_space<vmem_shared>> -> memref<10000x128xf32, #tpu.memory_space<vmem_shared>>
    tpu.enqueue_indirect_dma source(%dma_start3A_660 : memref<80x128xf32, #tpu.memory_space<vmem>>) target(%dma_start3A_663 : memref<10000x128xf32, #tpu.memory_space<vmem_shared>>) offsets(%arg16 : memref<80xi32, #tpu.memory_space<vmem>>) semaphore(%arg25 : memref<!tpu.dma_semaphore, #tpu.memory_space<semaphore_mem>>) {add = true}
    %dma_wait3A_664 = arith.constant 1 : i32
    %dma_wait3A_665 = arith.constant 0 : i32
    %dma_wait3A_666 = arith.constant 0 : i32
    %dma_wait3A_667 = tpu.memref_slice %arg18[%dma_wait3A_664, %dma_wait3A_665, %dma_wait3A_666] : memref<3x80x128xf32, #tpu.memory_space<vmem>> -> memref<1x80x128xf32, #tpu.memory_space<vmem>>
    %dma_wait3A_668 = tpu.memref_squeeze %dma_wait3A_667 : memref<1x80x128xf32, #tpu.memory_space<vmem>> -> memref<80x128xf32, #tpu.memory_space<vmem>>
    %dma_wait3A_669 = arith.constant 0 : i32
    %dma_wait3A_670 = arith.constant 0 : i32
    %dma_wait3A_671 = tpu.memref_slice %arg20[%dma_wait3A_669, %dma_wait3A_670] : memref<10000x128xf32, #tpu.memory_space<vmem_shared>> -> memref<10000x128xf32, #tpu.memory_space<vmem_shared>>
    tpu.wait_indirect_dma semaphore(%arg25 : memref<!tpu.dma_semaphore, #tpu.memory_space<semaphore_mem>>) src(%dma_wait3A_668 : memref<80x128xf32, #tpu.memory_space<vmem>>) dst(%dma_wait3A_671 : memref<10000x128xf32, #tpu.memory_space<vmem_shared>>)
    %barrier3A_672 = arith.constant 0 : index
    tpu.barrier barrier_id(%barrier3A_672)
    "tpu.region"() ({
      %run_scoped3A = tpu.sem_alloc : memref<!tpu.dma_semaphore, #tpu.memory_space<semaphore_mem>>
      %dma_start3A_673 = arith.constant 0 : i32
      %dma_start3A_674 = tpu.memref_slice %arg5[%arg0, %mul3A_4, %dma_start3A_673] <%select_n3A> : memref<2x10000x128xf32, #tpu.memory_space<hbm>> -> memref<1x?x128xf32, #tpu.memory_space<hbm>>
      %dma_start3A_675 = tpu.memref_squeeze %dma_start3A_674 : memref<1x?x128xf32, #tpu.memory_space<hbm>> -> memref<?x128xf32, #tpu.memory_space<hbm>>
      %dma_start3A_676 = arith.constant 0 : i32
      %dma_start3A_677 = tpu.memref_slice %arg20[%mul3A_4, %dma_start3A_676] <%select_n3A> : memref<10000x128xf32, #tpu.memory_space<vmem_shared>> -> memref<?x128xf32, #tpu.memory_space<vmem_shared>>
      tpu.enqueue_dma source(%dma_start3A_677 : memref<?x128xf32, #tpu.memory_space<vmem_shared>>) target(%dma_start3A_675 : memref<?x128xf32, #tpu.memory_space<hbm>>) target_semaphore(%run_scoped3A : memref<!tpu.dma_semaphore, #tpu.memory_space<semaphore_mem>>)
      %dma_wait3A_678 = arith.constant 0 : i32
      %dma_wait3A_679 = tpu.memref_slice %arg5[%arg0, %mul3A_4, %dma_wait3A_678] <%select_n3A> : memref<2x10000x128xf32, #tpu.memory_space<hbm>> -> memref<1x?x128xf32, #tpu.memory_space<hbm>>
      %dma_wait3A_680 = tpu.memref_squeeze %dma_wait3A_679 : memref<1x?x128xf32, #tpu.memory_space<hbm>> -> memref<?x128xf32, #tpu.memory_space<hbm>>
      %dma_wait3A_681 = arith.constant 0 : i32
      %dma_wait3A_682 = tpu.memref_slice %arg20[%mul3A_4, %dma_wait3A_681] <%select_n3A> : memref<10000x128xf32, #tpu.memory_space<vmem_shared>> -> memref<?x128xf32, #tpu.memory_space<vmem_shared>>
      tpu.wait_dma2 semaphore(%run_scoped3A : memref<!tpu.dma_semaphore, #tpu.memory_space<semaphore_mem>>) src(%dma_wait3A_682 : memref<?x128xf32, #tpu.memory_space<vmem_shared>>) dst(%dma_wait3A_680 : memref<?x128xf32, #tpu.memory_space<hbm>>)
      tpu.yield
    }) : () -> ()
    return
  }
}

module attributes {stable_mosaic.version = 14 : i64} {
  func.func @_layer_body(%arg0: memref<10000x128xf32, #tpu.memory_space<vmem>>, %arg1: memref<10000x128xf32, #tpu.memory_space<vmem>>, %arg2: memref<10000x128xf32, #tpu.memory_space<vmem>>, %arg3: memref<128x128xf32, #tpu.memory_space<vmem>>, %arg4: memref<128xf32, #tpu.memory_space<vmem>>, %arg5: memref<128xf32, #tpu.memory_space<vmem>>, %arg6: memref<128xf32, #tpu.memory_space<vmem>>, %arg7: memref<128x128xf32, #tpu.memory_space<vmem>>, %arg8: memref<128xf32, #tpu.memory_space<vmem>>, %arg9: memref<10000x128xf32, #tpu.memory_space<vmem>>) attributes {dimension_semantics = [], scalar_prefetch = 0 : i64, scratch_operands = 0 : i64, tpu.core_type = #tpu.core_type<tc>} {
    %get3A = arith.constant 0 : index
    %get3A_0 = arith.constant 0 : index
    %get3A_1 = vector.load %arg0[%get3A, %get3A_0] : memref<10000x128xf32, #tpu.memory_space<vmem>>, vector<10000x128xf32>
    %get3A_2 = arith.constant 0 : index
    %get3A_3 = arith.constant 0 : index
    %get3A_4 = vector.load %arg1[%get3A_2, %get3A_3] : memref<10000x128xf32, #tpu.memory_space<vmem>>, vector<10000x128xf32>
    %add3A = arith.addf %get3A_1, %get3A_4 : vector<10000x128xf32>
    %get3A_5 = arith.constant 0 : index
    %get3A_6 = arith.constant 0 : index
    %get3A_7 = vector.load %arg3[%get3A_5, %get3A_6] : memref<128x128xf32, #tpu.memory_space<vmem>>, vector<128x128xf32>
    %dot_general3A = arith.constant dense<0.000000e+00> : vector<10000x128xf32>
    %dot_general3A_8 = tpu.matmul %add3A, %get3A_7, %dot_general3A {dimension_numbers = #tpu.dot_dimension_numbers<[1], [1], [0], [0], [0, 0, 1, 0], [], []>, transpose_lhs_hint = false} : vector<10000x128xf32>, vector<128x128xf32>, vector<10000x128xf32> -> vector<10000x128xf32>
    %get3A_9 = arith.constant 0 : index
    %get3A_10 = vector.load %arg4[%get3A_9] : memref<128xf32, #tpu.memory_space<vmem>>, vector<128xf32>
    %broadcast_in_dim3A = vector.shape_cast %get3A_10 : vector<128xf32> to vector<1x128xf32>
    %add3A_11 = vector.broadcast %broadcast_in_dim3A : vector<1x128xf32> to vector<10000x128xf32>
    %add3A_12 = arith.addf %dot_general3A_8, %add3A_11 : vector<10000x128xf32>
    %max3A = arith.constant 0.000000e+00 : f32
    %max3A_13 = vector.broadcast %max3A : f32 to vector<10000x128xf32>
    %max3A_14 = arith.maximumf %add3A_12, %max3A_13 : vector<10000x128xf32>
    %reduce_sum3A = arith.constant dense<0.000000e+00> : vector<128xf32>
    %reduce_sum3A_15 = vector.multi_reduction <add>, %max3A_14, %reduce_sum3A [0] : vector<10000x128xf32> to vector<128xf32>
    %broadcast_in_dim3A_16 = vector.shape_cast %reduce_sum3A_15 : vector<128xf32> to vector<1x128xf32>
    %div3A = arith.constant 1.000000e+04 : f32
    %div3A_17 = vector.broadcast %div3A : f32 to vector<1x128xf32>
    %div3A_18 = arith.divf %broadcast_in_dim3A_16, %div3A_17 : vector<1x128xf32>
    %sub3A = vector.broadcast %div3A_18 : vector<1x128xf32> to vector<10000x128xf32>
    %sub3A_19 = arith.subf %max3A_14, %sub3A : vector<10000x128xf32>
    %integer_pow3A = arith.mulf %sub3A_19, %sub3A_19 : vector<10000x128xf32>
    %reduce_sum3A_20 = arith.constant dense<0.000000e+00> : vector<128xf32>
    %reduce_sum3A_21 = vector.multi_reduction <add>, %integer_pow3A, %reduce_sum3A_20 [0] : vector<10000x128xf32> to vector<128xf32>
    %broadcast_in_dim3A_22 = vector.shape_cast %reduce_sum3A_21 : vector<128xf32> to vector<1x128xf32>
    %div3A_23 = arith.constant 1.000000e+04 : f32
    %div3A_24 = vector.broadcast %div3A_23 : f32 to vector<1x128xf32>
    %div3A_25 = arith.divf %broadcast_in_dim3A_22, %div3A_24 : vector<1x128xf32>
    %get3A_26 = arith.constant 0 : index
    %get3A_27 = vector.load %arg5[%get3A_26] : memref<128xf32, #tpu.memory_space<vmem>>, vector<128xf32>
    %sub3A_28 = vector.broadcast %div3A_18 : vector<1x128xf32> to vector<10000x128xf32>
    %sub3A_29 = arith.subf %max3A_14, %sub3A_28 : vector<10000x128xf32>
    %broadcast_in_dim3A_30 = vector.shape_cast %get3A_27 : vector<128xf32> to vector<1x128xf32>
    %mul3A = vector.broadcast %broadcast_in_dim3A_30 : vector<1x128xf32> to vector<10000x128xf32>
    %mul3A_31 = arith.mulf %mul3A, %sub3A_29 : vector<10000x128xf32>
    %add3A_32 = arith.constant 9.99999974E-6 : f32
    %add3A_33 = vector.broadcast %add3A_32 : f32 to vector<1x128xf32>
    %add3A_34 = arith.addf %div3A_25, %add3A_33 : vector<1x128xf32>
    %sqrt3A = math.sqrt %add3A_34 : vector<1x128xf32>
    %div3A_35 = vector.broadcast %sqrt3A : vector<1x128xf32> to vector<10000x128xf32>
    %div3A_36 = arith.divf %mul3A_31, %div3A_35 : vector<10000x128xf32>
    %get3A_37 = arith.constant 0 : index
    %get3A_38 = vector.load %arg6[%get3A_37] : memref<128xf32, #tpu.memory_space<vmem>>, vector<128xf32>
    %broadcast_in_dim3A_39 = vector.shape_cast %get3A_38 : vector<128xf32> to vector<1x128xf32>
    %add3A_40 = vector.broadcast %broadcast_in_dim3A_39 : vector<1x128xf32> to vector<10000x128xf32>
    %add3A_41 = arith.addf %div3A_36, %add3A_40 : vector<10000x128xf32>
    %get3A_42 = arith.constant 0 : index
    %get3A_43 = arith.constant 0 : index
    %get3A_44 = vector.load %arg2[%get3A_42, %get3A_43] : memref<10000x128xf32, #tpu.memory_space<vmem>>, vector<10000x128xf32>
    %get3A_45 = arith.constant 0 : index
    %get3A_46 = arith.constant 0 : index
    %get3A_47 = vector.load %arg7[%get3A_45, %get3A_46] : memref<128x128xf32, #tpu.memory_space<vmem>>, vector<128x128xf32>
    %dot_general3A_48 = arith.constant dense<0.000000e+00> : vector<10000x128xf32>
    %dot_general3A_49 = tpu.matmul %get3A_44, %get3A_47, %dot_general3A_48 {dimension_numbers = #tpu.dot_dimension_numbers<[1], [1], [0], [0], [0, 0, 1, 0], [], []>, transpose_lhs_hint = false} : vector<10000x128xf32>, vector<128x128xf32>, vector<10000x128xf32> -> vector<10000x128xf32>
    %get3A_50 = arith.constant 0 : index
    %get3A_51 = vector.load %arg8[%get3A_50] : memref<128xf32, #tpu.memory_space<vmem>>, vector<128xf32>
    %broadcast_in_dim3A_52 = vector.shape_cast %get3A_51 : vector<128xf32> to vector<1x128xf32>
    %add3A_53 = vector.broadcast %broadcast_in_dim3A_52 : vector<1x128xf32> to vector<10000x128xf32>
    %add3A_54 = arith.addf %dot_general3A_49, %add3A_53 : vector<10000x128xf32>
    %add3A_55 = arith.addf %add3A_54, %add3A_41 : vector<10000x128xf32>
    %add3A_56 = arith.addf %add3A_55, %add3A : vector<10000x128xf32>
    %mul3A_57 = arith.mulf %add3A_56, %add3A_56 : vector<10000x128xf32>
    %reduce_sum3A_58 = arith.constant dense<0.000000e+00> : vector<10000xf32>
    %reduce_sum3A_59 = vector.multi_reduction <add>, %mul3A_57, %reduce_sum3A_58 [1] : vector<10000x128xf32> to vector<10000xf32>
    %broadcast_in_dim3A_60 = vector.shape_cast %reduce_sum3A_59 : vector<10000xf32> to vector<10000x1xf32>
    %sqrt3A_61 = math.sqrt %broadcast_in_dim3A_60 : vector<10000x1xf32>
    %max3A_62 = arith.constant 9.99999996E-13 : f32
    %max3A_63 = vector.broadcast %max3A_62 : f32 to vector<10000x1xf32>
    %max3A_64 = arith.maximumf %sqrt3A_61, %max3A_63 : vector<10000x1xf32>
    %div3A_65 = vector.broadcast %max3A_64 : vector<10000x1xf32> to vector<10000x128xf32>
    %div3A_66 = arith.divf %add3A_56, %div3A_65 : vector<10000x128xf32>
    %max3A_67 = arith.constant 0.000000e+00 : f32
    %max3A_68 = vector.broadcast %max3A_67 : f32 to vector<10000x128xf32>
    %max3A_69 = arith.maximumf %div3A_66, %max3A_68 : vector<10000x128xf32>
    %swap3A = arith.constant 0 : index
    %swap3A_70 = arith.constant 0 : index
    %swap3A_71 = vector.load %arg9[%swap3A, %swap3A_70] : memref<10000x128xf32, #tpu.memory_space<vmem>>, vector<10000x128xf32>
    tpu.vector_store %arg9[%swap3A, %swap3A_70], %max3A_69 {strides = array<i32>} : memref<10000x128xf32, #tpu.memory_space<vmem>>, vector<10000x128xf32>,
    return
  }
}

module attributes {stable_mosaic.version = 14 : i64} {
  func.func @_final_body(%arg0: memref<10000x128xf32, #tpu.memory_space<vmem>>, %arg1: memref<10000x128xf32, #tpu.memory_space<vmem>>, %arg2: memref<10000x128xf32, #tpu.memory_space<vmem>>, %arg3: memref<128x128xf32, #tpu.memory_space<vmem>>, %arg4: memref<128xf32, #tpu.memory_space<vmem>>, %arg5: memref<128xf32, #tpu.memory_space<vmem>>, %arg6: memref<128xf32, #tpu.memory_space<vmem>>, %arg7: memref<128x128xf32, #tpu.memory_space<vmem>>, %arg8: memref<128xf32, #tpu.memory_space<vmem>>, %arg9: memref<128x128xf32, #tpu.memory_space<vmem>>, %arg10: memref<128xf32, #tpu.memory_space<vmem>>, %arg11: memref<64x128xf32, #tpu.memory_space<vmem>>, %arg12: memref<64xf32, #tpu.memory_space<vmem>>, %arg13: memref<10000x64xf32, #tpu.memory_space<vmem>>) attributes {dimension_semantics = [], scalar_prefetch = 0 : i64, scratch_operands = 0 : i64, tpu.core_type = #tpu.core_type<tc>} {
    %get3A = arith.constant 0 : index
    %get3A_0 = arith.constant 0 : index
    %get3A_1 = vector.load %arg0[%get3A, %get3A_0] : memref<10000x128xf32, #tpu.memory_space<vmem>>, vector<10000x128xf32>
    %get3A_2 = arith.constant 0 : index
    %get3A_3 = arith.constant 0 : index
    %get3A_4 = vector.load %arg1[%get3A_2, %get3A_3] : memref<10000x128xf32, #tpu.memory_space<vmem>>, vector<10000x128xf32>
    %add3A = arith.addf %get3A_1, %get3A_4 : vector<10000x128xf32>
    %get3A_5 = arith.constant 0 : index
    %get3A_6 = arith.constant 0 : index
    %get3A_7 = vector.load %arg3[%get3A_5, %get3A_6] : memref<128x128xf32, #tpu.memory_space<vmem>>, vector<128x128xf32>
    %dot_general3A = arith.constant dense<0.000000e+00> : vector<10000x128xf32>
    %dot_general3A_8 = tpu.matmul %add3A, %get3A_7, %dot_general3A {dimension_numbers = #tpu.dot_dimension_numbers<[1], [1], [0], [0], [0, 0, 1, 0], [], []>, transpose_lhs_hint = false} : vector<10000x128xf32>, vector<128x128xf32>, vector<10000x128xf32> -> vector<10000x128xf32>
    %get3A_9 = arith.constant 0 : index
    %get3A_10 = vector.load %arg4[%get3A_9] : memref<128xf32, #tpu.memory_space<vmem>>, vector<128xf32>
    %broadcast_in_dim3A = vector.shape_cast %get3A_10 : vector<128xf32> to vector<1x128xf32>
    %add3A_11 = vector.broadcast %broadcast_in_dim3A : vector<1x128xf32> to vector<10000x128xf32>
    %add3A_12 = arith.addf %dot_general3A_8, %add3A_11 : vector<10000x128xf32>
    %max3A = arith.constant 0.000000e+00 : f32
    %max3A_13 = vector.broadcast %max3A : f32 to vector<10000x128xf32>
    %max3A_14 = arith.maximumf %add3A_12, %max3A_13 : vector<10000x128xf32>
    %reduce_sum3A = arith.constant dense<0.000000e+00> : vector<128xf32>
    %reduce_sum3A_15 = vector.multi_reduction <add>, %max3A_14, %reduce_sum3A [0] : vector<10000x128xf32> to vector<128xf32>
    %broadcast_in_dim3A_16 = vector.shape_cast %reduce_sum3A_15 : vector<128xf32> to vector<1x128xf32>
    %div3A = arith.constant 1.000000e+04 : f32
    %div3A_17 = vector.broadcast %div3A : f32 to vector<1x128xf32>
    %div3A_18 = arith.divf %broadcast_in_dim3A_16, %div3A_17 : vector<1x128xf32>
    %sub3A = vector.broadcast %div3A_18 : vector<1x128xf32> to vector<10000x128xf32>
    %sub3A_19 = arith.subf %max3A_14, %sub3A : vector<10000x128xf32>
    %integer_pow3A = arith.mulf %sub3A_19, %sub3A_19 : vector<10000x128xf32>
    %reduce_sum3A_20 = arith.constant dense<0.000000e+00> : vector<128xf32>
    %reduce_sum3A_21 = vector.multi_reduction <add>, %integer_pow3A, %reduce_sum3A_20 [0] : vector<10000x128xf32> to vector<128xf32>
    %broadcast_in_dim3A_22 = vector.shape_cast %reduce_sum3A_21 : vector<128xf32> to vector<1x128xf32>
    %div3A_23 = arith.constant 1.000000e+04 : f32
    %div3A_24 = vector.broadcast %div3A_23 : f32 to vector<1x128xf32>
    %div3A_25 = arith.divf %broadcast_in_dim3A_22, %div3A_24 : vector<1x128xf32>
    %get3A_26 = arith.constant 0 : index
    %get3A_27 = vector.load %arg5[%get3A_26] : memref<128xf32, #tpu.memory_space<vmem>>, vector<128xf32>
    %sub3A_28 = vector.broadcast %div3A_18 : vector<1x128xf32> to vector<10000x128xf32>
    %sub3A_29 = arith.subf %max3A_14, %sub3A_28 : vector<10000x128xf32>
    %broadcast_in_dim3A_30 = vector.shape_cast %get3A_27 : vector<128xf32> to vector<1x128xf32>
    %mul3A = vector.broadcast %broadcast_in_dim3A_30 : vector<1x128xf32> to vector<10000x128xf32>
    %mul3A_31 = arith.mulf %mul3A, %sub3A_29 : vector<10000x128xf32>
    %add3A_32 = arith.constant 9.99999974E-6 : f32
    %add3A_33 = vector.broadcast %add3A_32 : f32 to vector<1x128xf32>
    %add3A_34 = arith.addf %div3A_25, %add3A_33 : vector<1x128xf32>
    %sqrt3A = math.sqrt %add3A_34 : vector<1x128xf32>
    %div3A_35 = vector.broadcast %sqrt3A : vector<1x128xf32> to vector<10000x128xf32>
    %div3A_36 = arith.divf %mul3A_31, %div3A_35 : vector<10000x128xf32>
    %get3A_37 = arith.constant 0 : index
    %get3A_38 = vector.load %arg6[%get3A_37] : memref<128xf32, #tpu.memory_space<vmem>>, vector<128xf32>
    %broadcast_in_dim3A_39 = vector.shape_cast %get3A_38 : vector<128xf32> to vector<1x128xf32>
    %add3A_40 = vector.broadcast %broadcast_in_dim3A_39 : vector<1x128xf32> to vector<10000x128xf32>
    %add3A_41 = arith.addf %div3A_36, %add3A_40 : vector<10000x128xf32>
    %get3A_42 = arith.constant 0 : index
    %get3A_43 = arith.constant 0 : index
    %get3A_44 = vector.load %arg2[%get3A_42, %get3A_43] : memref<10000x128xf32, #tpu.memory_space<vmem>>, vector<10000x128xf32>
    %get3A_45 = arith.constant 0 : index
    %get3A_46 = arith.constant 0 : index
    %get3A_47 = vector.load %arg7[%get3A_45, %get3A_46] : memref<128x128xf32, #tpu.memory_space<vmem>>, vector<128x128xf32>
    %dot_general3A_48 = arith.constant dense<0.000000e+00> : vector<10000x128xf32>
    %dot_general3A_49 = tpu.matmul %get3A_44, %get3A_47, %dot_general3A_48 {dimension_numbers = #tpu.dot_dimension_numbers<[1], [1], [0], [0], [0, 0, 1, 0], [], []>, transpose_lhs_hint = false} : vector<10000x128xf32>, vector<128x128xf32>, vector<10000x128xf32> -> vector<10000x128xf32>
    %get3A_50 = arith.constant 0 : index
    %get3A_51 = vector.load %arg8[%get3A_50] : memref<128xf32, #tpu.memory_space<vmem>>, vector<128xf32>
    %broadcast_in_dim3A_52 = vector.shape_cast %get3A_51 : vector<128xf32> to vector<1x128xf32>
    %add3A_53 = vector.broadcast %broadcast_in_dim3A_52 : vector<1x128xf32> to vector<10000x128xf32>
    %add3A_54 = arith.addf %dot_general3A_49, %add3A_53 : vector<10000x128xf32>
    %add3A_55 = arith.addf %add3A_54, %add3A_41 : vector<10000x128xf32>
    %add3A_56 = arith.addf %add3A_55, %add3A : vector<10000x128xf32>
    %mul3A_57 = arith.mulf %add3A_56, %add3A_56 : vector<10000x128xf32>
    %reduce_sum3A_58 = arith.constant dense<0.000000e+00> : vector<10000xf32>
    %reduce_sum3A_59 = vector.multi_reduction <add>, %mul3A_57, %reduce_sum3A_58 [1] : vector<10000x128xf32> to vector<10000xf32>
    %broadcast_in_dim3A_60 = vector.shape_cast %reduce_sum3A_59 : vector<10000xf32> to vector<10000x1xf32>
    %sqrt3A_61 = math.sqrt %broadcast_in_dim3A_60 : vector<10000x1xf32>
    %max3A_62 = arith.constant 9.99999996E-13 : f32
    %max3A_63 = vector.broadcast %max3A_62 : f32 to vector<10000x1xf32>
    %max3A_64 = arith.maximumf %sqrt3A_61, %max3A_63 : vector<10000x1xf32>
    %div3A_65 = vector.broadcast %max3A_64 : vector<10000x1xf32> to vector<10000x128xf32>
    %div3A_66 = arith.divf %add3A_56, %div3A_65 : vector<10000x128xf32>
    %max3A_67 = arith.constant 0.000000e+00 : f32
    %max3A_68 = vector.broadcast %max3A_67 : f32 to vector<10000x128xf32>
    %max3A_69 = arith.maximumf %div3A_66, %max3A_68 : vector<10000x128xf32>
    %get3A_70 = arith.constant 0 : index
    %get3A_71 = arith.constant 0 : index
    %get3A_72 = vector.load %arg9[%get3A_70, %get3A_71] : memref<128x128xf32, #tpu.memory_space<vmem>>, vector<128x128xf32>
    %dot_general3A_73 = arith.constant dense<0.000000e+00> : vector<10000x128xf32>
    %dot_general3A_74 = tpu.matmul %max3A_69, %get3A_72, %dot_general3A_73 {dimension_numbers = #tpu.dot_dimension_numbers<[1], [1], [0], [0], [0, 0, 1, 0], [], []>, transpose_lhs_hint = false} : vector<10000x128xf32>, vector<128x128xf32>, vector<10000x128xf32> -> vector<10000x128xf32>
    %get3A_75 = arith.constant 0 : index
    %get3A_76 = vector.load %arg10[%get3A_75] : memref<128xf32, #tpu.memory_space<vmem>>, vector<128xf32>
    %broadcast_in_dim3A_77 = vector.shape_cast %get3A_76 : vector<128xf32> to vector<1x128xf32>
    %add3A_78 = vector.broadcast %broadcast_in_dim3A_77 : vector<1x128xf32> to vector<10000x128xf32>
    %add3A_79 = arith.addf %dot_general3A_74, %add3A_78 : vector<10000x128xf32>
    %get3A_80 = arith.constant 0 : index
    %get3A_81 = arith.constant 0 : index
    %get3A_82 = vector.load %arg11[%get3A_80, %get3A_81] : memref<64x128xf32, #tpu.memory_space<vmem>>, vector<64x128xf32>
    %dot_general3A_83 = arith.constant dense<0.000000e+00> : vector<10000x64xf32>
    %dot_general3A_84 = tpu.matmul %add3A_79, %get3A_82, %dot_general3A_83 {dimension_numbers = #tpu.dot_dimension_numbers<[1], [1], [0], [0], [0, 0, 1, 0], [], []>, transpose_lhs_hint = false} : vector<10000x128xf32>, vector<64x128xf32>, vector<10000x64xf32> -> vector<10000x64xf32>
    %get3A_85 = arith.constant 0 : index
    %get3A_86 = vector.load %arg12[%get3A_85] : memref<64xf32, #tpu.memory_space<vmem>>, vector<64xf32>
    %broadcast_in_dim3A_87 = vector.shape_cast %get3A_86 : vector<64xf32> to vector<1x64xf32>
    %add3A_88 = vector.broadcast %broadcast_in_dim3A_87 : vector<1x64xf32> to vector<10000x64xf32>
    %add3A_89 = arith.addf %dot_general3A_84, %add3A_88 : vector<10000x64xf32>
    %reduce_max3A = arith.constant dense<0xFF800000> : vector<10000xf32>
    %reduce_max3A_90 = vector.multi_reduction <maximumf>, %add3A_89, %reduce_max3A [1] : vector<10000x64xf32> to vector<10000xf32>
    %broadcast_in_dim3A_91 = vector.shape_cast %reduce_max3A_90 : vector<10000xf32> to vector<10000x1xf32>
    %sub3A_92 = vector.broadcast %broadcast_in_dim3A_91 : vector<10000x1xf32> to vector<10000x64xf32>
    %sub3A_93 = arith.subf %add3A_89, %sub3A_92 : vector<10000x64xf32>
    %exp3A = math.exp %sub3A_93 : vector<10000x64xf32>
    %reduce_sum3A_94 = arith.constant dense<0.000000e+00> : vector<10000xf32>
    %reduce_sum3A_95 = vector.multi_reduction <add>, %exp3A, %reduce_sum3A_94 [1] : vector<10000x64xf32> to vector<10000xf32>
    %broadcast_in_dim3A_96 = vector.shape_cast %reduce_sum3A_95 : vector<10000xf32> to vector<10000x1xf32>
    %log3A = math.log %broadcast_in_dim3A_96 : vector<10000x1xf32>
    %sub3A_97 = vector.broadcast %log3A : vector<10000x1xf32> to vector<10000x64xf32>
    %sub3A_98 = arith.subf %sub3A_93, %sub3A_97 : vector<10000x64xf32>
    %swap3A = arith.constant 0 : index
    %swap3A_99 = arith.constant 0 : index
    %swap3A_100 = vector.load %arg13[%swap3A, %swap3A_99] : memref<10000x64xf32, #tpu.memory_space<vmem>>, vector<10000x64xf32>
    tpu.vector_store %arg13[%swap3A, %swap3A_99], %sub3A_98 {strides = array<i32>} : memref<10000x64xf32, #tpu.memory_space<vmem>>, vector<10000x64xf32>,
    return
  }
}

</mosaic_0001>

<sc_bundles>
// kernel: kernel.11.cloned.1.call-start
scs
__scs_entry_jumppad:
0x0: {  	(pc) =	sbr.rel $0x88, $3  }
0x1: {  	(tag) =	ssettag $0x0;
	lr =	simm.s32 $0x1  }
0x2: {  	[smem:$0x3F95] =	sst lr;
	_ =	strace $0xD0000000  }
0x3: {  	_ = 	snop  }
0x4: {  	_ = 	snop  }
0x5: {  	_ = 	snop  }
0x6: {  	_ = 	snop  }
0x7: {  	_ = 	snop  }
__scs_overlays_trampoline_lowered:
0x8: {  	[smem:$0x3FA4] =	sst s0  }
0x9: {  	[smem:$0x3FA5] =	sst s1  }
0xa: {  	[smem:$0x3FA6] =	sst s2  }
0xb: {  	[smem:$0x3FA7] =	sst s3  }
0xc: {  	[smem:$0x3FA8] =	sst s4  }
0xd: {  	[smem:$0x3FA9] =	sst s5  }
0xe: {  	[smem:$0x3FAA] =	sst s6  }
0xf: {  	[smem:$0x3FAB] =	sst s7  }
0x10: {  	[smem:$0x3FAC] =	sst s8  }
0x11: {  	[smem:$0x3FAD] =	sst s9;
	s0 =	simm.s32 @!p0 $0x0  }
0x12: {  	s1 =	sld [smem:$0x3F93];
	s0 =	simm.s32 @p0 $0x1  }
0x13: {  	[smem:$0x3FAE] =	sst s0;
	s0 =	simm.s32 @!p1 $0x0  }
0x14: {  	s2 =	sld [smem:$0x3F92];
	s0 =	simm.s32 @p1 $0x1  }
0x15: {  	[smem:$0x3FAF] =	sst s0;
	s0 =	simm.s32 @!p2 $0x0  }
0x16: {  	s3 =	sld [smem:$0x3FDB];
	s0 =	simm.s32 @p2 $0x1  }
0x17: {  	s4 =	simm.s32 $0x1BF5;
	[smem:$0x3FB1] =	sst s0  }
0x18: {  	s0 =	sld [smem:$0x3F94];
	_ =	swait.ge [sflag:s4], $0x0  }
0x19: {  	s7 =	sld [smem:$0x3F95]  }
0x1a: {  	s8 =	sadd.s32 $0xFFFFE003, lr  }
0x1b: {  	s9 =	sadd.s32 $0xFFFFFEF7, lr;
	s5 =	simm.s32 $0xFFFFFFFF;
	p2 =	slt.u32 s8, $0xFFFFF086  }
0x1c: {  	p1 =	slt.u32 s9, $0xF7A;
	s5 =	simm.s32 @!p2 $0x0  }
0x1d: {  	s5 =	simm.s32 @p1 $0x1;
	p0 =	seq.s32 s7, s2  }
0x1e: {  	s7 =	smul.u32 @!p0 $0xF7A, s2;
	p2 =	seq.s32 @!p0 s5, $0x0  }
0x1f: {  	s9 =	smul.u32 $0xF7A, s1;
	s8 =	simm.s32 @!p0 $0x1BF5;
	p2 =	por !p2, p0  }
0x20: {  	[sflag:s8] =	ssyncset.s32 @!p0 $0xFFFFF086;
	s6 =	sadd.s32 @!p0 s3, s7;
	s7 =	simm.s32 @!p0 $0x108  }
0x21: {  	s3 =	sadd.s32 s3, s9;
	s6 =	sadd.s32 @!p0 $0x88, s6;
	s7 =	simm.s32 @p2 $0x1082  }
0x22: {  	[simem:s7], [sflag:s8] =	dma.local @!p0 [hbm:s6], $0xF7A  }
0x23: {  	s9 =	sor.u32 $0xD0000000, s2;
	s6 =	simm.s32 $0x108;
	_ =	swait.ge @!p0 [sflag:s8], $0x0  }
0x24: {  	s3 =	sadd.s32 $0x88, s3;
	s6 =	simm.s32 @!p1 $0x1082;
	[sflag:s4] =	ssyncset.s32 $0xFFFFF086  }
0x25: {  	[simem:s6], [sflag:s4] =	dma.local [hbm:s3], $0xF7A  }
0x26: {  	[smem:$0x3F95] =	sst s1;
	(tag) =	ssettag s2;
	_ =	strace s9  }
0x27: {  	s1 =	sld [smem:$0x3FA5]  }
0x28: {  	s2 =	sld [smem:$0x3FA6]  }
0x29: {  	s4 =	sld [smem:$0x3FA8]  }
0x2a: {  	p0 =	seq.s32 s5, $0x0;
	s5 =	sld [smem:$0x3FA9]  }
0x2b: {  	s6 =	sld [smem:$0x3FAA]  }
0x2c: {  	s7 =	sld [smem:$0x3FAB]  }
0x2d: {  	s3 =	simm.s32 $0x108;
	s8 =	sld [smem:$0x3FAC]  }
0x2e: {  	s3 =	simm.s32 @!p0 $0x1082;
	s9 =	sld [smem:$0x3FAD]  }
0x2f: {  	lr =	sadd.s32 s0, s3;
	s0 =	sld [smem:$0x3FA4]  }
0x30: {  	s3 =	sld [smem:$0x3FA7]  }
0x31: {  	[smem:$0x3FB0] =	sst s10  }
0x32: {  	s10 =	sld [smem:$0x3FAE];
	_ =	sdelay $0x3  }
0x33: {  	p0 =	seq.s32 s10, $0x1;
	s10 =	sld [smem:$0x3FB0];
	_ =	sdelay $0x3  }
0x34: {  	[smem:$0x3FB0] =	sst s10  }
0x35: {  	s10 =	sld [smem:$0x3FAF];
	_ =	sdelay $0x3  }
0x36: {  	p1 =	seq.s32 s10, $0x1;
	s10 =	sld [smem:$0x3FB0];
	_ =	sdelay $0x3  }
0x37: {  	[smem:$0x3FB0] =	sst s10  }
0x38: {  	s10 =	sld [smem:$0x3FB1]  }
0x39: {  	_ = 	snop;
	(pc) =	sbr.ind lr, $3  }
0x3a: {  	_ = 	snop  }
0x3b: {  	_ = 	snop  }
0x3c: {  	p2 =	seq.s32 s10, $0x1;
	s10 =	sld [smem:$0x3FB0]  }
0x3d: {  	_ =	shalt  }
0x3e: {  	_ =	shalt  }
0x3f: {  	_ =	shalt  }
0x40: {  	_ =	shalt  }
0x41: {  	_ =	shalt  }
0x42: {  	_ =	shalt  }
0x43: {  	_ =	shalt  }
0x44: {  	_ =	shalt  }
0x45: {  	_ =	shalt  }
0x46: {  	_ =	shalt  }
0x47: {  	_ =	shalt  }
0x48: {  	_ =	shalt  }
0x49: {  	_ =	shalt  }
0x4a: {  	_ =	shalt  }
0x4b: {  	_ =	shalt  }
0x4c: {  	_ =	shalt  }
0x4d: {  	_ =	shalt  }
0x4e: {  	_ =	shalt  }
0x4f: {  	_ =	shalt  }
0x50: {  	_ =	shalt  }
0x51: {  	_ =	shalt  }
0x52: {  	_ =	shalt  }
0x53: {  	_ =	shalt  }
0x54: {  	_ =	shalt  }
0x55: {  	_ =	shalt  }
0x56: {  	_ =	shalt  }
0x57: {  	_ =	shalt  }
0x58: {  	_ =	shalt  }
0x59: {  	_ =	shalt  }
0x5a: {  	_ =	shalt  }
0x5b: {  	_ =	shalt  }
0x5c: {  	_ =	shalt  }
0x5d: {  	_ =	shalt  }
0x5e: {  	_ =	shalt  }
0x5f: {  	_ =	shalt  }
0x60: {  	_ =	shalt  }
0x61: {  	_ =	shalt  }
0x62: {  	_ =	shalt  }
0x63: {  	_ =	shalt  }
0x64: {  	_ =	shalt  }
0x65: {  	_ =	shalt  }
0x66: {  	_ =	shalt  }
0x67: {  	_ =	shalt  }
0x68: {  	_ =	shalt  }
0x69: {  	_ =	shalt  }
0x6a: {  	_ =	shalt  }
0x6b: {  	_ =	shalt  }
0x6c: {  	_ =	shalt  }
0x6d: {  	_ =	shalt  }
0x6e: {  	_ =	shalt  }
0x6f: {  	_ =	shalt  }
0x70: {  	_ =	shalt  }
0x71: {  	_ =	shalt  }
0x72: {  	_ =	shalt  }
0x73: {  	_ =	shalt  }
0x74: {  	_ =	shalt  }
0x75: {  	_ =	shalt  }
0x76: {  	_ =	shalt  }
0x77: {  	_ =	shalt  }
0x78: {  	_ =	shalt  }
0x79: {  	_ =	shalt  }
0x7a: {  	_ =	shalt  }
0x7b: {  	_ =	shalt  }
0x7c: {  	_ =	shalt  }
0x7d: {  	_ =	shalt  }
0x7e: {  	_ =	shalt  }
0x7f: {  	_ =	shalt  }
0x80: {  	_ =	shalt  }
0x81: {  	_ =	shalt  }
0x82: {  	_ =	shalt  }
0x83: {  	_ =	shalt  }
0x84: {  	_ =	shalt  }
0x85: {  	_ =	shalt  }
0x86: {  	_ =	shalt  }
0x87: {  	_ =	shalt  }
.Lfunc_end0:
.L_simem_size_0:
called_computation.1_lowered:
.L_overlay_start_0:
0x88: {  	s2 =	sld [smem:$0x3FD9]  }
0x89: {  	s3 =	sld [smem:$0x3FFE];
	_ =	sdelay $0x1  }
0x8a: {  	s1 =	srdreg.scid  }
0x8b: {  	s0 =	sand.u32 $0x1, s1  }
0x8c: {  	s17 =	sshll.u32 s0, $0xA;
	s2 =	sadd.s32 s3, s2  }
0x8d: {  	s2 =	sadd.s32 s2, s17  }
0x8e: {  	[smem:$0x3FBC] =	sst s2  }
0x8f: {  	_ = 	snop  }
0x90: {  	s2 =	sld [smem:$0x3FD0];
	(tm) =	ssettm $0x1  }
0x91: {  	s18 =	sld [smem:$0x3FFB];
	_ =	sdelay $0x3  }
0x92: {  	_ =	strace s18  }
0x93: {  	s3 =	sld [smem:$0x3FFC];
	_ =	sdelay $0x3  }
0x94: {  	_ =	strace s3  }
0x95: {  	s3 =	sld [smem:$0x3FFD];
	_ =	sdelay $0x3  }
0x96: {  	_ =	strace s3  }
0x97: {  	_ =	strace $0x8FFFFFFF  }
0x98: {  	s19 =	sld [smem:$0x3FDB];
	_ =	sdelay $0x1  }
0x99: {  	s4 =	simm.s32 $_scs_section_size  }
0x9a: {  	s5 =	simm.s32 $_size__tile_overlayer_lowered;
	s6 =	simm.s32 $_tile_overlayer_lowered  }
0x9b: {  	s22 =	simm.s32 $0x1BFF;
	s21 =	sshll.u32 s6, $0x1;
	s3 =	sadd.s32 s4, s19  }
0x9c: {  	s7 =	simm.s32 $0x0;
	s20 =	sshll.u32 s5, $0x1;
	s5 =	sadd.s32 s21, s3  }
0x9d: {  	[timem:s7], [sflag:s22] =	dma.local [hbm:s5], s20  }
0x9e: {  	_ =	swait.ge [sflag:s22], s20  }
0x9f: {  	s4 =	ssub.s32 $0x0, s20;
	[sflag:s22] =	ssyncset.done $0x0  }
0xa0: {  	[sflag:s22] =	ssyncadd.s32 s4;
	_ =	sdelay $0x1  }
0xa1: {  	s23 =	simm.s32 $0x1B8B  }
0xa2: {  	_ =	swait.ge [sflag:s23], $0x1  }
0xa3: {  	[sflag:s23] =	ssyncset.done $0x0  }
0xa4: {  	s25 =	simm.s32 $0x1B8E;
	s24 =	sld [smem:$0x3FFE];
	[sflag:s23] =	ssyncadd.s32 $0xFFFFFFFF  }
0xa5: {  	s26 =	simm.s32 $execute0_lowered;
	[smem:$0x3FD2] =	sst s25  }
0xa6: {  	s5 =	sshll.u32 s26, $0x1;
	_ =	strace $0x80000049;
	[dreg:$0x1] =	wrdreg $0xFFFFFFFF  }
0xa7: {  	s28 =	simm.s32 $_size_execute0_lowered;
	s3 =	sadd.s32 s3, s5;
	[dreg:$0x0] =	wrdreg $0x0  }
0xa8: {  	s5 =	sshll.u32 s28, $0x1;
	[dreg:$0x2] =	wrdreg s3  }
0xa9: {  	[dreg:$0x3] =	wrdreg s5  }
0xaa: {  	[dreg:$0x4] =	wrdreg $0xC0  }
0xab: {  	_ =	task [dreg:s7], $0x5FFFF  }
0xac: {  	[dreg:$0x1] =	wrdreg $0xFFFFFFFF  }
0xad: {  	[dreg:$0x0] =	wrdreg $0x60  }
0xae: {  	[dreg:$0x2] =	wrdreg s24  }
0xaf: {  	[dreg:$0x3] =	wrdreg s2  }
0xb0: {  	[dreg:$0x4] =	wrdreg $0x82000  }
0xb1: {  	[dreg:$0x5] =	wrdreg $0x9  }
0xb2: {  	_ =	task.clear_ibuf [dreg:s7], $0x6FFFF;
	_ =	strace $0x90000049  }
0xb3: {  	s29 =	simm.s32 $0x9;
	_ =	strace $0x8000004B  }
0xb4: {  	_ =	swait.ge [sflag:s29], $0x1  }
0xb5: {  	[sflag:s29] =	ssyncadd.s32 $0xFFFFFFFF  }
0xb6: {  	_ =	strace $0x9000004B  }
0xb7: {  	_ =	sfence  }
0xb8: {  	s30 =	sld [smem:$0x0];
	_ =	sdelay $0x2  }
0xb9: {  	s31 =	sshll.u32 s1, $0xD;
	s1 =	sshrl.u32 s1, $0x2  }
0xba: {  	s3 =	sand.u32 $0x4000, s31;
	s1 =	sadd.s32 s1, s30  }
0xbb: {  	s0 =	sor.u32 s3, s0;
	s1 =	sshll.u32 s1, $0x11  }
0xbc: {  	s0 =	sor.u32 s1, s0  }
0xbd: {  	s0 =	sadd.s32 $0x8F2B, s0  }
0xbe: {  	[sflag:s0] =	ssyncadd.remote.s32 $0x1  }
0xbf: {  	_ =	sfence.sel $0xFFFF  }
0xc0: {  	[dreg:$0x0] =	wrdreg $0xFFFFFFFF;
	(pc) =	sbr.abs _section_cstart, $3  }
0xc1: {  	[dreg:$0x1] =	wrdreg $0xFFFFFFFF  }
0xc2: {  	_ =	task.clear_ibuf [dreg:s7], $0x2FFFF;
	_ =	strace $0x9FFFFFFF  }
0xc3: {  	(tm) =	ssettm $0x7FFFFFFF  }
tec
execute0_lowered:
.L_overlay_start_1:
0x0: {  	(tag) =	ssettag $0x1  }
0x1: {  	s0 =	rddreg [dreg:$0x0]  }
0x2: {  	s11 =	rddreg [dreg:$0x1]  }
0x3: {  	s2 =	rddreg [dreg:$0x2];
	s1 =	srdreg.scid;
	s4 =	simm.s32 $0x0  }
0x4: {  	s10 =	stileid.u32;
	s30 =	simm.s32 $0xA;
	s1 =	sand.u32 $0x1, s1  }
0x5: {  	[smem:$0x7FF] =	sst s4;
	s6 =	smul.u32 $0x13800, s10;
	s5 =	sadd.s32 $0xD800, s0  }
0x6: {  	s12 =	sadd.s32 $0x3A00, s0;
	p0 =	seq.s32 s10, $0xF;
	s20 =	smul.u32 $0x4E000, s10  }
0x7: {  	s29 =	simm.s32 $0x4;
	s3 =	smul.u32 $0x138800, s1;
	_ =	strace $0x8000004A  }
0x8: {  	s7 =	sshll.u32 s1, $0x4;
	s9 =	ssub.s32 $0x2, s1;
	s1 =	smul.u32 $0x27100, s1  }
0x9: {  	s8 =	sor.u32 s10, s7;
	s10 =	smul.u32 $0x2710, s10;
	s25 =	sshrl.u32 s20, $0x2  }
0xa: {  	s3 =	sadd.s32 s6, s3;
	s6 =	smul.u32 $0x2710, s8;
	s8 =	simm.s32 $0x280  }
0xb: {  	[dreg:$0x4] =	wrdreg s12;
	s28 =	sadd.s32 s25, s2;
	s8 =	simm.s32 @!p0 $0x270  }
0xc: {  	s1 =	sadd.s32 s10, s1;
	[dreg:$0x12] =	wrdreg s28;
	s26 =	sshrl.u32 s8, $0x3  }
0xd: {  	s13 =	sshrl.u32 s9, $0x1;
	s25 =	sadd.s32 $0x1E0, s1;
	[dreg:$0x11] =	wrdreg s26  }
0xe: {  	s6 =	sshrl.u32 s6, $0x3;
	s8 =	sshll.u32 s8, $0x4;
	[smem:$0x7FC] =	sst s25  }
0xf: {  	s3 =	sshrl.u32 s3, $0x3;
	s14 =	sadd.s32 s12, s6;
	[dreg:$0x14] =	wrdreg s8  }
0x10: {  	s0 =	sadd.s32 s3, s0;
	s15 =	sadd.s32 s11, s6;
	[dreg:$0x5] =	wrdreg s14  }
0x11: {  	s3 =	ssub.s32 s9, s13;
	s0 =	sadd.s32 $0x34A00, s0;
	[dreg:$0x6] =	wrdreg s15  }
0x12: {  	s31 =	simm.s32 $0x2;
	s3 =	smax.u32 s3, $0x1;
	[dreg:$0x13] =	wrdreg s0  }
0x13: {  	s16 =	sadd.s32 $0xA, s6;
	s26 =	ssub.s32 $0x0, s8;
	[dreg:$0x15] =	wrdreg s3  }
0x14: {  	s9 =	sadd.s32 $0x14, s6;
	s13 =	sadd.s32 s12, s16;
	[smem:$0x7FD] =	sst s26  }
0x15: {  	s19 =	sadd.s32 $0x1E, s6;
	s7 =	sadd.s32 s11, s16;
	[dreg:$0x7] =	wrdreg s13  }
0x16: {  	s22 =	sadd.s32 $0x28, s6;
	s17 =	sadd.s32 s12, s9;
	[dreg:$0x8] =	wrdreg s7  }
0x17: {  	s6 =	sadd.s32 $0x32, s6;
	s18 =	sadd.s32 s11, s9;
	[dreg:$0x9] =	wrdreg s17  }
0x18: {  	s8 =	simm.s32 $0x50;
	s21 =	sadd.s32 s12, s19;
	[dreg:$0xa] =	wrdreg s18  }
0x19: {  	s25 =	simm.s32 $0x13;
	s23 =	sadd.s32 s12, s22;
	[dreg:$0xb] =	wrdreg s21  }
0x1a: {  	s24 =	sadd.s32 s12, s6;
	s6 =	sadd.s32 s11, s6;
	[dreg:$0xd] =	wrdreg s23  }
0x1b: {  	s15 =	sadd.s32 $0x2D0, s1;
	s26 =	simm.s32 $0x1;
	[dreg:$0xf] =	wrdreg s24  }
0x1c: {  	s7 =	sadd.s32 s11, s19;
	[dreg:$0x10] =	wrdreg s6;
	s13 =	sadd.s32 $0x320, s1  }
0x1d: {  	s17 =	sshrl.u32 s15, $0x3;
	s18 =	sadd.s32 $0x280, s1;
	s19 =	sadd.s32 $0x230, s1  }
0x1e: {  	s6 =	simm.s32 $0x5600;
	s15 =	simm.s32 $0x12;
	[dreg:$0xc] =	wrdreg s7  }
0x1f: {  	s7 =	sadd.s32 s11, s22;
	s14 =	sshrl.u32 s13, $0x3;
	s3 =	sadd.s32 s17, s11  }
0x20: {  	s20 =	sshrl.u32 s18, $0x3;
	s21 =	sshrl.u32 s19, $0x3;
	s18 =	simm.s32 $0x380  }
0x21: {  	s19 =	simm.s32 $0x600;
	s13 =	simm.s32 $0x10;
	[dreg:$0xe] =	wrdreg s7  }
0x22: {  	s7 =	sadd.s32 $0x370, s1;
	s16 =	sadd.s32 s14, s11;
	[dreg:$0x1a] =	wrdreg s3  }
0x23: {  	s22 =	sadd.s32 s20, s11;
	s23 =	sadd.s32 s21, s11;
	[dreg:$0x18] =	wrdreg s16  }
0x24: {  	s24 =	sadd.s32 s21, s12;
	s21 =	simm.s32 $0x300;
	[dreg:$0x1c] =	wrdreg s22  }
0x25: {  	s3 =	simm.s32 $0x5;
	s1 =	simm.s32 $0x0;
	[dreg:$0x1e] =	wrdreg s23  }
0x26: {  	s9 =	sshrl.u32 s7, $0x3;
	[dreg:$0x1f] =	wrdreg s24;
	s22 =	simm.s32 $0x400  }
0x27: {  	s24 =	simm.s32 $0x7E00;
	s7 =	simm.s32 $0xB;
	s23 =	simm.s32 $0xF  }
0x28: {  	s10 =	sadd.s32 s9, s11;
	s0 =	sadd.s32 s9, s12;
	s9 =	simm.s32 $0x3  }
.Ltmp0:
0x29: {  	s11 =	simm.s32 $0x6;
	[dreg:$0x16] =	wrdreg s10;
	(pc) =	sbr.rel .LBB2_1-.Ltmp0, $4  }
0x2a: {  	[dreg:$0x17] =	wrdreg s0;
	s0 =	sadd.s32 s14, s12;
	s14 =	simm.s32 $0x11  }
0x2b: {  	[dreg:$0x19] =	wrdreg s0;
	s0 =	sadd.s32 s17, s12;
	s17 =	simm.s32 $0x280  }
0x2c: {  	[dreg:$0x1b] =	wrdreg s0;
	s0 =	sadd.s32 s20, s12;
	s12 =	simm.s32 $0x180  }
0x2d: {  	v0 =	vimm.f32 $0.0e+00;
	s20 =	simm.s32 $0x2E00;
	[dreg:$0x1d] =	wrdreg s0;
	s0 =	simm.s32 $0xE  }
.LBB2_6:
0x2e: {  	_ =	swait.ge [sflag:s26], $0x2800  }
0x2f: {  	[sflag:s26] =	ssyncset.done $0x0  }
0x30: {  	s1 =	simm.s32 $0xD;
	[sflag:s26] =	ssyncadd.s32 $0xFFFFD800  }
0x31: {  	_ =	swait.ge [sflag:s1], $0x50  }
0x32: {  	[sflag:s1] =	ssyncset.done $0x0  }
0x33: {  	[sflag:s1] =	ssyncadd.s32 $0xFFFFFFB0  }
0x34: {  	[spmem:s2] =	stream.indirect.scatter.add.f32 [tilespmem:s19], [sflag:$0x4], $0x80, s21, s8, $0xb8;
	[tilespmem:$0x1BA80] =	vst v63  }
0x35: {  	_ =	swait.ge [sflag:s29], $0x2800  }
0x36: {  	[sflag:s29] =	ssyncset.done $0x0  }
0x37: {  	[sflag:s29] =	ssyncadd.s32 $0xFFFFD800  }
0x38: {  	_ =	swait.ge [sflag:s30], $0x50  }
0x39: {  	[sflag:s30] =	ssyncset.done $0x0  }
0x3a: {  	[sflag:s30] =	ssyncadd.s32 $0xFFFFFFB0  }
0x3b: {  	[tilespmem:s19], [sflag:$0x1] =	stream.indirect.gather [hbm4b:s5+s8], $0x80, s12, s8, $0xb8;
	[tilespmem:$0x1BA80] =	vst v63  }
0x3c: {  	_ =	swait.ge [sflag:s31], $0x2800  }
0x3d: {  	[sflag:s31] =	ssyncset.done $0x0  }
0x3e: {  	[sflag:s31] =	ssyncadd.s32 $0xFFFFD800  }
0x3f: {  	_ =	swait.ge [sflag:s0], $0x50  }
0x40: {  	[sflag:s0] =	ssyncset.done $0x0  }
0x41: {  	s17 =	simm.s32 $0x380;
	[sflag:s0] =	ssyncadd.s32 $0xFFFFFFB0  }
0x42: {  	[spmem:s2] =	stream.indirect.scatter.add.f32 [tilespmem:s20], [sflag:$0x5], $0x80, s17, s8, $0xb8;
	[tilespmem:$0x1BA80] =	vst v63  }
0x43: {  	_ =	swait.ge [sflag:s3], $0x2800  }
0x44: {  	[sflag:s3] =	ssyncset.done $0x0  }
0x45: {  	[sflag:s3] =	ssyncadd.s32 $0xFFFFD800  }
0x46: {  	_ =	swait.ge [sflag:s7], $0x50  }
0x47: {  	[sflag:s7] =	ssyncset.done $0x0  }
0x48: {  	[sflag:s7] =	ssyncadd.s32 $0xFFFFFFB0  }
0x49: {  	[tilespmem:s20], [sflag:$0x2] =	stream.indirect.gather [hbm4b:s5+s8], $0x80, s22, s8, $0xb8;
	[tilespmem:$0x1BA80] =	vst v63  }
0x4a: {  	_ =	swait.ge [sflag:s9], $0x2800  }
0x4b: {  	[sflag:s9] =	ssyncset.done $0x0  }
0x4c: {  	[sflag:s9] =	ssyncadd.s32 $0xFFFFD800  }
0x4d: {  	_ =	swait.ge [sflag:s23], $0x50  }
0x4e: {  	[sflag:s23] =	ssyncset.done $0x0  }
0x4f: {  	s22 =	simm.s32 $0x400;
	[sflag:s23] =	ssyncadd.s32 $0xFFFFFFB0  }
0x50: {  	[spmem:s2] =	stream.indirect.scatter.add.f32 [tilespmem:s6], [sflag:$0x6], $0x80, s22, s8, $0xb8;
	[tilespmem:$0x1BA80] =	vst v63  }
0x51: {  	_ =	swait.ge [sflag:s11], $0x2800  }
0x52: {  	[sflag:s11] =	ssyncset.done $0x0  }
0x53: {  	[sflag:s11] =	ssyncadd.s32 $0xFFFFD800  }
0x54: {  	_ =	swait.ge [sflag:s26], $0x2800  }
0x55: {  	[sflag:s26] =	ssyncset.done $0x0  }
0x56: {  	[sflag:s26] =	ssyncadd.s32 $0xFFFFD800  }
0x57: {  	_ =	swait.ge [sflag:s13], $0x50  }
0x58: {  	[sflag:s13] =	ssyncset.done $0x0  }
0x59: {  	s18 =	simm.s32 $0x480;
	[sflag:s13] =	ssyncadd.s32 $0xFFFFFFB0  }
0x5a: {  	[spmem:s2] =	stream.indirect.scatter.add.f32 [tilespmem:s19], [sflag:$0x4], $0x80, s18, s8, $0xb8;
	[tilespmem:$0x1BA80] =	vst v63  }
0x5b: {  	_ =	swait.ge [sflag:s29], $0x2800  }
0x5c: {  	[sflag:s29] =	ssyncset.done $0x0  }
0x5d: {  	[sflag:s29] =	ssyncadd.s32 $0xFFFFD800  }
0x5e: {  	_ =	swait.ge [sflag:s31], $0x2800  }
0x5f: {  	[sflag:s31] =	ssyncset.done $0x0  }
0x60: {  	[sflag:s31] =	ssyncadd.s32 $0xFFFFD800  }
0x61: {  	_ =	swait.ge [sflag:s14], $0x50  }
0x62: {  	[sflag:s14] =	ssyncset.done $0x0  }
0x63: {  	s21 =	simm.s32 $0x500;
	[sflag:s14] =	ssyncadd.s32 $0xFFFFFFB0  }
0x64: {  	[spmem:s2] =	stream.indirect.scatter.add.f32 [tilespmem:s20], [sflag:$0x5], $0x80, s21, s8, $0xb8;
	[tilespmem:$0x1BA80] =	vst v63  }
0x65: {  	_ =	swait.ge [sflag:s3], $0x2800  }
0x66: {  	[sflag:s3] =	ssyncset.done $0x0  }
0x67: {  	[sflag:s3] =	ssyncadd.s32 $0xFFFFD800  }
0x68: {  	[bflag:$0x0] =	sbarrier.arrive $0xFFFF  }
0x69: {  	s16 =	stileid.u32;
	s28 =	rddreg [dreg:$0x12]  }
0x6a: {  	s16 =	sshll.u32 s16, $0x6;
	s10 =	rddreg [dreg:$0x13]  }
0x6b: {  	s16 =	sor.u32 $0x1C13, s16;
	s18 =	rddreg [dreg:$0x14];
	s17 =	sshrl.u32 s28, $0x3  }
0x6c: {  	[hbm:s10], [sflag:s16] =	dma.local [spmem:s17], s18  }
0x6d: {  	_ =	swait.ge [sflag:s25], s18  }
0x6e: {  	s16 =	sld [smem:$0x7FB];
	_ =	sdelay $0x2  }
0x6f: {  	s10 =	rddreg [dreg:$0x15];
	s1 =	sadd.s32 $0x1, s16  }
0x70: {  	p0 =	sne.s32 s1, s10  }
.Ltmp1:
0x71: {  	_ = 	snop;
	(pc) =	sbr.rel @!p0 .LBB2_7-.Ltmp1, $3  }
0x72: {  	s10 =	sld [smem:$0x7FD];
	_ =	sdelay $0x1  }
0x73: {  	s21 =	simm.s32 $0x300;
	[sflag:s25] =	ssyncset.done $0x0  }
0x74: {  	s17 =	simm.s32 $0x280;
	s18 =	simm.s32 $0x380;
	[sflag:s25] =	ssyncadd.s32 s10  }
.LBB2_1:
0x75: {  	[smem:$0x7FB] =	sst s1  }
0x76: {  	s16 =	rddreg [dreg:$0x5]  }
0x77: {  	[tilespmem:s4], [sflag:$0x7] =	stream.linear.gather [hbm4b:s16+s4], $0x50, $0x38;
	[tilespmem:$0x1BA80] =	vst v63  }
0x78: {  	s10 =	rddreg [dreg:$0x6]  }
0x79: {  	[tilespmem:s21], [sflag:$0xD] =	stream.linear.gather [hbm4b:s10+s4], $0x50, $0x38;
	[tilespmem:$0x1BA80] =	vst v63  }
0x7a: {  	s1 =	rddreg [dreg:$0x7];
	s10 =	simm.s32 $0x80  }
0x7b: {  	[tilespmem:s10], [sflag:$0x8] =	stream.linear.gather [hbm4b:s1+s4], $0x50, $0x38;
	[tilespmem:$0x1BA80] =	vst v63  }
0x7c: {  	s1 =	rddreg [dreg:$0x8]  }
0x7d: {  	[tilespmem:s18], [sflag:$0xE] =	stream.linear.gather [hbm4b:s1+s4], $0x50, $0x38;
	[tilespmem:$0x1BA80] =	vst v63  }
0x7e: {  	s16 =	rddreg [dreg:$0x9];
	s1 =	simm.s32 $0x100  }
0x7f: {  	[tilespmem:s1], [sflag:$0x9] =	stream.linear.gather [hbm4b:s16+s4], $0x50, $0x38;
	[tilespmem:$0x1BA80] =	vst v63  }
0x80: {  	s16 =	rddreg [dreg:$0xa]  }
0x81: {  	[tilespmem:s22], [sflag:$0xF] =	stream.linear.gather [hbm4b:s16+s4], $0x50, $0x38;
	[tilespmem:$0x1BA80] =	vst v63  }
0x82: {  	s22 =	rddreg [dreg:$0xb]  }
0x83: {  	[tilespmem:s12], [sflag:$0xA] =	stream.linear.gather [hbm4b:s22+s4], $0x50, $0x38;
	[tilespmem:$0x1BA80] =	vst v63  }
0x84: {  	s18 =	simm.s32 $0x480;
	s22 =	rddreg [dreg:$0xc]  }
0x85: {  	[tilespmem:s18], [sflag:$0x10] =	stream.linear.gather [hbm4b:s22+s4], $0x50, $0x38;
	[tilespmem:$0x1BA80] =	vst v63  }
0x86: {  	s18 =	rddreg [dreg:$0xd];
	s22 =	simm.s32 $0x200  }
0x87: {  	[tilespmem:s22], [sflag:$0xB] =	stream.linear.gather [hbm4b:s18+s4], $0x50, $0x38;
	[tilespmem:$0x1BA80] =	vst v63  }
0x88: {  	s18 =	rddreg [dreg:$0xe];
	s22 =	simm.s32 $0x500  }
0x89: {  	[tilespmem:s22], [sflag:$0x11] =	stream.linear.gather [hbm4b:s18+s4], $0x50, $0x38;
	[tilespmem:$0x1BA80] =	vst v63  }
0x8a: {  	s22 =	rddreg [dreg:$0xf]  }
0x8b: {  	[tilespmem:s17], [sflag:$0xC] =	stream.linear.gather [hbm4b:s22+s4], $0x50, $0x38;
	[tilespmem:$0x1BA80] =	vst v63  }
0x8c: {  	s18 =	simm.s32 $0x580;
	s17 =	rddreg [dreg:$0x10];
	s22 =	simm.s32 $0x7  }
0x8d: {  	[tilespmem:s18], [sflag:$0x12] =	stream.linear.gather [hbm4b:s17+s4], $0x50, $0x38;
	[tilespmem:$0x1BA80] =	vst v63  }
0x8e: {  	_ =	swait.ge [sflag:s22], $0x50  }
0x8f: {  	[sflag:s22] =	ssyncset.done $0x0  }
0x90: {  	s17 =	simm.s32 $0x8;
	[sflag:s22] =	ssyncadd.s32 $0xFFFFFFB0  }
0x91: {  	[tilespmem:s19], [sflag:$0x1] =	stream.indirect.gather [hbm4b:s5+s8], $0x80, s4, s8, $0xb8;
	[tilespmem:$0x1BA80] =	vst v63  }
0x92: {  	_ =	swait.ge [sflag:s17], $0x50  }
0x93: {  	[sflag:s17] =	ssyncset.done $0x0  }
0x94: {  	s18 =	simm.s32 $0x9;
	[sflag:s17] =	ssyncadd.s32 $0xFFFFFFB0  }
0x95: {  	[tilespmem:s20], [sflag:$0x2] =	stream.indirect.gather [hbm4b:s5+s8], $0x80, s10, s8, $0xb8;
	[tilespmem:$0x1BA80] =	vst v63  }
0x96: {  	_ =	swait.ge [sflag:s18], $0x50  }
0x97: {  	[sflag:s18] =	ssyncset.done $0x0  }
0x98: {  	[sflag:s18] =	ssyncadd.s32 $0xFFFFFFB0  }
0x99: {  	[tilespmem:s6], [sflag:$0x3] =	stream.indirect.gather [hbm4b:s5+s8], $0x80, s1, s8, $0xb8;
	[tilespmem:$0x1BA80] =	vst v63  }
0x9a: {  	[tilespmem:$0x7E00] =	vst v0  }
0x9b: {  	[tilespmem:$0x7E10] =	vst v0  }
0x9c: {  	[tilespmem:$0x7E20] =	vst v0  }
0x9d: {  	[tilespmem:$0x7E30] =	vst v0  }
0x9e: {  	[tilespmem:$0x7E40] =	vst v0  }
0x9f: {  	[tilespmem:$0x7E50] =	vst v0  }
0xa0: {  	[tilespmem:$0x7E60] =	vst v0  }
0xa1: {  	[tilespmem:$0x7E70] =	vst v0  }
0xa2: {  	[tilespmem:$0x7E80] =	vst v0  }
0xa3: {  	[tilespmem:$0x7E90] =	vst v0  }
0xa4: {  	[tilespmem:$0x7EA0] =	vst v0  }
0xa5: {  	[tilespmem:$0x7EB0] =	vst v0  }
0xa6: {  	[tilespmem:$0x7EC0] =	vst v0  }
0xa7: {  	[tilespmem:$0x7ED0] =	vst v0  }
0xa8: {  	[tilespmem:$0x7EE0] =	vst v0  }
0xa9: {  	[tilespmem:$0x7EF0] =	vst v0  }
0xaa: {  	[tilespmem:$0x7F00] =	vst v0  }
0xab: {  	[tilespmem:$0x7F10] =	vst v0  }
0xac: {  	[tilespmem:$0x7F20] =	vst v0  }
0xad: {  	[tilespmem:$0x7F30] =	vst v0  }
0xae: {  	[tilespmem:$0x7F40] =	vst v0  }
0xaf: {  	[tilespmem:$0x7F50] =	vst v0  }
0xb0: {  	[tilespmem:$0x7F60] =	vst v0  }
0xb1: {  	[tilespmem:$0x7F70] =	vst v0  }
0xb2: {  	[tilespmem:$0x7F80] =	vst v0  }
0xb3: {  	[tilespmem:$0x7F90] =	vst v0  }
0xb4: {  	[tilespmem:$0x7FA0] =	vst v0  }
0xb5: {  	[tilespmem:$0x7FB0] =	vst v0  }
0xb6: {  	[tilespmem:$0x7FC0] =	vst v0  }
0xb7: {  	[tilespmem:$0x7FD0] =	vst v0  }
0xb8: {  	[tilespmem:$0x7FE0] =	vst v0  }
0xb9: {  	[tilespmem:$0x7FF0] =	vst v0  }
0xba: {  	[tilespmem:$0x8000] =	vst v0  }
0xbb: {  	[tilespmem:$0x8010] =	vst v0  }
0xbc: {  	[tilespmem:$0x8020] =	vst v0  }
0xbd: {  	[tilespmem:$0x8030] =	vst v0  }
0xbe: {  	[tilespmem:$0x8040] =	vst v0  }
0xbf: {  	[tilespmem:$0x8050] =	vst v0  }
0xc0: {  	[tilespmem:$0x8060] =	vst v0  }
0xc1: {  	[tilespmem:$0x8070] =	vst v0  }
0xc2: {  	[tilespmem:$0x8080] =	vst v0  }
0xc3: {  	[tilespmem:$0x8090] =	vst v0  }
0xc4: {  	[tilespmem:$0x80A0] =	vst v0  }
0xc5: {  	[tilespmem:$0x80B0] =	vst v0  }
0xc6: {  	[tilespmem:$0x80C0] =	vst v0  }
0xc7: {  	[tilespmem:$0x80D0] =	vst v0  }
0xc8: {  	[tilespmem:$0x80E0] =	vst v0  }
0xc9: {  	[tilespmem:$0x80F0] =	vst v0  }
0xca: {  	[tilespmem:$0x8100] =	vst v0  }
0xcb: {  	[tilespmem:$0x8110] =	vst v0  }
0xcc: {  	[tilespmem:$0x8120] =	vst v0  }
0xcd: {  	[tilespmem:$0x8130] =	vst v0  }
0xce: {  	[tilespmem:$0x8140] =	vst v0  }
0xcf: {  	[tilespmem:$0x8150] =	vst v0  }
0xd0: {  	[tilespmem:$0x8160] =	vst v0  }
0xd1: {  	[tilespmem:$0x8170] =	vst v0  }
0xd2: {  	[tilespmem:$0x8180] =	vst v0  }
0xd3: {  	[tilespmem:$0x8190] =	vst v0  }
0xd4: {  	[tilespmem:$0x81A0] =	vst v0  }
0xd5: {  	[tilespmem:$0x81B0] =	vst v0  }
0xd6: {  	s22 =	rddreg [dreg:$0x11];
	[tilespmem:$0x81C0] =	vst v0  }
0xd7: {  	p0 =	sne.s32 s22, $0x1;
	[tilespmem:$0x81D0] =	vst v0  }
.Ltmp2:
0xd8: {  	[tilespmem:$0x81E0] =	vst v0;
	(pc) =	sbr.rel @!p0 .LBB2_3-.Ltmp2, $4  }
0xd9: {  	[tilespmem:$0x81F0] =	vst v0  }
0xda: {  	[spmem:s28] =	stream.linear.scatter [tilespmem:s24], [sflag:$0x13], $0x400, $0x38;
	[tilespmem:$0x1BA80] =	vst v63  }
0xdb: {  	s17 =	smov.u32 s28;
	_ =	swait.ge [sflag:s25], $0x400  }
0xdc: {  	s16 =	sadd.s32 $0xFFFFFFFF, s22;
	s22 =	simm.s32 $0x200;
	[sflag:s25] =	ssyncset.done $0x0  }
.LBB2_2:
0xdd: {  	p0 =	sne.s32 s16, $0x1;
	[sflag:s25] =	ssyncadd.s32 $0xFFFFFC00;
	s17 =	sadd.s32 $0x400, s17  }
.Ltmp3:
0xde: {  	s16 =	sadd.s32 $0xFFFFFFFF, s16;
	(pc) =	sbr.rel @p0 .LBB2_2-.Ltmp3, $4  }
0xdf: {  	_ = 	snop  }
0xe0: {  	[spmem:s17] =	stream.linear.scatter [tilespmem:s24], [sflag:$0x13], $0x400, $0x38;
	[tilespmem:$0x1BA80] =	vst v63  }
0xe1: {  	_ =	swait.ge [sflag:s25], $0x400  }
0xe2: {  	[sflag:s25] =	ssyncset.done $0x0  }
.LBB2_3:
0xe3: {  	[sflag:s25] =	ssyncadd.s32 $0xFFFFFC00  }
0xe4: {  	s16 =	simm.s32 $0x0;
	[bflag:$0x0] =	sbarrier.arrive $0xFFFF  }
0xe5: {  	s10 =	simm.s32 $0x280;
	s28 =	simm.s32 $0x580;
	s17 =	sld [smem:$0x7FC]  }
.LBB2_4:
0xe6: {  	_ =	swait.ge [sflag:s26], $0x2800  }
0xe7: {  	[sflag:s26] =	ssyncset.done $0x0  }
0xe8: {  	s1 =	simm.s32 $0xD;
	[sflag:s26] =	ssyncadd.s32 $0xFFFFD800  }
0xe9: {  	_ =	swait.ge [sflag:s1], $0x50  }
0xea: {  	[sflag:s1] =	ssyncset.done $0x0  }
0xeb: {  	[sflag:s1] =	ssyncadd.s32 $0xFFFFFFB0  }
0xec: {  	[spmem:s2] =	stream.indirect.scatter.add.f32 [tilespmem:s19], [sflag:$0x4], $0x80, s21, s8, $0xb8;
	[tilespmem:$0x1BA80] =	vst v63  }
0xed: {  	_ =	swait.ge [sflag:s29], $0x2800  }
0xee: {  	[sflag:s29] =	ssyncset.done $0x0  }
0xef: {  	[sflag:s29] =	ssyncadd.s32 $0xFFFFD800  }
0xf0: {  	_ =	swait.ge [sflag:s30], $0x50  }
0xf1: {  	[sflag:s30] =	ssyncset.done $0x0  }
0xf2: {  	s18 =	sshrl.u32 s17, $0x3;
	s1 =	rddreg [dreg:$0x4];
	[sflag:s30] =	ssyncadd.s32 $0xFFFFFFB0  }
0xf3: {  	[tilespmem:s19], [sflag:$0x1] =	stream.indirect.gather [hbm4b:s5+s8], $0x80, s12, s8, $0xb8;
	[tilespmem:$0x1BA80] =	vst v63  }
0xf4: {  	s21 =	sadd.s32 s1, s18;
	s12 =	rddreg [dreg:$0x1]  }
0xf5: {  	[tilespmem:s4], [sflag:$0x7] =	stream.linear.gather [hbm4b:s21+s4], $0x50, $0x38;
	[tilespmem:$0x1BA80] =	vst v63  }
0xf6: {  	s18 =	sadd.s32 s12, s18;
	s21 =	simm.s32 $0x300  }
0xf7: {  	[tilespmem:s21], [sflag:$0xD] =	stream.linear.gather [hbm4b:s18+s4], $0x50, $0x38;
	[tilespmem:$0x1BA80] =	vst v63  }
0xf8: {  	_ =	swait.ge [sflag:s31], $0x2800  }
0xf9: {  	[sflag:s31] =	ssyncset.done $0x0  }
0xfa: {  	[sflag:s31] =	ssyncadd.s32 $0xFFFFD800  }
0xfb: {  	_ =	swait.ge [sflag:s0], $0x50  }
0xfc: {  	[sflag:s0] =	ssyncset.done $0x0  }
0xfd: {  	s1 =	simm.s32 $0x380;
	[sflag:s0] =	ssyncadd.s32 $0xFFFFFFB0  }
0xfe: {  	[spmem:s2] =	stream.indirect.scatter.add.f32 [tilespmem:s20], [sflag:$0x5], $0x80, s1, s8, $0xb8;
	[tilespmem:$0x1BA80] =	vst v63  }
0xff: {  	_ =	swait.ge [sflag:s3], $0x2800  }
0x100: {  	[sflag:s3] =	ssyncset.done $0x0  }
0x101: {  	[sflag:s3] =	ssyncadd.s32 $0xFFFFD800  }
0x102: {  	_ =	swait.ge [sflag:s7], $0x50  }
0x103: {  	[sflag:s7] =	ssyncset.done $0x0  }
0x104: {  	[sflag:s7] =	ssyncadd.s32 $0xFFFFFFB0  }
0x105: {  	[tilespmem:s20], [sflag:$0x2] =	stream.indirect.gather [hbm4b:s5+s8], $0x80, s22, s8, $0xb8;
	[tilespmem:$0x1BA80] =	vst v63  }
0x106: {  	s22 =	rddreg [dreg:$0x1f]  }
0x107: {  	s12 =	rddreg [dreg:$0x1e];
	s18 =	sadd.s32 s16, s22;
	s22 =	simm.s32 $0x80  }
0x108: {  	[tilespmem:s22], [sflag:$0x8] =	stream.linear.gather [hbm4b:s18+s4], $0x50, $0x38;
	[tilespmem:$0x1BA80] =	vst v63  }
0x109: {  	s18 =	sadd.s32 s16, s12  }
0x10a: {  	[tilespmem:s1], [sflag:$0xE] =	stream.linear.gather [hbm4b:s18+s4], $0x50, $0x38;
	[tilespmem:$0x1BA80] =	vst v63  }
0x10b: {  	_ =	swait.ge [sflag:s9], $0x2800  }
0x10c: {  	[sflag:s9] =	ssyncset.done $0x0  }
0x10d: {  	[sflag:s9] =	ssyncadd.s32 $0xFFFFD800  }
0x10e: {  	_ =	swait.ge [sflag:s23], $0x50  }
0x10f: {  	[sflag:s23] =	ssyncset.done $0x0  }
0x110: {  	s12 =	simm.s32 $0x400;
	[sflag:s23] =	ssyncadd.s32 $0xFFFFFFB0  }
0x111: {  	[spmem:s2] =	stream.indirect.scatter.add.f32 [tilespmem:s6], [sflag:$0x6], $0x80, s12, s8, $0xb8;
	[tilespmem:$0x1BA80] =	vst v63  }
0x112: {  	_ =	swait.ge [sflag:s11], $0x2800  }
0x113: {  	[sflag:s11] =	ssyncset.done $0x0  }
0x114: {  	s18 =	simm.s32 $0xC;
	[sflag:s11] =	ssyncadd.s32 $0xFFFFD800  }
0x115: {  	_ =	swait.ge [sflag:s18], $0x50  }
0x116: {  	[sflag:s18] =	ssyncset.done $0x0  }
0x117: {  	s1 =	rddreg [dreg:$0x1d];
	[sflag:s18] =	ssyncadd.s32 $0xFFFFFFB0  }
0x118: {  	[tilespmem:s6], [sflag:$0x3] =	stream.indirect.gather [hbm4b:s5+s8], $0x80, s10, s8, $0xb8;
	[tilespmem:$0x1BA80] =	vst v63  }
0x119: {  	s18 =	sadd.s32 s16, s1;
	s1 =	simm.s32 $0x100;
	s10 =	rddreg [dreg:$0x1c]  }
0x11a: {  	[tilespmem:s1], [sflag:$0x9] =	stream.linear.gather [hbm4b:s18+s4], $0x50, $0x38;
	[tilespmem:$0x1BA80] =	vst v63  }
0x11b: {  	s18 =	sadd.s32 s16, s10  }
0x11c: {  	[tilespmem:s12], [sflag:$0xF] =	stream.linear.gather [hbm4b:s18+s4], $0x50, $0x38;
	[tilespmem:$0x1BA80] =	vst v63  }
0x11d: {  	_ =	swait.ge [sflag:s26], $0x2800  }
0x11e: {  	[sflag:s26] =	ssyncset.done $0x0  }
0x11f: {  	[sflag:s26] =	ssyncadd.s32 $0xFFFFD800  }
0x120: {  	_ =	swait.ge [sflag:s13], $0x50  }
0x121: {  	[sflag:s13] =	ssyncset.done $0x0  }
0x122: {  	s10 =	simm.s32 $0x480;
	[sflag:s13] =	ssyncadd.s32 $0xFFFFFFB0  }
0x123: {  	[spmem:s2] =	stream.indirect.scatter.add.f32 [tilespmem:s19], [sflag:$0x4], $0x80, s10, s8, $0xb8;
	[tilespmem:$0x1BA80] =	vst v63  }
0x124: {  	_ =	swait.ge [sflag:s29], $0x2800  }
0x125: {  	[sflag:s29] =	ssyncset.done $0x0  }
0x126: {  	s18 =	simm.s32 $0x7;
	[sflag:s29] =	ssyncadd.s32 $0xFFFFD800  }
0x127: {  	_ =	swait.ge [sflag:s18], $0x50  }
0x128: {  	[sflag:s18] =	ssyncset.done $0x0  }
0x129: {  	[sflag:s18] =	ssyncadd.s32 $0xFFFFFFB0;
	s18 =	rddreg [dreg:$0x1b]  }
0x12a: {  	[tilespmem:s19], [sflag:$0x1] =	stream.indirect.gather [hbm4b:s5+s8], $0x80, s4, s8, $0xb8;
	[tilespmem:$0x1BA80] =	vst v63  }
0x12b: {  	s12 =	simm.s32 $0x180;
	s18 =	sadd.s32 s16, s18  }
0x12c: {  	[tilespmem:s12], [sflag:$0xA] =	stream.linear.gather [hbm4b:s18+s4], $0x50, $0x38;
	[tilespmem:$0x1BA80] =	vst v63  }
0x12d: {  	s18 =	rddreg [dreg:$0x1a]  }
0x12e: {  	s18 =	sadd.s32 s16, s18  }
0x12f: {  	[tilespmem:s10], [sflag:$0x10] =	stream.linear.gather [hbm4b:s18+s4], $0x50, $0x38;
	[tilespmem:$0x1BA80] =	vst v63  }
0x130: {  	_ =	swait.ge [sflag:s31], $0x2800  }
0x131: {  	[sflag:s31] =	ssyncset.done $0x0  }
0x132: {  	[sflag:s31] =	ssyncadd.s32 $0xFFFFD800  }
0x133: {  	_ =	swait.ge [sflag:s14], $0x50  }
0x134: {  	[sflag:s14] =	ssyncset.done $0x0  }
0x135: {  	s10 =	simm.s32 $0x500;
	[sflag:s14] =	ssyncadd.s32 $0xFFFFFFB0  }
0x136: {  	[spmem:s2] =	stream.indirect.scatter.add.f32 [tilespmem:s20], [sflag:$0x5], $0x80, s10, s8, $0xb8;
	[tilespmem:$0x1BA80] =	vst v63  }
0x137: {  	_ =	swait.ge [sflag:s3], $0x2800  }
0x138: {  	[sflag:s3] =	ssyncset.done $0x0  }
0x139: {  	s18 =	simm.s32 $0x8;
	[sflag:s3] =	ssyncadd.s32 $0xFFFFD800  }
0x13a: {  	_ =	swait.ge [sflag:s18], $0x50  }
0x13b: {  	[sflag:s18] =	ssyncset.done $0x0  }
0x13c: {  	[sflag:s18] =	ssyncadd.s32 $0xFFFFFFB0;
	s18 =	rddreg [dreg:$0x19]  }
0x13d: {  	[tilespmem:s20], [sflag:$0x2] =	stream.indirect.gather [hbm4b:s5+s8], $0x80, s22, s8, $0xb8;
	[tilespmem:$0x1BA80] =	vst v63  }
0x13e: {  	s22 =	simm.s32 $0x200;
	s18 =	sadd.s32 s16, s18  }
0x13f: {  	[tilespmem:s22], [sflag:$0xB] =	stream.linear.gather [hbm4b:s18+s4], $0x50, $0x38;
	[tilespmem:$0x1BA80] =	vst v63  }
0x140: {  	s18 =	rddreg [dreg:$0x18]  }
0x141: {  	s18 =	sadd.s32 s16, s18  }
0x142: {  	[tilespmem:s10], [sflag:$0x11] =	stream.linear.gather [hbm4b:s18+s4], $0x50, $0x38;
	[tilespmem:$0x1BA80] =	vst v63  }
0x143: {  	_ =	swait.ge [sflag:s9], $0x2800  }
0x144: {  	[sflag:s9] =	ssyncset.done $0x0  }
0x145: {  	[sflag:s9] =	ssyncadd.s32 $0xFFFFD800  }
0x146: {  	_ =	swait.ge [sflag:s15], $0x50  }
0x147: {  	[sflag:s15] =	ssyncset.done $0x0  }
0x148: {  	[sflag:s15] =	ssyncadd.s32 $0xFFFFFFB0  }
0x149: {  	[spmem:s2] =	stream.indirect.scatter.add.f32 [tilespmem:s6], [sflag:$0x6], $0x80, s28, s8, $0xb8;
	[tilespmem:$0x1BA80] =	vst v63  }
0x14a: {  	_ =	swait.ge [sflag:s11], $0x2800  }
0x14b: {  	p0 =	seq.s32 s16, $0x474;
	[sflag:s11] =	ssyncset.done $0x0  }
.Ltmp4:
0x14c: {  	s18 =	simm.s32 $0x9;
	[sflag:s11] =	ssyncadd.s32 $0xFFFFD800;
	(pc) =	sbr.rel @p0 .LBB2_6-.Ltmp4, $4  }
0x14d: {  	_ =	swait.ge [sflag:s18], $0x50  }
0x14e: {  	[sflag:s18] =	ssyncset.done $0x0  }
0x14f: {  	s10 =	simm.s32 $0x280;
	[sflag:s18] =	ssyncadd.s32 $0xFFFFFFB0  }
0x150: {  	[tilespmem:s6], [sflag:$0x3] =	stream.indirect.gather [hbm4b:s5+s8], $0x80, s1, s8, $0xb8;
	[tilespmem:$0x1BA80] =	vst v63  }
0x151: {  	s18 =	rddreg [dreg:$0x17]  }
.Ltmp5:
0x152: {  	s18 =	sadd.s32 s16, s18;
	(pc) =	sbr.rel .LBB2_4-.Ltmp5, $4  }
0x153: {  	[tilespmem:s10], [sflag:$0xC] =	stream.linear.gather [hbm4b:s18+s4], $0x50, $0x38;
	[tilespmem:$0x1BA80] =	vst v63  }
0x154: {  	s17 =	sadd.s32 $0x1E0, s17;
	s10 =	rddreg [dreg:$0x16]  }
0x155: {  	s18 =	sadd.s32 s16, s10;
	s16 =	sadd.s32 $0x3C, s16;
	s10 =	simm.s32 $0x280  }
0x156: {  	[tilespmem:s28], [sflag:$0x12] =	stream.linear.gather [hbm4b:s18+s4], $0x50, $0x38;
	[tilespmem:$0x1BA80] =	vst v63  }
.LBB2_7:
0x157: {  	_ =	sfence.sel $0x180000  }
0x158: {  	[bflag:$0x0] =	sbarrier.arrive $0xFFFF  }
0x159: {  	_ =	strace $0x9000004A  }
0x15a: {  	s0 =	stileid.u32;
	[bflag:$0x2] =	sbarrier.arrive $0xFFFF  }
0x15b: {  	p0 =	sne.s32 s0, $0x0;
	s0 =	rddreg [dreg:$0x3]  }
0x15c: {  	s0 =	sadd.s32 @!p0 $0x100000, s0  }
0x15d: {  	[sflag:s0] =	ssyncadd.tile.s32 @!p0 $0x1;
	_ =	shalt  }
.Lfunc_end2:
_tile_overlayer_lowered:
.L_overlay_start_2:
0x15e: {  	(tag) =	ssettag $0x2  }
0x15f: {  	s0 =	rddreg [dreg:$0x0];
	s2 =	stileid.u32  }
0x160: {  	s1 =	rddreg [dreg:$0x1];
	p0 =	sne.s32 s2, $0x0  }
0x161: {  	s3 =	rddreg [dreg:$0x2];
	[bflag:$0x3] =	sbarrier.arrive $0xFFFF;
	s2 =	simm.s32 @!p0 $0x1C13  }
0x162: {  	[timem:s3], [sflag:s2] =	dma.local @!p0 [hbm:s0], s1  }
0x163: {  	s0 =	simm.s32 @!p0 $0x13  }
0x164: {  	_ =	swait.ge @!p0 [sflag:s0], s1  }
0x165: {  	s1 =	ssub.s32 @!p0 $0x0, s1;
	[sflag:s0] =	ssyncset.done @!p0 $0x0  }
0x166: {  	[sflag:s0] =	ssyncadd.s32 @!p0 s1  }
0x167: {  	[bflag:$0x3] =	sbarrier.arrive $0xFFFF  }
0x168: {  	_ =	shalt  }

// kernel: kernel.14.cloned.1.call-start
scs
__scs_entry_jumppad:
0x0: {  	(pc) =	sbr.rel $0x88, $3  }
0x1: {  	(tag) =	ssettag $0x0;
	lr =	simm.s32 $0x1  }
0x2: {  	[smem:$0x3F95] =	sst lr;
	_ =	strace $0xD0000000  }
0x3: {  	_ = 	snop  }
0x4: {  	_ = 	snop  }
0x5: {  	_ = 	snop  }
0x6: {  	_ = 	snop  }
0x7: {  	_ = 	snop  }
__scs_overlays_trampoline_lowered:
0x8: {  	[smem:$0x3FA4] =	sst s0  }
0x9: {  	[smem:$0x3FA5] =	sst s1  }
0xa: {  	[smem:$0x3FA6] =	sst s2  }
0xb: {  	[smem:$0x3FA7] =	sst s3  }
0xc: {  	[smem:$0x3FA8] =	sst s4  }
0xd: {  	[smem:$0x3FA9] =	sst s5  }
0xe: {  	[smem:$0x3FAA] =	sst s6  }
0xf: {  	[smem:$0x3FAB] =	sst s7  }
0x10: {  	[smem:$0x3FAC] =	sst s8  }
0x11: {  	[smem:$0x3FAD] =	sst s9;
	s0 =	simm.s32 @!p0 $0x0  }
0x12: {  	s1 =	sld [smem:$0x3F93];
	s0 =	simm.s32 @p0 $0x1  }
0x13: {  	[smem:$0x3FAE] =	sst s0;
	s0 =	simm.s32 @!p1 $0x0  }
0x14: {  	s2 =	sld [smem:$0x3F92];
	s0 =	simm.s32 @p1 $0x1  }
0x15: {  	[smem:$0x3FAF] =	sst s0;
	s0 =	simm.s32 @!p2 $0x0  }
0x16: {  	s3 =	sld [smem:$0x3FDB];
	s0 =	simm.s32 @p2 $0x1  }
0x17: {  	s4 =	simm.s32 $0x1BF5;
	[smem:$0x3FB1] =	sst s0  }
0x18: {  	s0 =	sld [smem:$0x3F94];
	_ =	swait.ge [sflag:s4], $0x0  }
0x19: {  	s7 =	sld [smem:$0x3F95]  }
0x1a: {  	s8 =	sadd.s32 $0xFFFFE003, lr  }
0x1b: {  	s9 =	sadd.s32 $0xFFFFFEF7, lr;
	s5 =	simm.s32 $0xFFFFFFFF;
	p2 =	slt.u32 s8, $0xFFFFF086  }
0x1c: {  	p1 =	slt.u32 s9, $0xF7A;
	s5 =	simm.s32 @!p2 $0x0  }
0x1d: {  	s5 =	simm.s32 @p1 $0x1;
	p0 =	seq.s32 s7, s2  }
0x1e: {  	s7 =	smul.u32 @!p0 $0xF7A, s2;
	p2 =	seq.s32 @!p0 s5, $0x0  }
0x1f: {  	s9 =	smul.u32 $0xF7A, s1;
	s8 =	simm.s32 @!p0 $0x1BF5;
	p2 =	por !p2, p0  }
0x20: {  	[sflag:s8] =	ssyncset.s32 @!p0 $0xFFFFF086;
	s6 =	sadd.s32 @!p0 s3, s7;
	s7 =	simm.s32 @!p0 $0x108  }
0x21: {  	s3 =	sadd.s32 s3, s9;
	s6 =	sadd.s32 @!p0 $0x88, s6;
	s7 =	simm.s32 @p2 $0x1082  }
0x22: {  	[simem:s7], [sflag:s8] =	dma.local @!p0 [hbm:s6], $0xF7A  }
0x23: {  	s9 =	sor.u32 $0xD0000000, s2;
	s6 =	simm.s32 $0x108;
	_ =	swait.ge @!p0 [sflag:s8], $0x0  }
0x24: {  	s3 =	sadd.s32 $0x88, s3;
	s6 =	simm.s32 @!p1 $0x1082;
	[sflag:s4] =	ssyncset.s32 $0xFFFFF086  }
0x25: {  	[simem:s6], [sflag:s4] =	dma.local [hbm:s3], $0xF7A  }
0x26: {  	[smem:$0x3F95] =	sst s1;
	(tag) =	ssettag s2;
	_ =	strace s9  }
0x27: {  	s1 =	sld [smem:$0x3FA5]  }
0x28: {  	s2 =	sld [smem:$0x3FA6]  }
0x29: {  	s4 =	sld [smem:$0x3FA8]  }
0x2a: {  	p0 =	seq.s32 s5, $0x0;
	s5 =	sld [smem:$0x3FA9]  }
0x2b: {  	s6 =	sld [smem:$0x3FAA]  }
0x2c: {  	s7 =	sld [smem:$0x3FAB]  }
0x2d: {  	s3 =	simm.s32 $0x108;
	s8 =	sld [smem:$0x3FAC]  }
0x2e: {  	s3 =	simm.s32 @!p0 $0x1082;
	s9 =	sld [smem:$0x3FAD]  }
0x2f: {  	lr =	sadd.s32 s0, s3;
	s0 =	sld [smem:$0x3FA4]  }
0x30: {  	s3 =	sld [smem:$0x3FA7]  }
0x31: {  	[smem:$0x3FB0] =	sst s10  }
0x32: {  	s10 =	sld [smem:$0x3FAE];
	_ =	sdelay $0x3  }
0x33: {  	p0 =	seq.s32 s10, $0x1;
	s10 =	sld [smem:$0x3FB0];
	_ =	sdelay $0x3  }
0x34: {  	[smem:$0x3FB0] =	sst s10  }
0x35: {  	s10 =	sld [smem:$0x3FAF];
	_ =	sdelay $0x3  }
0x36: {  	p1 =	seq.s32 s10, $0x1;
	s10 =	sld [smem:$0x3FB0];
	_ =	sdelay $0x3  }
0x37: {  	[smem:$0x3FB0] =	sst s10  }
0x38: {  	s10 =	sld [smem:$0x3FB1]  }
0x39: {  	_ = 	snop;
	(pc) =	sbr.ind lr, $3  }
0x3a: {  	_ = 	snop  }
0x3b: {  	_ = 	snop  }
0x3c: {  	p2 =	seq.s32 s10, $0x1;
	s10 =	sld [smem:$0x3FB0]  }
0x3d: {  	_ =	shalt  }
0x3e: {  	_ =	shalt  }
0x3f: {  	_ =	shalt  }
0x40: {  	_ =	shalt  }
0x41: {  	_ =	shalt  }
0x42: {  	_ =	shalt  }
0x43: {  	_ =	shalt  }
0x44: {  	_ =	shalt  }
0x45: {  	_ =	shalt  }
0x46: {  	_ =	shalt  }
0x47: {  	_ =	shalt  }
0x48: {  	_ =	shalt  }
0x49: {  	_ =	shalt  }
0x4a: {  	_ =	shalt  }
0x4b: {  	_ =	shalt  }
0x4c: {  	_ =	shalt  }
0x4d: {  	_ =	shalt  }
0x4e: {  	_ =	shalt  }
0x4f: {  	_ =	shalt  }
0x50: {  	_ =	shalt  }
0x51: {  	_ =	shalt  }
0x52: {  	_ =	shalt  }
0x53: {  	_ =	shalt  }
0x54: {  	_ =	shalt  }
0x55: {  	_ =	shalt  }
0x56: {  	_ =	shalt  }
0x57: {  	_ =	shalt  }
0x58: {  	_ =	shalt  }
0x59: {  	_ =	shalt  }
0x5a: {  	_ =	shalt  }
0x5b: {  	_ =	shalt  }
0x5c: {  	_ =	shalt  }
0x5d: {  	_ =	shalt  }
0x5e: {  	_ =	shalt  }
0x5f: {  	_ =	shalt  }
0x60: {  	_ =	shalt  }
0x61: {  	_ =	shalt  }
0x62: {  	_ =	shalt  }
0x63: {  	_ =	shalt  }
0x64: {  	_ =	shalt  }
0x65: {  	_ =	shalt  }
0x66: {  	_ =	shalt  }
0x67: {  	_ =	shalt  }
0x68: {  	_ =	shalt  }
0x69: {  	_ =	shalt  }
0x6a: {  	_ =	shalt  }
0x6b: {  	_ =	shalt  }
0x6c: {  	_ =	shalt  }
0x6d: {  	_ =	shalt  }
0x6e: {  	_ =	shalt  }
0x6f: {  	_ =	shalt  }
0x70: {  	_ =	shalt  }
0x71: {  	_ =	shalt  }
0x72: {  	_ =	shalt  }
0x73: {  	_ =	shalt  }
0x74: {  	_ =	shalt  }
0x75: {  	_ =	shalt  }
0x76: {  	_ =	shalt  }
0x77: {  	_ =	shalt  }
0x78: {  	_ =	shalt  }
0x79: {  	_ =	shalt  }
0x7a: {  	_ =	shalt  }
0x7b: {  	_ =	shalt  }
0x7c: {  	_ =	shalt  }
0x7d: {  	_ =	shalt  }
0x7e: {  	_ =	shalt  }
0x7f: {  	_ =	shalt  }
0x80: {  	_ =	shalt  }
0x81: {  	_ =	shalt  }
0x82: {  	_ =	shalt  }
0x83: {  	_ =	shalt  }
0x84: {  	_ =	shalt  }
0x85: {  	_ =	shalt  }
0x86: {  	_ =	shalt  }
0x87: {  	_ =	shalt  }
.Lfunc_end0:
.L_simem_size_0:
called_computation.2_lowered:
.L_overlay_start_0:
0x88: {  	s2 =	sld [smem:$0x3FD9]  }
0x89: {  	s3 =	sld [smem:$0x3FFE];
	_ =	sdelay $0x1  }
0x8a: {  	s1 =	srdreg.scid  }
0x8b: {  	s0 =	sand.u32 $0x1, s1  }
0x8c: {  	s17 =	sshll.u32 s0, $0xA;
	s2 =	sadd.s32 s3, s2  }
0x8d: {  	s2 =	sadd.s32 s2, s17  }
0x8e: {  	[smem:$0x3FBC] =	sst s2  }
0x8f: {  	_ = 	snop  }
0x90: {  	s2 =	sld [smem:$0x3FD0];
	(tm) =	ssettm $0x1  }
0x91: {  	s18 =	sld [smem:$0x3FFB];
	_ =	sdelay $0x3  }
0x92: {  	_ =	strace s18  }
0x93: {  	s3 =	sld [smem:$0x3FFC];
	_ =	sdelay $0x3  }
0x94: {  	_ =	strace s3  }
0x95: {  	s3 =	sld [smem:$0x3FFD];
	_ =	sdelay $0x3  }
0x96: {  	_ =	strace s3  }
0x97: {  	_ =	strace $0x8FFFFFFF  }
0x98: {  	s19 =	sld [smem:$0x3FDB];
	_ =	sdelay $0x1  }
0x99: {  	s4 =	simm.s32 $_scs_section_size  }
0x9a: {  	s5 =	simm.s32 $_size__tile_overlayer_lowered;
	s6 =	simm.s32 $_tile_overlayer_lowered  }
0x9b: {  	s22 =	simm.s32 $0x1BFF;
	s21 =	sshll.u32 s6, $0x1;
	s3 =	sadd.s32 s4, s19  }
0x9c: {  	s7 =	simm.s32 $0x0;
	s20 =	sshll.u32 s5, $0x1;
	s5 =	sadd.s32 s21, s3  }
0x9d: {  	[timem:s7], [sflag:s22] =	dma.local [hbm:s5], s20  }
0x9e: {  	_ =	swait.ge [sflag:s22], s20  }
0x9f: {  	s4 =	ssub.s32 $0x0, s20;
	[sflag:s22] =	ssyncset.done $0x0  }
0xa0: {  	[sflag:s22] =	ssyncadd.s32 s4;
	_ =	sdelay $0x1  }
0xa1: {  	s23 =	simm.s32 $0x1B8B  }
0xa2: {  	_ =	swait.ge [sflag:s23], $0x1  }
0xa3: {  	[sflag:s23] =	ssyncset.done $0x0  }
0xa4: {  	s25 =	simm.s32 $0x1B8E;
	s24 =	sld [smem:$0x3FFE];
	[sflag:s23] =	ssyncadd.s32 $0xFFFFFFFF  }
0xa5: {  	s26 =	simm.s32 $execute0_lowered;
	[smem:$0x3FD2] =	sst s25  }
0xa6: {  	s5 =	sshll.u32 s26, $0x1;
	_ =	strace $0x8000004C;
	[dreg:$0x1] =	wrdreg $0xFFFFFFFF  }
0xa7: {  	s28 =	simm.s32 $_size_execute0_lowered;
	s3 =	sadd.s32 s3, s5;
	[dreg:$0x0] =	wrdreg $0x0  }
0xa8: {  	s5 =	sshll.u32 s28, $0x1;
	[dreg:$0x2] =	wrdreg s3  }
0xa9: {  	[dreg:$0x3] =	wrdreg s5  }
0xaa: {  	[dreg:$0x4] =	wrdreg $0xC0  }
0xab: {  	_ =	task [dreg:s7], $0x5FFFF  }
0xac: {  	[dreg:$0x1] =	wrdreg $0xFFFFFFFF  }
0xad: {  	[dreg:$0x0] =	wrdreg $0x60  }
0xae: {  	[dreg:$0x2] =	wrdreg s24  }
0xaf: {  	[dreg:$0x3] =	wrdreg s2  }
0xb0: {  	[dreg:$0x4] =	wrdreg $0x82000  }
0xb1: {  	[dreg:$0x5] =	wrdreg $0x9  }
0xb2: {  	_ =	task.clear_ibuf [dreg:s7], $0x6FFFF;
	_ =	strace $0x9000004C  }
0xb3: {  	s29 =	simm.s32 $0x9;
	_ =	strace $0x8000004E  }
0xb4: {  	_ =	swait.ge [sflag:s29], $0x1  }
0xb5: {  	[sflag:s29] =	ssyncadd.s32 $0xFFFFFFFF  }
0xb6: {  	_ =	strace $0x9000004E  }
0xb7: {  	_ =	sfence  }
0xb8: {  	s30 =	sld [smem:$0x0];
	_ =	sdelay $0x2  }
0xb9: {  	s31 =	sshll.u32 s1, $0xD;
	s1 =	sshrl.u32 s1, $0x2  }
0xba: {  	s3 =	sand.u32 $0x4000, s31;
	s1 =	sadd.s32 s1, s30  }
0xbb: {  	s0 =	sor.u32 s3, s0;
	s1 =	sshll.u32 s1, $0x11  }
0xbc: {  	s0 =	sor.u32 s1, s0  }
0xbd: {  	s0 =	sadd.s32 $0x8F2B, s0  }
0xbe: {  	[sflag:s0] =	ssyncadd.remote.s32 $0x1  }
0xbf: {  	_ =	sfence.sel $0xFFFF  }
0xc0: {  	[dreg:$0x0] =	wrdreg $0xFFFFFFFF;
	(pc) =	sbr.abs _section_cstart, $3  }
0xc1: {  	[dreg:$0x1] =	wrdreg $0xFFFFFFFF  }
0xc2: {  	_ =	task.clear_ibuf [dreg:s7], $0x2FFFF;
	_ =	strace $0x9FFFFFFF  }
0xc3: {  	(tm) =	ssettm $0x7FFFFFFF  }
tec
execute0_lowered:
.L_overlay_start_1:
0x0: {  	(tag) =	ssettag $0x1  }
0x1: {  	s0 =	rddreg [dreg:$0x0]  }
0x2: {  	s11 =	rddreg [dreg:$0x1]  }
0x3: {  	s2 =	rddreg [dreg:$0x2];
	s1 =	srdreg.scid;
	s4 =	simm.s32 $0x0  }
0x4: {  	s10 =	stileid.u32;
	s30 =	simm.s32 $0xA;
	s1 =	sand.u32 $0x1, s1  }
0x5: {  	[smem:$0x7FF] =	sst s4;
	s6 =	smul.u32 $0x13800, s10;
	s5 =	sadd.s32 $0xD800, s0  }
0x6: {  	s12 =	sadd.s32 $0x3A00, s0;
	p0 =	seq.s32 s10, $0xF;
	s20 =	smul.u32 $0x4E000, s10  }
0x7: {  	s29 =	simm.s32 $0x4;
	s3 =	smul.u32 $0x138800, s1;
	_ =	strace $0x8000004D  }
0x8: {  	s7 =	sshll.u32 s1, $0x4;
	s9 =	ssub.s32 $0x2, s1;
	s1 =	smul.u32 $0x27100, s1  }
0x9: {  	s8 =	sor.u32 s10, s7;
	s10 =	smul.u32 $0x2710, s10;
	s25 =	sshrl.u32 s20, $0x2  }
0xa: {  	s3 =	sadd.s32 s6, s3;
	s6 =	smul.u32 $0x2710, s8;
	s8 =	simm.s32 $0x280  }
0xb: {  	[dreg:$0x4] =	wrdreg s12;
	s28 =	sadd.s32 s25, s2;
	s8 =	simm.s32 @!p0 $0x270  }
0xc: {  	s1 =	sadd.s32 s10, s1;
	[dreg:$0x12] =	wrdreg s28;
	s26 =	sshrl.u32 s8, $0x3  }
0xd: {  	s13 =	sshrl.u32 s9, $0x1;
	s25 =	sadd.s32 $0x1E0, s1;
	[dreg:$0x11] =	wrdreg s26  }
0xe: {  	s6 =	sshrl.u32 s6, $0x3;
	s8 =	sshll.u32 s8, $0x4;
	[smem:$0x7FC] =	sst s25  }
0xf: {  	s3 =	sshrl.u32 s3, $0x3;
	s14 =	sadd.s32 s12, s6;
	[dreg:$0x14] =	wrdreg s8  }
0x10: {  	s0 =	sadd.s32 s3, s0;
	s15 =	sadd.s32 s11, s6;
	[dreg:$0x5] =	wrdreg s14  }
0x11: {  	s3 =	ssub.s32 s9, s13;
	s0 =	sadd.s32 $0x34A00, s0;
	[dreg:$0x6] =	wrdreg s15  }
0x12: {  	s31 =	simm.s32 $0x2;
	s3 =	smax.u32 s3, $0x1;
	[dreg:$0x13] =	wrdreg s0  }
0x13: {  	s16 =	sadd.s32 $0xA, s6;
	s26 =	ssub.s32 $0x0, s8;
	[dreg:$0x15] =	wrdreg s3  }
0x14: {  	s9 =	sadd.s32 $0x14, s6;
	s13 =	sadd.s32 s12, s16;
	[smem:$0x7FD] =	sst s26  }
0x15: {  	s19 =	sadd.s32 $0x1E, s6;
	s7 =	sadd.s32 s11, s16;
	[dreg:$0x7] =	wrdreg s13  }
0x16: {  	s22 =	sadd.s32 $0x28, s6;
	s17 =	sadd.s32 s12, s9;
	[dreg:$0x8] =	wrdreg s7  }
0x17: {  	s6 =	sadd.s32 $0x32, s6;
	s18 =	sadd.s32 s11, s9;
	[dreg:$0x9] =	wrdreg s17  }
0x18: {  	s8 =	simm.s32 $0x50;
	s21 =	sadd.s32 s12, s19;
	[dreg:$0xa] =	wrdreg s18  }
0x19: {  	s25 =	simm.s32 $0x13;
	s23 =	sadd.s32 s12, s22;
	[dreg:$0xb] =	wrdreg s21  }
0x1a: {  	s24 =	sadd.s32 s12, s6;
	s6 =	sadd.s32 s11, s6;
	[dreg:$0xd] =	wrdreg s23  }
0x1b: {  	s15 =	sadd.s32 $0x2D0, s1;
	s26 =	simm.s32 $0x1;
	[dreg:$0xf] =	wrdreg s24  }
0x1c: {  	s7 =	sadd.s32 s11, s19;
	[dreg:$0x10] =	wrdreg s6;
	s13 =	sadd.s32 $0x320, s1  }
0x1d: {  	s17 =	sshrl.u32 s15, $0x3;
	s18 =	sadd.s32 $0x280, s1;
	s19 =	sadd.s32 $0x230, s1  }
0x1e: {  	s6 =	simm.s32 $0x5600;
	s15 =	simm.s32 $0x12;
	[dreg:$0xc] =	wrdreg s7  }
0x1f: {  	s7 =	sadd.s32 s11, s22;
	s14 =	sshrl.u32 s13, $0x3;
	s3 =	sadd.s32 s17, s11  }
0x20: {  	s20 =	sshrl.u32 s18, $0x3;
	s21 =	sshrl.u32 s19, $0x3;
	s18 =	simm.s32 $0x380  }
0x21: {  	s19 =	simm.s32 $0x600;
	s13 =	simm.s32 $0x10;
	[dreg:$0xe] =	wrdreg s7  }
0x22: {  	s7 =	sadd.s32 $0x370, s1;
	s16 =	sadd.s32 s14, s11;
	[dreg:$0x1a] =	wrdreg s3  }
0x23: {  	s22 =	sadd.s32 s20, s11;
	s23 =	sadd.s32 s21, s11;
	[dreg:$0x18] =	wrdreg s16  }
0x24: {  	s24 =	sadd.s32 s21, s12;
	s21 =	simm.s32 $0x300;
	[dreg:$0x1c] =	wrdreg s22  }
0x25: {  	s3 =	simm.s32 $0x5;
	s1 =	simm.s32 $0x0;
	[dreg:$0x1e] =	wrdreg s23  }
0x26: {  	s9 =	sshrl.u32 s7, $0x3;
	[dreg:$0x1f] =	wrdreg s24;
	s22 =	simm.s32 $0x400  }
0x27: {  	s24 =	simm.s32 $0x7E00;
	s7 =	simm.s32 $0xB;
	s23 =	simm.s32 $0xF  }
0x28: {  	s10 =	sadd.s32 s9, s11;
	s0 =	sadd.s32 s9, s12;
	s9 =	simm.s32 $0x3  }
.Ltmp0:
0x29: {  	s11 =	simm.s32 $0x6;
	[dreg:$0x16] =	wrdreg s10;
	(pc) =	sbr.rel .LBB2_1-.Ltmp0, $4  }
0x2a: {  	[dreg:$0x17] =	wrdreg s0;
	s0 =	sadd.s32 s14, s12;
	s14 =	simm.s32 $0x11  }
0x2b: {  	[dreg:$0x19] =	wrdreg s0;
	s0 =	sadd.s32 s17, s12;
	s17 =	simm.s32 $0x280  }
0x2c: {  	[dreg:$0x1b] =	wrdreg s0;
	s0 =	sadd.s32 s20, s12;
	s12 =	simm.s32 $0x180  }
0x2d: {  	v0 =	vimm.f32 $0.0e+00;
	s20 =	simm.s32 $0x2E00;
	[dreg:$0x1d] =	wrdreg s0;
	s0 =	simm.s32 $0xE  }
.LBB2_6:
0x2e: {  	_ =	swait.ge [sflag:s26], $0x2800  }
0x2f: {  	[sflag:s26] =	ssyncset.done $0x0  }
0x30: {  	s1 =	simm.s32 $0xD;
	[sflag:s26] =	ssyncadd.s32 $0xFFFFD800  }
0x31: {  	_ =	swait.ge [sflag:s1], $0x50  }
0x32: {  	[sflag:s1] =	ssyncset.done $0x0  }
0x33: {  	[sflag:s1] =	ssyncadd.s32 $0xFFFFFFB0  }
0x34: {  	[spmem:s2] =	stream.indirect.scatter.add.f32 [tilespmem:s19], [sflag:$0x4], $0x80, s21, s8, $0xb8;
	[tilespmem:$0x1BA80] =	vst v63  }
0x35: {  	_ =	swait.ge [sflag:s29], $0x2800  }
0x36: {  	[sflag:s29] =	ssyncset.done $0x0  }
0x37: {  	[sflag:s29] =	ssyncadd.s32 $0xFFFFD800  }
0x38: {  	_ =	swait.ge [sflag:s30], $0x50  }
0x39: {  	[sflag:s30] =	ssyncset.done $0x0  }
0x3a: {  	[sflag:s30] =	ssyncadd.s32 $0xFFFFFFB0  }
0x3b: {  	[tilespmem:s19], [sflag:$0x1] =	stream.indirect.gather [hbm4b:s5+s8], $0x80, s12, s8, $0xb8;
	[tilespmem:$0x1BA80] =	vst v63  }
0x3c: {  	_ =	swait.ge [sflag:s31], $0x2800  }
0x3d: {  	[sflag:s31] =	ssyncset.done $0x0  }
0x3e: {  	[sflag:s31] =	ssyncadd.s32 $0xFFFFD800  }
0x3f: {  	_ =	swait.ge [sflag:s0], $0x50  }
0x40: {  	[sflag:s0] =	ssyncset.done $0x0  }
0x41: {  	s17 =	simm.s32 $0x380;
	[sflag:s0] =	ssyncadd.s32 $0xFFFFFFB0  }
0x42: {  	[spmem:s2] =	stream.indirect.scatter.add.f32 [tilespmem:s20], [sflag:$0x5], $0x80, s17, s8, $0xb8;
	[tilespmem:$0x1BA80] =	vst v63  }
0x43: {  	_ =	swait.ge [sflag:s3], $0x2800  }
0x44: {  	[sflag:s3] =	ssyncset.done $0x0  }
0x45: {  	[sflag:s3] =	ssyncadd.s32 $0xFFFFD800  }
0x46: {  	_ =	swait.ge [sflag:s7], $0x50  }
0x47: {  	[sflag:s7] =	ssyncset.done $0x0  }
0x48: {  	[sflag:s7] =	ssyncadd.s32 $0xFFFFFFB0  }
0x49: {  	[tilespmem:s20], [sflag:$0x2] =	stream.indirect.gather [hbm4b:s5+s8], $0x80, s22, s8, $0xb8;
	[tilespmem:$0x1BA80] =	vst v63  }
0x4a: {  	_ =	swait.ge [sflag:s9], $0x2800  }
0x4b: {  	[sflag:s9] =	ssyncset.done $0x0  }
0x4c: {  	[sflag:s9] =	ssyncadd.s32 $0xFFFFD800  }
0x4d: {  	_ =	swait.ge [sflag:s23], $0x50  }
0x4e: {  	[sflag:s23] =	ssyncset.done $0x0  }
0x4f: {  	s22 =	simm.s32 $0x400;
	[sflag:s23] =	ssyncadd.s32 $0xFFFFFFB0  }
0x50: {  	[spmem:s2] =	stream.indirect.scatter.add.f32 [tilespmem:s6], [sflag:$0x6], $0x80, s22, s8, $0xb8;
	[tilespmem:$0x1BA80] =	vst v63  }
0x51: {  	_ =	swait.ge [sflag:s11], $0x2800  }
0x52: {  	[sflag:s11] =	ssyncset.done $0x0  }
0x53: {  	[sflag:s11] =	ssyncadd.s32 $0xFFFFD800  }
0x54: {  	_ =	swait.ge [sflag:s26], $0x2800  }
0x55: {  	[sflag:s26] =	ssyncset.done $0x0  }
0x56: {  	[sflag:s26] =	ssyncadd.s32 $0xFFFFD800  }
0x57: {  	_ =	swait.ge [sflag:s13], $0x50  }
0x58: {  	[sflag:s13] =	ssyncset.done $0x0  }
0x59: {  	s18 =	simm.s32 $0x480;
	[sflag:s13] =	ssyncadd.s32 $0xFFFFFFB0  }
0x5a: {  	[spmem:s2] =	stream.indirect.scatter.add.f32 [tilespmem:s19], [sflag:$0x4], $0x80, s18, s8, $0xb8;
	[tilespmem:$0x1BA80] =	vst v63  }
0x5b: {  	_ =	swait.ge [sflag:s29], $0x2800  }
0x5c: {  	[sflag:s29] =	ssyncset.done $0x0  }
0x5d: {  	[sflag:s29] =	ssyncadd.s32 $0xFFFFD800  }
0x5e: {  	_ =	swait.ge [sflag:s31], $0x2800  }
0x5f: {  	[sflag:s31] =	ssyncset.done $0x0  }
0x60: {  	[sflag:s31] =	ssyncadd.s32 $0xFFFFD800  }
0x61: {  	_ =	swait.ge [sflag:s14], $0x50  }
0x62: {  	[sflag:s14] =	ssyncset.done $0x0  }
0x63: {  	s21 =	simm.s32 $0x500;
	[sflag:s14] =	ssyncadd.s32 $0xFFFFFFB0  }
0x64: {  	[spmem:s2] =	stream.indirect.scatter.add.f32 [tilespmem:s20], [sflag:$0x5], $0x80, s21, s8, $0xb8;
	[tilespmem:$0x1BA80] =	vst v63  }
0x65: {  	_ =	swait.ge [sflag:s3], $0x2800  }
0x66: {  	[sflag:s3] =	ssyncset.done $0x0  }
0x67: {  	[sflag:s3] =	ssyncadd.s32 $0xFFFFD800  }
0x68: {  	[bflag:$0x0] =	sbarrier.arrive $0xFFFF  }
0x69: {  	s16 =	stileid.u32;
	s28 =	rddreg [dreg:$0x12]  }
0x6a: {  	s16 =	sshll.u32 s16, $0x6;
	s10 =	rddreg [dreg:$0x13]  }
0x6b: {  	s16 =	sor.u32 $0x1C13, s16;
	s18 =	rddreg [dreg:$0x14];
	s17 =	sshrl.u32 s28, $0x3  }
0x6c: {  	[hbm:s10], [sflag:s16] =	dma.local [spmem:s17], s18  }
0x6d: {  	_ =	swait.ge [sflag:s25], s18  }
0x6e: {  	s16 =	sld [smem:$0x7FB];
	_ =	sdelay $0x2  }
0x6f: {  	s10 =	rddreg [dreg:$0x15];
	s1 =	sadd.s32 $0x1, s16  }
0x70: {  	p0 =	sne.s32 s1, s10  }
.Ltmp1:
0x71: {  	_ = 	snop;
	(pc) =	sbr.rel @!p0 .LBB2_7-.Ltmp1, $3  }
0x72: {  	s10 =	sld [smem:$0x7FD];
	_ =	sdelay $0x1  }
0x73: {  	s21 =	simm.s32 $0x300;
	[sflag:s25] =	ssyncset.done $0x0  }
0x74: {  	s17 =	simm.s32 $0x280;
	s18 =	simm.s32 $0x380;
	[sflag:s25] =	ssyncadd.s32 s10  }
.LBB2_1:
0x75: {  	[smem:$0x7FB] =	sst s1  }
0x76: {  	s16 =	rddreg [dreg:$0x5]  }
0x77: {  	[tilespmem:s4], [sflag:$0x7] =	stream.linear.gather [hbm4b:s16+s4], $0x50, $0x38;
	[tilespmem:$0x1BA80] =	vst v63  }
0x78: {  	s10 =	rddreg [dreg:$0x6]  }
0x79: {  	[tilespmem:s21], [sflag:$0xD] =	stream.linear.gather [hbm4b:s10+s4], $0x50, $0x38;
	[tilespmem:$0x1BA80] =	vst v63  }
0x7a: {  	s1 =	rddreg [dreg:$0x7];
	s10 =	simm.s32 $0x80  }
0x7b: {  	[tilespmem:s10], [sflag:$0x8] =	stream.linear.gather [hbm4b:s1+s4], $0x50, $0x38;
	[tilespmem:$0x1BA80] =	vst v63  }
0x7c: {  	s1 =	rddreg [dreg:$0x8]  }
0x7d: {  	[tilespmem:s18], [sflag:$0xE] =	stream.linear.gather [hbm4b:s1+s4], $0x50, $0x38;
	[tilespmem:$0x1BA80] =	vst v63  }
0x7e: {  	s16 =	rddreg [dreg:$0x9];
	s1 =	simm.s32 $0x100  }
0x7f: {  	[tilespmem:s1], [sflag:$0x9] =	stream.linear.gather [hbm4b:s16+s4], $0x50, $0x38;
	[tilespmem:$0x1BA80] =	vst v63  }
0x80: {  	s16 =	rddreg [dreg:$0xa]  }
0x81: {  	[tilespmem:s22], [sflag:$0xF] =	stream.linear.gather [hbm4b:s16+s4], $0x50, $0x38;
	[tilespmem:$0x1BA80] =	vst v63  }
0x82: {  	s22 =	rddreg [dreg:$0xb]  }
0x83: {  	[tilespmem:s12], [sflag:$0xA] =	stream.linear.gather [hbm4b:s22+s4], $0x50, $0x38;
	[tilespmem:$0x1BA80] =	vst v63  }
0x84: {  	s18 =	simm.s32 $0x480;
	s22 =	rddreg [dreg:$0xc]  }
0x85: {  	[tilespmem:s18], [sflag:$0x10] =	stream.linear.gather [hbm4b:s22+s4], $0x50, $0x38;
	[tilespmem:$0x1BA80] =	vst v63  }
0x86: {  	s18 =	rddreg [dreg:$0xd];
	s22 =	simm.s32 $0x200  }
0x87: {  	[tilespmem:s22], [sflag:$0xB] =	stream.linear.gather [hbm4b:s18+s4], $0x50, $0x38;
	[tilespmem:$0x1BA80] =	vst v63  }
0x88: {  	s18 =	rddreg [dreg:$0xe];
	s22 =	simm.s32 $0x500  }
0x89: {  	[tilespmem:s22], [sflag:$0x11] =	stream.linear.gather [hbm4b:s18+s4], $0x50, $0x38;
	[tilespmem:$0x1BA80] =	vst v63  }
0x8a: {  	s22 =	rddreg [dreg:$0xf]  }
0x8b: {  	[tilespmem:s17], [sflag:$0xC] =	stream.linear.gather [hbm4b:s22+s4], $0x50, $0x38;
	[tilespmem:$0x1BA80] =	vst v63  }
0x8c: {  	s18 =	simm.s32 $0x580;
	s17 =	rddreg [dreg:$0x10];
	s22 =	simm.s32 $0x7  }
0x8d: {  	[tilespmem:s18], [sflag:$0x12] =	stream.linear.gather [hbm4b:s17+s4], $0x50, $0x38;
	[tilespmem:$0x1BA80] =	vst v63  }
0x8e: {  	_ =	swait.ge [sflag:s22], $0x50  }
0x8f: {  	[sflag:s22] =	ssyncset.done $0x0  }
0x90: {  	s17 =	simm.s32 $0x8;
	[sflag:s22] =	ssyncadd.s32 $0xFFFFFFB0  }
0x91: {  	[tilespmem:s19], [sflag:$0x1] =	stream.indirect.gather [hbm4b:s5+s8], $0x80, s4, s8, $0xb8;
	[tilespmem:$0x1BA80] =	vst v63  }
0x92: {  	_ =	swait.ge [sflag:s17], $0x50  }
0x93: {  	[sflag:s17] =	ssyncset.done $0x0  }
0x94: {  	s18 =	simm.s32 $0x9;
	[sflag:s17] =	ssyncadd.s32 $0xFFFFFFB0  }
0x95: {  	[tilespmem:s20], [sflag:$0x2] =	stream.indirect.gather [hbm4b:s5+s8], $0x80, s10, s8, $0xb8;
	[tilespmem:$0x1BA80] =	vst v63  }
0x96: {  	_ =	swait.ge [sflag:s18], $0x50  }
0x97: {  	[sflag:s18] =	ssyncset.done $0x0  }
0x98: {  	[sflag:s18] =	ssyncadd.s32 $0xFFFFFFB0  }
0x99: {  	[tilespmem:s6], [sflag:$0x3] =	stream.indirect.gather [hbm4b:s5+s8], $0x80, s1, s8, $0xb8;
	[tilespmem:$0x1BA80] =	vst v63  }
0x9a: {  	[tilespmem:$0x7E00] =	vst v0  }
0x9b: {  	[tilespmem:$0x7E10] =	vst v0  }
0x9c: {  	[tilespmem:$0x7E20] =	vst v0  }
0x9d: {  	[tilespmem:$0x7E30] =	vst v0  }
0x9e: {  	[tilespmem:$0x7E40] =	vst v0  }
0x9f: {  	[tilespmem:$0x7E50] =	vst v0  }
0xa0: {  	[tilespmem:$0x7E60] =	vst v0  }
0xa1: {  	[tilespmem:$0x7E70] =	vst v0  }
0xa2: {  	[tilespmem:$0x7E80] =	vst v0  }
0xa3: {  	[tilespmem:$0x7E90] =	vst v0  }
0xa4: {  	[tilespmem:$0x7EA0] =	vst v0  }
0xa5: {  	[tilespmem:$0x7EB0] =	vst v0  }
0xa6: {  	[tilespmem:$0x7EC0] =	vst v0  }
0xa7: {  	[tilespmem:$0x7ED0] =	vst v0  }
0xa8: {  	[tilespmem:$0x7EE0] =	vst v0  }
0xa9: {  	[tilespmem:$0x7EF0] =	vst v0  }
0xaa: {  	[tilespmem:$0x7F00] =	vst v0  }
0xab: {  	[tilespmem:$0x7F10] =	vst v0  }
0xac: {  	[tilespmem:$0x7F20] =	vst v0  }
0xad: {  	[tilespmem:$0x7F30] =	vst v0  }
0xae: {  	[tilespmem:$0x7F40] =	vst v0  }
0xaf: {  	[tilespmem:$0x7F50] =	vst v0  }
0xb0: {  	[tilespmem:$0x7F60] =	vst v0  }
0xb1: {  	[tilespmem:$0x7F70] =	vst v0  }
0xb2: {  	[tilespmem:$0x7F80] =	vst v0  }
0xb3: {  	[tilespmem:$0x7F90] =	vst v0  }
0xb4: {  	[tilespmem:$0x7FA0] =	vst v0  }
0xb5: {  	[tilespmem:$0x7FB0] =	vst v0  }
0xb6: {  	[tilespmem:$0x7FC0] =	vst v0  }
0xb7: {  	[tilespmem:$0x7FD0] =	vst v0  }
0xb8: {  	[tilespmem:$0x7FE0] =	vst v0  }
0xb9: {  	[tilespmem:$0x7FF0] =	vst v0  }
0xba: {  	[tilespmem:$0x8000] =	vst v0  }
0xbb: {  	[tilespmem:$0x8010] =	vst v0  }
0xbc: {  	[tilespmem:$0x8020] =	vst v0  }
0xbd: {  	[tilespmem:$0x8030] =	vst v0  }
0xbe: {  	[tilespmem:$0x8040] =	vst v0  }
0xbf: {  	[tilespmem:$0x8050] =	vst v0  }
0xc0: {  	[tilespmem:$0x8060] =	vst v0  }
0xc1: {  	[tilespmem:$0x8070] =	vst v0  }
0xc2: {  	[tilespmem:$0x8080] =	vst v0  }
0xc3: {  	[tilespmem:$0x8090] =	vst v0  }
0xc4: {  	[tilespmem:$0x80A0] =	vst v0  }
0xc5: {  	[tilespmem:$0x80B0] =	vst v0  }
0xc6: {  	[tilespmem:$0x80C0] =	vst v0  }
0xc7: {  	[tilespmem:$0x80D0] =	vst v0  }
0xc8: {  	[tilespmem:$0x80E0] =	vst v0  }
0xc9: {  	[tilespmem:$0x80F0] =	vst v0  }
0xca: {  	[tilespmem:$0x8100] =	vst v0  }
0xcb: {  	[tilespmem:$0x8110] =	vst v0  }
0xcc: {  	[tilespmem:$0x8120] =	vst v0  }
0xcd: {  	[tilespmem:$0x8130] =	vst v0  }
0xce: {  	[tilespmem:$0x8140] =	vst v0  }
0xcf: {  	[tilespmem:$0x8150] =	vst v0  }
0xd0: {  	[tilespmem:$0x8160] =	vst v0  }
0xd1: {  	[tilespmem:$0x8170] =	vst v0  }
0xd2: {  	[tilespmem:$0x8180] =	vst v0  }
0xd3: {  	[tilespmem:$0x8190] =	vst v0  }
0xd4: {  	[tilespmem:$0x81A0] =	vst v0  }
0xd5: {  	[tilespmem:$0x81B0] =	vst v0  }
0xd6: {  	s22 =	rddreg [dreg:$0x11];
	[tilespmem:$0x81C0] =	vst v0  }
0xd7: {  	p0 =	sne.s32 s22, $0x1;
	[tilespmem:$0x81D0] =	vst v0  }
.Ltmp2:
0xd8: {  	[tilespmem:$0x81E0] =	vst v0;
	(pc) =	sbr.rel @!p0 .LBB2_3-.Ltmp2, $4  }
0xd9: {  	[tilespmem:$0x81F0] =	vst v0  }
0xda: {  	[spmem:s28] =	stream.linear.scatter [tilespmem:s24], [sflag:$0x13], $0x400, $0x38;
	[tilespmem:$0x1BA80] =	vst v63  }
0xdb: {  	s17 =	smov.u32 s28;
	_ =	swait.ge [sflag:s25], $0x400  }
0xdc: {  	s16 =	sadd.s32 $0xFFFFFFFF, s22;
	s22 =	simm.s32 $0x200;
	[sflag:s25] =	ssyncset.done $0x0  }
.LBB2_2:
0xdd: {  	p0 =	sne.s32 s16, $0x1;
	[sflag:s25] =	ssyncadd.s32 $0xFFFFFC00;
	s17 =	sadd.s32 $0x400, s17  }
.Ltmp3:
0xde: {  	s16 =	sadd.s32 $0xFFFFFFFF, s16;
	(pc) =	sbr.rel @p0 .LBB2_2-.Ltmp3, $4  }
0xdf: {  	_ = 	snop  }
0xe0: {  	[spmem:s17] =	stream.linear.scatter [tilespmem:s24], [sflag:$0x13], $0x400, $0x38;
	[tilespmem:$0x1BA80] =	vst v63  }
0xe1: {  	_ =	swait.ge [sflag:s25], $0x400  }
0xe2: {  	[sflag:s25] =	ssyncset.done $0x0  }
.LBB2_3:
0xe3: {  	[sflag:s25] =	ssyncadd.s32 $0xFFFFFC00  }
0xe4: {  	s16 =	simm.s32 $0x0;
	[bflag:$0x0] =	sbarrier.arrive $0xFFFF  }
0xe5: {  	s10 =	simm.s32 $0x280;
	s28 =	simm.s32 $0x580;
	s17 =	sld [smem:$0x7FC]  }
.LBB2_4:
0xe6: {  	_ =	swait.ge [sflag:s26], $0x2800  }
0xe7: {  	[sflag:s26] =	ssyncset.done $0x0  }
0xe8: {  	s1 =	simm.s32 $0xD;
	[sflag:s26] =	ssyncadd.s32 $0xFFFFD800  }
0xe9: {  	_ =	swait.ge [sflag:s1], $0x50  }
0xea: {  	[sflag:s1] =	ssyncset.done $0x0  }
0xeb: {  	[sflag:s1] =	ssyncadd.s32 $0xFFFFFFB0  }
0xec: {  	[spmem:s2] =	stream.indirect.scatter.add.f32 [tilespmem:s19], [sflag:$0x4], $0x80, s21, s8, $0xb8;
	[tilespmem:$0x1BA80] =	vst v63  }
0xed: {  	_ =	swait.ge [sflag:s29], $0x2800  }
0xee: {  	[sflag:s29] =	ssyncset.done $0x0  }
0xef: {  	[sflag:s29] =	ssyncadd.s32 $0xFFFFD800  }
0xf0: {  	_ =	swait.ge [sflag:s30], $0x50  }
0xf1: {  	[sflag:s30] =	ssyncset.done $0x0  }
0xf2: {  	s18 =	sshrl.u32 s17, $0x3;
	s1 =	rddreg [dreg:$0x4];
	[sflag:s30] =	ssyncadd.s32 $0xFFFFFFB0  }
0xf3: {  	[tilespmem:s19], [sflag:$0x1] =	stream.indirect.gather [hbm4b:s5+s8], $0x80, s12, s8, $0xb8;
	[tilespmem:$0x1BA80] =	vst v63  }
0xf4: {  	s21 =	sadd.s32 s1, s18;
	s12 =	rddreg [dreg:$0x1]  }
0xf5: {  	[tilespmem:s4], [sflag:$0x7] =	stream.linear.gather [hbm4b:s21+s4], $0x50, $0x38;
	[tilespmem:$0x1BA80] =	vst v63  }
0xf6: {  	s18 =	sadd.s32 s12, s18;
	s21 =	simm.s32 $0x300  }
0xf7: {  	[tilespmem:s21], [sflag:$0xD] =	stream.linear.gather [hbm4b:s18+s4], $0x50, $0x38;
	[tilespmem:$0x1BA80] =	vst v63  }
0xf8: {  	_ =	swait.ge [sflag:s31], $0x2800  }
0xf9: {  	[sflag:s31] =	ssyncset.done $0x0  }
0xfa: {  	[sflag:s31] =	ssyncadd.s32 $0xFFFFD800  }
0xfb: {  	_ =	swait.ge [sflag:s0], $0x50  }
0xfc: {  	[sflag:s0] =	ssyncset.done $0x0  }
0xfd: {  	s1 =	simm.s32 $0x380;
	[sflag:s0] =	ssyncadd.s32 $0xFFFFFFB0  }
0xfe: {  	[spmem:s2] =	stream.indirect.scatter.add.f32 [tilespmem:s20], [sflag:$0x5], $0x80, s1, s8, $0xb8;
	[tilespmem:$0x1BA80] =	vst v63  }
0xff: {  	_ =	swait.ge [sflag:s3], $0x2800  }
0x100: {  	[sflag:s3] =	ssyncset.done $0x0  }
0x101: {  	[sflag:s3] =	ssyncadd.s32 $0xFFFFD800  }
0x102: {  	_ =	swait.ge [sflag:s7], $0x50  }
0x103: {  	[sflag:s7] =	ssyncset.done $0x0  }
0x104: {  	[sflag:s7] =	ssyncadd.s32 $0xFFFFFFB0  }
0x105: {  	[tilespmem:s20], [sflag:$0x2] =	stream.indirect.gather [hbm4b:s5+s8], $0x80, s22, s8, $0xb8;
	[tilespmem:$0x1BA80] =	vst v63  }
0x106: {  	s22 =	rddreg [dreg:$0x1f]  }
0x107: {  	s12 =	rddreg [dreg:$0x1e];
	s18 =	sadd.s32 s16, s22;
	s22 =	simm.s32 $0x80  }
0x108: {  	[tilespmem:s22], [sflag:$0x8] =	stream.linear.gather [hbm4b:s18+s4], $0x50, $0x38;
	[tilespmem:$0x1BA80] =	vst v63  }
0x109: {  	s18 =	sadd.s32 s16, s12  }
0x10a: {  	[tilespmem:s1], [sflag:$0xE] =	stream.linear.gather [hbm4b:s18+s4], $0x50, $0x38;
	[tilespmem:$0x1BA80] =	vst v63  }
0x10b: {  	_ =	swait.ge [sflag:s9], $0x2800  }
0x10c: {  	[sflag:s9] =	ssyncset.done $0x0  }
0x10d: {  	[sflag:s9] =	ssyncadd.s32 $0xFFFFD800  }
0x10e: {  	_ =	swait.ge [sflag:s23], $0x50  }
0x10f: {  	[sflag:s23] =	ssyncset.done $0x0  }
0x110: {  	s12 =	simm.s32 $0x400;
	[sflag:s23] =	ssyncadd.s32 $0xFFFFFFB0  }
0x111: {  	[spmem:s2] =	stream.indirect.scatter.add.f32 [tilespmem:s6], [sflag:$0x6], $0x80, s12, s8, $0xb8;
	[tilespmem:$0x1BA80] =	vst v63  }
0x112: {  	_ =	swait.ge [sflag:s11], $0x2800  }
0x113: {  	[sflag:s11] =	ssyncset.done $0x0  }
0x114: {  	s18 =	simm.s32 $0xC;
	[sflag:s11] =	ssyncadd.s32 $0xFFFFD800  }
0x115: {  	_ =	swait.ge [sflag:s18], $0x50  }
0x116: {  	[sflag:s18] =	ssyncset.done $0x0  }
0x117: {  	s1 =	rddreg [dreg:$0x1d];
	[sflag:s18] =	ssyncadd.s32 $0xFFFFFFB0  }
0x118: {  	[tilespmem:s6], [sflag:$0x3] =	stream.indirect.gather [hbm4b:s5+s8], $0x80, s10, s8, $0xb8;
	[tilespmem:$0x1BA80] =	vst v63  }
0x119: {  	s18 =	sadd.s32 s16, s1;
	s1 =	simm.s32 $0x100;
	s10 =	rddreg [dreg:$0x1c]  }
0x11a: {  	[tilespmem:s1], [sflag:$0x9] =	stream.linear.gather [hbm4b:s18+s4], $0x50, $0x38;
	[tilespmem:$0x1BA80] =	vst v63  }
0x11b: {  	s18 =	sadd.s32 s16, s10  }
0x11c: {  	[tilespmem:s12], [sflag:$0xF] =	stream.linear.gather [hbm4b:s18+s4], $0x50, $0x38;
	[tilespmem:$0x1BA80] =	vst v63  }
0x11d: {  	_ =	swait.ge [sflag:s26], $0x2800  }
0x11e: {  	[sflag:s26] =	ssyncset.done $0x0  }
0x11f: {  	[sflag:s26] =	ssyncadd.s32 $0xFFFFD800  }
0x120: {  	_ =	swait.ge [sflag:s13], $0x50  }
0x121: {  	[sflag:s13] =	ssyncset.done $0x0  }
0x122: {  	s10 =	simm.s32 $0x480;
	[sflag:s13] =	ssyncadd.s32 $0xFFFFFFB0  }
0x123: {  	[spmem:s2] =	stream.indirect.scatter.add.f32 [tilespmem:s19], [sflag:$0x4], $0x80, s10, s8, $0xb8;
	[tilespmem:$0x1BA80] =	vst v63  }
0x124: {  	_ =	swait.ge [sflag:s29], $0x2800  }
0x125: {  	[sflag:s29] =	ssyncset.done $0x0  }
0x126: {  	s18 =	simm.s32 $0x7;
	[sflag:s29] =	ssyncadd.s32 $0xFFFFD800  }
0x127: {  	_ =	swait.ge [sflag:s18], $0x50  }
0x128: {  	[sflag:s18] =	ssyncset.done $0x0  }
0x129: {  	[sflag:s18] =	ssyncadd.s32 $0xFFFFFFB0;
	s18 =	rddreg [dreg:$0x1b]  }
0x12a: {  	[tilespmem:s19], [sflag:$0x1] =	stream.indirect.gather [hbm4b:s5+s8], $0x80, s4, s8, $0xb8;
	[tilespmem:$0x1BA80] =	vst v63  }
0x12b: {  	s12 =	simm.s32 $0x180;
	s18 =	sadd.s32 s16, s18  }
0x12c: {  	[tilespmem:s12], [sflag:$0xA] =	stream.linear.gather [hbm4b:s18+s4], $0x50, $0x38;
	[tilespmem:$0x1BA80] =	vst v63  }
0x12d: {  	s18 =	rddreg [dreg:$0x1a]  }
0x12e: {  	s18 =	sadd.s32 s16, s18  }
0x12f: {  	[tilespmem:s10], [sflag:$0x10] =	stream.linear.gather [hbm4b:s18+s4], $0x50, $0x38;
	[tilespmem:$0x1BA80] =	vst v63  }
0x130: {  	_ =	swait.ge [sflag:s31], $0x2800  }
0x131: {  	[sflag:s31] =	ssyncset.done $0x0  }
0x132: {  	[sflag:s31] =	ssyncadd.s32 $0xFFFFD800  }
0x133: {  	_ =	swait.ge [sflag:s14], $0x50  }
0x134: {  	[sflag:s14] =	ssyncset.done $0x0  }
0x135: {  	s10 =	simm.s32 $0x500;
	[sflag:s14] =	ssyncadd.s32 $0xFFFFFFB0  }
0x136: {  	[spmem:s2] =	stream.indirect.scatter.add.f32 [tilespmem:s20], [sflag:$0x5], $0x80, s10, s8, $0xb8;
	[tilespmem:$0x1BA80] =	vst v63  }
0x137: {  	_ =	swait.ge [sflag:s3], $0x2800  }
0x138: {  	[sflag:s3] =	ssyncset.done $0x0  }
0x139: {  	s18 =	simm.s32 $0x8;
	[sflag:s3] =	ssyncadd.s32 $0xFFFFD800  }
0x13a: {  	_ =	swait.ge [sflag:s18], $0x50  }
0x13b: {  	[sflag:s18] =	ssyncset.done $0x0  }
0x13c: {  	[sflag:s18] =	ssyncadd.s32 $0xFFFFFFB0;
	s18 =	rddreg [dreg:$0x19]  }
0x13d: {  	[tilespmem:s20], [sflag:$0x2] =	stream.indirect.gather [hbm4b:s5+s8], $0x80, s22, s8, $0xb8;
	[tilespmem:$0x1BA80] =	vst v63  }
0x13e: {  	s22 =	simm.s32 $0x200;
	s18 =	sadd.s32 s16, s18  }
0x13f: {  	[tilespmem:s22], [sflag:$0xB] =	stream.linear.gather [hbm4b:s18+s4], $0x50, $0x38;
	[tilespmem:$0x1BA80] =	vst v63  }
0x140: {  	s18 =	rddreg [dreg:$0x18]  }
0x141: {  	s18 =	sadd.s32 s16, s18  }
0x142: {  	[tilespmem:s10], [sflag:$0x11] =	stream.linear.gather [hbm4b:s18+s4], $0x50, $0x38;
	[tilespmem:$0x1BA80] =	vst v63  }
0x143: {  	_ =	swait.ge [sflag:s9], $0x2800  }
0x144: {  	[sflag:s9] =	ssyncset.done $0x0  }
0x145: {  	[sflag:s9] =	ssyncadd.s32 $0xFFFFD800  }
0x146: {  	_ =	swait.ge [sflag:s15], $0x50  }
0x147: {  	[sflag:s15] =	ssyncset.done $0x0  }
0x148: {  	[sflag:s15] =	ssyncadd.s32 $0xFFFFFFB0  }
0x149: {  	[spmem:s2] =	stream.indirect.scatter.add.f32 [tilespmem:s6], [sflag:$0x6], $0x80, s28, s8, $0xb8;
	[tilespmem:$0x1BA80] =	vst v63  }
0x14a: {  	_ =	swait.ge [sflag:s11], $0x2800  }
0x14b: {  	p0 =	seq.s32 s16, $0x474;
	[sflag:s11] =	ssyncset.done $0x0  }
.Ltmp4:
0x14c: {  	s18 =	simm.s32 $0x9;
	[sflag:s11] =	ssyncadd.s32 $0xFFFFD800;
	(pc) =	sbr.rel @p0 .LBB2_6-.Ltmp4, $4  }
0x14d: {  	_ =	swait.ge [sflag:s18], $0x50  }
0x14e: {  	[sflag:s18] =	ssyncset.done $0x0  }
0x14f: {  	s10 =	simm.s32 $0x280;
	[sflag:s18] =	ssyncadd.s32 $0xFFFFFFB0  }
0x150: {  	[tilespmem:s6], [sflag:$0x3] =	stream.indirect.gather [hbm4b:s5+s8], $0x80, s1, s8, $0xb8;
	[tilespmem:$0x1BA80] =	vst v63  }
0x151: {  	s18 =	rddreg [dreg:$0x17]  }
.Ltmp5:
0x152: {  	s18 =	sadd.s32 s16, s18;
	(pc) =	sbr.rel .LBB2_4-.Ltmp5, $4  }
0x153: {  	[tilespmem:s10], [sflag:$0xC] =	stream.linear.gather [hbm4b:s18+s4], $0x50, $0x38;
	[tilespmem:$0x1BA80] =	vst v63  }
0x154: {  	s17 =	sadd.s32 $0x1E0, s17;
	s10 =	rddreg [dreg:$0x16]  }
0x155: {  	s18 =	sadd.s32 s16, s10;
	s16 =	sadd.s32 $0x3C, s16;
	s10 =	simm.s32 $0x280  }
0x156: {  	[tilespmem:s28], [sflag:$0x12] =	stream.linear.gather [hbm4b:s18+s4], $0x50, $0x38;
	[tilespmem:$0x1BA80] =	vst v63  }
.LBB2_7:
0x157: {  	_ =	sfence.sel $0x180000  }
0x158: {  	[bflag:$0x0] =	sbarrier.arrive $0xFFFF  }
0x159: {  	_ =	strace $0x9000004D  }
0x15a: {  	s0 =	stileid.u32;
	[bflag:$0x2] =	sbarrier.arrive $0xFFFF  }
0x15b: {  	p0 =	sne.s32 s0, $0x0;
	s0 =	rddreg [dreg:$0x3]  }
0x15c: {  	s0 =	sadd.s32 @!p0 $0x100000, s0  }
0x15d: {  	[sflag:s0] =	ssyncadd.tile.s32 @!p0 $0x1;
	_ =	shalt  }
.Lfunc_end2:
_tile_overlayer_lowered:
.L_overlay_start_2:
0x15e: {  	(tag) =	ssettag $0x2  }
0x15f: {  	s0 =	rddreg [dreg:$0x0];
	s2 =	stileid.u32  }
0x160: {  	s1 =	rddreg [dreg:$0x1];
	p0 =	sne.s32 s2, $0x0  }
0x161: {  	s3 =	rddreg [dreg:$0x2];
	[bflag:$0x3] =	sbarrier.arrive $0xFFFF;
	s2 =	simm.s32 @!p0 $0x1C13  }
0x162: {  	[timem:s3], [sflag:s2] =	dma.local @!p0 [hbm:s0], s1  }
0x163: {  	s0 =	simm.s32 @!p0 $0x13  }
0x164: {  	_ =	swait.ge @!p0 [sflag:s0], s1  }
0x165: {  	s1 =	ssub.s32 @!p0 $0x0, s1;
	[sflag:s0] =	ssyncset.done @!p0 $0x0  }
0x166: {  	[sflag:s0] =	ssyncadd.s32 @!p0 s1  }
0x167: {  	[bflag:$0x3] =	sbarrier.arrive $0xFFFF  }
0x168: {  	_ =	shalt  }

// kernel: kernel.8.cloned.1.call-start
scs
__scs_entry_jumppad:
0x0: {  	(pc) =	sbr.rel $0x88, $3  }
0x1: {  	(tag) =	ssettag $0x0;
	lr =	simm.s32 $0x1  }
0x2: {  	[smem:$0x3F95] =	sst lr;
	_ =	strace $0xD0000000  }
0x3: {  	_ = 	snop  }
0x4: {  	_ = 	snop  }
0x5: {  	_ = 	snop  }
0x6: {  	_ = 	snop  }
0x7: {  	_ = 	snop  }
__scs_overlays_trampoline_lowered:
0x8: {  	[smem:$0x3FA4] =	sst s0  }
0x9: {  	[smem:$0x3FA5] =	sst s1  }
0xa: {  	[smem:$0x3FA6] =	sst s2  }
0xb: {  	[smem:$0x3FA7] =	sst s3  }
0xc: {  	[smem:$0x3FA8] =	sst s4  }
0xd: {  	[smem:$0x3FA9] =	sst s5  }
0xe: {  	[smem:$0x3FAA] =	sst s6  }
0xf: {  	[smem:$0x3FAB] =	sst s7  }
0x10: {  	[smem:$0x3FAC] =	sst s8  }
0x11: {  	[smem:$0x3FAD] =	sst s9;
	s0 =	simm.s32 @!p0 $0x0  }
0x12: {  	s1 =	sld [smem:$0x3F93];
	s0 =	simm.s32 @p0 $0x1  }
0x13: {  	[smem:$0x3FAE] =	sst s0;
	s0 =	simm.s32 @!p1 $0x0  }
0x14: {  	s2 =	sld [smem:$0x3F92];
	s0 =	simm.s32 @p1 $0x1  }
0x15: {  	[smem:$0x3FAF] =	sst s0;
	s0 =	simm.s32 @!p2 $0x0  }
0x16: {  	s3 =	sld [smem:$0x3FDB];
	s0 =	simm.s32 @p2 $0x1  }
0x17: {  	s4 =	simm.s32 $0x1BF5;
	[smem:$0x3FB1] =	sst s0  }
0x18: {  	s0 =	sld [smem:$0x3F94];
	_ =	swait.ge [sflag:s4], $0x0  }
0x19: {  	s7 =	sld [smem:$0x3F95]  }
0x1a: {  	s8 =	sadd.s32 $0xFFFFE003, lr  }
0x1b: {  	s9 =	sadd.s32 $0xFFFFFEF7, lr;
	s5 =	simm.s32 $0xFFFFFFFF;
	p2 =	slt.u32 s8, $0xFFFFF086  }
0x1c: {  	p1 =	slt.u32 s9, $0xF7A;
	s5 =	simm.s32 @!p2 $0x0  }
0x1d: {  	s5 =	simm.s32 @p1 $0x1;
	p0 =	seq.s32 s7, s2  }
0x1e: {  	s7 =	smul.u32 @!p0 $0xF7A, s2;
	p2 =	seq.s32 @!p0 s5, $0x0  }
0x1f: {  	s9 =	smul.u32 $0xF7A, s1;
	s8 =	simm.s32 @!p0 $0x1BF5;
	p2 =	por !p2, p0  }
0x20: {  	[sflag:s8] =	ssyncset.s32 @!p0 $0xFFFFF086;
	s6 =	sadd.s32 @!p0 s3, s7;
	s7 =	simm.s32 @!p0 $0x108  }
0x21: {  	s3 =	sadd.s32 s3, s9;
	s6 =	sadd.s32 @!p0 $0x88, s6;
	s7 =	simm.s32 @p2 $0x1082  }
0x22: {  	[simem:s7], [sflag:s8] =	dma.local @!p0 [hbm:s6], $0xF7A  }
0x23: {  	s9 =	sor.u32 $0xD0000000, s2;
	s6 =	simm.s32 $0x108;
	_ =	swait.ge @!p0 [sflag:s8], $0x0  }
0x24: {  	s3 =	sadd.s32 $0x88, s3;
	s6 =	simm.s32 @!p1 $0x1082;
	[sflag:s4] =	ssyncset.s32 $0xFFFFF086  }
0x25: {  	[simem:s6], [sflag:s4] =	dma.local [hbm:s3], $0xF7A  }
0x26: {  	[smem:$0x3F95] =	sst s1;
	(tag) =	ssettag s2;
	_ =	strace s9  }
0x27: {  	s1 =	sld [smem:$0x3FA5]  }
0x28: {  	s2 =	sld [smem:$0x3FA6]  }
0x29: {  	s4 =	sld [smem:$0x3FA8]  }
0x2a: {  	p0 =	seq.s32 s5, $0x0;
	s5 =	sld [smem:$0x3FA9]  }
0x2b: {  	s6 =	sld [smem:$0x3FAA]  }
0x2c: {  	s7 =	sld [smem:$0x3FAB]  }
0x2d: {  	s3 =	simm.s32 $0x108;
	s8 =	sld [smem:$0x3FAC]  }
0x2e: {  	s3 =	simm.s32 @!p0 $0x1082;
	s9 =	sld [smem:$0x3FAD]  }
0x2f: {  	lr =	sadd.s32 s0, s3;
	s0 =	sld [smem:$0x3FA4]  }
0x30: {  	s3 =	sld [smem:$0x3FA7]  }
0x31: {  	[smem:$0x3FB0] =	sst s10  }
0x32: {  	s10 =	sld [smem:$0x3FAE];
	_ =	sdelay $0x3  }
0x33: {  	p0 =	seq.s32 s10, $0x1;
	s10 =	sld [smem:$0x3FB0];
	_ =	sdelay $0x3  }
0x34: {  	[smem:$0x3FB0] =	sst s10  }
0x35: {  	s10 =	sld [smem:$0x3FAF];
	_ =	sdelay $0x3  }
0x36: {  	p1 =	seq.s32 s10, $0x1;
	s10 =	sld [smem:$0x3FB0];
	_ =	sdelay $0x3  }
0x37: {  	[smem:$0x3FB0] =	sst s10  }
0x38: {  	s10 =	sld [smem:$0x3FB1]  }
0x39: {  	_ = 	snop;
	(pc) =	sbr.ind lr, $3  }
0x3a: {  	_ = 	snop  }
0x3b: {  	_ = 	snop  }
0x3c: {  	p2 =	seq.s32 s10, $0x1;
	s10 =	sld [smem:$0x3FB0]  }
0x3d: {  	_ =	shalt  }
0x3e: {  	_ =	shalt  }
0x3f: {  	_ =	shalt  }
0x40: {  	_ =	shalt  }
0x41: {  	_ =	shalt  }
0x42: {  	_ =	shalt  }
0x43: {  	_ =	shalt  }
0x44: {  	_ =	shalt  }
0x45: {  	_ =	shalt  }
0x46: {  	_ =	shalt  }
0x47: {  	_ =	shalt  }
0x48: {  	_ =	shalt  }
0x49: {  	_ =	shalt  }
0x4a: {  	_ =	shalt  }
0x4b: {  	_ =	shalt  }
0x4c: {  	_ =	shalt  }
0x4d: {  	_ =	shalt  }
0x4e: {  	_ =	shalt  }
0x4f: {  	_ =	shalt  }
0x50: {  	_ =	shalt  }
0x51: {  	_ =	shalt  }
0x52: {  	_ =	shalt  }
0x53: {  	_ =	shalt  }
0x54: {  	_ =	shalt  }
0x55: {  	_ =	shalt  }
0x56: {  	_ =	shalt  }
0x57: {  	_ =	shalt  }
0x58: {  	_ =	shalt  }
0x59: {  	_ =	shalt  }
0x5a: {  	_ =	shalt  }
0x5b: {  	_ =	shalt  }
0x5c: {  	_ =	shalt  }
0x5d: {  	_ =	shalt  }
0x5e: {  	_ =	shalt  }
0x5f: {  	_ =	shalt  }
0x60: {  	_ =	shalt  }
0x61: {  	_ =	shalt  }
0x62: {  	_ =	shalt  }
0x63: {  	_ =	shalt  }
0x64: {  	_ =	shalt  }
0x65: {  	_ =	shalt  }
0x66: {  	_ =	shalt  }
0x67: {  	_ =	shalt  }
0x68: {  	_ =	shalt  }
0x69: {  	_ =	shalt  }
0x6a: {  	_ =	shalt  }
0x6b: {  	_ =	shalt  }
0x6c: {  	_ =	shalt  }
0x6d: {  	_ =	shalt  }
0x6e: {  	_ =	shalt  }
0x6f: {  	_ =	shalt  }
0x70: {  	_ =	shalt  }
0x71: {  	_ =	shalt  }
0x72: {  	_ =	shalt  }
0x73: {  	_ =	shalt  }
0x74: {  	_ =	shalt  }
0x75: {  	_ =	shalt  }
0x76: {  	_ =	shalt  }
0x77: {  	_ =	shalt  }
0x78: {  	_ =	shalt  }
0x79: {  	_ =	shalt  }
0x7a: {  	_ =	shalt  }
0x7b: {  	_ =	shalt  }
0x7c: {  	_ =	shalt  }
0x7d: {  	_ =	shalt  }
0x7e: {  	_ =	shalt  }
0x7f: {  	_ =	shalt  }
0x80: {  	_ =	shalt  }
0x81: {  	_ =	shalt  }
0x82: {  	_ =	shalt  }
0x83: {  	_ =	shalt  }
0x84: {  	_ =	shalt  }
0x85: {  	_ =	shalt  }
0x86: {  	_ =	shalt  }
0x87: {  	_ =	shalt  }
.Lfunc_end0:
.L_simem_size_0:
called_computation_lowered:
.L_overlay_start_0:
0x88: {  	s2 =	sld [smem:$0x3FD9]  }
0x89: {  	s3 =	sld [smem:$0x3FFE];
	_ =	sdelay $0x1  }
0x8a: {  	s1 =	srdreg.scid  }
0x8b: {  	s0 =	sand.u32 $0x1, s1  }
0x8c: {  	s17 =	sshll.u32 s0, $0xA;
	s2 =	sadd.s32 s3, s2  }
0x8d: {  	s2 =	sadd.s32 s2, s17  }
0x8e: {  	[smem:$0x3FBC] =	sst s2  }
0x8f: {  	_ = 	snop  }
0x90: {  	s2 =	sld [smem:$0x3FC9]  }
0x91: {  	s18 =	sld [smem:$0x3FD0];
	(tm) =	ssettm $0x1  }
0x92: {  	s4 =	sld [smem:$0x3FFB];
	_ =	sdelay $0x3  }
0x93: {  	_ =	strace s4  }
0x94: {  	s4 =	sld [smem:$0x3FFC];
	_ =	sdelay $0x3  }
0x95: {  	_ =	strace s4  }
0x96: {  	s4 =	sld [smem:$0x3FFD];
	_ =	sdelay $0x3  }
0x97: {  	_ =	strace s4  }
0x98: {  	_ =	strace $0x8FFFFFFF  }
0x99: {  	s19 =	sld [smem:$0x3FDB];
	_ =	sdelay $0x1  }
0x9a: {  	s5 =	simm.s32 $_scs_section_size  }
0x9b: {  	s6 =	simm.s32 $_size__tile_overlayer_lowered;
	s7 =	simm.s32 $_tile_overlayer_lowered  }
0x9c: {  	s22 =	simm.s32 $0x1BFF;
	s21 =	sshll.u32 s7, $0x1;
	s4 =	sadd.s32 s5, s19  }
0x9d: {  	s8 =	simm.s32 $0x0;
	s20 =	sshll.u32 s6, $0x1;
	s6 =	sadd.s32 s21, s4  }
0x9e: {  	[timem:s8], [sflag:s22] =	dma.local [hbm:s6], s20  }
0x9f: {  	_ =	swait.ge [sflag:s22], s20  }
0xa0: {  	s5 =	ssub.s32 $0x0, s20;
	[sflag:s22] =	ssyncset.done $0x0  }
0xa1: {  	[sflag:s22] =	ssyncadd.s32 s5;
	_ =	sdelay $0x1  }
0xa2: {  	s23 =	simm.s32 $0x1B8B  }
0xa3: {  	_ =	swait.ge [sflag:s23], $0x1  }
0xa4: {  	[sflag:s23] =	ssyncset.done $0x0  }
0xa5: {  	s25 =	simm.s32 $0x1B8E;
	s24 =	sld [smem:$0x3FFE];
	[sflag:s23] =	ssyncadd.s32 $0xFFFFFFFF  }
0xa6: {  	s26 =	simm.s32 $execute0_lowered;
	[smem:$0x3FD2] =	sst s25  }
0xa7: {  	s6 =	sshll.u32 s26, $0x1;
	_ =	strace $0x80000046;
	[dreg:$0x1] =	wrdreg $0xFFFFFFFF  }
0xa8: {  	s28 =	simm.s32 $_size_execute0_lowered;
	s4 =	sadd.s32 s4, s6;
	[dreg:$0x0] =	wrdreg $0x0  }
0xa9: {  	s6 =	sshll.u32 s28, $0x1;
	[dreg:$0x2] =	wrdreg s4  }
0xaa: {  	[dreg:$0x3] =	wrdreg s6  }
0xab: {  	[dreg:$0x4] =	wrdreg $0xC0  }
0xac: {  	_ =	task [dreg:s8], $0x5FFFF  }
0xad: {  	[dreg:$0x1] =	wrdreg $0xFFFFFFFF  }
0xae: {  	[dreg:$0x0] =	wrdreg $0x60  }
0xaf: {  	[dreg:$0x2] =	wrdreg s2  }
0xb0: {  	[dreg:$0x3] =	wrdreg s24  }
0xb1: {  	[dreg:$0x4] =	wrdreg s18  }
0xb2: {  	[dreg:$0x5] =	wrdreg $0x82000  }
0xb3: {  	[dreg:$0x6] =	wrdreg $0x9  }
0xb4: {  	_ =	task.clear_ibuf [dreg:s8], $0x7FFFF;
	_ =	strace $0x90000046  }
0xb5: {  	s29 =	simm.s32 $0x9;
	_ =	strace $0x80000048  }
0xb6: {  	_ =	swait.ge [sflag:s29], $0x1  }
0xb7: {  	[sflag:s29] =	ssyncadd.s32 $0xFFFFFFFF  }
0xb8: {  	_ =	strace $0x90000048  }
0xb9: {  	_ =	sfence  }
0xba: {  	s30 =	sld [smem:$0x0];
	_ =	sdelay $0x2  }
0xbb: {  	s31 =	sshll.u32 s1, $0xD;
	s1 =	sshrl.u32 s1, $0x2  }
0xbc: {  	s3 =	sand.u32 $0x4000, s31;
	s1 =	sadd.s32 s1, s30  }
0xbd: {  	s0 =	sor.u32 s3, s0;
	s1 =	sshll.u32 s1, $0x11  }
0xbe: {  	s0 =	sor.u32 s1, s0  }
0xbf: {  	s0 =	sadd.s32 $0x8F2B, s0  }
0xc0: {  	[sflag:s0] =	ssyncadd.remote.s32 $0x1  }
0xc1: {  	_ =	sfence.sel $0xFFFF  }
0xc2: {  	[dreg:$0x0] =	wrdreg $0xFFFFFFFF;
	(pc) =	sbr.abs _section_cstart, $3  }
0xc3: {  	[dreg:$0x1] =	wrdreg $0xFFFFFFFF  }
0xc4: {  	_ =	task.clear_ibuf [dreg:s8], $0x2FFFF;
	_ =	strace $0x9FFFFFFF  }
0xc5: {  	(tm) =	ssettm $0x7FFFFFFF  }
tec
execute0_lowered:
.L_overlay_start_1:
0x0: {  	(tag) =	ssettag $0x1  }
0x1: {  	s0 =	rddreg [dreg:$0x0]  }
0x2: {  	s1 =	rddreg [dreg:$0x1]  }
0x3: {  	s11 =	rddreg [dreg:$0x2]  }
0x4: {  	s2 =	srdreg.scid;
	s4 =	rddreg [dreg:$0x3]  }
0x5: {  	s10 =	stileid.u32;
	s5 =	simm.s32 $0x0;
	s29 =	simm.s32 $0x4  }
0x6: {  	s30 =	simm.s32 $0xA;
	s2 =	sand.u32 $0x1, s2;
	s6 =	smul.u32 $0x13800, s10  }
0x7: {  	[smem:$0x7FF] =	sst s5;
	s12 =	sadd.s32 $0x3A00, s1;
	s20 =	smul.u32 $0x4E000, s10  }
0x8: {  	p0 =	seq.s32 s10, $0xF;
	s3 =	smul.u32 $0x138800, s2;
	s7 =	sshll.u32 s2, $0x4  }
0x9: {  	_ =	strace $0x80000047;
	s9 =	ssub.s32 $0x2, s2;
	s2 =	smul.u32 $0x27100, s2  }
0xa: {  	s8 =	sor.u32 s10, s7;
	s10 =	smul.u32 $0x2710, s10;
	s25 =	sshrl.u32 s20, $0x2  }
0xb: {  	s3 =	sadd.s32 s6, s3;
	s6 =	smul.u32 $0x2710, s8;
	s8 =	simm.s32 $0x280  }
0xc: {  	[dreg:$0x5] =	wrdreg s12;
	s28 =	sadd.s32 s25, s4;
	s8 =	simm.s32 @!p0 $0x270  }
0xd: {  	s2 =	sadd.s32 s10, s2;
	[dreg:$0x13] =	wrdreg s28;
	s26 =	sshrl.u32 s8, $0x3  }
0xe: {  	s13 =	sshrl.u32 s9, $0x1;
	s25 =	sadd.s32 $0x1E0, s2;
	[dreg:$0x12] =	wrdreg s26  }
0xf: {  	s6 =	sshrl.u32 s6, $0x3;
	s8 =	sshll.u32 s8, $0x4;
	[smem:$0x7FC] =	sst s25  }
0x10: {  	s3 =	sshrl.u32 s3, $0x3;
	s14 =	sadd.s32 s12, s6;
	[dreg:$0x15] =	wrdreg s8  }
0x11: {  	s1 =	sadd.s32 s3, s1;
	s15 =	sadd.s32 s11, s6;
	[dreg:$0x6] =	wrdreg s14  }
0x12: {  	s3 =	ssub.s32 s9, s13;
	s1 =	sadd.s32 $0xD800, s1;
	[dreg:$0x7] =	wrdreg s15  }
0x13: {  	s31 =	simm.s32 $0x2;
	s3 =	smax.u32 s3, $0x1;
	[dreg:$0x14] =	wrdreg s1  }
0x14: {  	s16 =	sadd.s32 $0xA, s6;
	s26 =	ssub.s32 $0x0, s8;
	[dreg:$0x16] =	wrdreg s3  }
0x15: {  	s9 =	sadd.s32 $0x14, s6;
	s13 =	sadd.s32 s12, s16;
	[smem:$0x7FD] =	sst s26  }
0x16: {  	s19 =	sadd.s32 $0x1E, s6;
	s7 =	sadd.s32 s11, s16;
	[dreg:$0x8] =	wrdreg s13  }
0x17: {  	s22 =	sadd.s32 $0x28, s6;
	s17 =	sadd.s32 s12, s9;
	[dreg:$0x9] =	wrdreg s7  }
0x18: {  	s6 =	sadd.s32 $0x32, s6;
	s18 =	sadd.s32 s11, s9;
	[dreg:$0xa] =	wrdreg s17  }
0x19: {  	s8 =	simm.s32 $0x50;
	s21 =	sadd.s32 s12, s19;
	[dreg:$0xb] =	wrdreg s18  }
0x1a: {  	s25 =	simm.s32 $0x13;
	s23 =	sadd.s32 s12, s22;
	[dreg:$0xc] =	wrdreg s21  }
0x1b: {  	s24 =	sadd.s32 s12, s6;
	s6 =	sadd.s32 s11, s6;
	[dreg:$0xe] =	wrdreg s23  }
0x1c: {  	s15 =	sadd.s32 $0x2D0, s2;
	s26 =	simm.s32 $0x1;
	[dreg:$0x10] =	wrdreg s24  }
0x1d: {  	s7 =	sadd.s32 s11, s19;
	[dreg:$0x11] =	wrdreg s6;
	s13 =	sadd.s32 $0x320, s2  }
0x1e: {  	s17 =	sshrl.u32 s15, $0x3;
	s18 =	sadd.s32 $0x280, s2;
	s19 =	sadd.s32 $0x230, s2  }
0x1f: {  	s6 =	simm.s32 $0x5600;
	s15 =	simm.s32 $0x12;
	[dreg:$0xd] =	wrdreg s7  }
0x20: {  	s7 =	sadd.s32 s11, s22;
	s14 =	sshrl.u32 s13, $0x3;
	s3 =	sadd.s32 s17, s11  }
0x21: {  	s20 =	sshrl.u32 s18, $0x3;
	s21 =	sshrl.u32 s19, $0x3;
	s18 =	simm.s32 $0x380  }
0x22: {  	s19 =	simm.s32 $0x600;
	s13 =	simm.s32 $0x10;
	[dreg:$0xf] =	wrdreg s7  }
0x23: {  	s7 =	sadd.s32 $0x370, s2;
	s16 =	sadd.s32 s14, s11;
	[dreg:$0x1b] =	wrdreg s3  }
0x24: {  	s22 =	sadd.s32 s20, s11;
	s23 =	sadd.s32 s21, s11;
	[dreg:$0x19] =	wrdreg s16  }
0x25: {  	s24 =	sadd.s32 s21, s12;
	s21 =	simm.s32 $0x300;
	[dreg:$0x1d] =	wrdreg s22  }
0x26: {  	s2 =	simm.s32 $0x5;
	s3 =	simm.s32 $0x0;
	[dreg:$0x1f] =	wrdreg s23  }
0x27: {  	s9 =	sshrl.u32 s7, $0x3;
	[smem:$0x7FB] =	sst s24;
	s22 =	simm.s32 $0x400  }
0x28: {  	s24 =	simm.s32 $0x7E00;
	s7 =	simm.s32 $0xB;
	s23 =	simm.s32 $0xF  }
0x29: {  	s10 =	sadd.s32 s9, s11;
	s1 =	sadd.s32 s9, s12;
	s9 =	simm.s32 $0x3  }
.Ltmp0:
0x2a: {  	s11 =	simm.s32 $0x6;
	[dreg:$0x17] =	wrdreg s10;
	(pc) =	sbr.rel .LBB2_1-.Ltmp0, $4  }
0x2b: {  	[dreg:$0x18] =	wrdreg s1;
	s1 =	sadd.s32 s14, s12;
	s14 =	simm.s32 $0x11  }
0x2c: {  	[dreg:$0x1a] =	wrdreg s1;
	s1 =	sadd.s32 s17, s12;
	s17 =	simm.s32 $0x280  }
0x2d: {  	[dreg:$0x1c] =	wrdreg s1;
	s1 =	sadd.s32 s20, s12;
	s12 =	simm.s32 $0x180  }
0x2e: {  	v0 =	vimm.f32 $0.0e+00;
	s20 =	simm.s32 $0x2E00;
	[dreg:$0x1e] =	wrdreg s1;
	s1 =	simm.s32 $0xE  }
.LBB2_6:
0x2f: {  	_ =	swait.ge [sflag:s26], $0x2800  }
0x30: {  	[sflag:s26] =	ssyncset.done $0x0  }
0x31: {  	s3 =	simm.s32 $0xD;
	[sflag:s26] =	ssyncadd.s32 $0xFFFFD800  }
0x32: {  	_ =	swait.ge [sflag:s3], $0x50  }
0x33: {  	[sflag:s3] =	ssyncset.done $0x0  }
0x34: {  	[sflag:s3] =	ssyncadd.s32 $0xFFFFFFB0  }
0x35: {  	[spmem:s4] =	stream.indirect.scatter.add.f32 [tilespmem:s19], [sflag:$0x4], $0x80, s21, s8, $0xb8;
	[tilespmem:$0x1BA80] =	vst v63  }
0x36: {  	_ =	swait.ge [sflag:s29], $0x2800  }
0x37: {  	[sflag:s29] =	ssyncset.done $0x0  }
0x38: {  	[sflag:s29] =	ssyncadd.s32 $0xFFFFD800  }
0x39: {  	_ =	swait.ge [sflag:s30], $0x50  }
0x3a: {  	[sflag:s30] =	ssyncset.done $0x0  }
0x3b: {  	[sflag:s30] =	ssyncadd.s32 $0xFFFFFFB0  }
0x3c: {  	[tilespmem:s19], [sflag:$0x1] =	stream.indirect.gather [hbm4b:s0+s8], $0x80, s12, s8, $0xb8;
	[tilespmem:$0x1BA80] =	vst v63  }
0x3d: {  	_ =	swait.ge [sflag:s31], $0x2800  }
0x3e: {  	[sflag:s31] =	ssyncset.done $0x0  }
0x3f: {  	[sflag:s31] =	ssyncadd.s32 $0xFFFFD800  }
0x40: {  	_ =	swait.ge [sflag:s1], $0x50  }
0x41: {  	[sflag:s1] =	ssyncset.done $0x0  }
0x42: {  	s17 =	simm.s32 $0x380;
	[sflag:s1] =	ssyncadd.s32 $0xFFFFFFB0  }
0x43: {  	[spmem:s4] =	stream.indirect.scatter.add.f32 [tilespmem:s20], [sflag:$0x5], $0x80, s17, s8, $0xb8;
	[tilespmem:$0x1BA80] =	vst v63  }
0x44: {  	_ =	swait.ge [sflag:s2], $0x2800  }
0x45: {  	[sflag:s2] =	ssyncset.done $0x0  }
0x46: {  	[sflag:s2] =	ssyncadd.s32 $0xFFFFD800  }
0x47: {  	_ =	swait.ge [sflag:s7], $0x50  }
0x48: {  	[sflag:s7] =	ssyncset.done $0x0  }
0x49: {  	[sflag:s7] =	ssyncadd.s32 $0xFFFFFFB0  }
0x4a: {  	[tilespmem:s20], [sflag:$0x2] =	stream.indirect.gather [hbm4b:s0+s8], $0x80, s22, s8, $0xb8;
	[tilespmem:$0x1BA80] =	vst v63  }
0x4b: {  	_ =	swait.ge [sflag:s9], $0x2800  }
0x4c: {  	[sflag:s9] =	ssyncset.done $0x0  }
0x4d: {  	[sflag:s9] =	ssyncadd.s32 $0xFFFFD800  }
0x4e: {  	_ =	swait.ge [sflag:s23], $0x50  }
0x4f: {  	[sflag:s23] =	ssyncset.done $0x0  }
0x50: {  	s22 =	simm.s32 $0x400;
	[sflag:s23] =	ssyncadd.s32 $0xFFFFFFB0  }
0x51: {  	[spmem:s4] =	stream.indirect.scatter.add.f32 [tilespmem:s6], [sflag:$0x6], $0x80, s22, s8, $0xb8;
	[tilespmem:$0x1BA80] =	vst v63  }
0x52: {  	_ =	swait.ge [sflag:s11], $0x2800  }
0x53: {  	[sflag:s11] =	ssyncset.done $0x0  }
0x54: {  	[sflag:s11] =	ssyncadd.s32 $0xFFFFD800  }
0x55: {  	_ =	swait.ge [sflag:s26], $0x2800  }
0x56: {  	[sflag:s26] =	ssyncset.done $0x0  }
0x57: {  	[sflag:s26] =	ssyncadd.s32 $0xFFFFD800  }
0x58: {  	_ =	swait.ge [sflag:s13], $0x50  }
0x59: {  	[sflag:s13] =	ssyncset.done $0x0  }
0x5a: {  	s18 =	simm.s32 $0x480;
	[sflag:s13] =	ssyncadd.s32 $0xFFFFFFB0  }
0x5b: {  	[spmem:s4] =	stream.indirect.scatter.add.f32 [tilespmem:s19], [sflag:$0x4], $0x80, s18, s8, $0xb8;
	[tilespmem:$0x1BA80] =	vst v63  }
0x5c: {  	_ =	swait.ge [sflag:s29], $0x2800  }
0x5d: {  	[sflag:s29] =	ssyncset.done $0x0  }
0x5e: {  	[sflag:s29] =	ssyncadd.s32 $0xFFFFD800  }
0x5f: {  	_ =	swait.ge [sflag:s31], $0x2800  }
0x60: {  	[sflag:s31] =	ssyncset.done $0x0  }
0x61: {  	[sflag:s31] =	ssyncadd.s32 $0xFFFFD800  }
0x62: {  	_ =	swait.ge [sflag:s14], $0x50  }
0x63: {  	[sflag:s14] =	ssyncset.done $0x0  }
0x64: {  	s21 =	simm.s32 $0x500;
	[sflag:s14] =	ssyncadd.s32 $0xFFFFFFB0  }
0x65: {  	[spmem:s4] =	stream.indirect.scatter.add.f32 [tilespmem:s20], [sflag:$0x5], $0x80, s21, s8, $0xb8;
	[tilespmem:$0x1BA80] =	vst v63  }
0x66: {  	_ =	swait.ge [sflag:s2], $0x2800  }
0x67: {  	[sflag:s2] =	ssyncset.done $0x0  }
0x68: {  	[sflag:s2] =	ssyncadd.s32 $0xFFFFD800  }
0x69: {  	[bflag:$0x0] =	sbarrier.arrive $0xFFFF  }
0x6a: {  	s16 =	stileid.u32;
	s28 =	rddreg [dreg:$0x13]  }
0x6b: {  	s16 =	sshll.u32 s16, $0x6;
	s10 =	rddreg [dreg:$0x14]  }
0x6c: {  	s16 =	sor.u32 $0x1C13, s16;
	s18 =	rddreg [dreg:$0x15];
	s17 =	sshrl.u32 s28, $0x3  }
0x6d: {  	[hbm:s10], [sflag:s16] =	dma.local [spmem:s17], s18  }
0x6e: {  	_ =	swait.ge [sflag:s25], s18  }
0x6f: {  	s16 =	sld [smem:$0x7FA];
	_ =	sdelay $0x2  }
0x70: {  	s10 =	rddreg [dreg:$0x16];
	s3 =	sadd.s32 $0x1, s16  }
0x71: {  	p0 =	sne.s32 s3, s10  }
.Ltmp1:
0x72: {  	_ = 	snop;
	(pc) =	sbr.rel @!p0 .LBB2_7-.Ltmp1, $3  }
0x73: {  	s10 =	sld [smem:$0x7FD];
	_ =	sdelay $0x1  }
0x74: {  	s21 =	simm.s32 $0x300;
	[sflag:s25] =	ssyncset.done $0x0  }
0x75: {  	s17 =	simm.s32 $0x280;
	s18 =	simm.s32 $0x380;
	[sflag:s25] =	ssyncadd.s32 s10  }
.LBB2_1:
0x76: {  	[smem:$0x7FA] =	sst s3  }
0x77: {  	s16 =	rddreg [dreg:$0x6]  }
0x78: {  	[tilespmem:s5], [sflag:$0x7] =	stream.linear.gather [hbm4b:s16+s5], $0x50, $0x38;
	[tilespmem:$0x1BA80] =	vst v63  }
0x79: {  	s10 =	rddreg [dreg:$0x7]  }
0x7a: {  	[tilespmem:s21], [sflag:$0xD] =	stream.linear.gather [hbm4b:s10+s5], $0x50, $0x38;
	[tilespmem:$0x1BA80] =	vst v63  }
0x7b: {  	s3 =	rddreg [dreg:$0x8];
	s10 =	simm.s32 $0x80  }
0x7c: {  	[tilespmem:s10], [sflag:$0x8] =	stream.linear.gather [hbm4b:s3+s5], $0x50, $0x38;
	[tilespmem:$0x1BA80] =	vst v63  }
0x7d: {  	s3 =	rddreg [dreg:$0x9]  }
0x7e: {  	[tilespmem:s18], [sflag:$0xE] =	stream.linear.gather [hbm4b:s3+s5], $0x50, $0x38;
	[tilespmem:$0x1BA80] =	vst v63  }
0x7f: {  	s16 =	rddreg [dreg:$0xa];
	s3 =	simm.s32 $0x100  }
0x80: {  	[tilespmem:s3], [sflag:$0x9] =	stream.linear.gather [hbm4b:s16+s5], $0x50, $0x38;
	[tilespmem:$0x1BA80] =	vst v63  }
0x81: {  	s16 =	rddreg [dreg:$0xb]  }
0x82: {  	[tilespmem:s22], [sflag:$0xF] =	stream.linear.gather [hbm4b:s16+s5], $0x50, $0x38;
	[tilespmem:$0x1BA80] =	vst v63  }
0x83: {  	s22 =	rddreg [dreg:$0xc]  }
0x84: {  	[tilespmem:s12], [sflag:$0xA] =	stream.linear.gather [hbm4b:s22+s5], $0x50, $0x38;
	[tilespmem:$0x1BA80] =	vst v63  }
0x85: {  	s18 =	simm.s32 $0x480;
	s22 =	rddreg [dreg:$0xd]  }
0x86: {  	[tilespmem:s18], [sflag:$0x10] =	stream.linear.gather [hbm4b:s22+s5], $0x50, $0x38;
	[tilespmem:$0x1BA80] =	vst v63  }
0x87: {  	s18 =	rddreg [dreg:$0xe];
	s22 =	simm.s32 $0x200  }
0x88: {  	[tilespmem:s22], [sflag:$0xB] =	stream.linear.gather [hbm4b:s18+s5], $0x50, $0x38;
	[tilespmem:$0x1BA80] =	vst v63  }
0x89: {  	s18 =	rddreg [dreg:$0xf];
	s22 =	simm.s32 $0x500  }
0x8a: {  	[tilespmem:s22], [sflag:$0x11] =	stream.linear.gather [hbm4b:s18+s5], $0x50, $0x38;
	[tilespmem:$0x1BA80] =	vst v63  }
0x8b: {  	s22 =	rddreg [dreg:$0x10]  }
0x8c: {  	[tilespmem:s17], [sflag:$0xC] =	stream.linear.gather [hbm4b:s22+s5], $0x50, $0x38;
	[tilespmem:$0x1BA80] =	vst v63  }
0x8d: {  	s18 =	simm.s32 $0x580;
	s17 =	rddreg [dreg:$0x11];
	s22 =	simm.s32 $0x7  }
0x8e: {  	[tilespmem:s18], [sflag:$0x12] =	stream.linear.gather [hbm4b:s17+s5], $0x50, $0x38;
	[tilespmem:$0x1BA80] =	vst v63  }
0x8f: {  	_ =	swait.ge [sflag:s22], $0x50  }
0x90: {  	[sflag:s22] =	ssyncset.done $0x0  }
0x91: {  	s17 =	simm.s32 $0x8;
	[sflag:s22] =	ssyncadd.s32 $0xFFFFFFB0  }
0x92: {  	[tilespmem:s19], [sflag:$0x1] =	stream.indirect.gather [hbm4b:s0+s8], $0x80, s5, s8, $0xb8;
	[tilespmem:$0x1BA80] =	vst v63  }
0x93: {  	_ =	swait.ge [sflag:s17], $0x50  }
0x94: {  	[sflag:s17] =	ssyncset.done $0x0  }
0x95: {  	s18 =	simm.s32 $0x9;
	[sflag:s17] =	ssyncadd.s32 $0xFFFFFFB0  }
0x96: {  	[tilespmem:s20], [sflag:$0x2] =	stream.indirect.gather [hbm4b:s0+s8], $0x80, s10, s8, $0xb8;
	[tilespmem:$0x1BA80] =	vst v63  }
0x97: {  	_ =	swait.ge [sflag:s18], $0x50  }
0x98: {  	[sflag:s18] =	ssyncset.done $0x0  }
0x99: {  	[sflag:s18] =	ssyncadd.s32 $0xFFFFFFB0  }
0x9a: {  	[tilespmem:s6], [sflag:$0x3] =	stream.indirect.gather [hbm4b:s0+s8], $0x80, s3, s8, $0xb8;
	[tilespmem:$0x1BA80] =	vst v63  }
0x9b: {  	[tilespmem:$0x7E00] =	vst v0  }
0x9c: {  	[tilespmem:$0x7E10] =	vst v0  }
0x9d: {  	[tilespmem:$0x7E20] =	vst v0  }
0x9e: {  	[tilespmem:$0x7E30] =	vst v0  }
0x9f: {  	[tilespmem:$0x7E40] =	vst v0  }
0xa0: {  	[tilespmem:$0x7E50] =	vst v0  }
0xa1: {  	[tilespmem:$0x7E60] =	vst v0  }
0xa2: {  	[tilespmem:$0x7E70] =	vst v0  }
0xa3: {  	[tilespmem:$0x7E80] =	vst v0  }
0xa4: {  	[tilespmem:$0x7E90] =	vst v0  }
0xa5: {  	[tilespmem:$0x7EA0] =	vst v0  }
0xa6: {  	[tilespmem:$0x7EB0] =	vst v0  }
0xa7: {  	[tilespmem:$0x7EC0] =	vst v0  }
0xa8: {  	[tilespmem:$0x7ED0] =	vst v0  }
0xa9: {  	[tilespmem:$0x7EE0] =	vst v0  }
0xaa: {  	[tilespmem:$0x7EF0] =	vst v0  }
0xab: {  	[tilespmem:$0x7F00] =	vst v0  }
0xac: {  	[tilespmem:$0x7F10] =	vst v0  }
0xad: {  	[tilespmem:$0x7F20] =	vst v0  }
0xae: {  	[tilespmem:$0x7F30] =	vst v0  }
0xaf: {  	[tilespmem:$0x7F40] =	vst v0  }
0xb0: {  	[tilespmem:$0x7F50] =	vst v0  }
0xb1: {  	[tilespmem:$0x7F60] =	vst v0  }
0xb2: {  	[tilespmem:$0x7F70] =	vst v0  }
0xb3: {  	[tilespmem:$0x7F80] =	vst v0  }
0xb4: {  	[tilespmem:$0x7F90] =	vst v0  }
0xb5: {  	[tilespmem:$0x7FA0] =	vst v0  }
0xb6: {  	[tilespmem:$0x7FB0] =	vst v0  }
0xb7: {  	[tilespmem:$0x7FC0] =	vst v0  }
0xb8: {  	[tilespmem:$0x7FD0] =	vst v0  }
0xb9: {  	[tilespmem:$0x7FE0] =	vst v0  }
0xba: {  	[tilespmem:$0x7FF0] =	vst v0  }
0xbb: {  	[tilespmem:$0x8000] =	vst v0  }
0xbc: {  	[tilespmem:$0x8010] =	vst v0  }
0xbd: {  	[tilespmem:$0x8020] =	vst v0  }
0xbe: {  	[tilespmem:$0x8030] =	vst v0  }
0xbf: {  	[tilespmem:$0x8040] =	vst v0  }
0xc0: {  	[tilespmem:$0x8050] =	vst v0  }
0xc1: {  	[tilespmem:$0x8060] =	vst v0  }
0xc2: {  	[tilespmem:$0x8070] =	vst v0  }
0xc3: {  	[tilespmem:$0x8080] =	vst v0  }
0xc4: {  	[tilespmem:$0x8090] =	vst v0  }
0xc5: {  	[tilespmem:$0x80A0] =	vst v0  }
0xc6: {  	[tilespmem:$0x80B0] =	vst v0  }
0xc7: {  	[tilespmem:$0x80C0] =	vst v0  }
0xc8: {  	[tilespmem:$0x80D0] =	vst v0  }
0xc9: {  	[tilespmem:$0x80E0] =	vst v0  }
0xca: {  	[tilespmem:$0x80F0] =	vst v0  }
0xcb: {  	[tilespmem:$0x8100] =	vst v0  }
0xcc: {  	[tilespmem:$0x8110] =	vst v0  }
0xcd: {  	[tilespmem:$0x8120] =	vst v0  }
0xce: {  	[tilespmem:$0x8130] =	vst v0  }
0xcf: {  	[tilespmem:$0x8140] =	vst v0  }
0xd0: {  	[tilespmem:$0x8150] =	vst v0  }
0xd1: {  	[tilespmem:$0x8160] =	vst v0  }
0xd2: {  	[tilespmem:$0x8170] =	vst v0  }
0xd3: {  	[tilespmem:$0x8180] =	vst v0  }
0xd4: {  	[tilespmem:$0x8190] =	vst v0  }
0xd5: {  	[tilespmem:$0x81A0] =	vst v0  }
0xd6: {  	[tilespmem:$0x81B0] =	vst v0  }
0xd7: {  	s22 =	rddreg [dreg:$0x12];
	[tilespmem:$0x81C0] =	vst v0  }
0xd8: {  	p0 =	sne.s32 s22, $0x1;
	[tilespmem:$0x81D0] =	vst v0  }
.Ltmp2:
0xd9: {  	[tilespmem:$0x81E0] =	vst v0;
	(pc) =	sbr.rel @!p0 .LBB2_3-.Ltmp2, $4  }
0xda: {  	[tilespmem:$0x81F0] =	vst v0  }
0xdb: {  	[spmem:s28] =	stream.linear.scatter [tilespmem:s24], [sflag:$0x13], $0x400, $0x38;
	[tilespmem:$0x1BA80] =	vst v63  }
0xdc: {  	s17 =	smov.u32 s28;
	_ =	swait.ge [sflag:s25], $0x400  }
0xdd: {  	s16 =	sadd.s32 $0xFFFFFFFF, s22;
	s22 =	simm.s32 $0x200;
	[sflag:s25] =	ssyncset.done $0x0  }
.LBB2_2:
0xde: {  	p0 =	sne.s32 s16, $0x1;
	[sflag:s25] =	ssyncadd.s32 $0xFFFFFC00;
	s17 =	sadd.s32 $0x400, s17  }
.Ltmp3:
0xdf: {  	s16 =	sadd.s32 $0xFFFFFFFF, s16;
	(pc) =	sbr.rel @p0 .LBB2_2-.Ltmp3, $4  }
0xe0: {  	_ = 	snop  }
0xe1: {  	[spmem:s17] =	stream.linear.scatter [tilespmem:s24], [sflag:$0x13], $0x400, $0x38;
	[tilespmem:$0x1BA80] =	vst v63  }
0xe2: {  	_ =	swait.ge [sflag:s25], $0x400  }
0xe3: {  	[sflag:s25] =	ssyncset.done $0x0  }
.LBB2_3:
0xe4: {  	[sflag:s25] =	ssyncadd.s32 $0xFFFFFC00  }
0xe5: {  	s16 =	simm.s32 $0x0;
	[bflag:$0x0] =	sbarrier.arrive $0xFFFF  }
0xe6: {  	s10 =	simm.s32 $0x280;
	s28 =	simm.s32 $0x580;
	s17 =	sld [smem:$0x7FC]  }
.LBB2_4:
0xe7: {  	_ =	swait.ge [sflag:s26], $0x2800  }
0xe8: {  	[sflag:s26] =	ssyncset.done $0x0  }
0xe9: {  	s3 =	simm.s32 $0xD;
	[sflag:s26] =	ssyncadd.s32 $0xFFFFD800  }
0xea: {  	_ =	swait.ge [sflag:s3], $0x50  }
0xeb: {  	[sflag:s3] =	ssyncset.done $0x0  }
0xec: {  	[sflag:s3] =	ssyncadd.s32 $0xFFFFFFB0  }
0xed: {  	[spmem:s4] =	stream.indirect.scatter.add.f32 [tilespmem:s19], [sflag:$0x4], $0x80, s21, s8, $0xb8;
	[tilespmem:$0x1BA80] =	vst v63  }
0xee: {  	_ =	swait.ge [sflag:s29], $0x2800  }
0xef: {  	[sflag:s29] =	ssyncset.done $0x0  }
0xf0: {  	[sflag:s29] =	ssyncadd.s32 $0xFFFFD800  }
0xf1: {  	_ =	swait.ge [sflag:s30], $0x50  }
0xf2: {  	[sflag:s30] =	ssyncset.done $0x0  }
0xf3: {  	s18 =	sshrl.u32 s17, $0x3;
	s3 =	rddreg [dreg:$0x5];
	[sflag:s30] =	ssyncadd.s32 $0xFFFFFFB0  }
0xf4: {  	[tilespmem:s19], [sflag:$0x1] =	stream.indirect.gather [hbm4b:s0+s8], $0x80, s12, s8, $0xb8;
	[tilespmem:$0x1BA80] =	vst v63  }
0xf5: {  	s21 =	sadd.s32 s3, s18;
	s12 =	rddreg [dreg:$0x2]  }
0xf6: {  	[tilespmem:s5], [sflag:$0x7] =	stream.linear.gather [hbm4b:s21+s5], $0x50, $0x38;
	[tilespmem:$0x1BA80] =	vst v63  }
0xf7: {  	s18 =	sadd.s32 s12, s18;
	s21 =	simm.s32 $0x300  }
0xf8: {  	[tilespmem:s21], [sflag:$0xD] =	stream.linear.gather [hbm4b:s18+s5], $0x50, $0x38;
	[tilespmem:$0x1BA80] =	vst v63  }
0xf9: {  	_ =	swait.ge [sflag:s31], $0x2800  }
0xfa: {  	[sflag:s31] =	ssyncset.done $0x0  }
0xfb: {  	[sflag:s31] =	ssyncadd.s32 $0xFFFFD800  }
0xfc: {  	_ =	swait.ge [sflag:s1], $0x50  }
0xfd: {  	[sflag:s1] =	ssyncset.done $0x0  }
0xfe: {  	s3 =	simm.s32 $0x380;
	[sflag:s1] =	ssyncadd.s32 $0xFFFFFFB0  }
0xff: {  	[spmem:s4] =	stream.indirect.scatter.add.f32 [tilespmem:s20], [sflag:$0x5], $0x80, s3, s8, $0xb8;
	[tilespmem:$0x1BA80] =	vst v63  }
0x100: {  	_ =	swait.ge [sflag:s2], $0x2800  }
0x101: {  	[sflag:s2] =	ssyncset.done $0x0  }
0x102: {  	[sflag:s2] =	ssyncadd.s32 $0xFFFFD800  }
0x103: {  	_ =	swait.ge [sflag:s7], $0x50  }
0x104: {  	[sflag:s7] =	ssyncset.done $0x0  }
0x105: {  	[sflag:s7] =	ssyncadd.s32 $0xFFFFFFB0  }
0x106: {  	[tilespmem:s20], [sflag:$0x2] =	stream.indirect.gather [hbm4b:s0+s8], $0x80, s22, s8, $0xb8;
	[tilespmem:$0x1BA80] =	vst v63  }
0x107: {  	s22 =	sld [smem:$0x7FB];
	_ =	sdelay $0x2  }
0x108: {  	s12 =	rddreg [dreg:$0x1f];
	s18 =	sadd.s32 s16, s22;
	s22 =	simm.s32 $0x80  }
0x109: {  	[tilespmem:s22], [sflag:$0x8] =	stream.linear.gather [hbm4b:s18+s5], $0x50, $0x38;
	[tilespmem:$0x1BA80] =	vst v63  }
0x10a: {  	s18 =	sadd.s32 s16, s12  }
0x10b: {  	[tilespmem:s3], [sflag:$0xE] =	stream.linear.gather [hbm4b:s18+s5], $0x50, $0x38;
	[tilespmem:$0x1BA80] =	vst v63  }
0x10c: {  	_ =	swait.ge [sflag:s9], $0x2800  }
0x10d: {  	[sflag:s9] =	ssyncset.done $0x0  }
0x10e: {  	[sflag:s9] =	ssyncadd.s32 $0xFFFFD800  }
0x10f: {  	_ =	swait.ge [sflag:s23], $0x50  }
0x110: {  	[sflag:s23] =	ssyncset.done $0x0  }
0x111: {  	s12 =	simm.s32 $0x400;
	[sflag:s23] =	ssyncadd.s32 $0xFFFFFFB0  }
0x112: {  	[spmem:s4] =	stream.indirect.scatter.add.f32 [tilespmem:s6], [sflag:$0x6], $0x80, s12, s8, $0xb8;
	[tilespmem:$0x1BA80] =	vst v63  }
0x113: {  	_ =	swait.ge [sflag:s11], $0x2800  }
0x114: {  	[sflag:s11] =	ssyncset.done $0x0  }
0x115: {  	s18 =	simm.s32 $0xC;
	[sflag:s11] =	ssyncadd.s32 $0xFFFFD800  }
0x116: {  	_ =	swait.ge [sflag:s18], $0x50  }
0x117: {  	[sflag:s18] =	ssyncset.done $0x0  }
0x118: {  	s3 =	rddreg [dreg:$0x1e];
	[sflag:s18] =	ssyncadd.s32 $0xFFFFFFB0  }
0x119: {  	[tilespmem:s6], [sflag:$0x3] =	stream.indirect.gather [hbm4b:s0+s8], $0x80, s10, s8, $0xb8;
	[tilespmem:$0x1BA80] =	vst v63  }
0x11a: {  	s18 =	sadd.s32 s16, s3;
	s3 =	simm.s32 $0x100;
	s10 =	rddreg [dreg:$0x1d]  }
0x11b: {  	[tilespmem:s3], [sflag:$0x9] =	stream.linear.gather [hbm4b:s18+s5], $0x50, $0x38;
	[tilespmem:$0x1BA80] =	vst v63  }
0x11c: {  	s18 =	sadd.s32 s16, s10  }
0x11d: {  	[tilespmem:s12], [sflag:$0xF] =	stream.linear.gather [hbm4b:s18+s5], $0x50, $0x38;
	[tilespmem:$0x1BA80] =	vst v63  }
0x11e: {  	_ =	swait.ge [sflag:s26], $0x2800  }
0x11f: {  	[sflag:s26] =	ssyncset.done $0x0  }
0x120: {  	[sflag:s26] =	ssyncadd.s32 $0xFFFFD800  }
0x121: {  	_ =	swait.ge [sflag:s13], $0x50  }
0x122: {  	[sflag:s13] =	ssyncset.done $0x0  }
0x123: {  	s10 =	simm.s32 $0x480;
	[sflag:s13] =	ssyncadd.s32 $0xFFFFFFB0  }
0x124: {  	[spmem:s4] =	stream.indirect.scatter.add.f32 [tilespmem:s19], [sflag:$0x4], $0x80, s10, s8, $0xb8;
	[tilespmem:$0x1BA80] =	vst v63  }
0x125: {  	_ =	swait.ge [sflag:s29], $0x2800  }
0x126: {  	[sflag:s29] =	ssyncset.done $0x0  }
0x127: {  	s18 =	simm.s32 $0x7;
	[sflag:s29] =	ssyncadd.s32 $0xFFFFD800  }
0x128: {  	_ =	swait.ge [sflag:s18], $0x50  }
0x129: {  	[sflag:s18] =	ssyncset.done $0x0  }
0x12a: {  	[sflag:s18] =	ssyncadd.s32 $0xFFFFFFB0;
	s18 =	rddreg [dreg:$0x1c]  }
0x12b: {  	[tilespmem:s19], [sflag:$0x1] =	stream.indirect.gather [hbm4b:s0+s8], $0x80, s5, s8, $0xb8;
	[tilespmem:$0x1BA80] =	vst v63  }
0x12c: {  	s12 =	simm.s32 $0x180;
	s18 =	sadd.s32 s16, s18  }
0x12d: {  	[tilespmem:s12], [sflag:$0xA] =	stream.linear.gather [hbm4b:s18+s5], $0x50, $0x38;
	[tilespmem:$0x1BA80] =	vst v63  }
0x12e: {  	s18 =	rddreg [dreg:$0x1b]  }
0x12f: {  	s18 =	sadd.s32 s16, s18  }
0x130: {  	[tilespmem:s10], [sflag:$0x10] =	stream.linear.gather [hbm4b:s18+s5], $0x50, $0x38;
	[tilespmem:$0x1BA80] =	vst v63  }
0x131: {  	_ =	swait.ge [sflag:s31], $0x2800  }
0x132: {  	[sflag:s31] =	ssyncset.done $0x0  }
0x133: {  	[sflag:s31] =	ssyncadd.s32 $0xFFFFD800  }
0x134: {  	_ =	swait.ge [sflag:s14], $0x50  }
0x135: {  	[sflag:s14] =	ssyncset.done $0x0  }
0x136: {  	s10 =	simm.s32 $0x500;
	[sflag:s14] =	ssyncadd.s32 $0xFFFFFFB0  }
0x137: {  	[spmem:s4] =	stream.indirect.scatter.add.f32 [tilespmem:s20], [sflag:$0x5], $0x80, s10, s8, $0xb8;
	[tilespmem:$0x1BA80] =	vst v63  }
0x138: {  	_ =	swait.ge [sflag:s2], $0x2800  }
0x139: {  	[sflag:s2] =	ssyncset.done $0x0  }
0x13a: {  	s18 =	simm.s32 $0x8;
	[sflag:s2] =	ssyncadd.s32 $0xFFFFD800  }
0x13b: {  	_ =	swait.ge [sflag:s18], $0x50  }
0x13c: {  	[sflag:s18] =	ssyncset.done $0x0  }
0x13d: {  	[sflag:s18] =	ssyncadd.s32 $0xFFFFFFB0;
	s18 =	rddreg [dreg:$0x1a]  }
0x13e: {  	[tilespmem:s20], [sflag:$0x2] =	stream.indirect.gather [hbm4b:s0+s8], $0x80, s22, s8, $0xb8;
	[tilespmem:$0x1BA80] =	vst v63  }
0x13f: {  	s22 =	simm.s32 $0x200;
	s18 =	sadd.s32 s16, s18  }
0x140: {  	[tilespmem:s22], [sflag:$0xB] =	stream.linear.gather [hbm4b:s18+s5], $0x50, $0x38;
	[tilespmem:$0x1BA80] =	vst v63  }
0x141: {  	s18 =	rddreg [dreg:$0x19]  }
0x142: {  	s18 =	sadd.s32 s16, s18  }
0x143: {  	[tilespmem:s10], [sflag:$0x11] =	stream.linear.gather [hbm4b:s18+s5], $0x50, $0x38;
	[tilespmem:$0x1BA80] =	vst v63  }
0x144: {  	_ =	swait.ge [sflag:s9], $0x2800  }
0x145: {  	[sflag:s9] =	ssyncset.done $0x0  }
0x146: {  	[sflag:s9] =	ssyncadd.s32 $0xFFFFD800  }
0x147: {  	_ =	swait.ge [sflag:s15], $0x50  }
0x148: {  	[sflag:s15] =	ssyncset.done $0x0  }
0x149: {  	[sflag:s15] =	ssyncadd.s32 $0xFFFFFFB0  }
0x14a: {  	[spmem:s4] =	stream.indirect.scatter.add.f32 [tilespmem:s6], [sflag:$0x6], $0x80, s28, s8, $0xb8;
	[tilespmem:$0x1BA80] =	vst v63  }
0x14b: {  	_ =	swait.ge [sflag:s11], $0x2800  }
0x14c: {  	p0 =	seq.s32 s16, $0x474;
	[sflag:s11] =	ssyncset.done $0x0  }
.Ltmp4:
0x14d: {  	s18 =	simm.s32 $0x9;
	[sflag:s11] =	ssyncadd.s32 $0xFFFFD800;
	(pc) =	sbr.rel @p0 .LBB2_6-.Ltmp4, $4  }
0x14e: {  	_ =	swait.ge [sflag:s18], $0x50  }
0x14f: {  	[sflag:s18] =	ssyncset.done $0x0  }
0x150: {  	s10 =	simm.s32 $0x280;
	[sflag:s18] =	ssyncadd.s32 $0xFFFFFFB0  }
0x151: {  	[tilespmem:s6], [sflag:$0x3] =	stream.indirect.gather [hbm4b:s0+s8], $0x80, s3, s8, $0xb8;
	[tilespmem:$0x1BA80] =	vst v63  }
0x152: {  	s18 =	rddreg [dreg:$0x18]  }
.Ltmp5:
0x153: {  	s18 =	sadd.s32 s16, s18;
	(pc) =	sbr.rel .LBB2_4-.Ltmp5, $4  }
0x154: {  	[tilespmem:s10], [sflag:$0xC] =	stream.linear.gather [hbm4b:s18+s5], $0x50, $0x38;
	[tilespmem:$0x1BA80] =	vst v63  }
0x155: {  	s17 =	sadd.s32 $0x1E0, s17;
	s10 =	rddreg [dreg:$0x17]  }
0x156: {  	s18 =	sadd.s32 s16, s10;
	s16 =	sadd.s32 $0x3C, s16;
	s10 =	simm.s32 $0x280  }
0x157: {  	[tilespmem:s28], [sflag:$0x12] =	stream.linear.gather [hbm4b:s18+s5], $0x50, $0x38;
	[tilespmem:$0x1BA80] =	vst v63  }
.LBB2_7:
0x158: {  	_ =	sfence.sel $0x180000  }
0x159: {  	[bflag:$0x0] =	sbarrier.arrive $0xFFFF  }
0x15a: {  	_ =	strace $0x90000047  }
0x15b: {  	s0 =	stileid.u32;
	[bflag:$0x2] =	sbarrier.arrive $0xFFFF  }
0x15c: {  	p0 =	sne.s32 s0, $0x0;
	s0 =	rddreg [dreg:$0x4]  }
0x15d: {  	s0 =	sadd.s32 @!p0 $0x100000, s0  }
0x15e: {  	[sflag:s0] =	ssyncadd.tile.s32 @!p0 $0x1;
	_ =	shalt  }
.Lfunc_end2:
_tile_overlayer_lowered:
.L_overlay_start_2:
0x15f: {  	(tag) =	ssettag $0x2  }
0x160: {  	s0 =	rddreg [dreg:$0x0];
	s2 =	stileid.u32  }
0x161: {  	s1 =	rddreg [dreg:$0x1];
	p0 =	sne.s32 s2, $0x0  }
0x162: {  	s3 =	rddreg [dreg:$0x2];
	[bflag:$0x3] =	sbarrier.arrive $0xFFFF;
	s2 =	simm.s32 @!p0 $0x1C13  }
0x163: {  	[timem:s3], [sflag:s2] =	dma.local @!p0 [hbm:s0], s1  }
0x164: {  	s0 =	simm.s32 @!p0 $0x13  }
0x165: {  	_ =	swait.ge @!p0 [sflag:s0], s1  }
0x166: {  	s1 =	ssub.s32 @!p0 $0x0, s1;
	[sflag:s0] =	ssyncset.done @!p0 $0x0  }
0x167: {  	[sflag:s0] =	ssyncadd.s32 @!p0 s1  }
0x168: {  	[bflag:$0x3] =	sbarrier.arrive $0xFFFF  }
0x169: {  	_ =	shalt  }

</sc_bundles>
